<compile_context>
chip_gen: v7x
topology: tpu7x:2x2x1
jax: 0.10.2.dev20260603
libtpu: 0.0.44.dev20260713+nightly
codegen_flags: <defaults>
</compile_context>

<pallas_src>
import functools
import jax
import jax.numpy as jnp
import numpy as np
from jax import lax
from jax.experimental import pallas as pl
from jax.experimental.pallas import tpu as pltpu
from jax.experimental.pallas import tpu_sc as plsc

_V = 60000
_EPS = 1e-5



def _sc_gather(table, idx, ch):
    info = plsc.get_sparse_core_info()
    nc, ns = info.num_cores, info.num_subcores
    nw = nc * ns
    b = idx.shape[0]
    d = table.shape[1]
    b_per_w = b // nw
    n_chunks = b_per_w // ch
    mesh = plsc.VectorSubcoreMesh(core_axis_name="c", subcore_axis_name="s")

    @functools.partial(
        pl.kernel, mesh=mesh,
        out_type=jax.ShapeDtypeStruct((b, d), jnp.float32),
        scratch_types=[
            pltpu.VMEM((ch,), jnp.int32),
            pltpu.VMEM((ch, d), jnp.float32),
            pltpu.SemaphoreType.DMA,
        ],
    )
    def k(table_hbm, idx_hbm, out_hbm, idx_v, rows_v, sem):
        wid = lax.axis_index("s") * nc + lax.axis_index("c")
        base = wid * b_per_w
        for i in range(n_chunks):
            off = base + i * ch
            pltpu.sync_copy(idx_hbm.at[pl.ds(off, ch)], idx_v)
            pltpu.async_copy(table_hbm.at[idx_v], rows_v, sem).wait()
            pltpu.sync_copy(rows_v, out_hbm.at[pl.ds(off, ch)])

    return k(table, idx)



def _tril(blk):
    ri = lax.broadcasted_iota(jnp.int32, (blk, blk), 0)
    ci = lax.broadcasted_iota(jnp.int32, (blk, blk), 1)
    return jnp.where(ri >= ci, 1.0, 0.0).astype(jnp.float32)


def _cumsum_body(x_ref, o_ref, carry_ref):
    @pl.when(pl.program_id(0) == 0)
    def _():
        carry_ref[...] = jnp.zeros_like(carry_ref)

    blk = x_ref[...]
    tril = _tril(blk.shape[0])
    c = jnp.dot(tril, blk, preferred_element_type=jnp.float32,
                precision=lax.Precision.HIGHEST) + carry_ref[0:1, :]
    o_ref[...] = c
    carry_ref[0:1, :] = c[-1:, :]


def _cumsum(x, blk):
    n, d = x.shape
    return pl.pallas_call(
        _cumsum_body,
        grid=(n // blk,),
        in_specs=[pl.BlockSpec((blk, d), lambda i: (i, 0))],
        out_specs=pl.BlockSpec((blk, d), lambda i: (i, 0)),
        out_shape=jax.ShapeDtypeStruct((n, d), jnp.float32),
        scratch_shapes=[pltpu.VMEM((8, d), jnp.float32)],
    )(x)


def _vox_stats_body(a_ref, b_ref, o_ref):
    s = b_ref[...] - a_ref[...]
    cnt = s[:, 3:4]
    mean = s[:, 0:3] / jnp.maximum(cnt, 1.0)
    o_ref[...] = jnp.concatenate(
        [mean, cnt, jnp.zeros((s.shape[0], 124), jnp.float32)], axis=1)


def _vox_feat_body(a_ref, b_ref, st_ref, t_ref, o_ref):
    s = b_ref[:, 0:64] - a_ref[:, 0:64]
    cnt = st_ref[:, 3:4]
    nonempty = jnp.where(cnt > 0.0, 1.0, 0.0)
    o_ref[...] = (s / jnp.maximum(cnt, 1.0) + t_ref[0:1, :]) * nonempty


def _feat_body(p_ref, m_ref, f_ref, s_ref, *, blk, n):
    step = pl.program_id(0)

    @pl.when(step == 0)
    def _():
        s_ref[...] = jnp.zeros_like(s_ref)

    p = p_ref[...]
    xyz = p[:, 0:3]
    pts4 = p[:, 0:4]
    nrm = p[:, 4:7]
    grid = p[:, 8:11]
    mean = m_ref[:, 0:3]
    neg_low = jnp.concatenate([jnp.full((blk, 1), 50.0, jnp.float32),
                               jnp.full((blk, 1), 50.0, jnp.float32),
                               jnp.full((blk, 1), 4.0, jnp.float32)], axis=1)
    ctp_s = xyz - grid * 0.1
    mask = (lax.broadcasted_iota(jnp.int32, (blk, 1), 0) + step * blk) < n
    fs = jnp.concatenate(
        [pts4, xyz - mean, ctp_s, nrm,
         jnp.zeros((blk, 3), jnp.float32)], axis=1)
    fs = jnp.where(mask, fs, 0.0)
    shift = jnp.concatenate([jnp.zeros((blk, 7), jnp.float32), neg_low,
                             jnp.zeros((blk, 6), jnp.float32)], axis=1)
    f_ref[...] = jnp.where(mask, fs + shift, 0.0)
    ftf = lax.dot_general(fs, fs, (((0,), (0,)), ((), ())),
                          preferred_element_type=jnp.float32,
                          precision=lax.Precision.HIGHEST)
    colsum = jnp.sum(fs, axis=0, keepdims=True)
    s_ref[0:16, :] += ftf
    s_ref[16:17, :] += colsum


def _mlp12_body(f_ref, w1_ref, b1_ref, w2_ref, b2_ref, x2_ref, s_ref, *, blk, n):
    step = pl.program_id(0)

    @pl.when(step == 0)
    def _():
        s_ref[...] = jnp.zeros_like(s_ref)

    f = f_ref[...]
    x1 = jnp.dot(f, w1_ref[...], preferred_element_type=jnp.float32,
                 precision=lax.Precision.HIGHEST) + b1_ref[0:1, :]
    h1 = jnp.maximum(x1, 0.0)
    x2 = jnp.dot(h1, w2_ref[...], preferred_element_type=jnp.float32,
                 precision=lax.Precision.HIGHEST) + b2_ref[0:1, :]
    mask = (lax.broadcasted_iota(jnp.int32, (blk, 1), 0) + step * blk) < n
    x2 = jnp.where(mask, x2, 0.0)
    x2_ref[...] = x2
    s_ref[0:1, :] += jnp.sum(x2, axis=0, keepdims=True)
    s_ref[1:2, :] += jnp.sum(x2 * x2, axis=0, keepdims=True)


def _h2sum_body(x2_ref, a2_ref, c2_ref, s_ref, *, blk, n):
    step = pl.program_id(0)

    @pl.when(step == 0)
    def _():
        s_ref[...] = jnp.zeros_like(s_ref)

    h2 = jnp.maximum(x2_ref[...] * a2_ref[0:1, :] + c2_ref[0:1, :], 0.0)
    mask = (lax.broadcasted_iota(jnp.int32, (blk, 1), 0) + step * blk) < n
    h2 = jnp.where(mask, h2, 0.0)
    s_ref[0:1, :] += jnp.sum(h2, axis=0, keepdims=True)


def _mlp3cs_body(x2_ref, a2_ref, c2_ref, w3_ref, b3_ref, t_ref, o_ref, carry_ref,
                 *, blk, n):
    step = pl.program_id(0)

    @pl.when(step == 0)
    def _():
        carry_ref[...] = jnp.zeros_like(carry_ref)

    x2 = x2_ref[...]
    h2 = jnp.maximum(x2 * a2_ref[0:1, :] + c2_ref[0:1, :], 0.0)
    h3 = (jnp.dot(h2, w3_ref[...], preferred_element_type=jnp.float32,
                  precision=lax.Precision.HIGHEST)
          + b3_ref[0:1, :] - t_ref[0:1, :])
    mask = (lax.broadcasted_iota(jnp.int32, (blk, 1), 0) + step * blk) < n
    h3 = jnp.where(mask, h3, 0.0)
    c = jnp.dot(_tril(blk), h3, preferred_element_type=jnp.float32,
                precision=lax.Precision.HIGHEST) + carry_ref[0:1, :]
    o_ref[...] = c
    carry_ref[0:1, :] = c[-1:, :]


def _full_spec(r, c):
    return pl.BlockSpec((r, c), lambda i: (0, 0))


def kernel(points, normal, grid_ind, coors_inv, gamma0, beta0, W1, b1,
           gamma1, beta1, W2, b2, gamma2, beta2, W3, b3):
    n = points.shape[0]
    blk = 512
    ch = 512
    n_pad = ((n + 32 * ch - 1) // (32 * ch)) * (32 * ch)
    v_pad = ((_V + 32 * ch - 1) // (32 * ch)) * (32 * ch)

    ids = coors_inv.astype(jnp.int32)
    a_idx = jnp.searchsorted(ids, jnp.arange(_V, dtype=jnp.int32),
                             side="left").astype(jnp.int32)
    b_idx = jnp.searchsorted(ids, jnp.arange(_V, dtype=jnp.int32),
                             side="right").astype(jnp.int32)
    a_pad = jnp.pad(a_idx, (0, v_pad - _V))
    b_pad = jnp.pad(b_idx, (0, v_pad - _V))
    ids_pad = jnp.pad(ids, (0, n_pad - n))

    p16 = jnp.concatenate([
        points,
        normal, jnp.zeros((n, 1), jnp.float32),
        grid_ind.astype(jnp.float32), jnp.zeros((n, 5), jnp.float32),
    ], axis=1)
    p16 = jnp.pad(p16, ((0, n_pad - n), (0, 0)))

    x4 = jnp.concatenate([
        points[:, 0:3], jnp.ones((n, 1), jnp.float32),
        jnp.zeros((n, 124), jnp.float32)], axis=1)
    x4 = jnp.pad(x4, ((0, n_pad - n), (0, 0)))
    c4 = _cumsum(x4, blk)
    c4z = jnp.concatenate([jnp.zeros((1, 128), jnp.float32), c4], axis=0)

    ga4 = _sc_gather(c4z, a_pad, ch)
    gb4 = _sc_gather(c4z, b_pad, ch)
    vox16 = pl.pallas_call(
        _vox_stats_body,
        grid=(v_pad // blk,),
        in_specs=[pl.BlockSpec((blk, 128), lambda i: (i, 0))] * 2,
        out_specs=pl.BlockSpec((blk, 128), lambda i: (i, 0)),
        out_shape=jax.ShapeDtypeStruct((v_pad, 128), jnp.float32),
    )(ga4, gb4)

    m16 = _sc_gather(vox16, ids_pad, ch)

    f_out, s_out = pl.pallas_call(
        functools.partial(_feat_body, blk=blk, n=n),
        grid=(n_pad // blk,),
        in_specs=[pl.BlockSpec((blk, 16), lambda i: (i, 0)),
                  pl.BlockSpec((blk, 128), lambda i: (i, 0))],
        out_specs=[pl.BlockSpec((blk, 16), lambda i: (i, 0)),
                   pl.BlockSpec((24, 16), lambda i: (0, 0))],
        out_shape=[jax.ShapeDtypeStruct((n_pad, 16), jnp.float32),
                   jax.ShapeDtypeStruct((24, 16), jnp.float32)],
    )(p16, m16)

    nf = jnp.float32(n)
    shift16 = jnp.zeros((16,), jnp.float32).at[7].set(50.0).at[8].set(50.0).at[9].set(4.0)
    sum_f = s_out[16, :]
    ftf = s_out[0:16, :]
    m0s = sum_f / nf
    cov = ftf / nf - m0s[:, None] * m0s[None, :]
    m0 = m0s + shift16
    v0 = jnp.diag(cov)
    inv_s0 = 1.0 / jnp.sqrt(v0 + _EPS)
    g16 = jnp.pad(gamma0, (0, 3))
    bt16 = jnp.pad(beta0, (0, 3))
    scale0 = g16 * inv_s0
    w1_16 = jnp.pad(W1, ((0, 3), (0, 0)))
    w1e = scale0[:, None] * w1_16
    b1e = b1 + jnp.dot(bt16 - m0 * scale0, w1_16, precision=lax.Precision.HIGHEST)
    m1 = jnp.dot(m0, w1e, precision=lax.Precision.HIGHEST) + b1e
    v1 = jnp.einsum("kj,kl,lj->j", w1e, cov, w1e, precision=lax.Precision.HIGHEST)
    a1 = gamma1 / jnp.sqrt(v1 + _EPS)
    c1 = beta1 - m1 * a1
    w1p = w1e * a1[None, :]
    b1p = (b1e * a1 + c1)[None, :]

    x2_out, s2_out = pl.pallas_call(
        functools.partial(_mlp12_body, blk=blk, n=n),
        grid=(n_pad // blk,),
        in_specs=[pl.BlockSpec((blk, 16), lambda i: (i, 0)),
                  _full_spec(16, 64), _full_spec(1, 64),
                  _full_spec(64, 64), _full_spec(1, 64)],
        out_specs=[pl.BlockSpec((blk, 64), lambda i: (i, 0)),
                   pl.BlockSpec((8, 64), lambda i: (0, 0))],
        out_shape=[jax.ShapeDtypeStruct((n_pad, 64), jnp.float32),
                   jax.ShapeDtypeStruct((8, 64), jnp.float32)],
    )(f_out, w1p, b1p, W2, b2[None, :])

    m2 = s2_out[0, :] / nf
    v2 = s2_out[1, :] / nf - m2 * m2
    a2 = gamma2 / jnp.sqrt(v2 + _EPS)
    c2 = beta2 - m2 * a2

    h2s = pl.pallas_call(
        functools.partial(_h2sum_body, blk=blk, n=n),
        grid=(n_pad // blk,),
        in_specs=[pl.BlockSpec((blk, 64), lambda i: (i, 0)),
                  _full_spec(1, 64), _full_spec(1, 64)],
        out_specs=pl.BlockSpec((8, 64), lambda i: (0, 0)),
        out_shape=jax.ShapeDtypeStruct((8, 64), jnp.float32),
    )(x2_out, a2[None, :], c2[None, :])
    t = jnp.dot(h2s[0, :], W3, precision=lax.Precision.HIGHEST) / nf + b3

    c64 = pl.pallas_call(
        functools.partial(_mlp3cs_body, blk=blk, n=n),
        grid=(n_pad // blk,),
        in_specs=[pl.BlockSpec((blk, 64), lambda i: (i, 0)),
                  _full_spec(1, 64), _full_spec(1, 64),
                  _full_spec(64, 128), _full_spec(1, 128), _full_spec(1, 128)],
        out_specs=pl.BlockSpec((blk, 128), lambda i: (i, 0)),
        out_shape=jax.ShapeDtypeStruct((n_pad, 128), jnp.float32),
        scratch_shapes=[pltpu.VMEM((8, 128), jnp.float32)],
    )(x2_out, a2[None, :], c2[None, :],
      jnp.pad(W3, ((0, 0), (0, 64))), jnp.pad(b3, (0, 64))[None, :],
      jnp.pad(t, (0, 64))[None, :])

    c64z = jnp.concatenate([jnp.zeros((1, 128), jnp.float32), c64], axis=0)
    ga64 = _sc_gather(c64z, a_pad, ch)
    gb64 = _sc_gather(c64z, b_pad, ch)

    feats = pl.pallas_call(
        _vox_feat_body,
        grid=(v_pad // blk,),
        in_specs=[pl.BlockSpec((blk, 128), lambda i: (i, 0)),
                  pl.BlockSpec((blk, 128), lambda i: (i, 0)),
                  pl.BlockSpec((blk, 128), lambda i: (i, 0)),
                  _full_spec(1, 64)],
        out_specs=pl.BlockSpec((blk, 64), lambda i: (i, 0)),
        out_shape=jax.ShapeDtypeStruct((v_pad, 64), jnp.float32),
    )(ga64, gb64, vox16, t[None, :])

    return feats[:_V]

# --- scband reference (transcript-rebuilt; emitter-appended) ---
"""Pipeline reference for scband-voxel-3d-generator-22522808500262 (READ-ONLY COPY).

The authoritative reference and input builder live on the scoring server;
editing this copy changes nothing except your own understanding.
"""

import jax, jax.numpy as jnp
import numpy as np

N = 400000
V = 60000
IN_CH = 13
OUT_CH = 64
COORS_RANGE = np.array([[-50.0, 50.0], [-50.0, 50.0], [-4.0, 2.0]], dtype=np.float32)
SPATIAL_SHAPE = np.array([1000.0, 1000.0, 60.0], dtype=np.float32)


def _bn(x, gamma, beta, eps=1e-5):
    m = jnp.mean(x, axis=0)
    v = jnp.var(x, axis=0)
    return (x - m) / jnp.sqrt(v + eps) * gamma + beta


def _scatter_mean(vals, idx, num_segments):
    s = jax.ops.segment_sum(vals, idx, num_segments=num_segments)
    cnt = jax.ops.segment_sum(jnp.ones((vals.shape[0], 1), vals.dtype), idx, num_segments=num_segments)
    return s / jnp.maximum(cnt, 1.0)


def setup_inputs(seed: int = 0):
    key = jax.random.key(seed)
    ks = jax.random.split(key, 12)
    points = jax.random.normal(ks[0], (N, 4), dtype=jnp.float32)
    normal = jax.random.normal(ks[1], (N, 3), dtype=jnp.float32)
    grid_ind = jax.random.randint(ks[2], (N, 3), 0, 32)
    coors_inv = jnp.sort(jax.random.randint(ks[3], (N,), 0, V))
    inp = {
        "points": points,
        "normal": normal,
        "grid_ind": grid_ind,
        "coors_inv": coors_inv,
        "gamma0": jnp.ones((IN_CH,), jnp.float32),
        "beta0": jnp.zeros((IN_CH,), jnp.float32),
        "W1": jax.random.normal(ks[4], (IN_CH, OUT_CH), jnp.float32) * 0.1,
        "b1": jnp.zeros((OUT_CH,), jnp.float32),
        "gamma1": jnp.ones((OUT_CH,), jnp.float32),
        "beta1": jnp.zeros((OUT_CH,), jnp.float32),
        "W2": jax.random.normal(ks[5], (OUT_CH, OUT_CH), jnp.float32) * 0.1,
        "b2": jnp.zeros((OUT_CH,), jnp.float32),
        "gamma2": jnp.ones((OUT_CH,), jnp.float32),
        "beta2": jnp.zeros((OUT_CH,), jnp.float32),
        "W3": jax.random.normal(ks[6], (OUT_CH, OUT_CH), jnp.float32) * 0.1,
        "b3": jnp.zeros((OUT_CH,), jnp.float32),
    }
    return inp


def reference(points, normal, grid_ind, coors_inv, gamma0, beta0, W1, b1, gamma1, beta1, W2, b2, gamma2, beta2, W3, b3):
    xyz = points[:, :3]
    # scatter_mean over voxels then gather back per-point (voxel centroid per point)
    pc_mean = _scatter_mean(xyz, coors_inv, V)[coors_inv]
    nor_pc = xyz - pc_mean
    crop_range = COORS_RANGE[:, 1] - COORS_RANGE[:, 0]
    intervals = jnp.asarray(crop_range / SPATIAL_SHAPE)
    voxel_centers = grid_ind.astype(jnp.float32) * intervals + jnp.asarray(COORS_RANGE[:, 0])
    center_to_point = xyz - voxel_centers
    pc_feature = jnp.concatenate((points, nor_pc, center_to_point, normal), axis=1)
    # PPmodel: BN -> Linear -> BN -> ReLU -> Linear -> BN -> ReLU -> Linear
    h = _bn(pc_feature, gamma0, beta0)
    h = h @ W1 + b1
    h = jax.nn.relu(_bn(h, gamma1, beta1))
    h = h @ W2 + b2
    h = jax.nn.relu(_bn(h, gamma2, beta2))
    h = h @ W3 + b3
    # voxel features via scatter_mean (what is fed into the SparseConvTensor)
    features = _scatter_mean(h, coors_inv, V)
    return features

if __name__ == "__main__":
    import jax
    _d = setup_inputs()
    print(jax.jit(kernel)(*tuple(_d.values())))

</pallas_src>

<mosaic_0001>
#map = affine_map<(d0, d1) -> (0, 0)>
#map1 = affine_map<(d0, d1) -> (0)>
module attributes {stable_mosaic.version = 14 : i64} {
  func.func @k(%arg0: i32, %arg1: i32, %arg2: memref<409601x128xf32, #tpu.memory_space<hbm>>, %arg3: memref<65536xi32, #tpu.memory_space<hbm>>, %arg4: memref<65536x128xf32, #tpu.memory_space<hbm>>, %arg5: memref<512xi32, #tpu.memory_space<vmem>>, %arg6: memref<512x128xf32, #tpu.memory_space<vmem>>, %arg7: memref<!tpu.dma_semaphore, #tpu.memory_space<semaphore_mem>>) attributes {dimension_semantics = [#tpu.dimension_semantics<core_parallel>, #tpu.dimension_semantics<subcore_parallel>], iteration_bounds = array<i64: 2, 16>, scalar_prefetch = 0 : i64, scratch_operands = 3 : i64, tpu.core_type = #tpu.core_type<sc_vector_subcore>, window_params = [{transform_indices = #map}, {transform_indices = #map1}, {transform_indices = #map}]} {
    %mul3A = arith.constant 2 : i32
    %mul3A_0 = arith.muli %arg1, %mul3A : i32
    %add3A = arith.addi %mul3A_0, %arg0 : i32
    %mul3A_1 = arith.constant 2048 : i32
    %mul3A_2 = arith.muli %add3A, %mul3A_1 : i32
    %add3A_3 = arith.constant 0 : i32
    %add3A_4 = arith.addi %mul3A_2, %add3A_3 : i32
    "tpu.region"() ({
      %run_scoped3A = tpu.sem_alloc : memref<!tpu.dma_semaphore, #tpu.memory_space<semaphore_mem>>
      %dma_start3A_33 = tpu.memref_slice %arg3[%add3A_4] : memref<65536xi32, #tpu.memory_space<hbm>> -> memref<512xi32, #tpu.memory_space<hbm>>
      %dma_start3A_34 = tpu.memref_slice %arg3[%add3A_4] : memref<65536xi32, #tpu.memory_space<hbm>> -> memref<512xi32, #tpu.memory_space<hbm>>
      tpu.enqueue_dma source(%dma_start3A_34 : memref<512xi32, #tpu.memory_space<hbm>>) target(%arg5 : memref<512xi32, #tpu.memory_space<vmem>>) target_semaphore(%run_scoped3A : memref<!tpu.dma_semaphore, #tpu.memory_space<semaphore_mem>>)
      %dma_wait3A_35 = tpu.memref_slice %arg3[%add3A_4] : memref<65536xi32, #tpu.memory_space<hbm>> -> memref<512xi32, #tpu.memory_space<hbm>>
      %dma_wait3A_36 = tpu.memref_slice %arg3[%add3A_4] : memref<65536xi32, #tpu.memory_space<hbm>> -> memref<512xi32, #tpu.memory_space<hbm>>
      tpu.wait_dma2 semaphore(%run_scoped3A : memref<!tpu.dma_semaphore, #tpu.memory_space<semaphore_mem>>) src(%dma_wait3A_36 : memref<512xi32, #tpu.memory_space<hbm>>) dst(%arg5 : memref<512xi32, #tpu.memory_space<vmem>>)
      tpu.yield
    }) : () -> ()
    %dma_start3A = arith.constant 0 : i32
    %dma_start3A_5 = arith.constant 0 : i32
    %dma_start3A_6 = tpu.memref_slice %arg2[%dma_start3A, %dma_start3A_5] : memref<409601x128xf32, #tpu.memory_space<hbm>> -> memref<409601x128xf32, #tpu.memory_space<hbm>>
    tpu.enqueue_indirect_dma source(%dma_start3A_6 : memref<409601x128xf32, #tpu.memory_space<hbm>>) target(%arg6 : memref<512x128xf32, #tpu.memory_space<vmem>>) offsets(%arg5 : memref<512xi32, #tpu.memory_space<vmem>>) semaphore(%arg7 : memref<!tpu.dma_semaphore, #tpu.memory_space<semaphore_mem>>)
    %dma_wait3A = arith.constant 0 : i32
    %dma_wait3A_7 = arith.constant 0 : i32
    %dma_wait3A_8 = tpu.memref_slice %arg2[%dma_wait3A, %dma_wait3A_7] : memref<409601x128xf32, #tpu.memory_space<hbm>> -> memref<409601x128xf32, #tpu.memory_space<hbm>>
    tpu.wait_indirect_dma semaphore(%arg7 : memref<!tpu.dma_semaphore, #tpu.memory_space<semaphore_mem>>) src(%dma_wait3A_8 : memref<409601x128xf32, #tpu.memory_space<hbm>>) dst(%arg6 : memref<512x128xf32, #tpu.memory_space<vmem>>)
    "tpu.region"() ({
      %run_scoped3A = tpu.sem_alloc : memref<!tpu.dma_semaphore, #tpu.memory_space<semaphore_mem>>
      %dma_start3A_33 = arith.constant 0 : i32
      %dma_start3A_34 = tpu.memref_slice %arg4[%add3A_4, %dma_start3A_33] : memref<65536x128xf32, #tpu.memory_space<hbm>> -> memref<512x128xf32, #tpu.memory_space<hbm>>
      %dma_start3A_35 = arith.constant 0 : i32
      %dma_start3A_36 = tpu.memref_slice %arg4[%add3A_4, %dma_start3A_35] : memref<65536x128xf32, #tpu.memory_space<hbm>> -> memref<512x128xf32, #tpu.memory_space<hbm>>
      tpu.enqueue_dma source(%arg6 : memref<512x128xf32, #tpu.memory_space<vmem>>) target(%dma_start3A_36 : memref<512x128xf32, #tpu.memory_space<hbm>>) target_semaphore(%run_scoped3A : memref<!tpu.dma_semaphore, #tpu.memory_space<semaphore_mem>>)
      %dma_wait3A_37 = arith.constant 0 : i32
      %dma_wait3A_38 = tpu.memref_slice %arg4[%add3A_4, %dma_wait3A_37] : memref<65536x128xf32, #tpu.memory_space<hbm>> -> memref<512x128xf32, #tpu.memory_space<hbm>>
      %dma_wait3A_39 = arith.constant 0 : i32
      %dma_wait3A_40 = tpu.memref_slice %arg4[%add3A_4, %dma_wait3A_39] : memref<65536x128xf32, #tpu.memory_space<hbm>> -> memref<512x128xf32, #tpu.memory_space<hbm>>
      tpu.wait_dma2 semaphore(%run_scoped3A : memref<!tpu.dma_semaphore, #tpu.memory_space<semaphore_mem>>) src(%arg6 : memref<512x128xf32, #tpu.memory_space<vmem>>) dst(%dma_wait3A_40 : memref<512x128xf32, #tpu.memory_space<hbm>>)
      tpu.yield
    }) : () -> ()
    %add3A_9 = arith.constant 512 : i32
    %add3A_10 = arith.addi %mul3A_2, %add3A_9 : i32
    "tpu.region"() ({
      %run_scoped3A = tpu.sem_alloc : memref<!tpu.dma_semaphore, #tpu.memory_space<semaphore_mem>>
      %dma_start3A_33 = tpu.memref_slice %arg3[%add3A_10] : memref<65536xi32, #tpu.memory_space<hbm>> -> memref<512xi32, #tpu.memory_space<hbm>>
      %dma_start3A_34 = tpu.memref_slice %arg3[%add3A_10] : memref<65536xi32, #tpu.memory_space<hbm>> -> memref<512xi32, #tpu.memory_space<hbm>>
      tpu.enqueue_dma source(%dma_start3A_34 : memref<512xi32, #tpu.memory_space<hbm>>) target(%arg5 : memref<512xi32, #tpu.memory_space<vmem>>) target_semaphore(%run_scoped3A : memref<!tpu.dma_semaphore, #tpu.memory_space<semaphore_mem>>)
      %dma_wait3A_35 = tpu.memref_slice %arg3[%add3A_10] : memref<65536xi32, #tpu.memory_space<hbm>> -> memref<512xi32, #tpu.memory_space<hbm>>
      %dma_wait3A_36 = tpu.memref_slice %arg3[%add3A_10] : memref<65536xi32, #tpu.memory_space<hbm>> -> memref<512xi32, #tpu.memory_space<hbm>>
      tpu.wait_dma2 semaphore(%run_scoped3A : memref<!tpu.dma_semaphore, #tpu.memory_space<semaphore_mem>>) src(%dma_wait3A_36 : memref<512xi32, #tpu.memory_space<hbm>>) dst(%arg5 : memref<512xi32, #tpu.memory_space<vmem>>)
      tpu.yield
    }) : () -> ()
    %dma_start3A_11 = arith.constant 0 : i32
    %dma_start3A_12 = arith.constant 0 : i32
    %dma_start3A_13 = tpu.memref_slice %arg2[%dma_start3A_11, %dma_start3A_12] : memref<409601x128xf32, #tpu.memory_space<hbm>> -> memref<409601x128xf32, #tpu.memory_space<hbm>>
    tpu.enqueue_indirect_dma source(%dma_start3A_13 : memref<409601x128xf32, #tpu.memory_space<hbm>>) target(%arg6 : memref<512x128xf32, #tpu.memory_space<vmem>>) offsets(%arg5 : memref<512xi32, #tpu.memory_space<vmem>>) semaphore(%arg7 : memref<!tpu.dma_semaphore, #tpu.memory_space<semaphore_mem>>)
    %dma_wait3A_14 = arith.constant 0 : i32
    %dma_wait3A_15 = arith.constant 0 : i32
    %dma_wait3A_16 = tpu.memref_slice %arg2[%dma_wait3A_14, %dma_wait3A_15] : memref<409601x128xf32, #tpu.memory_space<hbm>> -> memref<409601x128xf32, #tpu.memory_space<hbm>>
    tpu.wait_indirect_dma semaphore(%arg7 : memref<!tpu.dma_semaphore, #tpu.memory_space<semaphore_mem>>) src(%dma_wait3A_16 : memref<409601x128xf32, #tpu.memory_space<hbm>>) dst(%arg6 : memref<512x128xf32, #tpu.memory_space<vmem>>)
    "tpu.region"() ({
      %run_scoped3A = tpu.sem_alloc : memref<!tpu.dma_semaphore, #tpu.memory_space<semaphore_mem>>
      %dma_start3A_33 = arith.constant 0 : i32
      %dma_start3A_34 = tpu.memref_slice %arg4[%add3A_10, %dma_start3A_33] : memref<65536x128xf32, #tpu.memory_space<hbm>> -> memref<512x128xf32, #tpu.memory_space<hbm>>
      %dma_start3A_35 = arith.constant 0 : i32
      %dma_start3A_36 = tpu.memref_slice %arg4[%add3A_10, %dma_start3A_35] : memref<65536x128xf32, #tpu.memory_space<hbm>> -> memref<512x128xf32, #tpu.memory_space<hbm>>
      tpu.enqueue_dma source(%arg6 : memref<512x128xf32, #tpu.memory_space<vmem>>) target(%dma_start3A_36 : memref<512x128xf32, #tpu.memory_space<hbm>>) target_semaphore(%run_scoped3A : memref<!tpu.dma_semaphore, #tpu.memory_space<semaphore_mem>>)
      %dma_wait3A_37 = arith.constant 0 : i32
      %dma_wait3A_38 = tpu.memref_slice %arg4[%add3A_10, %dma_wait3A_37] : memref<65536x128xf32, #tpu.memory_space<hbm>> -> memref<512x128xf32, #tpu.memory_space<hbm>>
      %dma_wait3A_39 = arith.constant 0 : i32
      %dma_wait3A_40 = tpu.memref_slice %arg4[%add3A_10, %dma_wait3A_39] : memref<65536x128xf32, #tpu.memory_space<hbm>> -> memref<512x128xf32, #tpu.memory_space<hbm>>
      tpu.wait_dma2 semaphore(%run_scoped3A : memref<!tpu.dma_semaphore, #tpu.memory_space<semaphore_mem>>) src(%arg6 : memref<512x128xf32, #tpu.memory_space<vmem>>) dst(%dma_wait3A_40 : memref<512x128xf32, #tpu.memory_space<hbm>>)
      tpu.yield
    }) : () -> ()
    %add3A_17 = arith.constant 1024 : i32
    %add3A_18 = arith.addi %mul3A_2, %add3A_17 : i32
    "tpu.region"() ({
      %run_scoped3A = tpu.sem_alloc : memref<!tpu.dma_semaphore, #tpu.memory_space<semaphore_mem>>
      %dma_start3A_33 = tpu.memref_slice %arg3[%add3A_18] : memref<65536xi32, #tpu.memory_space<hbm>> -> memref<512xi32, #tpu.memory_space<hbm>>
      %dma_start3A_34 = tpu.memref_slice %arg3[%add3A_18] : memref<65536xi32, #tpu.memory_space<hbm>> -> memref<512xi32, #tpu.memory_space<hbm>>
      tpu.enqueue_dma source(%dma_start3A_34 : memref<512xi32, #tpu.memory_space<hbm>>) target(%arg5 : memref<512xi32, #tpu.memory_space<vmem>>) target_semaphore(%run_scoped3A : memref<!tpu.dma_semaphore, #tpu.memory_space<semaphore_mem>>)
      %dma_wait3A_35 = tpu.memref_slice %arg3[%add3A_18] : memref<65536xi32, #tpu.memory_space<hbm>> -> memref<512xi32, #tpu.memory_space<hbm>>
      %dma_wait3A_36 = tpu.memref_slice %arg3[%add3A_18] : memref<65536xi32, #tpu.memory_space<hbm>> -> memref<512xi32, #tpu.memory_space<hbm>>
      tpu.wait_dma2 semaphore(%run_scoped3A : memref<!tpu.dma_semaphore, #tpu.memory_space<semaphore_mem>>) src(%dma_wait3A_36 : memref<512xi32, #tpu.memory_space<hbm>>) dst(%arg5 : memref<512xi32, #tpu.memory_space<vmem>>)
      tpu.yield
    }) : () -> ()
    %dma_start3A_19 = arith.constant 0 : i32
    %dma_start3A_20 = arith.constant 0 : i32
    %dma_start3A_21 = tpu.memref_slice %arg2[%dma_start3A_19, %dma_start3A_20] : memref<409601x128xf32, #tpu.memory_space<hbm>> -> memref<409601x128xf32, #tpu.memory_space<hbm>>
    tpu.enqueue_indirect_dma source(%dma_start3A_21 : memref<409601x128xf32, #tpu.memory_space<hbm>>) target(%arg6 : memref<512x128xf32, #tpu.memory_space<vmem>>) offsets(%arg5 : memref<512xi32, #tpu.memory_space<vmem>>) semaphore(%arg7 : memref<!tpu.dma_semaphore, #tpu.memory_space<semaphore_mem>>)
    %dma_wait3A_22 = arith.constant 0 : i32
    %dma_wait3A_23 = arith.constant 0 : i32
    %dma_wait3A_24 = tpu.memref_slice %arg2[%dma_wait3A_22, %dma_wait3A_23] : memref<409601x128xf32, #tpu.memory_space<hbm>> -> memref<409601x128xf32, #tpu.memory_space<hbm>>
    tpu.wait_indirect_dma semaphore(%arg7 : memref<!tpu.dma_semaphore, #tpu.memory_space<semaphore_mem>>) src(%dma_wait3A_24 : memref<409601x128xf32, #tpu.memory_space<hbm>>) dst(%arg6 : memref<512x128xf32, #tpu.memory_space<vmem>>)
    "tpu.region"() ({
      %run_scoped3A = tpu.sem_alloc : memref<!tpu.dma_semaphore, #tpu.memory_space<semaphore_mem>>
      %dma_start3A_33 = arith.constant 0 : i32
      %dma_start3A_34 = tpu.memref_slice %arg4[%add3A_18, %dma_start3A_33] : memref<65536x128xf32, #tpu.memory_space<hbm>> -> memref<512x128xf32, #tpu.memory_space<hbm>>
      %dma_start3A_35 = arith.constant 0 : i32
      %dma_start3A_36 = tpu.memref_slice %arg4[%add3A_18, %dma_start3A_35] : memref<65536x128xf32, #tpu.memory_space<hbm>> -> memref<512x128xf32, #tpu.memory_space<hbm>>
      tpu.enqueue_dma source(%arg6 : memref<512x128xf32, #tpu.memory_space<vmem>>) target(%dma_start3A_36 : memref<512x128xf32, #tpu.memory_space<hbm>>) target_semaphore(%run_scoped3A : memref<!tpu.dma_semaphore, #tpu.memory_space<semaphore_mem>>)
      %dma_wait3A_37 = arith.constant 0 : i32
      %dma_wait3A_38 = tpu.memref_slice %arg4[%add3A_18, %dma_wait3A_37] : memref<65536x128xf32, #tpu.memory_space<hbm>> -> memref<512x128xf32, #tpu.memory_space<hbm>>
      %dma_wait3A_39 = arith.constant 0 : i32
      %dma_wait3A_40 = tpu.memref_slice %arg4[%add3A_18, %dma_wait3A_39] : memref<65536x128xf32, #tpu.memory_space<hbm>> -> memref<512x128xf32, #tpu.memory_space<hbm>>
      tpu.wait_dma2 semaphore(%run_scoped3A : memref<!tpu.dma_semaphore, #tpu.memory_space<semaphore_mem>>) src(%arg6 : memref<512x128xf32, #tpu.memory_space<vmem>>) dst(%dma_wait3A_40 : memref<512x128xf32, #tpu.memory_space<hbm>>)
      tpu.yield
    }) : () -> ()
    %add3A_25 = arith.constant 1536 : i32
    %add3A_26 = arith.addi %mul3A_2, %add3A_25 : i32
    "tpu.region"() ({
      %run_scoped3A = tpu.sem_alloc : memref<!tpu.dma_semaphore, #tpu.memory_space<semaphore_mem>>
      %dma_start3A_33 = tpu.memref_slice %arg3[%add3A_26] : memref<65536xi32, #tpu.memory_space<hbm>> -> memref<512xi32, #tpu.memory_space<hbm>>
      %dma_start3A_34 = tpu.memref_slice %arg3[%add3A_26] : memref<65536xi32, #tpu.memory_space<hbm>> -> memref<512xi32, #tpu.memory_space<hbm>>
      tpu.enqueue_dma source(%dma_start3A_34 : memref<512xi32, #tpu.memory_space<hbm>>) target(%arg5 : memref<512xi32, #tpu.memory_space<vmem>>) target_semaphore(%run_scoped3A : memref<!tpu.dma_semaphore, #tpu.memory_space<semaphore_mem>>)
      %dma_wait3A_35 = tpu.memref_slice %arg3[%add3A_26] : memref<65536xi32, #tpu.memory_space<hbm>> -> memref<512xi32, #tpu.memory_space<hbm>>
      %dma_wait3A_36 = tpu.memref_slice %arg3[%add3A_26] : memref<65536xi32, #tpu.memory_space<hbm>> -> memref<512xi32, #tpu.memory_space<hbm>>
      tpu.wait_dma2 semaphore(%run_scoped3A : memref<!tpu.dma_semaphore, #tpu.memory_space<semaphore_mem>>) src(%dma_wait3A_36 : memref<512xi32, #tpu.memory_space<hbm>>) dst(%arg5 : memref<512xi32, #tpu.memory_space<vmem>>)
      tpu.yield
    }) : () -> ()
    %dma_start3A_27 = arith.constant 0 : i32
    %dma_start3A_28 = arith.constant 0 : i32
    %dma_start3A_29 = tpu.memref_slice %arg2[%dma_start3A_27, %dma_start3A_28] : memref<409601x128xf32, #tpu.memory_space<hbm>> -> memref<409601x128xf32, #tpu.memory_space<hbm>>
    tpu.enqueue_indirect_dma source(%dma_start3A_29 : memref<409601x128xf32, #tpu.memory_space<hbm>>) target(%arg6 : memref<512x128xf32, #tpu.memory_space<vmem>>) offsets(%arg5 : memref<512xi32, #tpu.memory_space<vmem>>) semaphore(%arg7 : memref<!tpu.dma_semaphore, #tpu.memory_space<semaphore_mem>>)
    %dma_wait3A_30 = arith.constant 0 : i32
    %dma_wait3A_31 = arith.constant 0 : i32
    %dma_wait3A_32 = tpu.memref_slice %arg2[%dma_wait3A_30, %dma_wait3A_31] : memref<409601x128xf32, #tpu.memory_space<hbm>> -> memref<409601x128xf32, #tpu.memory_space<hbm>>
    tpu.wait_indirect_dma semaphore(%arg7 : memref<!tpu.dma_semaphore, #tpu.memory_space<semaphore_mem>>) src(%dma_wait3A_32 : memref<409601x128xf32, #tpu.memory_space<hbm>>) dst(%arg6 : memref<512x128xf32, #tpu.memory_space<vmem>>)
    "tpu.region"() ({
      %run_scoped3A = tpu.sem_alloc : memref<!tpu.dma_semaphore, #tpu.memory_space<semaphore_mem>>
      %dma_start3A_33 = arith.constant 0 : i32
      %dma_start3A_34 = tpu.memref_slice %arg4[%add3A_26, %dma_start3A_33] : memref<65536x128xf32, #tpu.memory_space<hbm>> -> memref<512x128xf32, #tpu.memory_space<hbm>>
      %dma_start3A_35 = arith.constant 0 : i32
      %dma_start3A_36 = tpu.memref_slice %arg4[%add3A_26, %dma_start3A_35] : memref<65536x128xf32, #tpu.memory_space<hbm>> -> memref<512x128xf32, #tpu.memory_space<hbm>>
      tpu.enqueue_dma source(%arg6 : memref<512x128xf32, #tpu.memory_space<vmem>>) target(%dma_start3A_36 : memref<512x128xf32, #tpu.memory_space<hbm>>) target_semaphore(%run_scoped3A : memref<!tpu.dma_semaphore, #tpu.memory_space<semaphore_mem>>)
      %dma_wait3A_37 = arith.constant 0 : i32
      %dma_wait3A_38 = tpu.memref_slice %arg4[%add3A_26, %dma_wait3A_37] : memref<65536x128xf32, #tpu.memory_space<hbm>> -> memref<512x128xf32, #tpu.memory_space<hbm>>
      %dma_wait3A_39 = arith.constant 0 : i32
      %dma_wait3A_40 = tpu.memref_slice %arg4[%add3A_26, %dma_wait3A_39] : memref<65536x128xf32, #tpu.memory_space<hbm>> -> memref<512x128xf32, #tpu.memory_space<hbm>>
      tpu.wait_dma2 semaphore(%run_scoped3A : memref<!tpu.dma_semaphore, #tpu.memory_space<semaphore_mem>>) src(%arg6 : memref<512x128xf32, #tpu.memory_space<vmem>>) dst(%dma_wait3A_40 : memref<512x128xf32, #tpu.memory_space<hbm>>)
      tpu.yield
    }) : () -> ()
    return
  }
}

#map = affine_map<(d0, d1) -> (0, 0)>
#map1 = affine_map<(d0, d1) -> (0)>
module attributes {stable_mosaic.version = 14 : i64} {
  func.func @k(%arg0: i32, %arg1: i32, %arg2: memref<409601x128xf32, #tpu.memory_space<hbm>>, %arg3: memref<65536xi32, #tpu.memory_space<hbm>>, %arg4: memref<65536x128xf32, #tpu.memory_space<hbm>>, %arg5: memref<512xi32, #tpu.memory_space<vmem>>, %arg6: memref<512x128xf32, #tpu.memory_space<vmem>>, %arg7: memref<!tpu.dma_semaphore, #tpu.memory_space<semaphore_mem>>) attributes {dimension_semantics = [#tpu.dimension_semantics<core_parallel>, #tpu.dimension_semantics<subcore_parallel>], iteration_bounds = array<i64: 2, 16>, scalar_prefetch = 0 : i64, scratch_operands = 3 : i64, tpu.core_type = #tpu.core_type<sc_vector_subcore>, window_params = [{transform_indices = #map}, {transform_indices = #map1}, {transform_indices = #map}]} {
    %mul3A = arith.constant 2 : i32
    %mul3A_0 = arith.muli %arg1, %mul3A : i32
    %add3A = arith.addi %mul3A_0, %arg0 : i32
    %mul3A_1 = arith.constant 2048 : i32
    %mul3A_2 = arith.muli %add3A, %mul3A_1 : i32
    %add3A_3 = arith.constant 0 : i32
    %add3A_4 = arith.addi %mul3A_2, %add3A_3 : i32
    "tpu.region"() ({
      %run_scoped3A = tpu.sem_alloc : memref<!tpu.dma_semaphore, #tpu.memory_space<semaphore_mem>>
      %dma_start3A_33 = tpu.memref_slice %arg3[%add3A_4] : memref<65536xi32, #tpu.memory_space<hbm>> -> memref<512xi32, #tpu.memory_space<hbm>>
      %dma_start3A_34 = tpu.memref_slice %arg3[%add3A_4] : memref<65536xi32, #tpu.memory_space<hbm>> -> memref<512xi32, #tpu.memory_space<hbm>>
      tpu.enqueue_dma source(%dma_start3A_34 : memref<512xi32, #tpu.memory_space<hbm>>) target(%arg5 : memref<512xi32, #tpu.memory_space<vmem>>) target_semaphore(%run_scoped3A : memref<!tpu.dma_semaphore, #tpu.memory_space<semaphore_mem>>)
      %dma_wait3A_35 = tpu.memref_slice %arg3[%add3A_4] : memref<65536xi32, #tpu.memory_space<hbm>> -> memref<512xi32, #tpu.memory_space<hbm>>
      %dma_wait3A_36 = tpu.memref_slice %arg3[%add3A_4] : memref<65536xi32, #tpu.memory_space<hbm>> -> memref<512xi32, #tpu.memory_space<hbm>>
      tpu.wait_dma2 semaphore(%run_scoped3A : memref<!tpu.dma_semaphore, #tpu.memory_space<semaphore_mem>>) src(%dma_wait3A_36 : memref<512xi32, #tpu.memory_space<hbm>>) dst(%arg5 : memref<512xi32, #tpu.memory_space<vmem>>)
      tpu.yield
    }) : () -> ()
    %dma_start3A = arith.constant 0 : i32
    %dma_start3A_5 = arith.constant 0 : i32
    %dma_start3A_6 = tpu.memref_slice %arg2[%dma_start3A, %dma_start3A_5] : memref<409601x128xf32, #tpu.memory_space<hbm>> -> memref<409601x128xf32, #tpu.memory_space<hbm>>
    tpu.enqueue_indirect_dma source(%dma_start3A_6 : memref<409601x128xf32, #tpu.memory_space<hbm>>) target(%arg6 : memref<512x128xf32, #tpu.memory_space<vmem>>) offsets(%arg5 : memref<512xi32, #tpu.memory_space<vmem>>) semaphore(%arg7 : memref<!tpu.dma_semaphore, #tpu.memory_space<semaphore_mem>>)
    %dma_wait3A = arith.constant 0 : i32
    %dma_wait3A_7 = arith.constant 0 : i32
    %dma_wait3A_8 = tpu.memref_slice %arg2[%dma_wait3A, %dma_wait3A_7] : memref<409601x128xf32, #tpu.memory_space<hbm>> -> memref<409601x128xf32, #tpu.memory_space<hbm>>
    tpu.wait_indirect_dma semaphore(%arg7 : memref<!tpu.dma_semaphore, #tpu.memory_space<semaphore_mem>>) src(%dma_wait3A_8 : memref<409601x128xf32, #tpu.memory_space<hbm>>) dst(%arg6 : memref<512x128xf32, #tpu.memory_space<vmem>>)
    "tpu.region"() ({
      %run_scoped3A = tpu.sem_alloc : memref<!tpu.dma_semaphore, #tpu.memory_space<semaphore_mem>>
      %dma_start3A_33 = arith.constant 0 : i32
      %dma_start3A_34 = tpu.memref_slice %arg4[%add3A_4, %dma_start3A_33] : memref<65536x128xf32, #tpu.memory_space<hbm>> -> memref<512x128xf32, #tpu.memory_space<hbm>>
      %dma_start3A_35 = arith.constant 0 : i32
      %dma_start3A_36 = tpu.memref_slice %arg4[%add3A_4, %dma_start3A_35] : memref<65536x128xf32, #tpu.memory_space<hbm>> -> memref<512x128xf32, #tpu.memory_space<hbm>>
      tpu.enqueue_dma source(%arg6 : memref<512x128xf32, #tpu.memory_space<vmem>>) target(%dma_start3A_36 : memref<512x128xf32, #tpu.memory_space<hbm>>) target_semaphore(%run_scoped3A : memref<!tpu.dma_semaphore, #tpu.memory_space<semaphore_mem>>)
      %dma_wait3A_37 = arith.constant 0 : i32
      %dma_wait3A_38 = tpu.memref_slice %arg4[%add3A_4, %dma_wait3A_37] : memref<65536x128xf32, #tpu.memory_space<hbm>> -> memref<512x128xf32, #tpu.memory_space<hbm>>
      %dma_wait3A_39 = arith.constant 0 : i32
      %dma_wait3A_40 = tpu.memref_slice %arg4[%add3A_4, %dma_wait3A_39] : memref<65536x128xf32, #tpu.memory_space<hbm>> -> memref<512x128xf32, #tpu.memory_space<hbm>>
      tpu.wait_dma2 semaphore(%run_scoped3A : memref<!tpu.dma_semaphore, #tpu.memory_space<semaphore_mem>>) src(%arg6 : memref<512x128xf32, #tpu.memory_space<vmem>>) dst(%dma_wait3A_40 : memref<512x128xf32, #tpu.memory_space<hbm>>)
      tpu.yield
    }) : () -> ()
    %add3A_9 = arith.constant 512 : i32
    %add3A_10 = arith.addi %mul3A_2, %add3A_9 : i32
    "tpu.region"() ({
      %run_scoped3A = tpu.sem_alloc : memref<!tpu.dma_semaphore, #tpu.memory_space<semaphore_mem>>
      %dma_start3A_33 = tpu.memref_slice %arg3[%add3A_10] : memref<65536xi32, #tpu.memory_space<hbm>> -> memref<512xi32, #tpu.memory_space<hbm>>
      %dma_start3A_34 = tpu.memref_slice %arg3[%add3A_10] : memref<65536xi32, #tpu.memory_space<hbm>> -> memref<512xi32, #tpu.memory_space<hbm>>
      tpu.enqueue_dma source(%dma_start3A_34 : memref<512xi32, #tpu.memory_space<hbm>>) target(%arg5 : memref<512xi32, #tpu.memory_space<vmem>>) target_semaphore(%run_scoped3A : memref<!tpu.dma_semaphore, #tpu.memory_space<semaphore_mem>>)
      %dma_wait3A_35 = tpu.memref_slice %arg3[%add3A_10] : memref<65536xi32, #tpu.memory_space<hbm>> -> memref<512xi32, #tpu.memory_space<hbm>>
      %dma_wait3A_36 = tpu.memref_slice %arg3[%add3A_10] : memref<65536xi32, #tpu.memory_space<hbm>> -> memref<512xi32, #tpu.memory_space<hbm>>
      tpu.wait_dma2 semaphore(%run_scoped3A : memref<!tpu.dma_semaphore, #tpu.memory_space<semaphore_mem>>) src(%dma_wait3A_36 : memref<512xi32, #tpu.memory_space<hbm>>) dst(%arg5 : memref<512xi32, #tpu.memory_space<vmem>>)
      tpu.yield
    }) : () -> ()
    %dma_start3A_11 = arith.constant 0 : i32
    %dma_start3A_12 = arith.constant 0 : i32
    %dma_start3A_13 = tpu.memref_slice %arg2[%dma_start3A_11, %dma_start3A_12] : memref<409601x128xf32, #tpu.memory_space<hbm>> -> memref<409601x128xf32, #tpu.memory_space<hbm>>
    tpu.enqueue_indirect_dma source(%dma_start3A_13 : memref<409601x128xf32, #tpu.memory_space<hbm>>) target(%arg6 : memref<512x128xf32, #tpu.memory_space<vmem>>) offsets(%arg5 : memref<512xi32, #tpu.memory_space<vmem>>) semaphore(%arg7 : memref<!tpu.dma_semaphore, #tpu.memory_space<semaphore_mem>>)
    %dma_wait3A_14 = arith.constant 0 : i32
    %dma_wait3A_15 = arith.constant 0 : i32
    %dma_wait3A_16 = tpu.memref_slice %arg2[%dma_wait3A_14, %dma_wait3A_15] : memref<409601x128xf32, #tpu.memory_space<hbm>> -> memref<409601x128xf32, #tpu.memory_space<hbm>>
    tpu.wait_indirect_dma semaphore(%arg7 : memref<!tpu.dma_semaphore, #tpu.memory_space<semaphore_mem>>) src(%dma_wait3A_16 : memref<409601x128xf32, #tpu.memory_space<hbm>>) dst(%arg6 : memref<512x128xf32, #tpu.memory_space<vmem>>)
    "tpu.region"() ({
      %run_scoped3A = tpu.sem_alloc : memref<!tpu.dma_semaphore, #tpu.memory_space<semaphore_mem>>
      %dma_start3A_33 = arith.constant 0 : i32
      %dma_start3A_34 = tpu.memref_slice %arg4[%add3A_10, %dma_start3A_33] : memref<65536x128xf32, #tpu.memory_space<hbm>> -> memref<512x128xf32, #tpu.memory_space<hbm>>
      %dma_start3A_35 = arith.constant 0 : i32
      %dma_start3A_36 = tpu.memref_slice %arg4[%add3A_10, %dma_start3A_35] : memref<65536x128xf32, #tpu.memory_space<hbm>> -> memref<512x128xf32, #tpu.memory_space<hbm>>
      tpu.enqueue_dma source(%arg6 : memref<512x128xf32, #tpu.memory_space<vmem>>) target(%dma_start3A_36 : memref<512x128xf32, #tpu.memory_space<hbm>>) target_semaphore(%run_scoped3A : memref<!tpu.dma_semaphore, #tpu.memory_space<semaphore_mem>>)
      %dma_wait3A_37 = arith.constant 0 : i32
      %dma_wait3A_38 = tpu.memref_slice %arg4[%add3A_10, %dma_wait3A_37] : memref<65536x128xf32, #tpu.memory_space<hbm>> -> memref<512x128xf32, #tpu.memory_space<hbm>>
      %dma_wait3A_39 = arith.constant 0 : i32
      %dma_wait3A_40 = tpu.memref_slice %arg4[%add3A_10, %dma_wait3A_39] : memref<65536x128xf32, #tpu.memory_space<hbm>> -> memref<512x128xf32, #tpu.memory_space<hbm>>
      tpu.wait_dma2 semaphore(%run_scoped3A : memref<!tpu.dma_semaphore, #tpu.memory_space<semaphore_mem>>) src(%arg6 : memref<512x128xf32, #tpu.memory_space<vmem>>) dst(%dma_wait3A_40 : memref<512x128xf32, #tpu.memory_space<hbm>>)
      tpu.yield
    }) : () -> ()
    %add3A_17 = arith.constant 1024 : i32
    %add3A_18 = arith.addi %mul3A_2, %add3A_17 : i32
    "tpu.region"() ({
      %run_scoped3A = tpu.sem_alloc : memref<!tpu.dma_semaphore, #tpu.memory_space<semaphore_mem>>
      %dma_start3A_33 = tpu.memref_slice %arg3[%add3A_18] : memref<65536xi32, #tpu.memory_space<hbm>> -> memref<512xi32, #tpu.memory_space<hbm>>
      %dma_start3A_34 = tpu.memref_slice %arg3[%add3A_18] : memref<65536xi32, #tpu.memory_space<hbm>> -> memref<512xi32, #tpu.memory_space<hbm>>
      tpu.enqueue_dma source(%dma_start3A_34 : memref<512xi32, #tpu.memory_space<hbm>>) target(%arg5 : memref<512xi32, #tpu.memory_space<vmem>>) target_semaphore(%run_scoped3A : memref<!tpu.dma_semaphore, #tpu.memory_space<semaphore_mem>>)
      %dma_wait3A_35 = tpu.memref_slice %arg3[%add3A_18] : memref<65536xi32, #tpu.memory_space<hbm>> -> memref<512xi32, #tpu.memory_space<hbm>>
      %dma_wait3A_36 = tpu.memref_slice %arg3[%add3A_18] : memref<65536xi32, #tpu.memory_space<hbm>> -> memref<512xi32, #tpu.memory_space<hbm>>
      tpu.wait_dma2 semaphore(%run_scoped3A : memref<!tpu.dma_semaphore, #tpu.memory_space<semaphore_mem>>) src(%dma_wait3A_36 : memref<512xi32, #tpu.memory_space<hbm>>) dst(%arg5 : memref<512xi32, #tpu.memory_space<vmem>>)
      tpu.yield
    }) : () -> ()
    %dma_start3A_19 = arith.constant 0 : i32
    %dma_start3A_20 = arith.constant 0 : i32
    %dma_start3A_21 = tpu.memref_slice %arg2[%dma_start3A_19, %dma_start3A_20] : memref<409601x128xf32, #tpu.memory_space<hbm>> -> memref<409601x128xf32, #tpu.memory_space<hbm>>
    tpu.enqueue_indirect_dma source(%dma_start3A_21 : memref<409601x128xf32, #tpu.memory_space<hbm>>) target(%arg6 : memref<512x128xf32, #tpu.memory_space<vmem>>) offsets(%arg5 : memref<512xi32, #tpu.memory_space<vmem>>) semaphore(%arg7 : memref<!tpu.dma_semaphore, #tpu.memory_space<semaphore_mem>>)
    %dma_wait3A_22 = arith.constant 0 : i32
    %dma_wait3A_23 = arith.constant 0 : i32
    %dma_wait3A_24 = tpu.memref_slice %arg2[%dma_wait3A_22, %dma_wait3A_23] : memref<409601x128xf32, #tpu.memory_space<hbm>> -> memref<409601x128xf32, #tpu.memory_space<hbm>>
    tpu.wait_indirect_dma semaphore(%arg7 : memref<!tpu.dma_semaphore, #tpu.memory_space<semaphore_mem>>) src(%dma_wait3A_24 : memref<409601x128xf32, #tpu.memory_space<hbm>>) dst(%arg6 : memref<512x128xf32, #tpu.memory_space<vmem>>)
    "tpu.region"() ({
      %run_scoped3A = tpu.sem_alloc : memref<!tpu.dma_semaphore, #tpu.memory_space<semaphore_mem>>
      %dma_start3A_33 = arith.constant 0 : i32
      %dma_start3A_34 = tpu.memref_slice %arg4[%add3A_18, %dma_start3A_33] : memref<65536x128xf32, #tpu.memory_space<hbm>> -> memref<512x128xf32, #tpu.memory_space<hbm>>
      %dma_start3A_35 = arith.constant 0 : i32
      %dma_start3A_36 = tpu.memref_slice %arg4[%add3A_18, %dma_start3A_35] : memref<65536x128xf32, #tpu.memory_space<hbm>> -> memref<512x128xf32, #tpu.memory_space<hbm>>
      tpu.enqueue_dma source(%arg6 : memref<512x128xf32, #tpu.memory_space<vmem>>) target(%dma_start3A_36 : memref<512x128xf32, #tpu.memory_space<hbm>>) target_semaphore(%run_scoped3A : memref<!tpu.dma_semaphore, #tpu.memory_space<semaphore_mem>>)
      %dma_wait3A_37 = arith.constant 0 : i32
      %dma_wait3A_38 = tpu.memref_slice %arg4[%add3A_18, %dma_wait3A_37] : memref<65536x128xf32, #tpu.memory_space<hbm>> -> memref<512x128xf32, #tpu.memory_space<hbm>>
      %dma_wait3A_39 = arith.constant 0 : i32
      %dma_wait3A_40 = tpu.memref_slice %arg4[%add3A_18, %dma_wait3A_39] : memref<65536x128xf32, #tpu.memory_space<hbm>> -> memref<512x128xf32, #tpu.memory_space<hbm>>
      tpu.wait_dma2 semaphore(%run_scoped3A : memref<!tpu.dma_semaphore, #tpu.memory_space<semaphore_mem>>) src(%arg6 : memref<512x128xf32, #tpu.memory_space<vmem>>) dst(%dma_wait3A_40 : memref<512x128xf32, #tpu.memory_space<hbm>>)
      tpu.yield
    }) : () -> ()
    %add3A_25 = arith.constant 1536 : i32
    %add3A_26 = arith.addi %mul3A_2, %add3A_25 : i32
    "tpu.region"() ({
      %run_scoped3A = tpu.sem_alloc : memref<!tpu.dma_semaphore, #tpu.memory_space<semaphore_mem>>
      %dma_start3A_33 = tpu.memref_slice %arg3[%add3A_26] : memref<65536xi32, #tpu.memory_space<hbm>> -> memref<512xi32, #tpu.memory_space<hbm>>
      %dma_start3A_34 = tpu.memref_slice %arg3[%add3A_26] : memref<65536xi32, #tpu.memory_space<hbm>> -> memref<512xi32, #tpu.memory_space<hbm>>
      tpu.enqueue_dma source(%dma_start3A_34 : memref<512xi32, #tpu.memory_space<hbm>>) target(%arg5 : memref<512xi32, #tpu.memory_space<vmem>>) target_semaphore(%run_scoped3A : memref<!tpu.dma_semaphore, #tpu.memory_space<semaphore_mem>>)
      %dma_wait3A_35 = tpu.memref_slice %arg3[%add3A_26] : memref<65536xi32, #tpu.memory_space<hbm>> -> memref<512xi32, #tpu.memory_space<hbm>>
      %dma_wait3A_36 = tpu.memref_slice %arg3[%add3A_26] : memref<65536xi32, #tpu.memory_space<hbm>> -> memref<512xi32, #tpu.memory_space<hbm>>
      tpu.wait_dma2 semaphore(%run_scoped3A : memref<!tpu.dma_semaphore, #tpu.memory_space<semaphore_mem>>) src(%dma_wait3A_36 : memref<512xi32, #tpu.memory_space<hbm>>) dst(%arg5 : memref<512xi32, #tpu.memory_space<vmem>>)
      tpu.yield
    }) : () -> ()
    %dma_start3A_27 = arith.constant 0 : i32
    %dma_start3A_28 = arith.constant 0 : i32
    %dma_start3A_29 = tpu.memref_slice %arg2[%dma_start3A_27, %dma_start3A_28] : memref<409601x128xf32, #tpu.memory_space<hbm>> -> memref<409601x128xf32, #tpu.memory_space<hbm>>
    tpu.enqueue_indirect_dma source(%dma_start3A_29 : memref<409601x128xf32, #tpu.memory_space<hbm>>) target(%arg6 : memref<512x128xf32, #tpu.memory_space<vmem>>) offsets(%arg5 : memref<512xi32, #tpu.memory_space<vmem>>) semaphore(%arg7 : memref<!tpu.dma_semaphore, #tpu.memory_space<semaphore_mem>>)
    %dma_wait3A_30 = arith.constant 0 : i32
    %dma_wait3A_31 = arith.constant 0 : i32
    %dma_wait3A_32 = tpu.memref_slice %arg2[%dma_wait3A_30, %dma_wait3A_31] : memref<409601x128xf32, #tpu.memory_space<hbm>> -> memref<409601x128xf32, #tpu.memory_space<hbm>>
    tpu.wait_indirect_dma semaphore(%arg7 : memref<!tpu.dma_semaphore, #tpu.memory_space<semaphore_mem>>) src(%dma_wait3A_32 : memref<409601x128xf32, #tpu.memory_space<hbm>>) dst(%arg6 : memref<512x128xf32, #tpu.memory_space<vmem>>)
    "tpu.region"() ({
      %run_scoped3A = tpu.sem_alloc : memref<!tpu.dma_semaphore, #tpu.memory_space<semaphore_mem>>
      %dma_start3A_33 = arith.constant 0 : i32
      %dma_start3A_34 = tpu.memref_slice %arg4[%add3A_26, %dma_start3A_33] : memref<65536x128xf32, #tpu.memory_space<hbm>> -> memref<512x128xf32, #tpu.memory_space<hbm>>
      %dma_start3A_35 = arith.constant 0 : i32
      %dma_start3A_36 = tpu.memref_slice %arg4[%add3A_26, %dma_start3A_35] : memref<65536x128xf32, #tpu.memory_space<hbm>> -> memref<512x128xf32, #tpu.memory_space<hbm>>
      tpu.enqueue_dma source(%arg6 : memref<512x128xf32, #tpu.memory_space<vmem>>) target(%dma_start3A_36 : memref<512x128xf32, #tpu.memory_space<hbm>>) target_semaphore(%run_scoped3A : memref<!tpu.dma_semaphore, #tpu.memory_space<semaphore_mem>>)
      %dma_wait3A_37 = arith.constant 0 : i32
      %dma_wait3A_38 = tpu.memref_slice %arg4[%add3A_26, %dma_wait3A_37] : memref<65536x128xf32, #tpu.memory_space<hbm>> -> memref<512x128xf32, #tpu.memory_space<hbm>>
      %dma_wait3A_39 = arith.constant 0 : i32
      %dma_wait3A_40 = tpu.memref_slice %arg4[%add3A_26, %dma_wait3A_39] : memref<65536x128xf32, #tpu.memory_space<hbm>> -> memref<512x128xf32, #tpu.memory_space<hbm>>
      tpu.wait_dma2 semaphore(%run_scoped3A : memref<!tpu.dma_semaphore, #tpu.memory_space<semaphore_mem>>) src(%arg6 : memref<512x128xf32, #tpu.memory_space<vmem>>) dst(%dma_wait3A_40 : memref<512x128xf32, #tpu.memory_space<hbm>>)
      tpu.yield
    }) : () -> ()
    return
  }
}

#map = affine_map<(d0, d1) -> (0, 0)>
#map1 = affine_map<(d0, d1) -> (0)>
module attributes {stable_mosaic.version = 14 : i64} {
  func.func @k(%arg0: i32, %arg1: i32, %arg2: memref<409601x128xf32, #tpu.memory_space<hbm>>, %arg3: memref<65536xi32, #tpu.memory_space<hbm>>, %arg4: memref<65536x128xf32, #tpu.memory_space<hbm>>, %arg5: memref<512xi32, #tpu.memory_space<vmem>>, %arg6: memref<512x128xf32, #tpu.memory_space<vmem>>, %arg7: memref<!tpu.dma_semaphore, #tpu.memory_space<semaphore_mem>>) attributes {dimension_semantics = [#tpu.dimension_semantics<core_parallel>, #tpu.dimension_semantics<subcore_parallel>], iteration_bounds = array<i64: 2, 16>, scalar_prefetch = 0 : i64, scratch_operands = 3 : i64, tpu.core_type = #tpu.core_type<sc_vector_subcore>, window_params = [{transform_indices = #map}, {transform_indices = #map1}, {transform_indices = #map}]} {
    %mul3A = arith.constant 2 : i32
    %mul3A_0 = arith.muli %arg1, %mul3A : i32
    %add3A = arith.addi %mul3A_0, %arg0 : i32
    %mul3A_1 = arith.constant 2048 : i32
    %mul3A_2 = arith.muli %add3A, %mul3A_1 : i32
    %add3A_3 = arith.constant 0 : i32
    %add3A_4 = arith.addi %mul3A_2, %add3A_3 : i32
    "tpu.region"() ({
      %run_scoped3A = tpu.sem_alloc : memref<!tpu.dma_semaphore, #tpu.memory_space<semaphore_mem>>
      %dma_start3A_33 = tpu.memref_slice %arg3[%add3A_4] : memref<65536xi32, #tpu.memory_space<hbm>> -> memref<512xi32, #tpu.memory_space<hbm>>
      %dma_start3A_34 = tpu.memref_slice %arg3[%add3A_4] : memref<65536xi32, #tpu.memory_space<hbm>> -> memref<512xi32, #tpu.memory_space<hbm>>
      tpu.enqueue_dma source(%dma_start3A_34 : memref<512xi32, #tpu.memory_space<hbm>>) target(%arg5 : memref<512xi32, #tpu.memory_space<vmem>>) target_semaphore(%run_scoped3A : memref<!tpu.dma_semaphore, #tpu.memory_space<semaphore_mem>>)
      %dma_wait3A_35 = tpu.memref_slice %arg3[%add3A_4] : memref<65536xi32, #tpu.memory_space<hbm>> -> memref<512xi32, #tpu.memory_space<hbm>>
      %dma_wait3A_36 = tpu.memref_slice %arg3[%add3A_4] : memref<65536xi32, #tpu.memory_space<hbm>> -> memref<512xi32, #tpu.memory_space<hbm>>
      tpu.wait_dma2 semaphore(%run_scoped3A : memref<!tpu.dma_semaphore, #tpu.memory_space<semaphore_mem>>) src(%dma_wait3A_36 : memref<512xi32, #tpu.memory_space<hbm>>) dst(%arg5 : memref<512xi32, #tpu.memory_space<vmem>>)
      tpu.yield
    }) : () -> ()
    %dma_start3A = arith.constant 0 : i32
    %dma_start3A_5 = arith.constant 0 : i32
    %dma_start3A_6 = tpu.memref_slice %arg2[%dma_start3A, %dma_start3A_5] : memref<409601x128xf32, #tpu.memory_space<hbm>> -> memref<409601x128xf32, #tpu.memory_space<hbm>>
    tpu.enqueue_indirect_dma source(%dma_start3A_6 : memref<409601x128xf32, #tpu.memory_space<hbm>>) target(%arg6 : memref<512x128xf32, #tpu.memory_space<vmem>>) offsets(%arg5 : memref<512xi32, #tpu.memory_space<vmem>>) semaphore(%arg7 : memref<!tpu.dma_semaphore, #tpu.memory_space<semaphore_mem>>)
    %dma_wait3A = arith.constant 0 : i32
    %dma_wait3A_7 = arith.constant 0 : i32
    %dma_wait3A_8 = tpu.memref_slice %arg2[%dma_wait3A, %dma_wait3A_7] : memref<409601x128xf32, #tpu.memory_space<hbm>> -> memref<409601x128xf32, #tpu.memory_space<hbm>>
    tpu.wait_indirect_dma semaphore(%arg7 : memref<!tpu.dma_semaphore, #tpu.memory_space<semaphore_mem>>) src(%dma_wait3A_8 : memref<409601x128xf32, #tpu.memory_space<hbm>>) dst(%arg6 : memref<512x128xf32, #tpu.memory_space<vmem>>)
    "tpu.region"() ({
      %run_scoped3A = tpu.sem_alloc : memref<!tpu.dma_semaphore, #tpu.memory_space<semaphore_mem>>
      %dma_start3A_33 = arith.constant 0 : i32
      %dma_start3A_34 = tpu.memref_slice %arg4[%add3A_4, %dma_start3A_33] : memref<65536x128xf32, #tpu.memory_space<hbm>> -> memref<512x128xf32, #tpu.memory_space<hbm>>
      %dma_start3A_35 = arith.constant 0 : i32
      %dma_start3A_36 = tpu.memref_slice %arg4[%add3A_4, %dma_start3A_35] : memref<65536x128xf32, #tpu.memory_space<hbm>> -> memref<512x128xf32, #tpu.memory_space<hbm>>
      tpu.enqueue_dma source(%arg6 : memref<512x128xf32, #tpu.memory_space<vmem>>) target(%dma_start3A_36 : memref<512x128xf32, #tpu.memory_space<hbm>>) target_semaphore(%run_scoped3A : memref<!tpu.dma_semaphore, #tpu.memory_space<semaphore_mem>>)
      %dma_wait3A_37 = arith.constant 0 : i32
      %dma_wait3A_38 = tpu.memref_slice %arg4[%add3A_4, %dma_wait3A_37] : memref<65536x128xf32, #tpu.memory_space<hbm>> -> memref<512x128xf32, #tpu.memory_space<hbm>>
      %dma_wait3A_39 = arith.constant 0 : i32
      %dma_wait3A_40 = tpu.memref_slice %arg4[%add3A_4, %dma_wait3A_39] : memref<65536x128xf32, #tpu.memory_space<hbm>> -> memref<512x128xf32, #tpu.memory_space<hbm>>
      tpu.wait_dma2 semaphore(%run_scoped3A : memref<!tpu.dma_semaphore, #tpu.memory_space<semaphore_mem>>) src(%arg6 : memref<512x128xf32, #tpu.memory_space<vmem>>) dst(%dma_wait3A_40 : memref<512x128xf32, #tpu.memory_space<hbm>>)
      tpu.yield
    }) : () -> ()
    %add3A_9 = arith.constant 512 : i32
    %add3A_10 = arith.addi %mul3A_2, %add3A_9 : i32
    "tpu.region"() ({
      %run_scoped3A = tpu.sem_alloc : memref<!tpu.dma_semaphore, #tpu.memory_space<semaphore_mem>>
      %dma_start3A_33 = tpu.memref_slice %arg3[%add3A_10] : memref<65536xi32, #tpu.memory_space<hbm>> -> memref<512xi32, #tpu.memory_space<hbm>>
      %dma_start3A_34 = tpu.memref_slice %arg3[%add3A_10] : memref<65536xi32, #tpu.memory_space<hbm>> -> memref<512xi32, #tpu.memory_space<hbm>>
      tpu.enqueue_dma source(%dma_start3A_34 : memref<512xi32, #tpu.memory_space<hbm>>) target(%arg5 : memref<512xi32, #tpu.memory_space<vmem>>) target_semaphore(%run_scoped3A : memref<!tpu.dma_semaphore, #tpu.memory_space<semaphore_mem>>)
      %dma_wait3A_35 = tpu.memref_slice %arg3[%add3A_10] : memref<65536xi32, #tpu.memory_space<hbm>> -> memref<512xi32, #tpu.memory_space<hbm>>
      %dma_wait3A_36 = tpu.memref_slice %arg3[%add3A_10] : memref<65536xi32, #tpu.memory_space<hbm>> -> memref<512xi32, #tpu.memory_space<hbm>>
      tpu.wait_dma2 semaphore(%run_scoped3A : memref<!tpu.dma_semaphore, #tpu.memory_space<semaphore_mem>>) src(%dma_wait3A_36 : memref<512xi32, #tpu.memory_space<hbm>>) dst(%arg5 : memref<512xi32, #tpu.memory_space<vmem>>)
      tpu.yield
    }) : () -> ()
    %dma_start3A_11 = arith.constant 0 : i32
    %dma_start3A_12 = arith.constant 0 : i32
    %dma_start3A_13 = tpu.memref_slice %arg2[%dma_start3A_11, %dma_start3A_12] : memref<409601x128xf32, #tpu.memory_space<hbm>> -> memref<409601x128xf32, #tpu.memory_space<hbm>>
    tpu.enqueue_indirect_dma source(%dma_start3A_13 : memref<409601x128xf32, #tpu.memory_space<hbm>>) target(%arg6 : memref<512x128xf32, #tpu.memory_space<vmem>>) offsets(%arg5 : memref<512xi32, #tpu.memory_space<vmem>>) semaphore(%arg7 : memref<!tpu.dma_semaphore, #tpu.memory_space<semaphore_mem>>)
    %dma_wait3A_14 = arith.constant 0 : i32
    %dma_wait3A_15 = arith.constant 0 : i32
    %dma_wait3A_16 = tpu.memref_slice %arg2[%dma_wait3A_14, %dma_wait3A_15] : memref<409601x128xf32, #tpu.memory_space<hbm>> -> memref<409601x128xf32, #tpu.memory_space<hbm>>
    tpu.wait_indirect_dma semaphore(%arg7 : memref<!tpu.dma_semaphore, #tpu.memory_space<semaphore_mem>>) src(%dma_wait3A_16 : memref<409601x128xf32, #tpu.memory_space<hbm>>) dst(%arg6 : memref<512x128xf32, #tpu.memory_space<vmem>>)
    "tpu.region"() ({
      %run_scoped3A = tpu.sem_alloc : memref<!tpu.dma_semaphore, #tpu.memory_space<semaphore_mem>>
      %dma_start3A_33 = arith.constant 0 : i32
      %dma_start3A_34 = tpu.memref_slice %arg4[%add3A_10, %dma_start3A_33] : memref<65536x128xf32, #tpu.memory_space<hbm>> -> memref<512x128xf32, #tpu.memory_space<hbm>>
      %dma_start3A_35 = arith.constant 0 : i32
      %dma_start3A_36 = tpu.memref_slice %arg4[%add3A_10, %dma_start3A_35] : memref<65536x128xf32, #tpu.memory_space<hbm>> -> memref<512x128xf32, #tpu.memory_space<hbm>>
      tpu.enqueue_dma source(%arg6 : memref<512x128xf32, #tpu.memory_space<vmem>>) target(%dma_start3A_36 : memref<512x128xf32, #tpu.memory_space<hbm>>) target_semaphore(%run_scoped3A : memref<!tpu.dma_semaphore, #tpu.memory_space<semaphore_mem>>)
      %dma_wait3A_37 = arith.constant 0 : i32
      %dma_wait3A_38 = tpu.memref_slice %arg4[%add3A_10, %dma_wait3A_37] : memref<65536x128xf32, #tpu.memory_space<hbm>> -> memref<512x128xf32, #tpu.memory_space<hbm>>
      %dma_wait3A_39 = arith.constant 0 : i32
      %dma_wait3A_40 = tpu.memref_slice %arg4[%add3A_10, %dma_wait3A_39] : memref<65536x128xf32, #tpu.memory_space<hbm>> -> memref<512x128xf32, #tpu.memory_space<hbm>>
      tpu.wait_dma2 semaphore(%run_scoped3A : memref<!tpu.dma_semaphore, #tpu.memory_space<semaphore_mem>>) src(%arg6 : memref<512x128xf32, #tpu.memory_space<vmem>>) dst(%dma_wait3A_40 : memref<512x128xf32, #tpu.memory_space<hbm>>)
      tpu.yield
    }) : () -> ()
    %add3A_17 = arith.constant 1024 : i32
    %add3A_18 = arith.addi %mul3A_2, %add3A_17 : i32
    "tpu.region"() ({
      %run_scoped3A = tpu.sem_alloc : memref<!tpu.dma_semaphore, #tpu.memory_space<semaphore_mem>>
      %dma_start3A_33 = tpu.memref_slice %arg3[%add3A_18] : memref<65536xi32, #tpu.memory_space<hbm>> -> memref<512xi32, #tpu.memory_space<hbm>>
      %dma_start3A_34 = tpu.memref_slice %arg3[%add3A_18] : memref<65536xi32, #tpu.memory_space<hbm>> -> memref<512xi32, #tpu.memory_space<hbm>>
      tpu.enqueue_dma source(%dma_start3A_34 : memref<512xi32, #tpu.memory_space<hbm>>) target(%arg5 : memref<512xi32, #tpu.memory_space<vmem>>) target_semaphore(%run_scoped3A : memref<!tpu.dma_semaphore, #tpu.memory_space<semaphore_mem>>)
      %dma_wait3A_35 = tpu.memref_slice %arg3[%add3A_18] : memref<65536xi32, #tpu.memory_space<hbm>> -> memref<512xi32, #tpu.memory_space<hbm>>
      %dma_wait3A_36 = tpu.memref_slice %arg3[%add3A_18] : memref<65536xi32, #tpu.memory_space<hbm>> -> memref<512xi32, #tpu.memory_space<hbm>>
      tpu.wait_dma2 semaphore(%run_scoped3A : memref<!tpu.dma_semaphore, #tpu.memory_space<semaphore_mem>>) src(%dma_wait3A_36 : memref<512xi32, #tpu.memory_space<hbm>>) dst(%arg5 : memref<512xi32, #tpu.memory_space<vmem>>)
      tpu.yield
    }) : () -> ()
    %dma_start3A_19 = arith.constant 0 : i32
    %dma_start3A_20 = arith.constant 0 : i32
    %dma_start3A_21 = tpu.memref_slice %arg2[%dma_start3A_19, %dma_start3A_20] : memref<409601x128xf32, #tpu.memory_space<hbm>> -> memref<409601x128xf32, #tpu.memory_space<hbm>>
    tpu.enqueue_indirect_dma source(%dma_start3A_21 : memref<409601x128xf32, #tpu.memory_space<hbm>>) target(%arg6 : memref<512x128xf32, #tpu.memory_space<vmem>>) offsets(%arg5 : memref<512xi32, #tpu.memory_space<vmem>>) semaphore(%arg7 : memref<!tpu.dma_semaphore, #tpu.memory_space<semaphore_mem>>)
    %dma_wait3A_22 = arith.constant 0 : i32
    %dma_wait3A_23 = arith.constant 0 : i32
    %dma_wait3A_24 = tpu.memref_slice %arg2[%dma_wait3A_22, %dma_wait3A_23] : memref<409601x128xf32, #tpu.memory_space<hbm>> -> memref<409601x128xf32, #tpu.memory_space<hbm>>
    tpu.wait_indirect_dma semaphore(%arg7 : memref<!tpu.dma_semaphore, #tpu.memory_space<semaphore_mem>>) src(%dma_wait3A_24 : memref<409601x128xf32, #tpu.memory_space<hbm>>) dst(%arg6 : memref<512x128xf32, #tpu.memory_space<vmem>>)
    "tpu.region"() ({
      %run_scoped3A = tpu.sem_alloc : memref<!tpu.dma_semaphore, #tpu.memory_space<semaphore_mem>>
      %dma_start3A_33 = arith.constant 0 : i32
      %dma_start3A_34 = tpu.memref_slice %arg4[%add3A_18, %dma_start3A_33] : memref<65536x128xf32, #tpu.memory_space<hbm>> -> memref<512x128xf32, #tpu.memory_space<hbm>>
      %dma_start3A_35 = arith.constant 0 : i32
      %dma_start3A_36 = tpu.memref_slice %arg4[%add3A_18, %dma_start3A_35] : memref<65536x128xf32, #tpu.memory_space<hbm>> -> memref<512x128xf32, #tpu.memory_space<hbm>>
      tpu.enqueue_dma source(%arg6 : memref<512x128xf32, #tpu.memory_space<vmem>>) target(%dma_start3A_36 : memref<512x128xf32, #tpu.memory_space<hbm>>) target_semaphore(%run_scoped3A : memref<!tpu.dma_semaphore, #tpu.memory_space<semaphore_mem>>)
      %dma_wait3A_37 = arith.constant 0 : i32
      %dma_wait3A_38 = tpu.memref_slice %arg4[%add3A_18, %dma_wait3A_37] : memref<65536x128xf32, #tpu.memory_space<hbm>> -> memref<512x128xf32, #tpu.memory_space<hbm>>
      %dma_wait3A_39 = arith.constant 0 : i32
      %dma_wait3A_40 = tpu.memref_slice %arg4[%add3A_18, %dma_wait3A_39] : memref<65536x128xf32, #tpu.memory_space<hbm>> -> memref<512x128xf32, #tpu.memory_space<hbm>>
      tpu.wait_dma2 semaphore(%run_scoped3A : memref<!tpu.dma_semaphore, #tpu.memory_space<semaphore_mem>>) src(%arg6 : memref<512x128xf32, #tpu.memory_space<vmem>>) dst(%dma_wait3A_40 : memref<512x128xf32, #tpu.memory_space<hbm>>)
      tpu.yield
    }) : () -> ()
    %add3A_25 = arith.constant 1536 : i32
    %add3A_26 = arith.addi %mul3A_2, %add3A_25 : i32
    "tpu.region"() ({
      %run_scoped3A = tpu.sem_alloc : memref<!tpu.dma_semaphore, #tpu.memory_space<semaphore_mem>>
      %dma_start3A_33 = tpu.memref_slice %arg3[%add3A_26] : memref<65536xi32, #tpu.memory_space<hbm>> -> memref<512xi32, #tpu.memory_space<hbm>>
      %dma_start3A_34 = tpu.memref_slice %arg3[%add3A_26] : memref<65536xi32, #tpu.memory_space<hbm>> -> memref<512xi32, #tpu.memory_space<hbm>>
      tpu.enqueue_dma source(%dma_start3A_34 : memref<512xi32, #tpu.memory_space<hbm>>) target(%arg5 : memref<512xi32, #tpu.memory_space<vmem>>) target_semaphore(%run_scoped3A : memref<!tpu.dma_semaphore, #tpu.memory_space<semaphore_mem>>)
      %dma_wait3A_35 = tpu.memref_slice %arg3[%add3A_26] : memref<65536xi32, #tpu.memory_space<hbm>> -> memref<512xi32, #tpu.memory_space<hbm>>
      %dma_wait3A_36 = tpu.memref_slice %arg3[%add3A_26] : memref<65536xi32, #tpu.memory_space<hbm>> -> memref<512xi32, #tpu.memory_space<hbm>>
      tpu.wait_dma2 semaphore(%run_scoped3A : memref<!tpu.dma_semaphore, #tpu.memory_space<semaphore_mem>>) src(%dma_wait3A_36 : memref<512xi32, #tpu.memory_space<hbm>>) dst(%arg5 : memref<512xi32, #tpu.memory_space<vmem>>)
      tpu.yield
    }) : () -> ()
    %dma_start3A_27 = arith.constant 0 : i32
    %dma_start3A_28 = arith.constant 0 : i32
    %dma_start3A_29 = tpu.memref_slice %arg2[%dma_start3A_27, %dma_start3A_28] : memref<409601x128xf32, #tpu.memory_space<hbm>> -> memref<409601x128xf32, #tpu.memory_space<hbm>>
    tpu.enqueue_indirect_dma source(%dma_start3A_29 : memref<409601x128xf32, #tpu.memory_space<hbm>>) target(%arg6 : memref<512x128xf32, #tpu.memory_space<vmem>>) offsets(%arg5 : memref<512xi32, #tpu.memory_space<vmem>>) semaphore(%arg7 : memref<!tpu.dma_semaphore, #tpu.memory_space<semaphore_mem>>)
    %dma_wait3A_30 = arith.constant 0 : i32
    %dma_wait3A_31 = arith.constant 0 : i32
    %dma_wait3A_32 = tpu.memref_slice %arg2[%dma_wait3A_30, %dma_wait3A_31] : memref<409601x128xf32, #tpu.memory_space<hbm>> -> memref<409601x128xf32, #tpu.memory_space<hbm>>
    tpu.wait_indirect_dma semaphore(%arg7 : memref<!tpu.dma_semaphore, #tpu.memory_space<semaphore_mem>>) src(%dma_wait3A_32 : memref<409601x128xf32, #tpu.memory_space<hbm>>) dst(%arg6 : memref<512x128xf32, #tpu.memory_space<vmem>>)
    "tpu.region"() ({
      %run_scoped3A = tpu.sem_alloc : memref<!tpu.dma_semaphore, #tpu.memory_space<semaphore_mem>>
      %dma_start3A_33 = arith.constant 0 : i32
      %dma_start3A_34 = tpu.memref_slice %arg4[%add3A_26, %dma_start3A_33] : memref<65536x128xf32, #tpu.memory_space<hbm>> -> memref<512x128xf32, #tpu.memory_space<hbm>>
      %dma_start3A_35 = arith.constant 0 : i32
      %dma_start3A_36 = tpu.memref_slice %arg4[%add3A_26, %dma_start3A_35] : memref<65536x128xf32, #tpu.memory_space<hbm>> -> memref<512x128xf32, #tpu.memory_space<hbm>>
      tpu.enqueue_dma source(%arg6 : memref<512x128xf32, #tpu.memory_space<vmem>>) target(%dma_start3A_36 : memref<512x128xf32, #tpu.memory_space<hbm>>) target_semaphore(%run_scoped3A : memref<!tpu.dma_semaphore, #tpu.memory_space<semaphore_mem>>)
      %dma_wait3A_37 = arith.constant 0 : i32
      %dma_wait3A_38 = tpu.memref_slice %arg4[%add3A_26, %dma_wait3A_37] : memref<65536x128xf32, #tpu.memory_space<hbm>> -> memref<512x128xf32, #tpu.memory_space<hbm>>
      %dma_wait3A_39 = arith.constant 0 : i32
      %dma_wait3A_40 = tpu.memref_slice %arg4[%add3A_26, %dma_wait3A_39] : memref<65536x128xf32, #tpu.memory_space<hbm>> -> memref<512x128xf32, #tpu.memory_space<hbm>>
      tpu.wait_dma2 semaphore(%run_scoped3A : memref<!tpu.dma_semaphore, #tpu.memory_space<semaphore_mem>>) src(%arg6 : memref<512x128xf32, #tpu.memory_space<vmem>>) dst(%dma_wait3A_40 : memref<512x128xf32, #tpu.memory_space<hbm>>)
      tpu.yield
    }) : () -> ()
    return
  }
}

#map = affine_map<(d0, d1) -> (0, 0)>
#map1 = affine_map<(d0, d1) -> (0)>
module attributes {stable_mosaic.version = 14 : i64} {
  func.func @k(%arg0: i32, %arg1: i32, %arg2: memref<65536x128xf32, #tpu.memory_space<hbm>>, %arg3: memref<409600xi32, #tpu.memory_space<hbm>>, %arg4: memref<409600x128xf32, #tpu.memory_space<hbm>>, %arg5: memref<512xi32, #tpu.memory_space<vmem>>, %arg6: memref<512x128xf32, #tpu.memory_space<vmem>>, %arg7: memref<!tpu.dma_semaphore, #tpu.memory_space<semaphore_mem>>) attributes {dimension_semantics = [#tpu.dimension_semantics<core_parallel>, #tpu.dimension_semantics<subcore_parallel>], iteration_bounds = array<i64: 2, 16>, scalar_prefetch = 0 : i64, scratch_operands = 3 : i64, tpu.core_type = #tpu.core_type<sc_vector_subcore>, window_params = [{transform_indices = #map}, {transform_indices = #map1}, {transform_indices = #map}]} {
    %mul3A = arith.constant 2 : i32
    %mul3A_0 = arith.muli %arg1, %mul3A : i32
    %add3A = arith.addi %mul3A_0, %arg0 : i32
    %mul3A_1 = arith.constant 12800 : i32
    %mul3A_2 = arith.muli %add3A, %mul3A_1 : i32
    %add3A_3 = arith.constant 0 : i32
    %add3A_4 = arith.addi %mul3A_2, %add3A_3 : i32
    "tpu.region"() ({
      %run_scoped3A = tpu.sem_alloc : memref<!tpu.dma_semaphore, #tpu.memory_space<semaphore_mem>>
      %dma_start3A_201 = tpu.memref_slice %arg3[%add3A_4] : memref<409600xi32, #tpu.memory_space<hbm>> -> memref<512xi32, #tpu.memory_space<hbm>>
      %dma_start3A_202 = tpu.memref_slice %arg3[%add3A_4] : memref<409600xi32, #tpu.memory_space<hbm>> -> memref<512xi32, #tpu.memory_space<hbm>>
      tpu.enqueue_dma source(%dma_start3A_202 : memref<512xi32, #tpu.memory_space<hbm>>) target(%arg5 : memref<512xi32, #tpu.memory_space<vmem>>) target_semaphore(%run_scoped3A : memref<!tpu.dma_semaphore, #tpu.memory_space<semaphore_mem>>)
      %dma_wait3A_203 = tpu.memref_slice %arg3[%add3A_4] : memref<409600xi32, #tpu.memory_space<hbm>> -> memref<512xi32, #tpu.memory_space<hbm>>
      %dma_wait3A_204 = tpu.memref_slice %arg3[%add3A_4] : memref<409600xi32, #tpu.memory_space<hbm>> -> memref<512xi32, #tpu.memory_space<hbm>>
      tpu.wait_dma2 semaphore(%run_scoped3A : memref<!tpu.dma_semaphore, #tpu.memory_space<semaphore_mem>>) src(%dma_wait3A_204 : memref<512xi32, #tpu.memory_space<hbm>>) dst(%arg5 : memref<512xi32, #tpu.memory_space<vmem>>)
      tpu.yield
    }) : () -> ()
    %dma_start3A = arith.constant 0 : i32
    %dma_start3A_5 = arith.constant 0 : i32
    %dma_start3A_6 = tpu.memref_slice %arg2[%dma_start3A, %dma_start3A_5] : memref<65536x128xf32, #tpu.memory_space<hbm>> -> memref<65536x128xf32, #tpu.memory_space<hbm>>
    tpu.enqueue_indirect_dma source(%dma_start3A_6 : memref<65536x128xf32, #tpu.memory_space<hbm>>) target(%arg6 : memref<512x128xf32, #tpu.memory_space<vmem>>) offsets(%arg5 : memref<512xi32, #tpu.memory_space<vmem>>) semaphore(%arg7 : memref<!tpu.dma_semaphore, #tpu.memory_space<semaphore_mem>>)
    %dma_wait3A = arith.constant 0 : i32
    %dma_wait3A_7 = arith.constant 0 : i32
    %dma_wait3A_8 = tpu.memref_slice %arg2[%dma_wait3A, %dma_wait3A_7] : memref<65536x128xf32, #tpu.memory_space<hbm>> -> memref<65536x128xf32, #tpu.memory_space<hbm>>
    tpu.wait_indirect_dma semaphore(%arg7 : memref<!tpu.dma_semaphore, #tpu.memory_space<semaphore_mem>>) src(%dma_wait3A_8 : memref<65536x128xf32, #tpu.memory_space<hbm>>) dst(%arg6 : memref<512x128xf32, #tpu.memory_space<vmem>>)
    "tpu.region"() ({
      %run_scoped3A = tpu.sem_alloc : memref<!tpu.dma_semaphore, #tpu.memory_space<semaphore_mem>>
      %dma_start3A_201 = arith.constant 0 : i32
      %dma_start3A_202 = tpu.memref_slice %arg4[%add3A_4, %dma_start3A_201] : memref<409600x128xf32, #tpu.memory_space<hbm>> -> memref<512x128xf32, #tpu.memory_space<hbm>>
      %dma_start3A_203 = arith.constant 0 : i32
      %dma_start3A_204 = tpu.memref_slice %arg4[%add3A_4, %dma_start3A_203] : memref<409600x128xf32, #tpu.memory_space<hbm>> -> memref<512x128xf32, #tpu.memory_space<hbm>>
      tpu.enqueue_dma source(%arg6 : memref<512x128xf32, #tpu.memory_space<vmem>>) target(%dma_start3A_204 : memref<512x128xf32, #tpu.memory_space<hbm>>) target_semaphore(%run_scoped3A : memref<!tpu.dma_semaphore, #tpu.memory_space<semaphore_mem>>)
      %dma_wait3A_205 = arith.constant 0 : i32
      %dma_wait3A_206 = tpu.memref_slice %arg4[%add3A_4, %dma_wait3A_205] : memref<409600x128xf32, #tpu.memory_space<hbm>> -> memref<512x128xf32, #tpu.memory_space<hbm>>
      %dma_wait3A_207 = arith.constant 0 : i32
      %dma_wait3A_208 = tpu.memref_slice %arg4[%add3A_4, %dma_wait3A_207] : memref<409600x128xf32, #tpu.memory_space<hbm>> -> memref<512x128xf32, #tpu.memory_space<hbm>>
      tpu.wait_dma2 semaphore(%run_scoped3A : memref<!tpu.dma_semaphore, #tpu.memory_space<semaphore_mem>>) src(%arg6 : memref<512x128xf32, #tpu.memory_space<vmem>>) dst(%dma_wait3A_208 : memref<512x128xf32, #tpu.memory_space<hbm>>)
      tpu.yield
    }) : () -> ()
    %add3A_9 = arith.constant 512 : i32
    %add3A_10 = arith.addi %mul3A_2, %add3A_9 : i32
    "tpu.region"() ({
      %run_scoped3A = tpu.sem_alloc : memref<!tpu.dma_semaphore, #tpu.memory_space<semaphore_mem>>
      %dma_start3A_201 = tpu.memref_slice %arg3[%add3A_10] : memref<409600xi32, #tpu.memory_space<hbm>> -> memref<512xi32, #tpu.memory_space<hbm>>
      %dma_start3A_202 = tpu.memref_slice %arg3[%add3A_10] : memref<409600xi32, #tpu.memory_space<hbm>> -> memref<512xi32, #tpu.memory_space<hbm>>
      tpu.enqueue_dma source(%dma_start3A_202 : memref<512xi32, #tpu.memory_space<hbm>>) target(%arg5 : memref<512xi32, #tpu.memory_space<vmem>>) target_semaphore(%run_scoped3A : memref<!tpu.dma_semaphore, #tpu.memory_space<semaphore_mem>>)
      %dma_wait3A_203 = tpu.memref_slice %arg3[%add3A_10] : memref<409600xi32, #tpu.memory_space<hbm>> -> memref<512xi32, #tpu.memory_space<hbm>>
      %dma_wait3A_204 = tpu.memref_slice %arg3[%add3A_10] : memref<409600xi32, #tpu.memory_space<hbm>> -> memref<512xi32, #tpu.memory_space<hbm>>
      tpu.wait_dma2 semaphore(%run_scoped3A : memref<!tpu.dma_semaphore, #tpu.memory_space<semaphore_mem>>) src(%dma_wait3A_204 : memref<512xi32, #tpu.memory_space<hbm>>) dst(%arg5 : memref<512xi32, #tpu.memory_space<vmem>>)
      tpu.yield
    }) : () -> ()
    %dma_start3A_11 = arith.constant 0 : i32
    %dma_start3A_12 = arith.constant 0 : i32
    %dma_start3A_13 = tpu.memref_slice %arg2[%dma_start3A_11, %dma_start3A_12] : memref<65536x128xf32, #tpu.memory_space<hbm>> -> memref<65536x128xf32, #tpu.memory_space<hbm>>
    tpu.enqueue_indirect_dma source(%dma_start3A_13 : memref<65536x128xf32, #tpu.memory_space<hbm>>) target(%arg6 : memref<512x128xf32, #tpu.memory_space<vmem>>) offsets(%arg5 : memref<512xi32, #tpu.memory_space<vmem>>) semaphore(%arg7 : memref<!tpu.dma_semaphore, #tpu.memory_space<semaphore_mem>>)
    %dma_wait3A_14 = arith.constant 0 : i32
    %dma_wait3A_15 = arith.constant 0 : i32
    %dma_wait3A_16 = tpu.memref_slice %arg2[%dma_wait3A_14, %dma_wait3A_15] : memref<65536x128xf32, #tpu.memory_space<hbm>> -> memref<65536x128xf32, #tpu.memory_space<hbm>>
    tpu.wait_indirect_dma semaphore(%arg7 : memref<!tpu.dma_semaphore, #tpu.memory_space<semaphore_mem>>) src(%dma_wait3A_16 : memref<65536x128xf32, #tpu.memory_space<hbm>>) dst(%arg6 : memref<512x128xf32, #tpu.memory_space<vmem>>)
    "tpu.region"() ({
      %run_scoped3A = tpu.sem_alloc : memref<!tpu.dma_semaphore, #tpu.memory_space<semaphore_mem>>
      %dma_start3A_201 = arith.constant 0 : i32
      %dma_start3A_202 = tpu.memref_slice %arg4[%add3A_10, %dma_start3A_201] : memref<409600x128xf32, #tpu.memory_space<hbm>> -> memref<512x128xf32, #tpu.memory_space<hbm>>
      %dma_start3A_203 = arith.constant 0 : i32
      %dma_start3A_204 = tpu.memref_slice %arg4[%add3A_10, %dma_start3A_203] : memref<409600x128xf32, #tpu.memory_space<hbm>> -> memref<512x128xf32, #tpu.memory_space<hbm>>
      tpu.enqueue_dma source(%arg6 : memref<512x128xf32, #tpu.memory_space<vmem>>) target(%dma_start3A_204 : memref<512x128xf32, #tpu.memory_space<hbm>>) target_semaphore(%run_scoped3A : memref<!tpu.dma_semaphore, #tpu.memory_space<semaphore_mem>>)
      %dma_wait3A_205 = arith.constant 0 : i32
      %dma_wait3A_206 = tpu.memref_slice %arg4[%add3A_10, %dma_wait3A_205] : memref<409600x128xf32, #tpu.memory_space<hbm>> -> memref<512x128xf32, #tpu.memory_space<hbm>>
      %dma_wait3A_207 = arith.constant 0 : i32
      %dma_wait3A_208 = tpu.memref_slice %arg4[%add3A_10, %dma_wait3A_207] : memref<409600x128xf32, #tpu.memory_space<hbm>> -> memref<512x128xf32, #tpu.memory_space<hbm>>
      tpu.wait_dma2 semaphore(%run_scoped3A : memref<!tpu.dma_semaphore, #tpu.memory_space<semaphore_mem>>) src(%arg6 : memref<512x128xf32, #tpu.memory_space<vmem>>) dst(%dma_wait3A_208 : memref<512x128xf32, #tpu.memory_space<hbm>>)
      tpu.yield
    }) : () -> ()
    %add3A_17 = arith.constant 1024 : i32
    %add3A_18 = arith.addi %mul3A_2, %add3A_17 : i32
    "tpu.region"() ({
      %run_scoped3A = tpu.sem_alloc : memref<!tpu.dma_semaphore, #tpu.memory_space<semaphore_mem>>
      %dma_start3A_201 = tpu.memref_slice %arg3[%add3A_18] : memref<409600xi32, #tpu.memory_space<hbm>> -> memref<512xi32, #tpu.memory_space<hbm>>
      %dma_start3A_202 = tpu.memref_slice %arg3[%add3A_18] : memref<409600xi32, #tpu.memory_space<hbm>> -> memref<512xi32, #tpu.memory_space<hbm>>
      tpu.enqueue_dma source(%dma_start3A_202 : memref<512xi32, #tpu.memory_space<hbm>>) target(%arg5 : memref<512xi32, #tpu.memory_space<vmem>>) target_semaphore(%run_scoped3A : memref<!tpu.dma_semaphore, #tpu.memory_space<semaphore_mem>>)
      %dma_wait3A_203 = tpu.memref_slice %arg3[%add3A_18] : memref<409600xi32, #tpu.memory_space<hbm>> -> memref<512xi32, #tpu.memory_space<hbm>>
      %dma_wait3A_204 = tpu.memref_slice %arg3[%add3A_18] : memref<409600xi32, #tpu.memory_space<hbm>> -> memref<512xi32, #tpu.memory_space<hbm>>
      tpu.wait_dma2 semaphore(%run_scoped3A : memref<!tpu.dma_semaphore, #tpu.memory_space<semaphore_mem>>) src(%dma_wait3A_204 : memref<512xi32, #tpu.memory_space<hbm>>) dst(%arg5 : memref<512xi32, #tpu.memory_space<vmem>>)
      tpu.yield
    }) : () -> ()
    %dma_start3A_19 = arith.constant 0 : i32
    %dma_start3A_20 = arith.constant 0 : i32
    %dma_start3A_21 = tpu.memref_slice %arg2[%dma_start3A_19, %dma_start3A_20] : memref<65536x128xf32, #tpu.memory_space<hbm>> -> memref<65536x128xf32, #tpu.memory_space<hbm>>
    tpu.enqueue_indirect_dma source(%dma_start3A_21 : memref<65536x128xf32, #tpu.memory_space<hbm>>) target(%arg6 : memref<512x128xf32, #tpu.memory_space<vmem>>) offsets(%arg5 : memref<512xi32, #tpu.memory_space<vmem>>) semaphore(%arg7 : memref<!tpu.dma_semaphore, #tpu.memory_space<semaphore_mem>>)
    %dma_wait3A_22 = arith.constant 0 : i32
    %dma_wait3A_23 = arith.constant 0 : i32
    %dma_wait3A_24 = tpu.memref_slice %arg2[%dma_wait3A_22, %dma_wait3A_23] : memref<65536x128xf32, #tpu.memory_space<hbm>> -> memref<65536x128xf32, #tpu.memory_space<hbm>>
    tpu.wait_indirect_dma semaphore(%arg7 : memref<!tpu.dma_semaphore, #tpu.memory_space<semaphore_mem>>) src(%dma_wait3A_24 : memref<65536x128xf32, #tpu.memory_space<hbm>>) dst(%arg6 : memref<512x128xf32, #tpu.memory_space<vmem>>)
    "tpu.region"() ({
      %run_scoped3A = tpu.sem_alloc : memref<!tpu.dma_semaphore, #tpu.memory_space<semaphore_mem>>
      %dma_start3A_201 = arith.constant 0 : i32
      %dma_start3A_202 = tpu.memref_slice %arg4[%add3A_18, %dma_start3A_201] : memref<409600x128xf32, #tpu.memory_space<hbm>> -> memref<512x128xf32, #tpu.memory_space<hbm>>
      %dma_start3A_203 = arith.constant 0 : i32
      %dma_start3A_204 = tpu.memref_slice %arg4[%add3A_18, %dma_start3A_203] : memref<409600x128xf32, #tpu.memory_space<hbm>> -> memref<512x128xf32, #tpu.memory_space<hbm>>
      tpu.enqueue_dma source(%arg6 : memref<512x128xf32, #tpu.memory_space<vmem>>) target(%dma_start3A_204 : memref<512x128xf32, #tpu.memory_space<hbm>>) target_semaphore(%run_scoped3A : memref<!tpu.dma_semaphore, #tpu.memory_space<semaphore_mem>>)
      %dma_wait3A_205 = arith.constant 0 : i32
      %dma_wait3A_206 = tpu.memref_slice %arg4[%add3A_18, %dma_wait3A_205] : memref<409600x128xf32, #tpu.memory_space<hbm>> -> memref<512x128xf32, #tpu.memory_space<hbm>>
      %dma_wait3A_207 = arith.constant 0 : i32
      %dma_wait3A_208 = tpu.memref_slice %arg4[%add3A_18, %dma_wait3A_207] : memref<409600x128xf32, #tpu.memory_space<hbm>> -> memref<512x128xf32, #tpu.memory_space<hbm>>
      tpu.wait_dma2 semaphore(%run_scoped3A : memref<!tpu.dma_semaphore, #tpu.memory_space<semaphore_mem>>) src(%arg6 : memref<512x128xf32, #tpu.memory_space<vmem>>) dst(%dma_wait3A_208 : memref<512x128xf32, #tpu.memory_space<hbm>>)
      tpu.yield
    }) : () -> ()
    %add3A_25 = arith.constant 1536 : i32
    %add3A_26 = arith.addi %mul3A_2, %add3A_25 : i32
    "tpu.region"() ({
      %run_scoped3A = tpu.sem_alloc : memref<!tpu.dma_semaphore, #tpu.memory_space<semaphore_mem>>
      %dma_start3A_201 = tpu.memref_slice %arg3[%add3A_26] : memref<409600xi32, #tpu.memory_space<hbm>> -> memref<512xi32, #tpu.memory_space<hbm>>
      %dma_start3A_202 = tpu.memref_slice %arg3[%add3A_26] : memref<409600xi32, #tpu.memory_space<hbm>> -> memref<512xi32, #tpu.memory_space<hbm>>
      tpu.enqueue_dma source(%dma_start3A_202 : memref<512xi32, #tpu.memory_space<hbm>>) target(%arg5 : memref<512xi32, #tpu.memory_space<vmem>>) target_semaphore(%run_scoped3A : memref<!tpu.dma_semaphore, #tpu.memory_space<semaphore_mem>>)
      %dma_wait3A_203 = tpu.memref_slice %arg3[%add3A_26] : memref<409600xi32, #tpu.memory_space<hbm>> -> memref<512xi32, #tpu.memory_space<hbm>>
      %dma_wait3A_204 = tpu.memref_slice %arg3[%add3A_26] : memref<409600xi32, #tpu.memory_space<hbm>> -> memref<512xi32, #tpu.memory_space<hbm>>
      tpu.wait_dma2 semaphore(%run_scoped3A : memref<!tpu.dma_semaphore, #tpu.memory_space<semaphore_mem>>) src(%dma_wait3A_204 : memref<512xi32, #tpu.memory_space<hbm>>) dst(%arg5 : memref<512xi32, #tpu.memory_space<vmem>>)
      tpu.yield
    }) : () -> ()
    %dma_start3A_27 = arith.constant 0 : i32
    %dma_start3A_28 = arith.constant 0 : i32
    %dma_start3A_29 = tpu.memref_slice %arg2[%dma_start3A_27, %dma_start3A_28] : memref<65536x128xf32, #tpu.memory_space<hbm>> -> memref<65536x128xf32, #tpu.memory_space<hbm>>
    tpu.enqueue_indirect_dma source(%dma_start3A_29 : memref<65536x128xf32, #tpu.memory_space<hbm>>) target(%arg6 : memref<512x128xf32, #tpu.memory_space<vmem>>) offsets(%arg5 : memref<512xi32, #tpu.memory_space<vmem>>) semaphore(%arg7 : memref<!tpu.dma_semaphore, #tpu.memory_space<semaphore_mem>>)
    %dma_wait3A_30 = arith.constant 0 : i32
    %dma_wait3A_31 = arith.constant 0 : i32
    %dma_wait3A_32 = tpu.memref_slice %arg2[%dma_wait3A_30, %dma_wait3A_31] : memref<65536x128xf32, #tpu.memory_space<hbm>> -> memref<65536x128xf32, #tpu.memory_space<hbm>>
    tpu.wait_indirect_dma semaphore(%arg7 : memref<!tpu.dma_semaphore, #tpu.memory_space<semaphore_mem>>) src(%dma_wait3A_32 : memref<65536x128xf32, #tpu.memory_space<hbm>>) dst(%arg6 : memref<512x128xf32, #tpu.memory_space<vmem>>)
    "tpu.region"() ({
      %run_scoped3A = tpu.sem_alloc : memref<!tpu.dma_semaphore, #tpu.memory_space<semaphore_mem>>
      %dma_start3A_201 = arith.constant 0 : i32
      %dma_start3A_202 = tpu.memref_slice %arg4[%add3A_26, %dma_start3A_201] : memref<409600x128xf32, #tpu.memory_space<hbm>> -> memref<512x128xf32, #tpu.memory_space<hbm>>
      %dma_start3A_203 = arith.constant 0 : i32
      %dma_start3A_204 = tpu.memref_slice %arg4[%add3A_26, %dma_start3A_203] : memref<409600x128xf32, #tpu.memory_space<hbm>> -> memref<512x128xf32, #tpu.memory_space<hbm>>
      tpu.enqueue_dma source(%arg6 : memref<512x128xf32, #tpu.memory_space<vmem>>) target(%dma_start3A_204 : memref<512x128xf32, #tpu.memory_space<hbm>>) target_semaphore(%run_scoped3A : memref<!tpu.dma_semaphore, #tpu.memory_space<semaphore_mem>>)
      %dma_wait3A_205 = arith.constant 0 : i32
      %dma_wait3A_206 = tpu.memref_slice %arg4[%add3A_26, %dma_wait3A_205] : memref<409600x128xf32, #tpu.memory_space<hbm>> -> memref<512x128xf32, #tpu.memory_space<hbm>>
      %dma_wait3A_207 = arith.constant 0 : i32
      %dma_wait3A_208 = tpu.memref_slice %arg4[%add3A_26, %dma_wait3A_207] : memref<409600x128xf32, #tpu.memory_space<hbm>> -> memref<512x128xf32, #tpu.memory_space<hbm>>
      tpu.wait_dma2 semaphore(%run_scoped3A : memref<!tpu.dma_semaphore, #tpu.memory_space<semaphore_mem>>) src(%arg6 : memref<512x128xf32, #tpu.memory_space<vmem>>) dst(%dma_wait3A_208 : memref<512x128xf32, #tpu.memory_space<hbm>>)
      tpu.yield
    }) : () -> ()
    %add3A_33 = arith.constant 2048 : i32
    %add3A_34 = arith.addi %mul3A_2, %add3A_33 : i32
    "tpu.region"() ({
      %run_scoped3A = tpu.sem_alloc : memref<!tpu.dma_semaphore, #tpu.memory_space<semaphore_mem>>
      %dma_start3A_201 = tpu.memref_slice %arg3[%add3A_34] : memref<409600xi32, #tpu.memory_space<hbm>> -> memref<512xi32, #tpu.memory_space<hbm>>
      %dma_start3A_202 = tpu.memref_slice %arg3[%add3A_34] : memref<409600xi32, #tpu.memory_space<hbm>> -> memref<512xi32, #tpu.memory_space<hbm>>
      tpu.enqueue_dma source(%dma_start3A_202 : memref<512xi32, #tpu.memory_space<hbm>>) target(%arg5 : memref<512xi32, #tpu.memory_space<vmem>>) target_semaphore(%run_scoped3A : memref<!tpu.dma_semaphore, #tpu.memory_space<semaphore_mem>>)
      %dma_wait3A_203 = tpu.memref_slice %arg3[%add3A_34] : memref<409600xi32, #tpu.memory_space<hbm>> -> memref<512xi32, #tpu.memory_space<hbm>>
      %dma_wait3A_204 = tpu.memref_slice %arg3[%add3A_34] : memref<409600xi32, #tpu.memory_space<hbm>> -> memref<512xi32, #tpu.memory_space<hbm>>
      tpu.wait_dma2 semaphore(%run_scoped3A : memref<!tpu.dma_semaphore, #tpu.memory_space<semaphore_mem>>) src(%dma_wait3A_204 : memref<512xi32, #tpu.memory_space<hbm>>) dst(%arg5 : memref<512xi32, #tpu.memory_space<vmem>>)
      tpu.yield
    }) : () -> ()
    %dma_start3A_35 = arith.constant 0 : i32
    %dma_start3A_36 = arith.constant 0 : i32
    %dma_start3A_37 = tpu.memref_slice %arg2[%dma_start3A_35, %dma_start3A_36] : memref<65536x128xf32, #tpu.memory_space<hbm>> -> memref<65536x128xf32, #tpu.memory_space<hbm>>
    tpu.enqueue_indirect_dma source(%dma_start3A_37 : memref<65536x128xf32, #tpu.memory_space<hbm>>) target(%arg6 : memref<512x128xf32, #tpu.memory_space<vmem>>) offsets(%arg5 : memref<512xi32, #tpu.memory_space<vmem>>) semaphore(%arg7 : memref<!tpu.dma_semaphore, #tpu.memory_space<semaphore_mem>>)
    %dma_wait3A_38 = arith.constant 0 : i32
    %dma_wait3A_39 = arith.constant 0 : i32
    %dma_wait3A_40 = tpu.memref_slice %arg2[%dma_wait3A_38, %dma_wait3A_39] : memref<65536x128xf32, #tpu.memory_space<hbm>> -> memref<65536x128xf32, #tpu.memory_space<hbm>>
    tpu.wait_indirect_dma semaphore(%arg7 : memref<!tpu.dma_semaphore, #tpu.memory_space<semaphore_mem>>) src(%dma_wait3A_40 : memref<65536x128xf32, #tpu.memory_space<hbm>>) dst(%arg6 : memref<512x128xf32, #tpu.memory_space<vmem>>)
    "tpu.region"() ({
      %run_scoped3A = tpu.sem_alloc : memref<!tpu.dma_semaphore, #tpu.memory_space<semaphore_mem>>
      %dma_start3A_201 = arith.constant 0 : i32
      %dma_start3A_202 = tpu.memref_slice %arg4[%add3A_34, %dma_start3A_201] : memref<409600x128xf32, #tpu.memory_space<hbm>> -> memref<512x128xf32, #tpu.memory_space<hbm>>
      %dma_start3A_203 = arith.constant 0 : i32
      %dma_start3A_204 = tpu.memref_slice %arg4[%add3A_34, %dma_start3A_203] : memref<409600x128xf32, #tpu.memory_space<hbm>> -> memref<512x128xf32, #tpu.memory_space<hbm>>
      tpu.enqueue_dma source(%arg6 : memref<512x128xf32, #tpu.memory_space<vmem>>) target(%dma_start3A_204 : memref<512x128xf32, #tpu.memory_space<hbm>>) target_semaphore(%run_scoped3A : memref<!tpu.dma_semaphore, #tpu.memory_space<semaphore_mem>>)
      %dma_wait3A_205 = arith.constant 0 : i32
      %dma_wait3A_206 = tpu.memref_slice %arg4[%add3A_34, %dma_wait3A_205] : memref<409600x128xf32, #tpu.memory_space<hbm>> -> memref<512x128xf32, #tpu.memory_space<hbm>>
      %dma_wait3A_207 = arith.constant 0 : i32
      %dma_wait3A_208 = tpu.memref_slice %arg4[%add3A_34, %dma_wait3A_207] : memref<409600x128xf32, #tpu.memory_space<hbm>> -> memref<512x128xf32, #tpu.memory_space<hbm>>
      tpu.wait_dma2 semaphore(%run_scoped3A : memref<!tpu.dma_semaphore, #tpu.memory_space<semaphore_mem>>) src(%arg6 : memref<512x128xf32, #tpu.memory_space<vmem>>) dst(%dma_wait3A_208 : memref<512x128xf32, #tpu.memory_space<hbm>>)
      tpu.yield
    }) : () -> ()
    %add3A_41 = arith.constant 2560 : i32
    %add3A_42 = arith.addi %mul3A_2, %add3A_41 : i32
    "tpu.region"() ({
      %run_scoped3A = tpu.sem_alloc : memref<!tpu.dma_semaphore, #tpu.memory_space<semaphore_mem>>
      %dma_start3A_201 = tpu.memref_slice %arg3[%add3A_42] : memref<409600xi32, #tpu.memory_space<hbm>> -> memref<512xi32, #tpu.memory_space<hbm>>
      %dma_start3A_202 = tpu.memref_slice %arg3[%add3A_42] : memref<409600xi32, #tpu.memory_space<hbm>> -> memref<512xi32, #tpu.memory_space<hbm>>
      tpu.enqueue_dma source(%dma_start3A_202 : memref<512xi32, #tpu.memory_space<hbm>>) target(%arg5 : memref<512xi32, #tpu.memory_space<vmem>>) target_semaphore(%run_scoped3A : memref<!tpu.dma_semaphore, #tpu.memory_space<semaphore_mem>>)
      %dma_wait3A_203 = tpu.memref_slice %arg3[%add3A_42] : memref<409600xi32, #tpu.memory_space<hbm>> -> memref<512xi32, #tpu.memory_space<hbm>>
      %dma_wait3A_204 = tpu.memref_slice %arg3[%add3A_42] : memref<409600xi32, #tpu.memory_space<hbm>> -> memref<512xi32, #tpu.memory_space<hbm>>
      tpu.wait_dma2 semaphore(%run_scoped3A : memref<!tpu.dma_semaphore, #tpu.memory_space<semaphore_mem>>) src(%dma_wait3A_204 : memref<512xi32, #tpu.memory_space<hbm>>) dst(%arg5 : memref<512xi32, #tpu.memory_space<vmem>>)
      tpu.yield
    }) : () -> ()
    %dma_start3A_43 = arith.constant 0 : i32
    %dma_start3A_44 = arith.constant 0 : i32
    %dma_start3A_45 = tpu.memref_slice %arg2[%dma_start3A_43, %dma_start3A_44] : memref<65536x128xf32, #tpu.memory_space<hbm>> -> memref<65536x128xf32, #tpu.memory_space<hbm>>
    tpu.enqueue_indirect_dma source(%dma_start3A_45 : memref<65536x128xf32, #tpu.memory_space<hbm>>) target(%arg6 : memref<512x128xf32, #tpu.memory_space<vmem>>) offsets(%arg5 : memref<512xi32, #tpu.memory_space<vmem>>) semaphore(%arg7 : memref<!tpu.dma_semaphore, #tpu.memory_space<semaphore_mem>>)
    %dma_wait3A_46 = arith.constant 0 : i32
    %dma_wait3A_47 = arith.constant 0 : i32
    %dma_wait3A_48 = tpu.memref_slice %arg2[%dma_wait3A_46, %dma_wait3A_47] : memref<65536x128xf32, #tpu.memory_space<hbm>> -> memref<65536x128xf32, #tpu.memory_space<hbm>>
    tpu.wait_indirect_dma semaphore(%arg7 : memref<!tpu.dma_semaphore, #tpu.memory_space<semaphore_mem>>) src(%dma_wait3A_48 : memref<65536x128xf32, #tpu.memory_space<hbm>>) dst(%arg6 : memref<512x128xf32, #tpu.memory_space<vmem>>)
    "tpu.region"() ({
      %run_scoped3A = tpu.sem_alloc : memref<!tpu.dma_semaphore, #tpu.memory_space<semaphore_mem>>
      %dma_start3A_201 = arith.constant 0 : i32
      %dma_start3A_202 = tpu.memref_slice %arg4[%add3A_42, %dma_start3A_201] : memref<409600x128xf32, #tpu.memory_space<hbm>> -> memref<512x128xf32, #tpu.memory_space<hbm>>
      %dma_start3A_203 = arith.constant 0 : i32
      %dma_start3A_204 = tpu.memref_slice %arg4[%add3A_42, %dma_start3A_203] : memref<409600x128xf32, #tpu.memory_space<hbm>> -> memref<512x128xf32, #tpu.memory_space<hbm>>
      tpu.enqueue_dma source(%arg6 : memref<512x128xf32, #tpu.memory_space<vmem>>) target(%dma_start3A_204 : memref<512x128xf32, #tpu.memory_space<hbm>>) target_semaphore(%run_scoped3A : memref<!tpu.dma_semaphore, #tpu.memory_space<semaphore_mem>>)
      %dma_wait3A_205 = arith.constant 0 : i32
      %dma_wait3A_206 = tpu.memref_slice %arg4[%add3A_42, %dma_wait3A_205] : memref<409600x128xf32, #tpu.memory_space<hbm>> -> memref<512x128xf32, #tpu.memory_space<hbm>>
      %dma_wait3A_207 = arith.constant 0 : i32
      %dma_wait3A_208 = tpu.memref_slice %arg4[%add3A_42, %dma_wait3A_207] : memref<409600x128xf32, #tpu.memory_space<hbm>> -> memref<512x128xf32, #tpu.memory_space<hbm>>
      tpu.wait_dma2 semaphore(%run_scoped3A : memref<!tpu.dma_semaphore, #tpu.memory_space<semaphore_mem>>) src(%arg6 : memref<512x128xf32, #tpu.memory_space<vmem>>) dst(%dma_wait3A_208 : memref<512x128xf32, #tpu.memory_space<hbm>>)
      tpu.yield
    }) : () -> ()
    %add3A_49 = arith.constant 3072 : i32
    %add3A_50 = arith.addi %mul3A_2, %add3A_49 : i32
    "tpu.region"() ({
      %run_scoped3A = tpu.sem_alloc : memref<!tpu.dma_semaphore, #tpu.memory_space<semaphore_mem>>
      %dma_start3A_201 = tpu.memref_slice %arg3[%add3A_50] : memref<409600xi32, #tpu.memory_space<hbm>> -> memref<512xi32, #tpu.memory_space<hbm>>
      %dma_start3A_202 = tpu.memref_slice %arg3[%add3A_50] : memref<409600xi32, #tpu.memory_space<hbm>> -> memref<512xi32, #tpu.memory_space<hbm>>
      tpu.enqueue_dma source(%dma_start3A_202 : memref<512xi32, #tpu.memory_space<hbm>>) target(%arg5 : memref<512xi32, #tpu.memory_space<vmem>>) target_semaphore(%run_scoped3A : memref<!tpu.dma_semaphore, #tpu.memory_space<semaphore_mem>>)
      %dma_wait3A_203 = tpu.memref_slice %arg3[%add3A_50] : memref<409600xi32, #tpu.memory_space<hbm>> -> memref<512xi32, #tpu.memory_space<hbm>>
      %dma_wait3A_204 = tpu.memref_slice %arg3[%add3A_50] : memref<409600xi32, #tpu.memory_space<hbm>> -> memref<512xi32, #tpu.memory_space<hbm>>
      tpu.wait_dma2 semaphore(%run_scoped3A : memref<!tpu.dma_semaphore, #tpu.memory_space<semaphore_mem>>) src(%dma_wait3A_204 : memref<512xi32, #tpu.memory_space<hbm>>) dst(%arg5 : memref<512xi32, #tpu.memory_space<vmem>>)
      tpu.yield
    }) : () -> ()
    %dma_start3A_51 = arith.constant 0 : i32
    %dma_start3A_52 = arith.constant 0 : i32
    %dma_start3A_53 = tpu.memref_slice %arg2[%dma_start3A_51, %dma_start3A_52] : memref<65536x128xf32, #tpu.memory_space<hbm>> -> memref<65536x128xf32, #tpu.memory_space<hbm>>
    tpu.enqueue_indirect_dma source(%dma_start3A_53 : memref<65536x128xf32, #tpu.memory_space<hbm>>) target(%arg6 : memref<512x128xf32, #tpu.memory_space<vmem>>) offsets(%arg5 : memref<512xi32, #tpu.memory_space<vmem>>) semaphore(%arg7 : memref<!tpu.dma_semaphore, #tpu.memory_space<semaphore_mem>>)
    %dma_wait3A_54 = arith.constant 0 : i32
    %dma_wait3A_55 = arith.constant 0 : i32
    %dma_wait3A_56 = tpu.memref_slice %arg2[%dma_wait3A_54, %dma_wait3A_55] : memref<65536x128xf32, #tpu.memory_space<hbm>> -> memref<65536x128xf32, #tpu.memory_space<hbm>>
    tpu.wait_indirect_dma semaphore(%arg7 : memref<!tpu.dma_semaphore, #tpu.memory_space<semaphore_mem>>) src(%dma_wait3A_56 : memref<65536x128xf32, #tpu.memory_space<hbm>>) dst(%arg6 : memref<512x128xf32, #tpu.memory_space<vmem>>)
    "tpu.region"() ({
      %run_scoped3A = tpu.sem_alloc : memref<!tpu.dma_semaphore, #tpu.memory_space<semaphore_mem>>
      %dma_start3A_201 = arith.constant 0 : i32
      %dma_start3A_202 = tpu.memref_slice %arg4[%add3A_50, %dma_start3A_201] : memref<409600x128xf32, #tpu.memory_space<hbm>> -> memref<512x128xf32, #tpu.memory_space<hbm>>
      %dma_start3A_203 = arith.constant 0 : i32
      %dma_start3A_204 = tpu.memref_slice %arg4[%add3A_50, %dma_start3A_203] : memref<409600x128xf32, #tpu.memory_space<hbm>> -> memref<512x128xf32, #tpu.memory_space<hbm>>
      tpu.enqueue_dma source(%arg6 : memref<512x128xf32, #tpu.memory_space<vmem>>) target(%dma_start3A_204 : memref<512x128xf32, #tpu.memory_space<hbm>>) target_semaphore(%run_scoped3A : memref<!tpu.dma_semaphore, #tpu.memory_space<semaphore_mem>>)
      %dma_wait3A_205 = arith.constant 0 : i32
      %dma_wait3A_206 = tpu.memref_slice %arg4[%add3A_50, %dma_wait3A_205] : memref<409600x128xf32, #tpu.memory_space<hbm>> -> memref<512x128xf32, #tpu.memory_space<hbm>>
      %dma_wait3A_207 = arith.constant 0 : i32
      %dma_wait3A_208 = tpu.memref_slice %arg4[%add3A_50, %dma_wait3A_207] : memref<409600x128xf32, #tpu.memory_space<hbm>> -> memref<512x128xf32, #tpu.memory_space<hbm>>
      tpu.wait_dma2 semaphore(%run_scoped3A : memref<!tpu.dma_semaphore, #tpu.memory_space<semaphore_mem>>) src(%arg6 : memref<512x128xf32, #tpu.memory_space<vmem>>) dst(%dma_wait3A_208 : memref<512x128xf32, #tpu.memory_space<hbm>>)
      tpu.yield
    }) : () -> ()
    %add3A_57 = arith.constant 3584 : i32
    %add3A_58 = arith.addi %mul3A_2, %add3A_57 : i32
    "tpu.region"() ({
      %run_scoped3A = tpu.sem_alloc : memref<!tpu.dma_semaphore, #tpu.memory_space<semaphore_mem>>
      %dma_start3A_201 = tpu.memref_slice %arg3[%add3A_58] : memref<409600xi32, #tpu.memory_space<hbm>> -> memref<512xi32, #tpu.memory_space<hbm>>
      %dma_start3A_202 = tpu.memref_slice %arg3[%add3A_58] : memref<409600xi32, #tpu.memory_space<hbm>> -> memref<512xi32, #tpu.memory_space<hbm>>
      tpu.enqueue_dma source(%dma_start3A_202 : memref<512xi32, #tpu.memory_space<hbm>>) target(%arg5 : memref<512xi32, #tpu.memory_space<vmem>>) target_semaphore(%run_scoped3A : memref<!tpu.dma_semaphore, #tpu.memory_space<semaphore_mem>>)
      %dma_wait3A_203 = tpu.memref_slice %arg3[%add3A_58] : memref<409600xi32, #tpu.memory_space<hbm>> -> memref<512xi32, #tpu.memory_space<hbm>>
      %dma_wait3A_204 = tpu.memref_slice %arg3[%add3A_58] : memref<409600xi32, #tpu.memory_space<hbm>> -> memref<512xi32, #tpu.memory_space<hbm>>
      tpu.wait_dma2 semaphore(%run_scoped3A : memref<!tpu.dma_semaphore, #tpu.memory_space<semaphore_mem>>) src(%dma_wait3A_204 : memref<512xi32, #tpu.memory_space<hbm>>) dst(%arg5 : memref<512xi32, #tpu.memory_space<vmem>>)
      tpu.yield
    }) : () -> ()
    %dma_start3A_59 = arith.constant 0 : i32
    %dma_start3A_60 = arith.constant 0 : i32
    %dma_start3A_61 = tpu.memref_slice %arg2[%dma_start3A_59, %dma_start3A_60] : memref<65536x128xf32, #tpu.memory_space<hbm>> -> memref<65536x128xf32, #tpu.memory_space<hbm>>
    tpu.enqueue_indirect_dma source(%dma_start3A_61 : memref<65536x128xf32, #tpu.memory_space<hbm>>) target(%arg6 : memref<512x128xf32, #tpu.memory_space<vmem>>) offsets(%arg5 : memref<512xi32, #tpu.memory_space<vmem>>) semaphore(%arg7 : memref<!tpu.dma_semaphore, #tpu.memory_space<semaphore_mem>>)
    %dma_wait3A_62 = arith.constant 0 : i32
    %dma_wait3A_63 = arith.constant 0 : i32
    %dma_wait3A_64 = tpu.memref_slice %arg2[%dma_wait3A_62, %dma_wait3A_63] : memref<65536x128xf32, #tpu.memory_space<hbm>> -> memref<65536x128xf32, #tpu.memory_space<hbm>>
    tpu.wait_indirect_dma semaphore(%arg7 : memref<!tpu.dma_semaphore, #tpu.memory_space<semaphore_mem>>) src(%dma_wait3A_64 : memref<65536x128xf32, #tpu.memory_space<hbm>>) dst(%arg6 : memref<512x128xf32, #tpu.memory_space<vmem>>)
    "tpu.region"() ({
      %run_scoped3A = tpu.sem_alloc : memref<!tpu.dma_semaphore, #tpu.memory_space<semaphore_mem>>
      %dma_start3A_201 = arith.constant 0 : i32
      %dma_start3A_202 = tpu.memref_slice %arg4[%add3A_58, %dma_start3A_201] : memref<409600x128xf32, #tpu.memory_space<hbm>> -> memref<512x128xf32, #tpu.memory_space<hbm>>
      %dma_start3A_203 = arith.constant 0 : i32
      %dma_start3A_204 = tpu.memref_slice %arg4[%add3A_58, %dma_start3A_203] : memref<409600x128xf32, #tpu.memory_space<hbm>> -> memref<512x128xf32, #tpu.memory_space<hbm>>
      tpu.enqueue_dma source(%arg6 : memref<512x128xf32, #tpu.memory_space<vmem>>) target(%dma_start3A_204 : memref<512x128xf32, #tpu.memory_space<hbm>>) target_semaphore(%run_scoped3A : memref<!tpu.dma_semaphore, #tpu.memory_space<semaphore_mem>>)
      %dma_wait3A_205 = arith.constant 0 : i32
      %dma_wait3A_206 = tpu.memref_slice %arg4[%add3A_58, %dma_wait3A_205] : memref<409600x128xf32, #tpu.memory_space<hbm>> -> memref<512x128xf32, #tpu.memory_space<hbm>>
      %dma_wait3A_207 = arith.constant 0 : i32
      %dma_wait3A_208 = tpu.memref_slice %arg4[%add3A_58, %dma_wait3A_207] : memref<409600x128xf32, #tpu.memory_space<hbm>> -> memref<512x128xf32, #tpu.memory_space<hbm>>
      tpu.wait_dma2 semaphore(%run_scoped3A : memref<!tpu.dma_semaphore, #tpu.memory_space<semaphore_mem>>) src(%arg6 : memref<512x128xf32, #tpu.memory_space<vmem>>) dst(%dma_wait3A_208 : memref<512x128xf32, #tpu.memory_space<hbm>>)
      tpu.yield
    }) : () -> ()
    %add3A_65 = arith.constant 4096 : i32
    %add3A_66 = arith.addi %mul3A_2, %add3A_65 : i32
    "tpu.region"() ({
      %run_scoped3A = tpu.sem_alloc : memref<!tpu.dma_semaphore, #tpu.memory_space<semaphore_mem>>
      %dma_start3A_201 = tpu.memref_slice %arg3[%add3A_66] : memref<409600xi32, #tpu.memory_space<hbm>> -> memref<512xi32, #tpu.memory_space<hbm>>
      %dma_start3A_202 = tpu.memref_slice %arg3[%add3A_66] : memref<409600xi32, #tpu.memory_space<hbm>> -> memref<512xi32, #tpu.memory_space<hbm>>
      tpu.enqueue_dma source(%dma_start3A_202 : memref<512xi32, #tpu.memory_space<hbm>>) target(%arg5 : memref<512xi32, #tpu.memory_space<vmem>>) target_semaphore(%run_scoped3A : memref<!tpu.dma_semaphore, #tpu.memory_space<semaphore_mem>>)
      %dma_wait3A_203 = tpu.memref_slice %arg3[%add3A_66] : memref<409600xi32, #tpu.memory_space<hbm>> -> memref<512xi32, #tpu.memory_space<hbm>>
      %dma_wait3A_204 = tpu.memref_slice %arg3[%add3A_66] : memref<409600xi32, #tpu.memory_space<hbm>> -> memref<512xi32, #tpu.memory_space<hbm>>
      tpu.wait_dma2 semaphore(%run_scoped3A : memref<!tpu.dma_semaphore, #tpu.memory_space<semaphore_mem>>) src(%dma_wait3A_204 : memref<512xi32, #tpu.memory_space<hbm>>) dst(%arg5 : memref<512xi32, #tpu.memory_space<vmem>>)
      tpu.yield
    }) : () -> ()
    %dma_start3A_67 = arith.constant 0 : i32
    %dma_start3A_68 = arith.constant 0 : i32
    %dma_start3A_69 = tpu.memref_slice %arg2[%dma_start3A_67, %dma_start3A_68] : memref<65536x128xf32, #tpu.memory_space<hbm>> -> memref<65536x128xf32, #tpu.memory_space<hbm>>
    tpu.enqueue_indirect_dma source(%dma_start3A_69 : memref<65536x128xf32, #tpu.memory_space<hbm>>) target(%arg6 : memref<512x128xf32, #tpu.memory_space<vmem>>) offsets(%arg5 : memref<512xi32, #tpu.memory_space<vmem>>) semaphore(%arg7 : memref<!tpu.dma_semaphore, #tpu.memory_space<semaphore_mem>>)
    %dma_wait3A_70 = arith.constant 0 : i32
    %dma_wait3A_71 = arith.constant 0 : i32
    %dma_wait3A_72 = tpu.memref_slice %arg2[%dma_wait3A_70, %dma_wait3A_71] : memref<65536x128xf32, #tpu.memory_space<hbm>> -> memref<65536x128xf32, #tpu.memory_space<hbm>>
    tpu.wait_indirect_dma semaphore(%arg7 : memref<!tpu.dma_semaphore, #tpu.memory_space<semaphore_mem>>) src(%dma_wait3A_72 : memref<65536x128xf32, #tpu.memory_space<hbm>>) dst(%arg6 : memref<512x128xf32, #tpu.memory_space<vmem>>)
    "tpu.region"() ({
      %run_scoped3A = tpu.sem_alloc : memref<!tpu.dma_semaphore, #tpu.memory_space<semaphore_mem>>
      %dma_start3A_201 = arith.constant 0 : i32
      %dma_start3A_202 = tpu.memref_slice %arg4[%add3A_66, %dma_start3A_201] : memref<409600x128xf32, #tpu.memory_space<hbm>> -> memref<512x128xf32, #tpu.memory_space<hbm>>
      %dma_start3A_203 = arith.constant 0 : i32
      %dma_start3A_204 = tpu.memref_slice %arg4[%add3A_66, %dma_start3A_203] : memref<409600x128xf32, #tpu.memory_space<hbm>> -> memref<512x128xf32, #tpu.memory_space<hbm>>
      tpu.enqueue_dma source(%arg6 : memref<512x128xf32, #tpu.memory_space<vmem>>) target(%dma_start3A_204 : memref<512x128xf32, #tpu.memory_space<hbm>>) target_semaphore(%run_scoped3A : memref<!tpu.dma_semaphore, #tpu.memory_space<semaphore_mem>>)
      %dma_wait3A_205 = arith.constant 0 : i32
      %dma_wait3A_206 = tpu.memref_slice %arg4[%add3A_66, %dma_wait3A_205] : memref<409600x128xf32, #tpu.memory_space<hbm>> -> memref<512x128xf32, #tpu.memory_space<hbm>>
      %dma_wait3A_207 = arith.constant 0 : i32
      %dma_wait3A_208 = tpu.memref_slice %arg4[%add3A_66, %dma_wait3A_207] : memref<409600x128xf32, #tpu.memory_space<hbm>> -> memref<512x128xf32, #tpu.memory_space<hbm>>
      tpu.wait_dma2 semaphore(%run_scoped3A : memref<!tpu.dma_semaphore, #tpu.memory_space<semaphore_mem>>) src(%arg6 : memref<512x128xf32, #tpu.memory_space<vmem>>) dst(%dma_wait3A_208 : memref<512x128xf32, #tpu.memory_space<hbm>>)
      tpu.yield
    }) : () -> ()
    %add3A_73 = arith.constant 4608 : i32
    %add3A_74 = arith.addi %mul3A_2, %add3A_73 : i32
    "tpu.region"() ({
      %run_scoped3A = tpu.sem_alloc : memref<!tpu.dma_semaphore, #tpu.memory_space<semaphore_mem>>
      %dma_start3A_201 = tpu.memref_slice %arg3[%add3A_74] : memref<409600xi32, #tpu.memory_space<hbm>> -> memref<512xi32, #tpu.memory_space<hbm>>
      %dma_start3A_202 = tpu.memref_slice %arg3[%add3A_74] : memref<409600xi32, #tpu.memory_space<hbm>> -> memref<512xi32, #tpu.memory_space<hbm>>
      tpu.enqueue_dma source(%dma_start3A_202 : memref<512xi32, #tpu.memory_space<hbm>>) target(%arg5 : memref<512xi32, #tpu.memory_space<vmem>>) target_semaphore(%run_scoped3A : memref<!tpu.dma_semaphore, #tpu.memory_space<semaphore_mem>>)
      %dma_wait3A_203 = tpu.memref_slice %arg3[%add3A_74] : memref<409600xi32, #tpu.memory_space<hbm>> -> memref<512xi32, #tpu.memory_space<hbm>>
      %dma_wait3A_204 = tpu.memref_slice %arg3[%add3A_74] : memref<409600xi32, #tpu.memory_space<hbm>> -> memref<512xi32, #tpu.memory_space<hbm>>
      tpu.wait_dma2 semaphore(%run_scoped3A : memref<!tpu.dma_semaphore, #tpu.memory_space<semaphore_mem>>) src(%dma_wait3A_204 : memref<512xi32, #tpu.memory_space<hbm>>) dst(%arg5 : memref<512xi32, #tpu.memory_space<vmem>>)
      tpu.yield
    }) : () -> ()
    %dma_start3A_75 = arith.constant 0 : i32
    %dma_start3A_76 = arith.constant 0 : i32
    %dma_start3A_77 = tpu.memref_slice %arg2[%dma_start3A_75, %dma_start3A_76] : memref<65536x128xf32, #tpu.memory_space<hbm>> -> memref<65536x128xf32, #tpu.memory_space<hbm>>
    tpu.enqueue_indirect_dma source(%dma_start3A_77 : memref<65536x128xf32, #tpu.memory_space<hbm>>) target(%arg6 : memref<512x128xf32, #tpu.memory_space<vmem>>) offsets(%arg5 : memref<512xi32, #tpu.memory_space<vmem>>) semaphore(%arg7 : memref<!tpu.dma_semaphore, #tpu.memory_space<semaphore_mem>>)
    %dma_wait3A_78 = arith.constant 0 : i32
    %dma_wait3A_79 = arith.constant 0 : i32
    %dma_wait3A_80 = tpu.memref_slice %arg2[%dma_wait3A_78, %dma_wait3A_79] : memref<65536x128xf32, #tpu.memory_space<hbm>> -> memref<65536x128xf32, #tpu.memory_space<hbm>>
    tpu.wait_indirect_dma semaphore(%arg7 : memref<!tpu.dma_semaphore, #tpu.memory_space<semaphore_mem>>) src(%dma_wait3A_80 : memref<65536x128xf32, #tpu.memory_space<hbm>>) dst(%arg6 : memref<512x128xf32, #tpu.memory_space<vmem>>)
    "tpu.region"() ({
      %run_scoped3A = tpu.sem_alloc : memref<!tpu.dma_semaphore, #tpu.memory_space<semaphore_mem>>
      %dma_start3A_201 = arith.constant 0 : i32
      %dma_start3A_202 = tpu.memref_slice %arg4[%add3A_74, %dma_start3A_201] : memref<409600x128xf32, #tpu.memory_space<hbm>> -> memref<512x128xf32, #tpu.memory_space<hbm>>
      %dma_start3A_203 = arith.constant 0 : i32
      %dma_start3A_204 = tpu.memref_slice %arg4[%add3A_74, %dma_start3A_203] : memref<409600x128xf32, #tpu.memory_space<hbm>> -> memref<512x128xf32, #tpu.memory_space<hbm>>
      tpu.enqueue_dma source(%arg6 : memref<512x128xf32, #tpu.memory_space<vmem>>) target(%dma_start3A_204 : memref<512x128xf32, #tpu.memory_space<hbm>>) target_semaphore(%run_scoped3A : memref<!tpu.dma_semaphore, #tpu.memory_space<semaphore_mem>>)
      %dma_wait3A_205 = arith.constant 0 : i32
      %dma_wait3A_206 = tpu.memref_slice %arg4[%add3A_74, %dma_wait3A_205] : memref<409600x128xf32, #tpu.memory_space<hbm>> -> memref<512x128xf32, #tpu.memory_space<hbm>>
      %dma_wait3A_207 = arith.constant 0 : i32
      %dma_wait3A_208 = tpu.memref_slice %arg4[%add3A_74, %dma_wait3A_207] : memref<409600x128xf32, #tpu.memory_space<hbm>> -> memref<512x128xf32, #tpu.memory_space<hbm>>
      tpu.wait_dma2 semaphore(%run_scoped3A : memref<!tpu.dma_semaphore, #tpu.memory_space<semaphore_mem>>) src(%arg6 : memref<512x128xf32, #tpu.memory_space<vmem>>) dst(%dma_wait3A_208 : memref<512x128xf32, #tpu.memory_space<hbm>>)
      tpu.yield
    }) : () -> ()
    %add3A_81 = arith.constant 5120 : i32
    %add3A_82 = arith.addi %mul3A_2, %add3A_81 : i32
    "tpu.region"() ({
      %run_scoped3A = tpu.sem_alloc : memref<!tpu.dma_semaphore, #tpu.memory_space<semaphore_mem>>
      %dma_start3A_201 = tpu.memref_slice %arg3[%add3A_82] : memref<409600xi32, #tpu.memory_space<hbm>> -> memref<512xi32, #tpu.memory_space<hbm>>
      %dma_start3A_202 = tpu.memref_slice %arg3[%add3A_82] : memref<409600xi32, #tpu.memory_space<hbm>> -> memref<512xi32, #tpu.memory_space<hbm>>
      tpu.enqueue_dma source(%dma_start3A_202 : memref<512xi32, #tpu.memory_space<hbm>>) target(%arg5 : memref<512xi32, #tpu.memory_space<vmem>>) target_semaphore(%run_scoped3A : memref<!tpu.dma_semaphore, #tpu.memory_space<semaphore_mem>>)
      %dma_wait3A_203 = tpu.memref_slice %arg3[%add3A_82] : memref<409600xi32, #tpu.memory_space<hbm>> -> memref<512xi32, #tpu.memory_space<hbm>>
      %dma_wait3A_204 = tpu.memref_slice %arg3[%add3A_82] : memref<409600xi32, #tpu.memory_space<hbm>> -> memref<512xi32, #tpu.memory_space<hbm>>
      tpu.wait_dma2 semaphore(%run_scoped3A : memref<!tpu.dma_semaphore, #tpu.memory_space<semaphore_mem>>) src(%dma_wait3A_204 : memref<512xi32, #tpu.memory_space<hbm>>) dst(%arg5 : memref<512xi32, #tpu.memory_space<vmem>>)
      tpu.yield
    }) : () -> ()
    %dma_start3A_83 = arith.constant 0 : i32
    %dma_start3A_84 = arith.constant 0 : i32
    %dma_start3A_85 = tpu.memref_slice %arg2[%dma_start3A_83, %dma_start3A_84] : memref<65536x128xf32, #tpu.memory_space<hbm>> -> memref<65536x128xf32, #tpu.memory_space<hbm>>
    tpu.enqueue_indirect_dma source(%dma_start3A_85 : memref<65536x128xf32, #tpu.memory_space<hbm>>) target(%arg6 : memref<512x128xf32, #tpu.memory_space<vmem>>) offsets(%arg5 : memref<512xi32, #tpu.memory_space<vmem>>) semaphore(%arg7 : memref<!tpu.dma_semaphore, #tpu.memory_space<semaphore_mem>>)
    %dma_wait3A_86 = arith.constant 0 : i32
    %dma_wait3A_87 = arith.constant 0 : i32
    %dma_wait3A_88 = tpu.memref_slice %arg2[%dma_wait3A_86, %dma_wait3A_87] : memref<65536x128xf32, #tpu.memory_space<hbm>> -> memref<65536x128xf32, #tpu.memory_space<hbm>>
    tpu.wait_indirect_dma semaphore(%arg7 : memref<!tpu.dma_semaphore, #tpu.memory_space<semaphore_mem>>) src(%dma_wait3A_88 : memref<65536x128xf32, #tpu.memory_space<hbm>>) dst(%arg6 : memref<512x128xf32, #tpu.memory_space<vmem>>)
    "tpu.region"() ({
      %run_scoped3A = tpu.sem_alloc : memref<!tpu.dma_semaphore, #tpu.memory_space<semaphore_mem>>
      %dma_start3A_201 = arith.constant 0 : i32
      %dma_start3A_202 = tpu.memref_slice %arg4[%add3A_82, %dma_start3A_201] : memref<409600x128xf32, #tpu.memory_space<hbm>> -> memref<512x128xf32, #tpu.memory_space<hbm>>
      %dma_start3A_203 = arith.constant 0 : i32
      %dma_start3A_204 = tpu.memref_slice %arg4[%add3A_82, %dma_start3A_203] : memref<409600x128xf32, #tpu.memory_space<hbm>> -> memref<512x128xf32, #tpu.memory_space<hbm>>
      tpu.enqueue_dma source(%arg6 : memref<512x128xf32, #tpu.memory_space<vmem>>) target(%dma_start3A_204 : memref<512x128xf32, #tpu.memory_space<hbm>>) target_semaphore(%run_scoped3A : memref<!tpu.dma_semaphore, #tpu.memory_space<semaphore_mem>>)
      %dma_wait3A_205 = arith.constant 0 : i32
      %dma_wait3A_206 = tpu.memref_slice %arg4[%add3A_82, %dma_wait3A_205] : memref<409600x128xf32, #tpu.memory_space<hbm>> -> memref<512x128xf32, #tpu.memory_space<hbm>>
      %dma_wait3A_207 = arith.constant 0 : i32
      %dma_wait3A_208 = tpu.memref_slice %arg4[%add3A_82, %dma_wait3A_207] : memref<409600x128xf32, #tpu.memory_space<hbm>> -> memref<512x128xf32, #tpu.memory_space<hbm>>
      tpu.wait_dma2 semaphore(%run_scoped3A : memref<!tpu.dma_semaphore, #tpu.memory_space<semaphore_mem>>) src(%arg6 : memref<512x128xf32, #tpu.memory_space<vmem>>) dst(%dma_wait3A_208 : memref<512x128xf32, #tpu.memory_space<hbm>>)
      tpu.yield
    }) : () -> ()
    %add3A_89 = arith.constant 5632 : i32
    %add3A_90 = arith.addi %mul3A_2, %add3A_89 : i32
    "tpu.region"() ({
      %run_scoped3A = tpu.sem_alloc : memref<!tpu.dma_semaphore, #tpu.memory_space<semaphore_mem>>
      %dma_start3A_201 = tpu.memref_slice %arg3[%add3A_90] : memref<409600xi32, #tpu.memory_space<hbm>> -> memref<512xi32, #tpu.memory_space<hbm>>
      %dma_start3A_202 = tpu.memref_slice %arg3[%add3A_90] : memref<409600xi32, #tpu.memory_space<hbm>> -> memref<512xi32, #tpu.memory_space<hbm>>
      tpu.enqueue_dma source(%dma_start3A_202 : memref<512xi32, #tpu.memory_space<hbm>>) target(%arg5 : memref<512xi32, #tpu.memory_space<vmem>>) target_semaphore(%run_scoped3A : memref<!tpu.dma_semaphore, #tpu.memory_space<semaphore_mem>>)
      %dma_wait3A_203 = tpu.memref_slice %arg3[%add3A_90] : memref<409600xi32, #tpu.memory_space<hbm>> -> memref<512xi32, #tpu.memory_space<hbm>>
      %dma_wait3A_204 = tpu.memref_slice %arg3[%add3A_90] : memref<409600xi32, #tpu.memory_space<hbm>> -> memref<512xi32, #tpu.memory_space<hbm>>
      tpu.wait_dma2 semaphore(%run_scoped3A : memref<!tpu.dma_semaphore, #tpu.memory_space<semaphore_mem>>) src(%dma_wait3A_204 : memref<512xi32, #tpu.memory_space<hbm>>) dst(%arg5 : memref<512xi32, #tpu.memory_space<vmem>>)
      tpu.yield
    }) : () -> ()
    %dma_start3A_91 = arith.constant 0 : i32
    %dma_start3A_92 = arith.constant 0 : i32
    %dma_start3A_93 = tpu.memref_slice %arg2[%dma_start3A_91, %dma_start3A_92] : memref<65536x128xf32, #tpu.memory_space<hbm>> -> memref<65536x128xf32, #tpu.memory_space<hbm>>
    tpu.enqueue_indirect_dma source(%dma_start3A_93 : memref<65536x128xf32, #tpu.memory_space<hbm>>) target(%arg6 : memref<512x128xf32, #tpu.memory_space<vmem>>) offsets(%arg5 : memref<512xi32, #tpu.memory_space<vmem>>) semaphore(%arg7 : memref<!tpu.dma_semaphore, #tpu.memory_space<semaphore_mem>>)
    %dma_wait3A_94 = arith.constant 0 : i32
    %dma_wait3A_95 = arith.constant 0 : i32
    %dma_wait3A_96 = tpu.memref_slice %arg2[%dma_wait3A_94, %dma_wait3A_95] : memref<65536x128xf32, #tpu.memory_space<hbm>> -> memref<65536x128xf32, #tpu.memory_space<hbm>>
    tpu.wait_indirect_dma semaphore(%arg7 : memref<!tpu.dma_semaphore, #tpu.memory_space<semaphore_mem>>) src(%dma_wait3A_96 : memref<65536x128xf32, #tpu.memory_space<hbm>>) dst(%arg6 : memref<512x128xf32, #tpu.memory_space<vmem>>)
    "tpu.region"() ({
      %run_scoped3A = tpu.sem_alloc : memref<!tpu.dma_semaphore, #tpu.memory_space<semaphore_mem>>
      %dma_start3A_201 = arith.constant 0 : i32
      %dma_start3A_202 = tpu.memref_slice %arg4[%add3A_90, %dma_start3A_201] : memref<409600x128xf32, #tpu.memory_space<hbm>> -> memref<512x128xf32, #tpu.memory_space<hbm>>
      %dma_start3A_203 = arith.constant 0 : i32
      %dma_start3A_204 = tpu.memref_slice %arg4[%add3A_90, %dma_start3A_203] : memref<409600x128xf32, #tpu.memory_space<hbm>> -> memref<512x128xf32, #tpu.memory_space<hbm>>
      tpu.enqueue_dma source(%arg6 : memref<512x128xf32, #tpu.memory_space<vmem>>) target(%dma_start3A_204 : memref<512x128xf32, #tpu.memory_space<hbm>>) target_semaphore(%run_scoped3A : memref<!tpu.dma_semaphore, #tpu.memory_space<semaphore_mem>>)
      %dma_wait3A_205 = arith.constant 0 : i32
      %dma_wait3A_206 = tpu.memref_slice %arg4[%add3A_90, %dma_wait3A_205] : memref<409600x128xf32, #tpu.memory_space<hbm>> -> memref<512x128xf32, #tpu.memory_space<hbm>>
      %dma_wait3A_207 = arith.constant 0 : i32
      %dma_wait3A_208 = tpu.memref_slice %arg4[%add3A_90, %dma_wait3A_207] : memref<409600x128xf32, #tpu.memory_space<hbm>> -> memref<512x128xf32, #tpu.memory_space<hbm>>
      tpu.wait_dma2 semaphore(%run_scoped3A : memref<!tpu.dma_semaphore, #tpu.memory_space<semaphore_mem>>) src(%arg6 : memref<512x128xf32, #tpu.memory_space<vmem>>) dst(%dma_wait3A_208 : memref<512x128xf32, #tpu.memory_space<hbm>>)
      tpu.yield
    }) : () -> ()
    %add3A_97 = arith.constant 6144 : i32
    %add3A_98 = arith.addi %mul3A_2, %add3A_97 : i32
    "tpu.region"() ({
      %run_scoped3A = tpu.sem_alloc : memref<!tpu.dma_semaphore, #tpu.memory_space<semaphore_mem>>
      %dma_start3A_201 = tpu.memref_slice %arg3[%add3A_98] : memref<409600xi32, #tpu.memory_space<hbm>> -> memref<512xi32, #tpu.memory_space<hbm>>
      %dma_start3A_202 = tpu.memref_slice %arg3[%add3A_98] : memref<409600xi32, #tpu.memory_space<hbm>> -> memref<512xi32, #tpu.memory_space<hbm>>
      tpu.enqueue_dma source(%dma_start3A_202 : memref<512xi32, #tpu.memory_space<hbm>>) target(%arg5 : memref<512xi32, #tpu.memory_space<vmem>>) target_semaphore(%run_scoped3A : memref<!tpu.dma_semaphore, #tpu.memory_space<semaphore_mem>>)
      %dma_wait3A_203 = tpu.memref_slice %arg3[%add3A_98] : memref<409600xi32, #tpu.memory_space<hbm>> -> memref<512xi32, #tpu.memory_space<hbm>>
      %dma_wait3A_204 = tpu.memref_slice %arg3[%add3A_98] : memref<409600xi32, #tpu.memory_space<hbm>> -> memref<512xi32, #tpu.memory_space<hbm>>
      tpu.wait_dma2 semaphore(%run_scoped3A : memref<!tpu.dma_semaphore, #tpu.memory_space<semaphore_mem>>) src(%dma_wait3A_204 : memref<512xi32, #tpu.memory_space<hbm>>) dst(%arg5 : memref<512xi32, #tpu.memory_space<vmem>>)
      tpu.yield
    }) : () -> ()
    %dma_start3A_99 = arith.constant 0 : i32
    %dma_start3A_100 = arith.constant 0 : i32
    %dma_start3A_101 = tpu.memref_slice %arg2[%dma_start3A_99, %dma_start3A_100] : memref<65536x128xf32, #tpu.memory_space<hbm>> -> memref<65536x128xf32, #tpu.memory_space<hbm>>
    tpu.enqueue_indirect_dma source(%dma_start3A_101 : memref<65536x128xf32, #tpu.memory_space<hbm>>) target(%arg6 : memref<512x128xf32, #tpu.memory_space<vmem>>) offsets(%arg5 : memref<512xi32, #tpu.memory_space<vmem>>) semaphore(%arg7 : memref<!tpu.dma_semaphore, #tpu.memory_space<semaphore_mem>>)
    %dma_wait3A_102 = arith.constant 0 : i32
    %dma_wait3A_103 = arith.constant 0 : i32
    %dma_wait3A_104 = tpu.memref_slice %arg2[%dma_wait3A_102, %dma_wait3A_103] : memref<65536x128xf32, #tpu.memory_space<hbm>> -> memref<65536x128xf32, #tpu.memory_space<hbm>>
    tpu.wait_indirect_dma semaphore(%arg7 : memref<!tpu.dma_semaphore, #tpu.memory_space<semaphore_mem>>) src(%dma_wait3A_104 : memref<65536x128xf32, #tpu.memory_space<hbm>>) dst(%arg6 : memref<512x128xf32, #tpu.memory_space<vmem>>)
    "tpu.region"() ({
      %run_scoped3A = tpu.sem_alloc : memref<!tpu.dma_semaphore, #tpu.memory_space<semaphore_mem>>
      %dma_start3A_201 = arith.constant 0 : i32
      %dma_start3A_202 = tpu.memref_slice %arg4[%add3A_98, %dma_start3A_201] : memref<409600x128xf32, #tpu.memory_space<hbm>> -> memref<512x128xf32, #tpu.memory_space<hbm>>
      %dma_start3A_203 = arith.constant 0 : i32
      %dma_start3A_204 = tpu.memref_slice %arg4[%add3A_98, %dma_start3A_203] : memref<409600x128xf32, #tpu.memory_space<hbm>> -> memref<512x128xf32, #tpu.memory_space<hbm>>
      tpu.enqueue_dma source(%arg6 : memref<512x128xf32, #tpu.memory_space<vmem>>) target(%dma_start3A_204 : memref<512x128xf32, #tpu.memory_space<hbm>>) target_semaphore(%run_scoped3A : memref<!tpu.dma_semaphore, #tpu.memory_space<semaphore_mem>>)
      %dma_wait3A_205 = arith.constant 0 : i32
      %dma_wait3A_206 = tpu.memref_slice %arg4[%add3A_98, %dma_wait3A_205] : memref<409600x128xf32, #tpu.memory_space<hbm>> -> memref<512x128xf32, #tpu.memory_space<hbm>>
      %dma_wait3A_207 = arith.constant 0 : i32
      %dma_wait3A_208 = tpu.memref_slice %arg4[%add3A_98, %dma_wait3A_207] : memref<409600x128xf32, #tpu.memory_space<hbm>> -> memref<512x128xf32, #tpu.memory_space<hbm>>
      tpu.wait_dma2 semaphore(%run_scoped3A : memref<!tpu.dma_semaphore, #tpu.memory_space<semaphore_mem>>) src(%arg6 : memref<512x128xf32, #tpu.memory_space<vmem>>) dst(%dma_wait3A_208 : memref<512x128xf32, #tpu.memory_space<hbm>>)
      tpu.yield
    }) : () -> ()
    %add3A_105 = arith.constant 6656 : i32
    %add3A_106 = arith.addi %mul3A_2, %add3A_105 : i32
    "tpu.region"() ({
      %run_scoped3A = tpu.sem_alloc : memref<!tpu.dma_semaphore, #tpu.memory_space<semaphore_mem>>
      %dma_start3A_201 = tpu.memref_slice %arg3[%add3A_106] : memref<409600xi32, #tpu.memory_space<hbm>> -> memref<512xi32, #tpu.memory_space<hbm>>
      %dma_start3A_202 = tpu.memref_slice %arg3[%add3A_106] : memref<409600xi32, #tpu.memory_space<hbm>> -> memref<512xi32, #tpu.memory_space<hbm>>
      tpu.enqueue_dma source(%dma_start3A_202 : memref<512xi32, #tpu.memory_space<hbm>>) target(%arg5 : memref<512xi32, #tpu.memory_space<vmem>>) target_semaphore(%run_scoped3A : memref<!tpu.dma_semaphore, #tpu.memory_space<semaphore_mem>>)
      %dma_wait3A_203 = tpu.memref_slice %arg3[%add3A_106] : memref<409600xi32, #tpu.memory_space<hbm>> -> memref<512xi32, #tpu.memory_space<hbm>>
      %dma_wait3A_204 = tpu.memref_slice %arg3[%add3A_106] : memref<409600xi32, #tpu.memory_space<hbm>> -> memref<512xi32, #tpu.memory_space<hbm>>
      tpu.wait_dma2 semaphore(%run_scoped3A : memref<!tpu.dma_semaphore, #tpu.memory_space<semaphore_mem>>) src(%dma_wait3A_204 : memref<512xi32, #tpu.memory_space<hbm>>) dst(%arg5 : memref<512xi32, #tpu.memory_space<vmem>>)
      tpu.yield
    }) : () -> ()
    %dma_start3A_107 = arith.constant 0 : i32
    %dma_start3A_108 = arith.constant 0 : i32
    %dma_start3A_109 = tpu.memref_slice %arg2[%dma_start3A_107, %dma_start3A_108] : memref<65536x128xf32, #tpu.memory_space<hbm>> -> memref<65536x128xf32, #tpu.memory_space<hbm>>
    tpu.enqueue_indirect_dma source(%dma_start3A_109 : memref<65536x128xf32, #tpu.memory_space<hbm>>) target(%arg6 : memref<512x128xf32, #tpu.memory_space<vmem>>) offsets(%arg5 : memref<512xi32, #tpu.memory_space<vmem>>) semaphore(%arg7 : memref<!tpu.dma_semaphore, #tpu.memory_space<semaphore_mem>>)
    %dma_wait3A_110 = arith.constant 0 : i32
    %dma_wait3A_111 = arith.constant 0 : i32
    %dma_wait3A_112 = tpu.memref_slice %arg2[%dma_wait3A_110, %dma_wait3A_111] : memref<65536x128xf32, #tpu.memory_space<hbm>> -> memref<65536x128xf32, #tpu.memory_space<hbm>>
    tpu.wait_indirect_dma semaphore(%arg7 : memref<!tpu.dma_semaphore, #tpu.memory_space<semaphore_mem>>) src(%dma_wait3A_112 : memref<65536x128xf32, #tpu.memory_space<hbm>>) dst(%arg6 : memref<512x128xf32, #tpu.memory_space<vmem>>)
    "tpu.region"() ({
      %run_scoped3A = tpu.sem_alloc : memref<!tpu.dma_semaphore, #tpu.memory_space<semaphore_mem>>
      %dma_start3A_201 = arith.constant 0 : i32
      %dma_start3A_202 = tpu.memref_slice %arg4[%add3A_106, %dma_start3A_201] : memref<409600x128xf32, #tpu.memory_space<hbm>> -> memref<512x128xf32, #tpu.memory_space<hbm>>
      %dma_start3A_203 = arith.constant 0 : i32
      %dma_start3A_204 = tpu.memref_slice %arg4[%add3A_106, %dma_start3A_203] : memref<409600x128xf32, #tpu.memory_space<hbm>> -> memref<512x128xf32, #tpu.memory_space<hbm>>
      tpu.enqueue_dma source(%arg6 : memref<512x128xf32, #tpu.memory_space<vmem>>) target(%dma_start3A_204 : memref<512x128xf32, #tpu.memory_space<hbm>>) target_semaphore(%run_scoped3A : memref<!tpu.dma_semaphore, #tpu.memory_space<semaphore_mem>>)
      %dma_wait3A_205 = arith.constant 0 : i32
      %dma_wait3A_206 = tpu.memref_slice %arg4[%add3A_106, %dma_wait3A_205] : memref<409600x128xf32, #tpu.memory_space<hbm>> -> memref<512x128xf32, #tpu.memory_space<hbm>>
      %dma_wait3A_207 = arith.constant 0 : i32
      %dma_wait3A_208 = tpu.memref_slice %arg4[%add3A_106, %dma_wait3A_207] : memref<409600x128xf32, #tpu.memory_space<hbm>> -> memref<512x128xf32, #tpu.memory_space<hbm>>
      tpu.wait_dma2 semaphore(%run_scoped3A : memref<!tpu.dma_semaphore, #tpu.memory_space<semaphore_mem>>) src(%arg6 : memref<512x128xf32, #tpu.memory_space<vmem>>) dst(%dma_wait3A_208 : memref<512x128xf32, #tpu.memory_space<hbm>>)
      tpu.yield
    }) : () -> ()
    %add3A_113 = arith.constant 7168 : i32
    %add3A_114 = arith.addi %mul3A_2, %add3A_113 : i32
    "tpu.region"() ({
      %run_scoped3A = tpu.sem_alloc : memref<!tpu.dma_semaphore, #tpu.memory_space<semaphore_mem>>
      %dma_start3A_201 = tpu.memref_slice %arg3[%add3A_114] : memref<409600xi32, #tpu.memory_space<hbm>> -> memref<512xi32, #tpu.memory_space<hbm>>
      %dma_start3A_202 = tpu.memref_slice %arg3[%add3A_114] : memref<409600xi32, #tpu.memory_space<hbm>> -> memref<512xi32, #tpu.memory_space<hbm>>
      tpu.enqueue_dma source(%dma_start3A_202 : memref<512xi32, #tpu.memory_space<hbm>>) target(%arg5 : memref<512xi32, #tpu.memory_space<vmem>>) target_semaphore(%run_scoped3A : memref<!tpu.dma_semaphore, #tpu.memory_space<semaphore_mem>>)
      %dma_wait3A_203 = tpu.memref_slice %arg3[%add3A_114] : memref<409600xi32, #tpu.memory_space<hbm>> -> memref<512xi32, #tpu.memory_space<hbm>>
      %dma_wait3A_204 = tpu.memref_slice %arg3[%add3A_114] : memref<409600xi32, #tpu.memory_space<hbm>> -> memref<512xi32, #tpu.memory_space<hbm>>
      tpu.wait_dma2 semaphore(%run_scoped3A : memref<!tpu.dma_semaphore, #tpu.memory_space<semaphore_mem>>) src(%dma_wait3A_204 : memref<512xi32, #tpu.memory_space<hbm>>) dst(%arg5 : memref<512xi32, #tpu.memory_space<vmem>>)
      tpu.yield
    }) : () -> ()
    %dma_start3A_115 = arith.constant 0 : i32
    %dma_start3A_116 = arith.constant 0 : i32
    %dma_start3A_117 = tpu.memref_slice %arg2[%dma_start3A_115, %dma_start3A_116] : memref<65536x128xf32, #tpu.memory_space<hbm>> -> memref<65536x128xf32, #tpu.memory_space<hbm>>
    tpu.enqueue_indirect_dma source(%dma_start3A_117 : memref<65536x128xf32, #tpu.memory_space<hbm>>) target(%arg6 : memref<512x128xf32, #tpu.memory_space<vmem>>) offsets(%arg5 : memref<512xi32, #tpu.memory_space<vmem>>) semaphore(%arg7 : memref<!tpu.dma_semaphore, #tpu.memory_space<semaphore_mem>>)
    %dma_wait3A_118 = arith.constant 0 : i32
    %dma_wait3A_119 = arith.constant 0 : i32
    %dma_wait3A_120 = tpu.memref_slice %arg2[%dma_wait3A_118, %dma_wait3A_119] : memref<65536x128xf32, #tpu.memory_space<hbm>> -> memref<65536x128xf32, #tpu.memory_space<hbm>>
    tpu.wait_indirect_dma semaphore(%arg7 : memref<!tpu.dma_semaphore, #tpu.memory_space<semaphore_mem>>) src(%dma_wait3A_120 : memref<65536x128xf32, #tpu.memory_space<hbm>>) dst(%arg6 : memref<512x128xf32, #tpu.memory_space<vmem>>)
    "tpu.region"() ({
      %run_scoped3A = tpu.sem_alloc : memref<!tpu.dma_semaphore, #tpu.memory_space<semaphore_mem>>
      %dma_start3A_201 = arith.constant 0 : i32
      %dma_start3A_202 = tpu.memref_slice %arg4[%add3A_114, %dma_start3A_201] : memref<409600x128xf32, #tpu.memory_space<hbm>> -> memref<512x128xf32, #tpu.memory_space<hbm>>
      %dma_start3A_203 = arith.constant 0 : i32
      %dma_start3A_204 = tpu.memref_slice %arg4[%add3A_114, %dma_start3A_203] : memref<409600x128xf32, #tpu.memory_space<hbm>> -> memref<512x128xf32, #tpu.memory_space<hbm>>
      tpu.enqueue_dma source(%arg6 : memref<512x128xf32, #tpu.memory_space<vmem>>) target(%dma_start3A_204 : memref<512x128xf32, #tpu.memory_space<hbm>>) target_semaphore(%run_scoped3A : memref<!tpu.dma_semaphore, #tpu.memory_space<semaphore_mem>>)
      %dma_wait3A_205 = arith.constant 0 : i32
      %dma_wait3A_206 = tpu.memref_slice %arg4[%add3A_114, %dma_wait3A_205] : memref<409600x128xf32, #tpu.memory_space<hbm>> -> memref<512x128xf32, #tpu.memory_space<hbm>>
      %dma_wait3A_207 = arith.constant 0 : i32
      %dma_wait3A_208 = tpu.memref_slice %arg4[%add3A_114, %dma_wait3A_207] : memref<409600x128xf32, #tpu.memory_space<hbm>> -> memref<512x128xf32, #tpu.memory_space<hbm>>
      tpu.wait_dma2 semaphore(%run_scoped3A : memref<!tpu.dma_semaphore, #tpu.memory_space<semaphore_mem>>) src(%arg6 : memref<512x128xf32, #tpu.memory_space<vmem>>) dst(%dma_wait3A_208 : memref<512x128xf32, #tpu.memory_space<hbm>>)
      tpu.yield
    }) : () -> ()
    %add3A_121 = arith.constant 7680 : i32
    %add3A_122 = arith.addi %mul3A_2, %add3A_121 : i32
    "tpu.region"() ({
      %run_scoped3A = tpu.sem_alloc : memref<!tpu.dma_semaphore, #tpu.memory_space<semaphore_mem>>
      %dma_start3A_201 = tpu.memref_slice %arg3[%add3A_122] : memref<409600xi32, #tpu.memory_space<hbm>> -> memref<512xi32, #tpu.memory_space<hbm>>
      %dma_start3A_202 = tpu.memref_slice %arg3[%add3A_122] : memref<409600xi32, #tpu.memory_space<hbm>> -> memref<512xi32, #tpu.memory_space<hbm>>
      tpu.enqueue_dma source(%dma_start3A_202 : memref<512xi32, #tpu.memory_space<hbm>>) target(%arg5 : memref<512xi32, #tpu.memory_space<vmem>>) target_semaphore(%run_scoped3A : memref<!tpu.dma_semaphore, #tpu.memory_space<semaphore_mem>>)
      %dma_wait3A_203 = tpu.memref_slice %arg3[%add3A_122] : memref<409600xi32, #tpu.memory_space<hbm>> -> memref<512xi32, #tpu.memory_space<hbm>>
      %dma_wait3A_204 = tpu.memref_slice %arg3[%add3A_122] : memref<409600xi32, #tpu.memory_space<hbm>> -> memref<512xi32, #tpu.memory_space<hbm>>
      tpu.wait_dma2 semaphore(%run_scoped3A : memref<!tpu.dma_semaphore, #tpu.memory_space<semaphore_mem>>) src(%dma_wait3A_204 : memref<512xi32, #tpu.memory_space<hbm>>) dst(%arg5 : memref<512xi32, #tpu.memory_space<vmem>>)
      tpu.yield
    }) : () -> ()
    %dma_start3A_123 = arith.constant 0 : i32
    %dma_start3A_124 = arith.constant 0 : i32
    %dma_start3A_125 = tpu.memref_slice %arg2[%dma_start3A_123, %dma_start3A_124] : memref<65536x128xf32, #tpu.memory_space<hbm>> -> memref<65536x128xf32, #tpu.memory_space<hbm>>
    tpu.enqueue_indirect_dma source(%dma_start3A_125 : memref<65536x128xf32, #tpu.memory_space<hbm>>) target(%arg6 : memref<512x128xf32, #tpu.memory_space<vmem>>) offsets(%arg5 : memref<512xi32, #tpu.memory_space<vmem>>) semaphore(%arg7 : memref<!tpu.dma_semaphore, #tpu.memory_space<semaphore_mem>>)
    %dma_wait3A_126 = arith.constant 0 : i32
    %dma_wait3A_127 = arith.constant 0 : i32
    %dma_wait3A_128 = tpu.memref_slice %arg2[%dma_wait3A_126, %dma_wait3A_127] : memref<65536x128xf32, #tpu.memory_space<hbm>> -> memref<65536x128xf32, #tpu.memory_space<hbm>>
    tpu.wait_indirect_dma semaphore(%arg7 : memref<!tpu.dma_semaphore, #tpu.memory_space<semaphore_mem>>) src(%dma_wait3A_128 : memref<65536x128xf32, #tpu.memory_space<hbm>>) dst(%arg6 : memref<512x128xf32, #tpu.memory_space<vmem>>)
    "tpu.region"() ({
      %run_scoped3A = tpu.sem_alloc : memref<!tpu.dma_semaphore, #tpu.memory_space<semaphore_mem>>
      %dma_start3A_201 = arith.constant 0 : i32
      %dma_start3A_202 = tpu.memref_slice %arg4[%add3A_122, %dma_start3A_201] : memref<409600x128xf32, #tpu.memory_space<hbm>> -> memref<512x128xf32, #tpu.memory_space<hbm>>
      %dma_start3A_203 = arith.constant 0 : i32
      %dma_start3A_204 = tpu.memref_slice %arg4[%add3A_122, %dma_start3A_203] : memref<409600x128xf32, #tpu.memory_space<hbm>> -> memref<512x128xf32, #tpu.memory_space<hbm>>
      tpu.enqueue_dma source(%arg6 : memref<512x128xf32, #tpu.memory_space<vmem>>) target(%dma_start3A_204 : memref<512x128xf32, #tpu.memory_space<hbm>>) target_semaphore(%run_scoped3A : memref<!tpu.dma_semaphore, #tpu.memory_space<semaphore_mem>>)
      %dma_wait3A_205 = arith.constant 0 : i32
      %dma_wait3A_206 = tpu.memref_slice %arg4[%add3A_122, %dma_wait3A_205] : memref<409600x128xf32, #tpu.memory_space<hbm>> -> memref<512x128xf32, #tpu.memory_space<hbm>>
      %dma_wait3A_207 = arith.constant 0 : i32
      %dma_wait3A_208 = tpu.memref_slice %arg4[%add3A_122, %dma_wait3A_207] : memref<409600x128xf32, #tpu.memory_space<hbm>> -> memref<512x128xf32, #tpu.memory_space<hbm>>
      tpu.wait_dma2 semaphore(%run_scoped3A : memref<!tpu.dma_semaphore, #tpu.memory_space<semaphore_mem>>) src(%arg6 : memref<512x128xf32, #tpu.memory_space<vmem>>) dst(%dma_wait3A_208 : memref<512x128xf32, #tpu.memory_space<hbm>>)
      tpu.yield
    }) : () -> ()
    %add3A_129 = arith.constant 8192 : i32
    %add3A_130 = arith.addi %mul3A_2, %add3A_129 : i32
    "tpu.region"() ({
      %run_scoped3A = tpu.sem_alloc : memref<!tpu.dma_semaphore, #tpu.memory_space<semaphore_mem>>
      %dma_start3A_201 = tpu.memref_slice %arg3[%add3A_130] : memref<409600xi32, #tpu.memory_space<hbm>> -> memref<512xi32, #tpu.memory_space<hbm>>
      %dma_start3A_202 = tpu.memref_slice %arg3[%add3A_130] : memref<409600xi32, #tpu.memory_space<hbm>> -> memref<512xi32, #tpu.memory_space<hbm>>
      tpu.enqueue_dma source(%dma_start3A_202 : memref<512xi32, #tpu.memory_space<hbm>>) target(%arg5 : memref<512xi32, #tpu.memory_space<vmem>>) target_semaphore(%run_scoped3A : memref<!tpu.dma_semaphore, #tpu.memory_space<semaphore_mem>>)
      %dma_wait3A_203 = tpu.memref_slice %arg3[%add3A_130] : memref<409600xi32, #tpu.memory_space<hbm>> -> memref<512xi32, #tpu.memory_space<hbm>>
      %dma_wait3A_204 = tpu.memref_slice %arg3[%add3A_130] : memref<409600xi32, #tpu.memory_space<hbm>> -> memref<512xi32, #tpu.memory_space<hbm>>
      tpu.wait_dma2 semaphore(%run_scoped3A : memref<!tpu.dma_semaphore, #tpu.memory_space<semaphore_mem>>) src(%dma_wait3A_204 : memref<512xi32, #tpu.memory_space<hbm>>) dst(%arg5 : memref<512xi32, #tpu.memory_space<vmem>>)
      tpu.yield
    }) : () -> ()
    %dma_start3A_131 = arith.constant 0 : i32
    %dma_start3A_132 = arith.constant 0 : i32
    %dma_start3A_133 = tpu.memref_slice %arg2[%dma_start3A_131, %dma_start3A_132] : memref<65536x128xf32, #tpu.memory_space<hbm>> -> memref<65536x128xf32, #tpu.memory_space<hbm>>
    tpu.enqueue_indirect_dma source(%dma_start3A_133 : memref<65536x128xf32, #tpu.memory_space<hbm>>) target(%arg6 : memref<512x128xf32, #tpu.memory_space<vmem>>) offsets(%arg5 : memref<512xi32, #tpu.memory_space<vmem>>) semaphore(%arg7 : memref<!tpu.dma_semaphore, #tpu.memory_space<semaphore_mem>>)
    %dma_wait3A_134 = arith.constant 0 : i32
    %dma_wait3A_135 = arith.constant 0 : i32
    %dma_wait3A_136 = tpu.memref_slice %arg2[%dma_wait3A_134, %dma_wait3A_135] : memref<65536x128xf32, #tpu.memory_space<hbm>> -> memref<65536x128xf32, #tpu.memory_space<hbm>>
    tpu.wait_indirect_dma semaphore(%arg7 : memref<!tpu.dma_semaphore, #tpu.memory_space<semaphore_mem>>) src(%dma_wait3A_136 : memref<65536x128xf32, #tpu.memory_space<hbm>>) dst(%arg6 : memref<512x128xf32, #tpu.memory_space<vmem>>)
    "tpu.region"() ({
      %run_scoped3A = tpu.sem_alloc : memref<!tpu.dma_semaphore, #tpu.memory_space<semaphore_mem>>
      %dma_start3A_201 = arith.constant 0 : i32
      %dma_start3A_202 = tpu.memref_slice %arg4[%add3A_130, %dma_start3A_201] : memref<409600x128xf32, #tpu.memory_space<hbm>> -> memref<512x128xf32, #tpu.memory_space<hbm>>
      %dma_start3A_203 = arith.constant 0 : i32
      %dma_start3A_204 = tpu.memref_slice %arg4[%add3A_130, %dma_start3A_203] : memref<409600x128xf32, #tpu.memory_space<hbm>> -> memref<512x128xf32, #tpu.memory_space<hbm>>
      tpu.enqueue_dma source(%arg6 : memref<512x128xf32, #tpu.memory_space<vmem>>) target(%dma_start3A_204 : memref<512x128xf32, #tpu.memory_space<hbm>>) target_semaphore(%run_scoped3A : memref<!tpu.dma_semaphore, #tpu.memory_space<semaphore_mem>>)
      %dma_wait3A_205 = arith.constant 0 : i32
      %dma_wait3A_206 = tpu.memref_slice %arg4[%add3A_130, %dma_wait3A_205] : memref<409600x128xf32, #tpu.memory_space<hbm>> -> memref<512x128xf32, #tpu.memory_space<hbm>>
      %dma_wait3A_207 = arith.constant 0 : i32
      %dma_wait3A_208 = tpu.memref_slice %arg4[%add3A_130, %dma_wait3A_207] : memref<409600x128xf32, #tpu.memory_space<hbm>> -> memref<512x128xf32, #tpu.memory_space<hbm>>
      tpu.wait_dma2 semaphore(%run_scoped3A : memref<!tpu.dma_semaphore, #tpu.memory_space<semaphore_mem>>) src(%arg6 : memref<512x128xf32, #tpu.memory_space<vmem>>) dst(%dma_wait3A_208 : memref<512x128xf32, #tpu.memory_space<hbm>>)
      tpu.yield
    }) : () -> ()
    %add3A_137 = arith.constant 8704 : i32
    %add3A_138 = arith.addi %mul3A_2, %add3A_137 : i32
    "tpu.region"() ({
      %run_scoped3A = tpu.sem_alloc : memref<!tpu.dma_semaphore, #tpu.memory_space<semaphore_mem>>
      %dma_start3A_201 = tpu.memref_slice %arg3[%add3A_138] : memref<409600xi32, #tpu.memory_space<hbm>> -> memref<512xi32, #tpu.memory_space<hbm>>
      %dma_start3A_202 = tpu.memref_slice %arg3[%add3A_138] : memref<409600xi32, #tpu.memory_space<hbm>> -> memref<512xi32, #tpu.memory_space<hbm>>
      tpu.enqueue_dma source(%dma_start3A_202 : memref<512xi32, #tpu.memory_space<hbm>>) target(%arg5 : memref<512xi32, #tpu.memory_space<vmem>>) target_semaphore(%run_scoped3A : memref<!tpu.dma_semaphore, #tpu.memory_space<semaphore_mem>>)
      %dma_wait3A_203 = tpu.memref_slice %arg3[%add3A_138] : memref<409600xi32, #tpu.memory_space<hbm>> -> memref<512xi32, #tpu.memory_space<hbm>>
      %dma_wait3A_204 = tpu.memref_slice %arg3[%add3A_138] : memref<409600xi32, #tpu.memory_space<hbm>> -> memref<512xi32, #tpu.memory_space<hbm>>
      tpu.wait_dma2 semaphore(%run_scoped3A : memref<!tpu.dma_semaphore, #tpu.memory_space<semaphore_mem>>) src(%dma_wait3A_204 : memref<512xi32, #tpu.memory_space<hbm>>) dst(%arg5 : memref<512xi32, #tpu.memory_space<vmem>>)
      tpu.yield
    }) : () -> ()
    %dma_start3A_139 = arith.constant 0 : i32
    %dma_start3A_140 = arith.constant 0 : i32
    %dma_start3A_141 = tpu.memref_slice %arg2[%dma_start3A_139, %dma_start3A_140] : memref<65536x128xf32, #tpu.memory_space<hbm>> -> memref<65536x128xf32, #tpu.memory_space<hbm>>
    tpu.enqueue_indirect_dma source(%dma_start3A_141 : memref<65536x128xf32, #tpu.memory_space<hbm>>) target(%arg6 : memref<512x128xf32, #tpu.memory_space<vmem>>) offsets(%arg5 : memref<512xi32, #tpu.memory_space<vmem>>) semaphore(%arg7 : memref<!tpu.dma_semaphore, #tpu.memory_space<semaphore_mem>>)
    %dma_wait3A_142 = arith.constant 0 : i32
    %dma_wait3A_143 = arith.constant 0 : i32
    %dma_wait3A_144 = tpu.memref_slice %arg2[%dma_wait3A_142, %dma_wait3A_143] : memref<65536x128xf32, #tpu.memory_space<hbm>> -> memref<65536x128xf32, #tpu.memory_space<hbm>>
    tpu.wait_indirect_dma semaphore(%arg7 : memref<!tpu.dma_semaphore, #tpu.memory_space<semaphore_mem>>) src(%dma_wait3A_144 : memref<65536x128xf32, #tpu.memory_space<hbm>>) dst(%arg6 : memref<512x128xf32, #tpu.memory_space<vmem>>)
    "tpu.region"() ({
      %run_scoped3A = tpu.sem_alloc : memref<!tpu.dma_semaphore, #tpu.memory_space<semaphore_mem>>
      %dma_start3A_201 = arith.constant 0 : i32
      %dma_start3A_202 = tpu.memref_slice %arg4[%add3A_138, %dma_start3A_201] : memref<409600x128xf32, #tpu.memory_space<hbm>> -> memref<512x128xf32, #tpu.memory_space<hbm>>
      %dma_start3A_203 = arith.constant 0 : i32
      %dma_start3A_204 = tpu.memref_slice %arg4[%add3A_138, %dma_start3A_203] : memref<409600x128xf32, #tpu.memory_space<hbm>> -> memref<512x128xf32, #tpu.memory_space<hbm>>
      tpu.enqueue_dma source(%arg6 : memref<512x128xf32, #tpu.memory_space<vmem>>) target(%dma_start3A_204 : memref<512x128xf32, #tpu.memory_space<hbm>>) target_semaphore(%run_scoped3A : memref<!tpu.dma_semaphore, #tpu.memory_space<semaphore_mem>>)
      %dma_wait3A_205 = arith.constant 0 : i32
      %dma_wait3A_206 = tpu.memref_slice %arg4[%add3A_138, %dma_wait3A_205] : memref<409600x128xf32, #tpu.memory_space<hbm>> -> memref<512x128xf32, #tpu.memory_space<hbm>>
      %dma_wait3A_207 = arith.constant 0 : i32
      %dma_wait3A_208 = tpu.memref_slice %arg4[%add3A_138, %dma_wait3A_207] : memref<409600x128xf32, #tpu.memory_space<hbm>> -> memref<512x128xf32, #tpu.memory_space<hbm>>
      tpu.wait_dma2 semaphore(%run_scoped3A : memref<!tpu.dma_semaphore, #tpu.memory_space<semaphore_mem>>) src(%arg6 : memref<512x128xf32, #tpu.memory_space<vmem>>) dst(%dma_wait3A_208 : memref<512x128xf32, #tpu.memory_space<hbm>>)
      tpu.yield
    }) : () -> ()
    %add3A_145 = arith.constant 9216 : i32
    %add3A_146 = arith.addi %mul3A_2, %add3A_145 : i32
    "tpu.region"() ({
      %run_scoped3A = tpu.sem_alloc : memref<!tpu.dma_semaphore, #tpu.memory_space<semaphore_mem>>
      %dma_start3A_201 = tpu.memref_slice %arg3[%add3A_146] : memref<409600xi32, #tpu.memory_space<hbm>> -> memref<512xi32, #tpu.memory_space<hbm>>
      %dma_start3A_202 = tpu.memref_slice %arg3[%add3A_146] : memref<409600xi32, #tpu.memory_space<hbm>> -> memref<512xi32, #tpu.memory_space<hbm>>
      tpu.enqueue_dma source(%dma_start3A_202 : memref<512xi32, #tpu.memory_space<hbm>>) target(%arg5 : memref<512xi32, #tpu.memory_space<vmem>>) target_semaphore(%run_scoped3A : memref<!tpu.dma_semaphore, #tpu.memory_space<semaphore_mem>>)
      %dma_wait3A_203 = tpu.memref_slice %arg3[%add3A_146] : memref<409600xi32, #tpu.memory_space<hbm>> -> memref<512xi32, #tpu.memory_space<hbm>>
      %dma_wait3A_204 = tpu.memref_slice %arg3[%add3A_146] : memref<409600xi32, #tpu.memory_space<hbm>> -> memref<512xi32, #tpu.memory_space<hbm>>
      tpu.wait_dma2 semaphore(%run_scoped3A : memref<!tpu.dma_semaphore, #tpu.memory_space<semaphore_mem>>) src(%dma_wait3A_204 : memref<512xi32, #tpu.memory_space<hbm>>) dst(%arg5 : memref<512xi32, #tpu.memory_space<vmem>>)
      tpu.yield
    }) : () -> ()
    %dma_start3A_147 = arith.constant 0 : i32
    %dma_start3A_148 = arith.constant 0 : i32
    %dma_start3A_149 = tpu.memref_slice %arg2[%dma_start3A_147, %dma_start3A_148] : memref<65536x128xf32, #tpu.memory_space<hbm>> -> memref<65536x128xf32, #tpu.memory_space<hbm>>
    tpu.enqueue_indirect_dma source(%dma_start3A_149 : memref<65536x128xf32, #tpu.memory_space<hbm>>) target(%arg6 : memref<512x128xf32, #tpu.memory_space<vmem>>) offsets(%arg5 : memref<512xi32, #tpu.memory_space<vmem>>) semaphore(%arg7 : memref<!tpu.dma_semaphore, #tpu.memory_space<semaphore_mem>>)
    %dma_wait3A_150 = arith.constant 0 : i32
    %dma_wait3A_151 = arith.constant 0 : i32
    %dma_wait3A_152 = tpu.memref_slice %arg2[%dma_wait3A_150, %dma_wait3A_151] : memref<65536x128xf32, #tpu.memory_space<hbm>> -> memref<65536x128xf32, #tpu.memory_space<hbm>>
    tpu.wait_indirect_dma semaphore(%arg7 : memref<!tpu.dma_semaphore, #tpu.memory_space<semaphore_mem>>) src(%dma_wait3A_152 : memref<65536x128xf32, #tpu.memory_space<hbm>>) dst(%arg6 : memref<512x128xf32, #tpu.memory_space<vmem>>)
    "tpu.region"() ({
      %run_scoped3A = tpu.sem_alloc : memref<!tpu.dma_semaphore, #tpu.memory_space<semaphore_mem>>
      %dma_start3A_201 = arith.constant 0 : i32
      %dma_start3A_202 = tpu.memref_slice %arg4[%add3A_146, %dma_start3A_201] : memref<409600x128xf32, #tpu.memory_space<hbm>> -> memref<512x128xf32, #tpu.memory_space<hbm>>
      %dma_start3A_203 = arith.constant 0 : i32
      %dma_start3A_204 = tpu.memref_slice %arg4[%add3A_146, %dma_start3A_203] : memref<409600x128xf32, #tpu.memory_space<hbm>> -> memref<512x128xf32, #tpu.memory_space<hbm>>
      tpu.enqueue_dma source(%arg6 : memref<512x128xf32, #tpu.memory_space<vmem>>) target(%dma_start3A_204 : memref<512x128xf32, #tpu.memory_space<hbm>>) target_semaphore(%run_scoped3A : memref<!tpu.dma_semaphore, #tpu.memory_space<semaphore_mem>>)
      %dma_wait3A_205 = arith.constant 0 : i32
      %dma_wait3A_206 = tpu.memref_slice %arg4[%add3A_146, %dma_wait3A_205] : memref<409600x128xf32, #tpu.memory_space<hbm>> -> memref<512x128xf32, #tpu.memory_space<hbm>>
      %dma_wait3A_207 = arith.constant 0 : i32
      %dma_wait3A_208 = tpu.memref_slice %arg4[%add3A_146, %dma_wait3A_207] : memref<409600x128xf32, #tpu.memory_space<hbm>> -> memref<512x128xf32, #tpu.memory_space<hbm>>
      tpu.wait_dma2 semaphore(%run_scoped3A : memref<!tpu.dma_semaphore, #tpu.memory_space<semaphore_mem>>) src(%arg6 : memref<512x128xf32, #tpu.memory_space<vmem>>) dst(%dma_wait3A_208 : memref<512x128xf32, #tpu.memory_space<hbm>>)
      tpu.yield
    }) : () -> ()
    %add3A_153 = arith.constant 9728 : i32
    %add3A_154 = arith.addi %mul3A_2, %add3A_153 : i32
    "tpu.region"() ({
      %run_scoped3A = tpu.sem_alloc : memref<!tpu.dma_semaphore, #tpu.memory_space<semaphore_mem>>
      %dma_start3A_201 = tpu.memref_slice %arg3[%add3A_154] : memref<409600xi32, #tpu.memory_space<hbm>> -> memref<512xi32, #tpu.memory_space<hbm>>
      %dma_start3A_202 = tpu.memref_slice %arg3[%add3A_154] : memref<409600xi32, #tpu.memory_space<hbm>> -> memref<512xi32, #tpu.memory_space<hbm>>
      tpu.enqueue_dma source(%dma_start3A_202 : memref<512xi32, #tpu.memory_space<hbm>>) target(%arg5 : memref<512xi32, #tpu.memory_space<vmem>>) target_semaphore(%run_scoped3A : memref<!tpu.dma_semaphore, #tpu.memory_space<semaphore_mem>>)
      %dma_wait3A_203 = tpu.memref_slice %arg3[%add3A_154] : memref<409600xi32, #tpu.memory_space<hbm>> -> memref<512xi32, #tpu.memory_space<hbm>>
      %dma_wait3A_204 = tpu.memref_slice %arg3[%add3A_154] : memref<409600xi32, #tpu.memory_space<hbm>> -> memref<512xi32, #tpu.memory_space<hbm>>
      tpu.wait_dma2 semaphore(%run_scoped3A : memref<!tpu.dma_semaphore, #tpu.memory_space<semaphore_mem>>) src(%dma_wait3A_204 : memref<512xi32, #tpu.memory_space<hbm>>) dst(%arg5 : memref<512xi32, #tpu.memory_space<vmem>>)
      tpu.yield
    }) : () -> ()
    %dma_start3A_155 = arith.constant 0 : i32
    %dma_start3A_156 = arith.constant 0 : i32
    %dma_start3A_157 = tpu.memref_slice %arg2[%dma_start3A_155, %dma_start3A_156] : memref<65536x128xf32, #tpu.memory_space<hbm>> -> memref<65536x128xf32, #tpu.memory_space<hbm>>
    tpu.enqueue_indirect_dma source(%dma_start3A_157 : memref<65536x128xf32, #tpu.memory_space<hbm>>) target(%arg6 : memref<512x128xf32, #tpu.memory_space<vmem>>) offsets(%arg5 : memref<512xi32, #tpu.memory_space<vmem>>) semaphore(%arg7 : memref<!tpu.dma_semaphore, #tpu.memory_space<semaphore_mem>>)
    %dma_wait3A_158 = arith.constant 0 : i32
    %dma_wait3A_159 = arith.constant 0 : i32
    %dma_wait3A_160 = tpu.memref_slice %arg2[%dma_wait3A_158, %dma_wait3A_159] : memref<65536x128xf32, #tpu.memory_space<hbm>> -> memref<65536x128xf32, #tpu.memory_space<hbm>>
    tpu.wait_indirect_dma semaphore(%arg7 : memref<!tpu.dma_semaphore, #tpu.memory_space<semaphore_mem>>) src(%dma_wait3A_160 : memref<65536x128xf32, #tpu.memory_space<hbm>>) dst(%arg6 : memref<512x128xf32, #tpu.memory_space<vmem>>)
    "tpu.region"() ({
      %run_scoped3A = tpu.sem_alloc : memref<!tpu.dma_semaphore, #tpu.memory_space<semaphore_mem>>
      %dma_start3A_201 = arith.constant 0 : i32
      %dma_start3A_202 = tpu.memref_slice %arg4[%add3A_154, %dma_start3A_201] : memref<409600x128xf32, #tpu.memory_space<hbm>> -> memref<512x128xf32, #tpu.memory_space<hbm>>
      %dma_start3A_203 = arith.constant 0 : i32
      %dma_start3A_204 = tpu.memref_slice %arg4[%add3A_154, %dma_start3A_203] : memref<409600x128xf32, #tpu.memory_space<hbm>> -> memref<512x128xf32, #tpu.memory_space<hbm>>
      tpu.enqueue_dma source(%arg6 : memref<512x128xf32, #tpu.memory_space<vmem>>) target(%dma_start3A_204 : memref<512x128xf32, #tpu.memory_space<hbm>>) target_semaphore(%run_scoped3A : memref<!tpu.dma_semaphore, #tpu.memory_space<semaphore_mem>>)
      %dma_wait3A_205 = arith.constant 0 : i32
      %dma_wait3A_206 = tpu.memref_slice %arg4[%add3A_154, %dma_wait3A_205] : memref<409600x128xf32, #tpu.memory_space<hbm>> -> memref<512x128xf32, #tpu.memory_space<hbm>>
      %dma_wait3A_207 = arith.constant 0 : i32
      %dma_wait3A_208 = tpu.memref_slice %arg4[%add3A_154, %dma_wait3A_207] : memref<409600x128xf32, #tpu.memory_space<hbm>> -> memref<512x128xf32, #tpu.memory_space<hbm>>
      tpu.wait_dma2 semaphore(%run_scoped3A : memref<!tpu.dma_semaphore, #tpu.memory_space<semaphore_mem>>) src(%arg6 : memref<512x128xf32, #tpu.memory_space<vmem>>) dst(%dma_wait3A_208 : memref<512x128xf32, #tpu.memory_space<hbm>>)
      tpu.yield
    }) : () -> ()
    %add3A_161 = arith.constant 10240 : i32
    %add3A_162 = arith.addi %mul3A_2, %add3A_161 : i32
    "tpu.region"() ({
      %run_scoped3A = tpu.sem_alloc : memref<!tpu.dma_semaphore, #tpu.memory_space<semaphore_mem>>
      %dma_start3A_201 = tpu.memref_slice %arg3[%add3A_162] : memref<409600xi32, #tpu.memory_space<hbm>> -> memref<512xi32, #tpu.memory_space<hbm>>
      %dma_start3A_202 = tpu.memref_slice %arg3[%add3A_162] : memref<409600xi32, #tpu.memory_space<hbm>> -> memref<512xi32, #tpu.memory_space<hbm>>
      tpu.enqueue_dma source(%dma_start3A_202 : memref<512xi32, #tpu.memory_space<hbm>>) target(%arg5 : memref<512xi32, #tpu.memory_space<vmem>>) target_semaphore(%run_scoped3A : memref<!tpu.dma_semaphore, #tpu.memory_space<semaphore_mem>>)
      %dma_wait3A_203 = tpu.memref_slice %arg3[%add3A_162] : memref<409600xi32, #tpu.memory_space<hbm>> -> memref<512xi32, #tpu.memory_space<hbm>>
      %dma_wait3A_204 = tpu.memref_slice %arg3[%add3A_162] : memref<409600xi32, #tpu.memory_space<hbm>> -> memref<512xi32, #tpu.memory_space<hbm>>
      tpu.wait_dma2 semaphore(%run_scoped3A : memref<!tpu.dma_semaphore, #tpu.memory_space<semaphore_mem>>) src(%dma_wait3A_204 : memref<512xi32, #tpu.memory_space<hbm>>) dst(%arg5 : memref<512xi32, #tpu.memory_space<vmem>>)
      tpu.yield
    }) : () -> ()
    %dma_start3A_163 = arith.constant 0 : i32
    %dma_start3A_164 = arith.constant 0 : i32
    %dma_start3A_165 = tpu.memref_slice %arg2[%dma_start3A_163, %dma_start3A_164] : memref<65536x128xf32, #tpu.memory_space<hbm>> -> memref<65536x128xf32, #tpu.memory_space<hbm>>
    tpu.enqueue_indirect_dma source(%dma_start3A_165 : memref<65536x128xf32, #tpu.memory_space<hbm>>) target(%arg6 : memref<512x128xf32, #tpu.memory_space<vmem>>) offsets(%arg5 : memref<512xi32, #tpu.memory_space<vmem>>) semaphore(%arg7 : memref<!tpu.dma_semaphore, #tpu.memory_space<semaphore_mem>>)
    %dma_wait3A_166 = arith.constant 0 : i32
    %dma_wait3A_167 = arith.constant 0 : i32
    %dma_wait3A_168 = tpu.memref_slice %arg2[%dma_wait3A_166, %dma_wait3A_167] : memref<65536x128xf32, #tpu.memory_space<hbm>> -> memref<65536x128xf32, #tpu.memory_space<hbm>>
    tpu.wait_indirect_dma semaphore(%arg7 : memref<!tpu.dma_semaphore, #tpu.memory_space<semaphore_mem>>) src(%dma_wait3A_168 : memref<65536x128xf32, #tpu.memory_space<hbm>>) dst(%arg6 : memref<512x128xf32, #tpu.memory_space<vmem>>)
    "tpu.region"() ({
      %run_scoped3A = tpu.sem_alloc : memref<!tpu.dma_semaphore, #tpu.memory_space<semaphore_mem>>
      %dma_start3A_201 = arith.constant 0 : i32
      %dma_start3A_202 = tpu.memref_slice %arg4[%add3A_162, %dma_start3A_201] : memref<409600x128xf32, #tpu.memory_space<hbm>> -> memref<512x128xf32, #tpu.memory_space<hbm>>
      %dma_start3A_203 = arith.constant 0 : i32
      %dma_start3A_204 = tpu.memref_slice %arg4[%add3A_162, %dma_start3A_203] : memref<409600x128xf32, #tpu.memory_space<hbm>> -> memref<512x128xf32, #tpu.memory_space<hbm>>
      tpu.enqueue_dma source(%arg6 : memref<512x128xf32, #tpu.memory_space<vmem>>) target(%dma_start3A_204 : memref<512x128xf32, #tpu.memory_space<hbm>>) target_semaphore(%run_scoped3A : memref<!tpu.dma_semaphore, #tpu.memory_space<semaphore_mem>>)
      %dma_wait3A_205 = arith.constant 0 : i32
      %dma_wait3A_206 = tpu.memref_slice %arg4[%add3A_162, %dma_wait3A_205] : memref<409600x128xf32, #tpu.memory_space<hbm>> -> memref<512x128xf32, #tpu.memory_space<hbm>>
      %dma_wait3A_207 = arith.constant 0 : i32
      %dma_wait3A_208 = tpu.memref_slice %arg4[%add3A_162, %dma_wait3A_207] : memref<409600x128xf32, #tpu.memory_space<hbm>> -> memref<512x128xf32, #tpu.memory_space<hbm>>
      tpu.wait_dma2 semaphore(%run_scoped3A : memref<!tpu.dma_semaphore, #tpu.memory_space<semaphore_mem>>) src(%arg6 : memref<512x128xf32, #tpu.memory_space<vmem>>) dst(%dma_wait3A_208 : memref<512x128xf32, #tpu.memory_space<hbm>>)
      tpu.yield
    }) : () -> ()
    %add3A_169 = arith.constant 10752 : i32
    %add3A_170 = arith.addi %mul3A_2, %add3A_169 : i32
    "tpu.region"() ({
      %run_scoped3A = tpu.sem_alloc : memref<!tpu.dma_semaphore, #tpu.memory_space<semaphore_mem>>
      %dma_start3A_201 = tpu.memref_slice %arg3[%add3A_170] : memref<409600xi32, #tpu.memory_space<hbm>> -> memref<512xi32, #tpu.memory_space<hbm>>
      %dma_start3A_202 = tpu.memref_slice %arg3[%add3A_170] : memref<409600xi32, #tpu.memory_space<hbm>> -> memref<512xi32, #tpu.memory_space<hbm>>
      tpu.enqueue_dma source(%dma_start3A_202 : memref<512xi32, #tpu.memory_space<hbm>>) target(%arg5 : memref<512xi32, #tpu.memory_space<vmem>>) target_semaphore(%run_scoped3A : memref<!tpu.dma_semaphore, #tpu.memory_space<semaphore_mem>>)
      %dma_wait3A_203 = tpu.memref_slice %arg3[%add3A_170] : memref<409600xi32, #tpu.memory_space<hbm>> -> memref<512xi32, #tpu.memory_space<hbm>>
      %dma_wait3A_204 = tpu.memref_slice %arg3[%add3A_170] : memref<409600xi32, #tpu.memory_space<hbm>> -> memref<512xi32, #tpu.memory_space<hbm>>
      tpu.wait_dma2 semaphore(%run_scoped3A : memref<!tpu.dma_semaphore, #tpu.memory_space<semaphore_mem>>) src(%dma_wait3A_204 : memref<512xi32, #tpu.memory_space<hbm>>) dst(%arg5 : memref<512xi32, #tpu.memory_space<vmem>>)
      tpu.yield
    }) : () -> ()
    %dma_start3A_171 = arith.constant 0 : i32
    %dma_start3A_172 = arith.constant 0 : i32
    %dma_start3A_173 = tpu.memref_slice %arg2[%dma_start3A_171, %dma_start3A_172] : memref<65536x128xf32, #tpu.memory_space<hbm>> -> memref<65536x128xf32, #tpu.memory_space<hbm>>
    tpu.enqueue_indirect_dma source(%dma_start3A_173 : memref<65536x128xf32, #tpu.memory_space<hbm>>) target(%arg6 : memref<512x128xf32, #tpu.memory_space<vmem>>) offsets(%arg5 : memref<512xi32, #tpu.memory_space<vmem>>) semaphore(%arg7 : memref<!tpu.dma_semaphore, #tpu.memory_space<semaphore_mem>>)
    %dma_wait3A_174 = arith.constant 0 : i32
    %dma_wait3A_175 = arith.constant 0 : i32
    %dma_wait3A_176 = tpu.memref_slice %arg2[%dma_wait3A_174, %dma_wait3A_175] : memref<65536x128xf32, #tpu.memory_space<hbm>> -> memref<65536x128xf32, #tpu.memory_space<hbm>>
    tpu.wait_indirect_dma semaphore(%arg7 : memref<!tpu.dma_semaphore, #tpu.memory_space<semaphore_mem>>) src(%dma_wait3A_176 : memref<65536x128xf32, #tpu.memory_space<hbm>>) dst(%arg6 : memref<512x128xf32, #tpu.memory_space<vmem>>)
    "tpu.region"() ({
      %run_scoped3A = tpu.sem_alloc : memref<!tpu.dma_semaphore, #tpu.memory_space<semaphore_mem>>
      %dma_start3A_201 = arith.constant 0 : i32
      %dma_start3A_202 = tpu.memref_slice %arg4[%add3A_170, %dma_start3A_201] : memref<409600x128xf32, #tpu.memory_space<hbm>> -> memref<512x128xf32, #tpu.memory_space<hbm>>
      %dma_start3A_203 = arith.constant 0 : i32
      %dma_start3A_204 = tpu.memref_slice %arg4[%add3A_170, %dma_start3A_203] : memref<409600x128xf32, #tpu.memory_space<hbm>> -> memref<512x128xf32, #tpu.memory_space<hbm>>
      tpu.enqueue_dma source(%arg6 : memref<512x128xf32, #tpu.memory_space<vmem>>) target(%dma_start3A_204 : memref<512x128xf32, #tpu.memory_space<hbm>>) target_semaphore(%run_scoped3A : memref<!tpu.dma_semaphore, #tpu.memory_space<semaphore_mem>>)
      %dma_wait3A_205 = arith.constant 0 : i32
      %dma_wait3A_206 = tpu.memref_slice %arg4[%add3A_170, %dma_wait3A_205] : memref<409600x128xf32, #tpu.memory_space<hbm>> -> memref<512x128xf32, #tpu.memory_space<hbm>>
      %dma_wait3A_207 = arith.constant 0 : i32
      %dma_wait3A_208 = tpu.memref_slice %arg4[%add3A_170, %dma_wait3A_207] : memref<409600x128xf32, #tpu.memory_space<hbm>> -> memref<512x128xf32, #tpu.memory_space<hbm>>
      tpu.wait_dma2 semaphore(%run_scoped3A : memref<!tpu.dma_semaphore, #tpu.memory_space<semaphore_mem>>) src(%arg6 : memref<512x128xf32, #tpu.memory_space<vmem>>) dst(%dma_wait3A_208 : memref<512x128xf32, #tpu.memory_space<hbm>>)
      tpu.yield
    }) : () -> ()
    %add3A_177 = arith.constant 11264 : i32
    %add3A_178 = arith.addi %mul3A_2, %add3A_177 : i32
    "tpu.region"() ({
      %run_scoped3A = tpu.sem_alloc : memref<!tpu.dma_semaphore, #tpu.memory_space<semaphore_mem>>
      %dma_start3A_201 = tpu.memref_slice %arg3[%add3A_178] : memref<409600xi32, #tpu.memory_space<hbm>> -> memref<512xi32, #tpu.memory_space<hbm>>
      %dma_start3A_202 = tpu.memref_slice %arg3[%add3A_178] : memref<409600xi32, #tpu.memory_space<hbm>> -> memref<512xi32, #tpu.memory_space<hbm>>
      tpu.enqueue_dma source(%dma_start3A_202 : memref<512xi32, #tpu.memory_space<hbm>>) target(%arg5 : memref<512xi32, #tpu.memory_space<vmem>>) target_semaphore(%run_scoped3A : memref<!tpu.dma_semaphore, #tpu.memory_space<semaphore_mem>>)
      %dma_wait3A_203 = tpu.memref_slice %arg3[%add3A_178] : memref<409600xi32, #tpu.memory_space<hbm>> -> memref<512xi32, #tpu.memory_space<hbm>>
      %dma_wait3A_204 = tpu.memref_slice %arg3[%add3A_178] : memref<409600xi32, #tpu.memory_space<hbm>> -> memref<512xi32, #tpu.memory_space<hbm>>
      tpu.wait_dma2 semaphore(%run_scoped3A : memref<!tpu.dma_semaphore, #tpu.memory_space<semaphore_mem>>) src(%dma_wait3A_204 : memref<512xi32, #tpu.memory_space<hbm>>) dst(%arg5 : memref<512xi32, #tpu.memory_space<vmem>>)
      tpu.yield
    }) : () -> ()
    %dma_start3A_179 = arith.constant 0 : i32
    %dma_start3A_180 = arith.constant 0 : i32
    %dma_start3A_181 = tpu.memref_slice %arg2[%dma_start3A_179, %dma_start3A_180] : memref<65536x128xf32, #tpu.memory_space<hbm>> -> memref<65536x128xf32, #tpu.memory_space<hbm>>
    tpu.enqueue_indirect_dma source(%dma_start3A_181 : memref<65536x128xf32, #tpu.memory_space<hbm>>) target(%arg6 : memref<512x128xf32, #tpu.memory_space<vmem>>) offsets(%arg5 : memref<512xi32, #tpu.memory_space<vmem>>) semaphore(%arg7 : memref<!tpu.dma_semaphore, #tpu.memory_space<semaphore_mem>>)
    %dma_wait3A_182 = arith.constant 0 : i32
    %dma_wait3A_183 = arith.constant 0 : i32
    %dma_wait3A_184 = tpu.memref_slice %arg2[%dma_wait3A_182, %dma_wait3A_183] : memref<65536x128xf32, #tpu.memory_space<hbm>> -> memref<65536x128xf32, #tpu.memory_space<hbm>>
    tpu.wait_indirect_dma semaphore(%arg7 : memref<!tpu.dma_semaphore, #tpu.memory_space<semaphore_mem>>) src(%dma_wait3A_184 : memref<65536x128xf32, #tpu.memory_space<hbm>>) dst(%arg6 : memref<512x128xf32, #tpu.memory_space<vmem>>)
    "tpu.region"() ({
      %run_scoped3A = tpu.sem_alloc : memref<!tpu.dma_semaphore, #tpu.memory_space<semaphore_mem>>
      %dma_start3A_201 = arith.constant 0 : i32
      %dma_start3A_202 = tpu.memref_slice %arg4[%add3A_178, %dma_start3A_201] : memref<409600x128xf32, #tpu.memory_space<hbm>> -> memref<512x128xf32, #tpu.memory_space<hbm>>
      %dma_start3A_203 = arith.constant 0 : i32
      %dma_start3A_204 = tpu.memref_slice %arg4[%add3A_178, %dma_start3A_203] : memref<409600x128xf32, #tpu.memory_space<hbm>> -> memref<512x128xf32, #tpu.memory_space<hbm>>
      tpu.enqueue_dma source(%arg6 : memref<512x128xf32, #tpu.memory_space<vmem>>) target(%dma_start3A_204 : memref<512x128xf32, #tpu.memory_space<hbm>>) target_semaphore(%run_scoped3A : memref<!tpu.dma_semaphore, #tpu.memory_space<semaphore_mem>>)
      %dma_wait3A_205 = arith.constant 0 : i32
      %dma_wait3A_206 = tpu.memref_slice %arg4[%add3A_178, %dma_wait3A_205] : memref<409600x128xf32, #tpu.memory_space<hbm>> -> memref<512x128xf32, #tpu.memory_space<hbm>>
      %dma_wait3A_207 = arith.constant 0 : i32
      %dma_wait3A_208 = tpu.memref_slice %arg4[%add3A_178, %dma_wait3A_207] : memref<409600x128xf32, #tpu.memory_space<hbm>> -> memref<512x128xf32, #tpu.memory_space<hbm>>
      tpu.wait_dma2 semaphore(%run_scoped3A : memref<!tpu.dma_semaphore, #tpu.memory_space<semaphore_mem>>) src(%arg6 : memref<512x128xf32, #tpu.memory_space<vmem>>) dst(%dma_wait3A_208 : memref<512x128xf32, #tpu.memory_space<hbm>>)
      tpu.yield
    }) : () -> ()
    %add3A_185 = arith.constant 11776 : i32
    %add3A_186 = arith.addi %mul3A_2, %add3A_185 : i32
    "tpu.region"() ({
      %run_scoped3A = tpu.sem_alloc : memref<!tpu.dma_semaphore, #tpu.memory_space<semaphore_mem>>
      %dma_start3A_201 = tpu.memref_slice %arg3[%add3A_186] : memref<409600xi32, #tpu.memory_space<hbm>> -> memref<512xi32, #tpu.memory_space<hbm>>
      %dma_start3A_202 = tpu.memref_slice %arg3[%add3A_186] : memref<409600xi32, #tpu.memory_space<hbm>> -> memref<512xi32, #tpu.memory_space<hbm>>
      tpu.enqueue_dma source(%dma_start3A_202 : memref<512xi32, #tpu.memory_space<hbm>>) target(%arg5 : memref<512xi32, #tpu.memory_space<vmem>>) target_semaphore(%run_scoped3A : memref<!tpu.dma_semaphore, #tpu.memory_space<semaphore_mem>>)
      %dma_wait3A_203 = tpu.memref_slice %arg3[%add3A_186] : memref<409600xi32, #tpu.memory_space<hbm>> -> memref<512xi32, #tpu.memory_space<hbm>>
      %dma_wait3A_204 = tpu.memref_slice %arg3[%add3A_186] : memref<409600xi32, #tpu.memory_space<hbm>> -> memref<512xi32, #tpu.memory_space<hbm>>
      tpu.wait_dma2 semaphore(%run_scoped3A : memref<!tpu.dma_semaphore, #tpu.memory_space<semaphore_mem>>) src(%dma_wait3A_204 : memref<512xi32, #tpu.memory_space<hbm>>) dst(%arg5 : memref<512xi32, #tpu.memory_space<vmem>>)
      tpu.yield
    }) : () -> ()
    %dma_start3A_187 = arith.constant 0 : i32
    %dma_start3A_188 = arith.constant 0 : i32
    %dma_start3A_189 = tpu.memref_slice %arg2[%dma_start3A_187, %dma_start3A_188] : memref<65536x128xf32, #tpu.memory_space<hbm>> -> memref<65536x128xf32, #tpu.memory_space<hbm>>
    tpu.enqueue_indirect_dma source(%dma_start3A_189 : memref<65536x128xf32, #tpu.memory_space<hbm>>) target(%arg6 : memref<512x128xf32, #tpu.memory_space<vmem>>) offsets(%arg5 : memref<512xi32, #tpu.memory_space<vmem>>) semaphore(%arg7 : memref<!tpu.dma_semaphore, #tpu.memory_space<semaphore_mem>>)
    %dma_wait3A_190 = arith.constant 0 : i32
    %dma_wait3A_191 = arith.constant 0 : i32
    %dma_wait3A_192 = tpu.memref_slice %arg2[%dma_wait3A_190, %dma_wait3A_191] : memref<65536x128xf32, #tpu.memory_space<hbm>> -> memref<65536x128xf32, #tpu.memory_space<hbm>>
    tpu.wait_indirect_dma semaphore(%arg7 : memref<!tpu.dma_semaphore, #tpu.memory_space<semaphore_mem>>) src(%dma_wait3A_192 : memref<65536x128xf32, #tpu.memory_space<hbm>>) dst(%arg6 : memref<512x128xf32, #tpu.memory_space<vmem>>)
    "tpu.region"() ({
      %run_scoped3A = tpu.sem_alloc : memref<!tpu.dma_semaphore, #tpu.memory_space<semaphore_mem>>
      %dma_start3A_201 = arith.constant 0 : i32
      %dma_start3A_202 = tpu.memref_slice %arg4[%add3A_186, %dma_start3A_201] : memref<409600x128xf32, #tpu.memory_space<hbm>> -> memref<512x128xf32, #tpu.memory_space<hbm>>
      %dma_start3A_203 = arith.constant 0 : i32
      %dma_start3A_204 = tpu.memref_slice %arg4[%add3A_186, %dma_start3A_203] : memref<409600x128xf32, #tpu.memory_space<hbm>> -> memref<512x128xf32, #tpu.memory_space<hbm>>
      tpu.enqueue_dma source(%arg6 : memref<512x128xf32, #tpu.memory_space<vmem>>) target(%dma_start3A_204 : memref<512x128xf32, #tpu.memory_space<hbm>>) target_semaphore(%run_scoped3A : memref<!tpu.dma_semaphore, #tpu.memory_space<semaphore_mem>>)
      %dma_wait3A_205 = arith.constant 0 : i32
      %dma_wait3A_206 = tpu.memref_slice %arg4[%add3A_186, %dma_wait3A_205] : memref<409600x128xf32, #tpu.memory_space<hbm>> -> memref<512x128xf32, #tpu.memory_space<hbm>>
      %dma_wait3A_207 = arith.constant 0 : i32
      %dma_wait3A_208 = tpu.memref_slice %arg4[%add3A_186, %dma_wait3A_207] : memref<409600x128xf32, #tpu.memory_space<hbm>> -> memref<512x128xf32, #tpu.memory_space<hbm>>
      tpu.wait_dma2 semaphore(%run_scoped3A : memref<!tpu.dma_semaphore, #tpu.memory_space<semaphore_mem>>) src(%arg6 : memref<512x128xf32, #tpu.memory_space<vmem>>) dst(%dma_wait3A_208 : memref<512x128xf32, #tpu.memory_space<hbm>>)
      tpu.yield
    }) : () -> ()
    %add3A_193 = arith.constant 12288 : i32
    %add3A_194 = arith.addi %mul3A_2, %add3A_193 : i32
    "tpu.region"() ({
      %run_scoped3A = tpu.sem_alloc : memref<!tpu.dma_semaphore, #tpu.memory_space<semaphore_mem>>
      %dma_start3A_201 = tpu.memref_slice %arg3[%add3A_194] : memref<409600xi32, #tpu.memory_space<hbm>> -> memref<512xi32, #tpu.memory_space<hbm>>
      %dma_start3A_202 = tpu.memref_slice %arg3[%add3A_194] : memref<409600xi32, #tpu.memory_space<hbm>> -> memref<512xi32, #tpu.memory_space<hbm>>
      tpu.enqueue_dma source(%dma_start3A_202 : memref<512xi32, #tpu.memory_space<hbm>>) target(%arg5 : memref<512xi32, #tpu.memory_space<vmem>>) target_semaphore(%run_scoped3A : memref<!tpu.dma_semaphore, #tpu.memory_space<semaphore_mem>>)
      %dma_wait3A_203 = tpu.memref_slice %arg3[%add3A_194] : memref<409600xi32, #tpu.memory_space<hbm>> -> memref<512xi32, #tpu.memory_space<hbm>>
      %dma_wait3A_204 = tpu.memref_slice %arg3[%add3A_194] : memref<409600xi32, #tpu.memory_space<hbm>> -> memref<512xi32, #tpu.memory_space<hbm>>
      tpu.wait_dma2 semaphore(%run_scoped3A : memref<!tpu.dma_semaphore, #tpu.memory_space<semaphore_mem>>) src(%dma_wait3A_204 : memref<512xi32, #tpu.memory_space<hbm>>) dst(%arg5 : memref<512xi32, #tpu.memory_space<vmem>>)
      tpu.yield
    }) : () -> ()
    %dma_start3A_195 = arith.constant 0 : i32
    %dma_start3A_196 = arith.constant 0 : i32
    %dma_start3A_197 = tpu.memref_slice %arg2[%dma_start3A_195, %dma_start3A_196] : memref<65536x128xf32, #tpu.memory_space<hbm>> -> memref<65536x128xf32, #tpu.memory_space<hbm>>
    tpu.enqueue_indirect_dma source(%dma_start3A_197 : memref<65536x128xf32, #tpu.memory_space<hbm>>) target(%arg6 : memref<512x128xf32, #tpu.memory_space<vmem>>) offsets(%arg5 : memref<512xi32, #tpu.memory_space<vmem>>) semaphore(%arg7 : memref<!tpu.dma_semaphore, #tpu.memory_space<semaphore_mem>>)
    %dma_wait3A_198 = arith.constant 0 : i32
    %dma_wait3A_199 = arith.constant 0 : i32
    %dma_wait3A_200 = tpu.memref_slice %arg2[%dma_wait3A_198, %dma_wait3A_199] : memref<65536x128xf32, #tpu.memory_space<hbm>> -> memref<65536x128xf32, #tpu.memory_space<hbm>>
    tpu.wait_indirect_dma semaphore(%arg7 : memref<!tpu.dma_semaphore, #tpu.memory_space<semaphore_mem>>) src(%dma_wait3A_200 : memref<65536x128xf32, #tpu.memory_space<hbm>>) dst(%arg6 : memref<512x128xf32, #tpu.memory_space<vmem>>)
    "tpu.region"() ({
      %run_scoped3A = tpu.sem_alloc : memref<!tpu.dma_semaphore, #tpu.memory_space<semaphore_mem>>
      %dma_start3A_201 = arith.constant 0 : i32
      %dma_start3A_202 = tpu.memref_slice %arg4[%add3A_194, %dma_start3A_201] : memref<409600x128xf32, #tpu.memory_space<hbm>> -> memref<512x128xf32, #tpu.memory_space<hbm>>
      %dma_start3A_203 = arith.constant 0 : i32
      %dma_start3A_204 = tpu.memref_slice %arg4[%add3A_194, %dma_start3A_203] : memref<409600x128xf32, #tpu.memory_space<hbm>> -> memref<512x128xf32, #tpu.memory_space<hbm>>
      tpu.enqueue_dma source(%arg6 : memref<512x128xf32, #tpu.memory_space<vmem>>) target(%dma_start3A_204 : memref<512x128xf32, #tpu.memory_space<hbm>>) target_semaphore(%run_scoped3A : memref<!tpu.dma_semaphore, #tpu.memory_space<semaphore_mem>>)
      %dma_wait3A_205 = arith.constant 0 : i32
      %dma_wait3A_206 = tpu.memref_slice %arg4[%add3A_194, %dma_wait3A_205] : memref<409600x128xf32, #tpu.memory_space<hbm>> -> memref<512x128xf32, #tpu.memory_space<hbm>>
      %dma_wait3A_207 = arith.constant 0 : i32
      %dma_wait3A_208 = tpu.memref_slice %arg4[%add3A_194, %dma_wait3A_207] : memref<409600x128xf32, #tpu.memory_space<hbm>> -> memref<512x128xf32, #tpu.memory_space<hbm>>
      tpu.wait_dma2 semaphore(%run_scoped3A : memref<!tpu.dma_semaphore, #tpu.memory_space<semaphore_mem>>) src(%arg6 : memref<512x128xf32, #tpu.memory_space<vmem>>) dst(%dma_wait3A_208 : memref<512x128xf32, #tpu.memory_space<hbm>>)
      tpu.yield
    }) : () -> ()
    return
  }
}

#map = affine_map<(d0, d1) -> (0, 0)>
#map1 = affine_map<(d0, d1) -> (0)>
module attributes {stable_mosaic.version = 14 : i64} {
  func.func @k(%arg0: i32, %arg1: i32, %arg2: memref<409601x128xf32, #tpu.memory_space<hbm>>, %arg3: memref<65536xi32, #tpu.memory_space<hbm>>, %arg4: memref<65536x128xf32, #tpu.memory_space<hbm>>, %arg5: memref<512xi32, #tpu.memory_space<vmem>>, %arg6: memref<512x128xf32, #tpu.memory_space<vmem>>, %arg7: memref<!tpu.dma_semaphore, #tpu.memory_space<semaphore_mem>>) attributes {dimension_semantics = [#tpu.dimension_semantics<core_parallel>, #tpu.dimension_semantics<subcore_parallel>], iteration_bounds = array<i64: 2, 16>, scalar_prefetch = 0 : i64, scratch_operands = 3 : i64, tpu.core_type = #tpu.core_type<sc_vector_subcore>, window_params = [{transform_indices = #map}, {transform_indices = #map1}, {transform_indices = #map}]} {
    %mul3A = arith.constant 2 : i32
    %mul3A_0 = arith.muli %arg1, %mul3A : i32
    %add3A = arith.addi %mul3A_0, %arg0 : i32
    %mul3A_1 = arith.constant 2048 : i32
    %mul3A_2 = arith.muli %add3A, %mul3A_1 : i32
    %add3A_3 = arith.constant 0 : i32
    %add3A_4 = arith.addi %mul3A_2, %add3A_3 : i32
    "tpu.region"() ({
      %run_scoped3A = tpu.sem_alloc : memref<!tpu.dma_semaphore, #tpu.memory_space<semaphore_mem>>
      %dma_start3A_33 = tpu.memref_slice %arg3[%add3A_4] : memref<65536xi32, #tpu.memory_space<hbm>> -> memref<512xi32, #tpu.memory_space<hbm>>
      %dma_start3A_34 = tpu.memref_slice %arg3[%add3A_4] : memref<65536xi32, #tpu.memory_space<hbm>> -> memref<512xi32, #tpu.memory_space<hbm>>
      tpu.enqueue_dma source(%dma_start3A_34 : memref<512xi32, #tpu.memory_space<hbm>>) target(%arg5 : memref<512xi32, #tpu.memory_space<vmem>>) target_semaphore(%run_scoped3A : memref<!tpu.dma_semaphore, #tpu.memory_space<semaphore_mem>>)
      %dma_wait3A_35 = tpu.memref_slice %arg3[%add3A_4] : memref<65536xi32, #tpu.memory_space<hbm>> -> memref<512xi32, #tpu.memory_space<hbm>>
      %dma_wait3A_36 = tpu.memref_slice %arg3[%add3A_4] : memref<65536xi32, #tpu.memory_space<hbm>> -> memref<512xi32, #tpu.memory_space<hbm>>
      tpu.wait_dma2 semaphore(%run_scoped3A : memref<!tpu.dma_semaphore, #tpu.memory_space<semaphore_mem>>) src(%dma_wait3A_36 : memref<512xi32, #tpu.memory_space<hbm>>) dst(%arg5 : memref<512xi32, #tpu.memory_space<vmem>>)
      tpu.yield
    }) : () -> ()
    %dma_start3A = arith.constant 0 : i32
    %dma_start3A_5 = arith.constant 0 : i32
    %dma_start3A_6 = tpu.memref_slice %arg2[%dma_start3A, %dma_start3A_5] : memref<409601x128xf32, #tpu.memory_space<hbm>> -> memref<409601x128xf32, #tpu.memory_space<hbm>>
    tpu.enqueue_indirect_dma source(%dma_start3A_6 : memref<409601x128xf32, #tpu.memory_space<hbm>>) target(%arg6 : memref<512x128xf32, #tpu.memory_space<vmem>>) offsets(%arg5 : memref<512xi32, #tpu.memory_space<vmem>>) semaphore(%arg7 : memref<!tpu.dma_semaphore, #tpu.memory_space<semaphore_mem>>)
    %dma_wait3A = arith.constant 0 : i32
    %dma_wait3A_7 = arith.constant 0 : i32
    %dma_wait3A_8 = tpu.memref_slice %arg2[%dma_wait3A, %dma_wait3A_7] : memref<409601x128xf32, #tpu.memory_space<hbm>> -> memref<409601x128xf32, #tpu.memory_space<hbm>>
    tpu.wait_indirect_dma semaphore(%arg7 : memref<!tpu.dma_semaphore, #tpu.memory_space<semaphore_mem>>) src(%dma_wait3A_8 : memref<409601x128xf32, #tpu.memory_space<hbm>>) dst(%arg6 : memref<512x128xf32, #tpu.memory_space<vmem>>)
    "tpu.region"() ({
      %run_scoped3A = tpu.sem_alloc : memref<!tpu.dma_semaphore, #tpu.memory_space<semaphore_mem>>
      %dma_start3A_33 = arith.constant 0 : i32
      %dma_start3A_34 = tpu.memref_slice %arg4[%add3A_4, %dma_start3A_33] : memref<65536x128xf32, #tpu.memory_space<hbm>> -> memref<512x128xf32, #tpu.memory_space<hbm>>
      %dma_start3A_35 = arith.constant 0 : i32
      %dma_start3A_36 = tpu.memref_slice %arg4[%add3A_4, %dma_start3A_35] : memref<65536x128xf32, #tpu.memory_space<hbm>> -> memref<512x128xf32, #tpu.memory_space<hbm>>
      tpu.enqueue_dma source(%arg6 : memref<512x128xf32, #tpu.memory_space<vmem>>) target(%dma_start3A_36 : memref<512x128xf32, #tpu.memory_space<hbm>>) target_semaphore(%run_scoped3A : memref<!tpu.dma_semaphore, #tpu.memory_space<semaphore_mem>>)
      %dma_wait3A_37 = arith.constant 0 : i32
      %dma_wait3A_38 = tpu.memref_slice %arg4[%add3A_4, %dma_wait3A_37] : memref<65536x128xf32, #tpu.memory_space<hbm>> -> memref<512x128xf32, #tpu.memory_space<hbm>>
      %dma_wait3A_39 = arith.constant 0 : i32
      %dma_wait3A_40 = tpu.memref_slice %arg4[%add3A_4, %dma_wait3A_39] : memref<65536x128xf32, #tpu.memory_space<hbm>> -> memref<512x128xf32, #tpu.memory_space<hbm>>
      tpu.wait_dma2 semaphore(%run_scoped3A : memref<!tpu.dma_semaphore, #tpu.memory_space<semaphore_mem>>) src(%arg6 : memref<512x128xf32, #tpu.memory_space<vmem>>) dst(%dma_wait3A_40 : memref<512x128xf32, #tpu.memory_space<hbm>>)
      tpu.yield
    }) : () -> ()
    %add3A_9 = arith.constant 512 : i32
    %add3A_10 = arith.addi %mul3A_2, %add3A_9 : i32
    "tpu.region"() ({
      %run_scoped3A = tpu.sem_alloc : memref<!tpu.dma_semaphore, #tpu.memory_space<semaphore_mem>>
      %dma_start3A_33 = tpu.memref_slice %arg3[%add3A_10] : memref<65536xi32, #tpu.memory_space<hbm>> -> memref<512xi32, #tpu.memory_space<hbm>>
      %dma_start3A_34 = tpu.memref_slice %arg3[%add3A_10] : memref<65536xi32, #tpu.memory_space<hbm>> -> memref<512xi32, #tpu.memory_space<hbm>>
      tpu.enqueue_dma source(%dma_start3A_34 : memref<512xi32, #tpu.memory_space<hbm>>) target(%arg5 : memref<512xi32, #tpu.memory_space<vmem>>) target_semaphore(%run_scoped3A : memref<!tpu.dma_semaphore, #tpu.memory_space<semaphore_mem>>)
      %dma_wait3A_35 = tpu.memref_slice %arg3[%add3A_10] : memref<65536xi32, #tpu.memory_space<hbm>> -> memref<512xi32, #tpu.memory_space<hbm>>
      %dma_wait3A_36 = tpu.memref_slice %arg3[%add3A_10] : memref<65536xi32, #tpu.memory_space<hbm>> -> memref<512xi32, #tpu.memory_space<hbm>>
      tpu.wait_dma2 semaphore(%run_scoped3A : memref<!tpu.dma_semaphore, #tpu.memory_space<semaphore_mem>>) src(%dma_wait3A_36 : memref<512xi32, #tpu.memory_space<hbm>>) dst(%arg5 : memref<512xi32, #tpu.memory_space<vmem>>)
      tpu.yield
    }) : () -> ()
    %dma_start3A_11 = arith.constant 0 : i32
    %dma_start3A_12 = arith.constant 0 : i32
    %dma_start3A_13 = tpu.memref_slice %arg2[%dma_start3A_11, %dma_start3A_12] : memref<409601x128xf32, #tpu.memory_space<hbm>> -> memref<409601x128xf32, #tpu.memory_space<hbm>>
    tpu.enqueue_indirect_dma source(%dma_start3A_13 : memref<409601x128xf32, #tpu.memory_space<hbm>>) target(%arg6 : memref<512x128xf32, #tpu.memory_space<vmem>>) offsets(%arg5 : memref<512xi32, #tpu.memory_space<vmem>>) semaphore(%arg7 : memref<!tpu.dma_semaphore, #tpu.memory_space<semaphore_mem>>)
    %dma_wait3A_14 = arith.constant 0 : i32
    %dma_wait3A_15 = arith.constant 0 : i32
    %dma_wait3A_16 = tpu.memref_slice %arg2[%dma_wait3A_14, %dma_wait3A_15] : memref<409601x128xf32, #tpu.memory_space<hbm>> -> memref<409601x128xf32, #tpu.memory_space<hbm>>
    tpu.wait_indirect_dma semaphore(%arg7 : memref<!tpu.dma_semaphore, #tpu.memory_space<semaphore_mem>>) src(%dma_wait3A_16 : memref<409601x128xf32, #tpu.memory_space<hbm>>) dst(%arg6 : memref<512x128xf32, #tpu.memory_space<vmem>>)
    "tpu.region"() ({
      %run_scoped3A = tpu.sem_alloc : memref<!tpu.dma_semaphore, #tpu.memory_space<semaphore_mem>>
      %dma_start3A_33 = arith.constant 0 : i32
      %dma_start3A_34 = tpu.memref_slice %arg4[%add3A_10, %dma_start3A_33] : memref<65536x128xf32, #tpu.memory_space<hbm>> -> memref<512x128xf32, #tpu.memory_space<hbm>>
      %dma_start3A_35 = arith.constant 0 : i32
      %dma_start3A_36 = tpu.memref_slice %arg4[%add3A_10, %dma_start3A_35] : memref<65536x128xf32, #tpu.memory_space<hbm>> -> memref<512x128xf32, #tpu.memory_space<hbm>>
      tpu.enqueue_dma source(%arg6 : memref<512x128xf32, #tpu.memory_space<vmem>>) target(%dma_start3A_36 : memref<512x128xf32, #tpu.memory_space<hbm>>) target_semaphore(%run_scoped3A : memref<!tpu.dma_semaphore, #tpu.memory_space<semaphore_mem>>)
      %dma_wait3A_37 = arith.constant 0 : i32
      %dma_wait3A_38 = tpu.memref_slice %arg4[%add3A_10, %dma_wait3A_37] : memref<65536x128xf32, #tpu.memory_space<hbm>> -> memref<512x128xf32, #tpu.memory_space<hbm>>
      %dma_wait3A_39 = arith.constant 0 : i32
      %dma_wait3A_40 = tpu.memref_slice %arg4[%add3A_10, %dma_wait3A_39] : memref<65536x128xf32, #tpu.memory_space<hbm>> -> memref<512x128xf32, #tpu.memory_space<hbm>>
      tpu.wait_dma2 semaphore(%run_scoped3A : memref<!tpu.dma_semaphore, #tpu.memory_space<semaphore_mem>>) src(%arg6 : memref<512x128xf32, #tpu.memory_space<vmem>>) dst(%dma_wait3A_40 : memref<512x128xf32, #tpu.memory_space<hbm>>)
      tpu.yield
    }) : () -> ()
    %add3A_17 = arith.constant 1024 : i32
    %add3A_18 = arith.addi %mul3A_2, %add3A_17 : i32
    "tpu.region"() ({
      %run_scoped3A = tpu.sem_alloc : memref<!tpu.dma_semaphore, #tpu.memory_space<semaphore_mem>>
      %dma_start3A_33 = tpu.memref_slice %arg3[%add3A_18] : memref<65536xi32, #tpu.memory_space<hbm>> -> memref<512xi32, #tpu.memory_space<hbm>>
      %dma_start3A_34 = tpu.memref_slice %arg3[%add3A_18] : memref<65536xi32, #tpu.memory_space<hbm>> -> memref<512xi32, #tpu.memory_space<hbm>>
      tpu.enqueue_dma source(%dma_start3A_34 : memref<512xi32, #tpu.memory_space<hbm>>) target(%arg5 : memref<512xi32, #tpu.memory_space<vmem>>) target_semaphore(%run_scoped3A : memref<!tpu.dma_semaphore, #tpu.memory_space<semaphore_mem>>)
      %dma_wait3A_35 = tpu.memref_slice %arg3[%add3A_18] : memref<65536xi32, #tpu.memory_space<hbm>> -> memref<512xi32, #tpu.memory_space<hbm>>
      %dma_wait3A_36 = tpu.memref_slice %arg3[%add3A_18] : memref<65536xi32, #tpu.memory_space<hbm>> -> memref<512xi32, #tpu.memory_space<hbm>>
      tpu.wait_dma2 semaphore(%run_scoped3A : memref<!tpu.dma_semaphore, #tpu.memory_space<semaphore_mem>>) src(%dma_wait3A_36 : memref<512xi32, #tpu.memory_space<hbm>>) dst(%arg5 : memref<512xi32, #tpu.memory_space<vmem>>)
      tpu.yield
    }) : () -> ()
    %dma_start3A_19 = arith.constant 0 : i32
    %dma_start3A_20 = arith.constant 0 : i32
    %dma_start3A_21 = tpu.memref_slice %arg2[%dma_start3A_19, %dma_start3A_20] : memref<409601x128xf32, #tpu.memory_space<hbm>> -> memref<409601x128xf32, #tpu.memory_space<hbm>>
    tpu.enqueue_indirect_dma source(%dma_start3A_21 : memref<409601x128xf32, #tpu.memory_space<hbm>>) target(%arg6 : memref<512x128xf32, #tpu.memory_space<vmem>>) offsets(%arg5 : memref<512xi32, #tpu.memory_space<vmem>>) semaphore(%arg7 : memref<!tpu.dma_semaphore, #tpu.memory_space<semaphore_mem>>)
    %dma_wait3A_22 = arith.constant 0 : i32
    %dma_wait3A_23 = arith.constant 0 : i32
    %dma_wait3A_24 = tpu.memref_slice %arg2[%dma_wait3A_22, %dma_wait3A_23] : memref<409601x128xf32, #tpu.memory_space<hbm>> -> memref<409601x128xf32, #tpu.memory_space<hbm>>
    tpu.wait_indirect_dma semaphore(%arg7 : memref<!tpu.dma_semaphore, #tpu.memory_space<semaphore_mem>>) src(%dma_wait3A_24 : memref<409601x128xf32, #tpu.memory_space<hbm>>) dst(%arg6 : memref<512x128xf32, #tpu.memory_space<vmem>>)
    "tpu.region"() ({
      %run_scoped3A = tpu.sem_alloc : memref<!tpu.dma_semaphore, #tpu.memory_space<semaphore_mem>>
      %dma_start3A_33 = arith.constant 0 : i32
      %dma_start3A_34 = tpu.memref_slice %arg4[%add3A_18, %dma_start3A_33] : memref<65536x128xf32, #tpu.memory_space<hbm>> -> memref<512x128xf32, #tpu.memory_space<hbm>>
      %dma_start3A_35 = arith.constant 0 : i32
      %dma_start3A_36 = tpu.memref_slice %arg4[%add3A_18, %dma_start3A_35] : memref<65536x128xf32, #tpu.memory_space<hbm>> -> memref<512x128xf32, #tpu.memory_space<hbm>>
      tpu.enqueue_dma source(%arg6 : memref<512x128xf32, #tpu.memory_space<vmem>>) target(%dma_start3A_36 : memref<512x128xf32, #tpu.memory_space<hbm>>) target_semaphore(%run_scoped3A : memref<!tpu.dma_semaphore, #tpu.memory_space<semaphore_mem>>)
      %dma_wait3A_37 = arith.constant 0 : i32
      %dma_wait3A_38 = tpu.memref_slice %arg4[%add3A_18, %dma_wait3A_37] : memref<65536x128xf32, #tpu.memory_space<hbm>> -> memref<512x128xf32, #tpu.memory_space<hbm>>
      %dma_wait3A_39 = arith.constant 0 : i32
      %dma_wait3A_40 = tpu.memref_slice %arg4[%add3A_18, %dma_wait3A_39] : memref<65536x128xf32, #tpu.memory_space<hbm>> -> memref<512x128xf32, #tpu.memory_space<hbm>>
      tpu.wait_dma2 semaphore(%run_scoped3A : memref<!tpu.dma_semaphore, #tpu.memory_space<semaphore_mem>>) src(%arg6 : memref<512x128xf32, #tpu.memory_space<vmem>>) dst(%dma_wait3A_40 : memref<512x128xf32, #tpu.memory_space<hbm>>)
      tpu.yield
    }) : () -> ()
    %add3A_25 = arith.constant 1536 : i32
    %add3A_26 = arith.addi %mul3A_2, %add3A_25 : i32
    "tpu.region"() ({
      %run_scoped3A = tpu.sem_alloc : memref<!tpu.dma_semaphore, #tpu.memory_space<semaphore_mem>>
      %dma_start3A_33 = tpu.memref_slice %arg3[%add3A_26] : memref<65536xi32, #tpu.memory_space<hbm>> -> memref<512xi32, #tpu.memory_space<hbm>>
      %dma_start3A_34 = tpu.memref_slice %arg3[%add3A_26] : memref<65536xi32, #tpu.memory_space<hbm>> -> memref<512xi32, #tpu.memory_space<hbm>>
      tpu.enqueue_dma source(%dma_start3A_34 : memref<512xi32, #tpu.memory_space<hbm>>) target(%arg5 : memref<512xi32, #tpu.memory_space<vmem>>) target_semaphore(%run_scoped3A : memref<!tpu.dma_semaphore, #tpu.memory_space<semaphore_mem>>)
      %dma_wait3A_35 = tpu.memref_slice %arg3[%add3A_26] : memref<65536xi32, #tpu.memory_space<hbm>> -> memref<512xi32, #tpu.memory_space<hbm>>
      %dma_wait3A_36 = tpu.memref_slice %arg3[%add3A_26] : memref<65536xi32, #tpu.memory_space<hbm>> -> memref<512xi32, #tpu.memory_space<hbm>>
      tpu.wait_dma2 semaphore(%run_scoped3A : memref<!tpu.dma_semaphore, #tpu.memory_space<semaphore_mem>>) src(%dma_wait3A_36 : memref<512xi32, #tpu.memory_space<hbm>>) dst(%arg5 : memref<512xi32, #tpu.memory_space<vmem>>)
      tpu.yield
    }) : () -> ()
    %dma_start3A_27 = arith.constant 0 : i32
    %dma_start3A_28 = arith.constant 0 : i32
    %dma_start3A_29 = tpu.memref_slice %arg2[%dma_start3A_27, %dma_start3A_28] : memref<409601x128xf32, #tpu.memory_space<hbm>> -> memref<409601x128xf32, #tpu.memory_space<hbm>>
    tpu.enqueue_indirect_dma source(%dma_start3A_29 : memref<409601x128xf32, #tpu.memory_space<hbm>>) target(%arg6 : memref<512x128xf32, #tpu.memory_space<vmem>>) offsets(%arg5 : memref<512xi32, #tpu.memory_space<vmem>>) semaphore(%arg7 : memref<!tpu.dma_semaphore, #tpu.memory_space<semaphore_mem>>)
    %dma_wait3A_30 = arith.constant 0 : i32
    %dma_wait3A_31 = arith.constant 0 : i32
    %dma_wait3A_32 = tpu.memref_slice %arg2[%dma_wait3A_30, %dma_wait3A_31] : memref<409601x128xf32, #tpu.memory_space<hbm>> -> memref<409601x128xf32, #tpu.memory_space<hbm>>
    tpu.wait_indirect_dma semaphore(%arg7 : memref<!tpu.dma_semaphore, #tpu.memory_space<semaphore_mem>>) src(%dma_wait3A_32 : memref<409601x128xf32, #tpu.memory_space<hbm>>) dst(%arg6 : memref<512x128xf32, #tpu.memory_space<vmem>>)
    "tpu.region"() ({
      %run_scoped3A = tpu.sem_alloc : memref<!tpu.dma_semaphore, #tpu.memory_space<semaphore_mem>>
      %dma_start3A_33 = arith.constant 0 : i32
      %dma_start3A_34 = tpu.memref_slice %arg4[%add3A_26, %dma_start3A_33] : memref<65536x128xf32, #tpu.memory_space<hbm>> -> memref<512x128xf32, #tpu.memory_space<hbm>>
      %dma_start3A_35 = arith.constant 0 : i32
      %dma_start3A_36 = tpu.memref_slice %arg4[%add3A_26, %dma_start3A_35] : memref<65536x128xf32, #tpu.memory_space<hbm>> -> memref<512x128xf32, #tpu.memory_space<hbm>>
      tpu.enqueue_dma source(%arg6 : memref<512x128xf32, #tpu.memory_space<vmem>>) target(%dma_start3A_36 : memref<512x128xf32, #tpu.memory_space<hbm>>) target_semaphore(%run_scoped3A : memref<!tpu.dma_semaphore, #tpu.memory_space<semaphore_mem>>)
      %dma_wait3A_37 = arith.constant 0 : i32
      %dma_wait3A_38 = tpu.memref_slice %arg4[%add3A_26, %dma_wait3A_37] : memref<65536x128xf32, #tpu.memory_space<hbm>> -> memref<512x128xf32, #tpu.memory_space<hbm>>
      %dma_wait3A_39 = arith.constant 0 : i32
      %dma_wait3A_40 = tpu.memref_slice %arg4[%add3A_26, %dma_wait3A_39] : memref<65536x128xf32, #tpu.memory_space<hbm>> -> memref<512x128xf32, #tpu.memory_space<hbm>>
      tpu.wait_dma2 semaphore(%run_scoped3A : memref<!tpu.dma_semaphore, #tpu.memory_space<semaphore_mem>>) src(%arg6 : memref<512x128xf32, #tpu.memory_space<vmem>>) dst(%dma_wait3A_40 : memref<512x128xf32, #tpu.memory_space<hbm>>)
      tpu.yield
    }) : () -> ()
    return
  }
}

module attributes {stable_mosaic.version = 14 : i64} {
  func.func @_cumsum_body(%arg0: i32, %arg1: memref<512x128xf32, #tpu.memory_space<vmem>>, %arg2: memref<512x128xf32, #tpu.memory_space<vmem>>, %arg3: memref<8x128xf32, #tpu.memory_space<vmem>>) attributes {dimension_semantics = [#tpu.dimension_semantics<arbitrary>], iteration_bounds = array<i64: 800>, scalar_prefetch = 0 : i64, scratch_operands = 1 : i64, tpu.core_type = #tpu.core_type<tc>, window_params = [{transform_indices = @transform_0, window_bounds = array<i64: 512, 128>}, {transform_indices = @transform_1, window_bounds = array<i64: 512, 128>}]} {
    %eq3A = arith.constant 0 : i32
    %eq3A_0 = arith.cmpi eq, %arg0, %eq3A : i32
    %convert_element_type3A = arith.extui %eq3A_0 : i1 to i32
    %cond3A = arith.constant 0 : i32
    %cond3A_1 = arith.cmpi ne, %convert_element_type3A, %cond3A : i32
    scf.if %cond3A_1 {
      %broadcast_in_dim3A_17 = arith.constant 0.000000e+00 : f32
      %broadcast_in_dim3A_18 = vector.broadcast %broadcast_in_dim3A_17 : f32 to vector<8x128xf32>
      %swap3A_19 = arith.constant 0 : index
      %swap3A_20 = arith.constant 0 : index
      %swap3A_21 = vector.load %arg3[%swap3A_19, %swap3A_20] : memref<8x128xf32, #tpu.memory_space<vmem>>, vector<8x128xf32>
      tpu.vector_store %arg3[%swap3A_19, %swap3A_20], %broadcast_in_dim3A_18 {strides = array<i32>} : memref<8x128xf32, #tpu.memory_space<vmem>>, vector<8x128xf32>,
    } else {
    }
    %get3A = arith.constant 0 : index
    %get3A_2 = arith.constant 0 : index
    %get3A_3 = vector.load %arg1[%get3A, %get3A_2] : memref<512x128xf32, #tpu.memory_space<vmem>>, vector<512x128xf32>
    %iota3A = tpu.iota {dimensions = array<i32: 0>} : vector<512x512xi32>
    %iota3A_4 = tpu.iota {dimensions = array<i32: 1>} : vector<512x512xi32>
    %ge3A = arith.cmpi sge, %iota3A, %iota3A_4 : vector<512x512xi32>
    %jit3A = arith.constant 1.000000e+00 : f32
    %jit3A_5 = arith.constant 0.000000e+00 : f32
    %broadcast_in_dim3A = vector.broadcast %jit3A : f32 to vector<512x512xf32>
    %broadcast_in_dim3A_6 = vector.broadcast %jit3A_5 : f32 to vector<512x512xf32>
    %select_n3A = arith.select %ge3A, %broadcast_in_dim3A, %broadcast_in_dim3A_6 : vector<512x512xi1>, vector<512x512xf32>
    %dot_general3A = arith.constant dense<0.000000e+00> : vector<512x128xf32>
    %dot_general3A_7 = tpu.matmul %select_n3A, %get3A_3, %dot_general3A {dimension_numbers = #tpu.dot_dimension_numbers<[1], [0], [0], [1], [0, 0, 1, 1], [], []>, precision = #tpu.contract_precision<fp32>, transpose_lhs_hint = false} : vector<512x512xf32>, vector<512x128xf32>, vector<512x128xf32> -> vector<512x128xf32>
    %get3A_8 = arith.constant 0 : index
    %get3A_9 = arith.constant 0 : index
    %get3A_10 = vector.load %arg3[%get3A_8, %get3A_9] : memref<8x128xf32, #tpu.memory_space<vmem>>, vector<1x128xf32>
    %add3A = vector.broadcast %get3A_10 : vector<1x128xf32> to vector<512x128xf32>
    %add3A_11 = arith.addf %dot_general3A_7, %add3A : vector<512x128xf32>
    %swap3A = arith.constant 0 : index
    %swap3A_12 = arith.constant 0 : index
    %swap3A_13 = vector.load %arg2[%swap3A, %swap3A_12] : memref<512x128xf32, #tpu.memory_space<vmem>>, vector<512x128xf32>
    tpu.vector_store %arg2[%swap3A, %swap3A_12], %add3A_11 {strides = array<i32>} : memref<512x128xf32, #tpu.memory_space<vmem>>, vector<512x128xf32>,
    %slice3A = vector.extract_strided_slice %add3A_11 {offsets = [511, 0], sizes = [1, 128], strides = [1, 1]} : vector<512x128xf32> to vector<1x128xf32>
    %swap3A_14 = arith.constant 0 : index
    %swap3A_15 = arith.constant 0 : index
    %swap3A_16 = vector.load %arg3[%swap3A_14, %swap3A_15] : memref<8x128xf32, #tpu.memory_space<vmem>>, vector<1x128xf32>
    tpu.vector_store %arg3[%swap3A_14, %swap3A_15], %slice3A {strides = array<i32>} : memref<8x128xf32, #tpu.memory_space<vmem>>, vector<1x128xf32>,
    return
  }
  func.func @transform_0(%arg0: i32) -> (i32, i32) {
    %c0_i32 = arith.constant 0 : i32
    %c0_i32_0 = arith.constant 0 : i32
    return %arg0, %c0_i32 : i32, i32
  }
  func.func @transform_1(%arg0: i32) -> (i32, i32) {
    %c0_i32 = arith.constant 0 : i32
    %c0_i32_0 = arith.constant 0 : i32
    return %arg0, %c0_i32 : i32, i32
  }
}

module attributes {stable_mosaic.version = 14 : i64} {
  func.func @_vox_stats_body(%arg0: i32, %arg1: memref<512x128xf32, #tpu.memory_space<vmem>>, %arg2: memref<512x128xf32, #tpu.memory_space<vmem>>, %arg3: memref<512x128xf32, #tpu.memory_space<vmem>>) attributes {dimension_semantics = [#tpu.dimension_semantics<arbitrary>], iteration_bounds = array<i64: 128>, scalar_prefetch = 0 : i64, scratch_operands = 0 : i64, tpu.core_type = #tpu.core_type<tc>, window_params = [{transform_indices = @transform_0, window_bounds = array<i64: 512, 128>}, {transform_indices = @transform_1, window_bounds = array<i64: 512, 128>}, {transform_indices = @transform_2, window_bounds = array<i64: 512, 128>}]} {
    %get3A = arith.constant 0 : index
    %get3A_0 = arith.constant 0 : index
    %get3A_1 = vector.load %arg2[%get3A, %get3A_0] : memref<512x128xf32, #tpu.memory_space<vmem>>, vector<512x128xf32>
    %get3A_2 = arith.constant 0 : index
    %get3A_3 = arith.constant 0 : index
    %get3A_4 = vector.load %arg1[%get3A_2, %get3A_3] : memref<512x128xf32, #tpu.memory_space<vmem>>, vector<512x128xf32>
    %sub3A = arith.subf %get3A_1, %get3A_4 : vector<512x128xf32>
    %slice3A = vector.extract_strided_slice %sub3A {offsets = [0, 3], sizes = [512, 1], strides = [1, 1]} : vector<512x128xf32> to vector<512x1xf32>
    %slice3A_5 = vector.extract_strided_slice %sub3A {offsets = [0, 0], sizes = [512, 3], strides = [1, 1]} : vector<512x128xf32> to vector<512x3xf32>
    %max3A = arith.constant 1.000000e+00 : f32
    %max3A_6 = vector.broadcast %max3A : f32 to vector<512x1xf32>
    %max3A_7 = arith.maximumf %slice3A, %max3A_6 : vector<512x1xf32>
    %div3A = vector.broadcast %max3A_7 : vector<512x1xf32> to vector<512x3xf32>
    %div3A_8 = arith.divf %slice3A_5, %div3A : vector<512x3xf32>
    %broadcast_in_dim3A = arith.constant 0.000000e+00 : f32
    %broadcast_in_dim3A_9 = vector.broadcast %broadcast_in_dim3A : f32 to vector<512x124xf32>
    %concatenate3A = tpu.concatenate %div3A_8, %slice3A, %broadcast_in_dim3A_9 in 1 : vector<512x3xf32>, vector<512x1xf32>, vector<512x124xf32> -> vector<512x128xf32>
    %swap3A = arith.constant 0 : index
    %swap3A_10 = arith.constant 0 : index
    %swap3A_11 = vector.load %arg3[%swap3A, %swap3A_10] : memref<512x128xf32, #tpu.memory_space<vmem>>, vector<512x128xf32>
    tpu.vector_store %arg3[%swap3A, %swap3A_10], %concatenate3A {strides = array<i32>} : memref<512x128xf32, #tpu.memory_space<vmem>>, vector<512x128xf32>,
    return
  }
  func.func @transform_0(%arg0: i32) -> (i32, i32) {
    %c0_i32 = arith.constant 0 : i32
    %c0_i32_0 = arith.constant 0 : i32
    return %arg0, %c0_i32 : i32, i32
  }
  func.func @transform_1(%arg0: i32) -> (i32, i32) {
    %c0_i32 = arith.constant 0 : i32
    %c0_i32_0 = arith.constant 0 : i32
    return %arg0, %c0_i32 : i32, i32
  }
  func.func @transform_2(%arg0: i32) -> (i32, i32) {
    %c0_i32 = arith.constant 0 : i32
    %c0_i32_0 = arith.constant 0 : i32
    return %arg0, %c0_i32 : i32, i32
  }
}

module attributes {stable_mosaic.version = 14 : i64} {
  func.func @_feat_body(%arg0: i32, %arg1: memref<512x16xf32, #tpu.memory_space<vmem>>, %arg2: memref<512x128xf32, #tpu.memory_space<vmem>>, %arg3: memref<512x16xf32, #tpu.memory_space<vmem>>, %arg4: memref<24x16xf32, #tpu.memory_space<vmem>>) attributes {dimension_semantics = [#tpu.dimension_semantics<arbitrary>], iteration_bounds = array<i64: 800>, scalar_prefetch = 0 : i64, scratch_operands = 0 : i64, tpu.core_type = #tpu.core_type<tc>, window_params = [{transform_indices = @transform_0, window_bounds = array<i64: 512, 16>}, {transform_indices = @transform_1, window_bounds = array<i64: 512, 128>}, {transform_indices = @transform_2, window_bounds = array<i64: 512, 16>}, {pipeline_mode = #tpu.pipeline_mode<synchronous>, transform_indices = @transform_3, window_bounds = array<i64: 24, 16>}]} {
    %eq3A = arith.constant 0 : i32
    %eq3A_0 = arith.cmpi eq, %arg0, %eq3A : i32
    %convert_element_type3A = arith.extui %eq3A_0 : i1 to i32
    %cond3A = arith.constant 0 : i32
    %cond3A_1 = arith.cmpi ne, %convert_element_type3A, %cond3A : i32
    scf.if %cond3A_1 {
      %broadcast_in_dim3A_59 = arith.constant 0.000000e+00 : f32
      %broadcast_in_dim3A_60 = vector.broadcast %broadcast_in_dim3A_59 : f32 to vector<24x16xf32>
      %swap3A_61 = arith.constant 0 : index
      %swap3A_62 = arith.constant 0 : index
      %swap3A_63 = vector.load %arg4[%swap3A_61, %swap3A_62] : memref<24x16xf32, #tpu.memory_space<vmem>>, vector<24x16xf32>
      tpu.vector_store %arg4[%swap3A_61, %swap3A_62], %broadcast_in_dim3A_60 {strides = array<i32>} : memref<24x16xf32, #tpu.memory_space<vmem>>, vector<24x16xf32>,
    } else {
    }
    %get3A = arith.constant 0 : index
    %get3A_2 = arith.constant 0 : index
    %get3A_3 = vector.load %arg1[%get3A, %get3A_2] : memref<512x16xf32, #tpu.memory_space<vmem>>, vector<512x16xf32>
    %slice3A = vector.extract_strided_slice %get3A_3 {offsets = [0, 0], sizes = [512, 3], strides = [1, 1]} : vector<512x16xf32> to vector<512x3xf32>
    %slice3A_4 = vector.extract_strided_slice %get3A_3 {offsets = [0, 0], sizes = [512, 4], strides = [1, 1]} : vector<512x16xf32> to vector<512x4xf32>
    %slice3A_5 = vector.extract_strided_slice %get3A_3 {offsets = [0, 4], sizes = [512, 3], strides = [1, 1]} : vector<512x16xf32> to vector<512x3xf32>
    %slice3A_6 = vector.extract_strided_slice %get3A_3 {offsets = [0, 8], sizes = [512, 3], strides = [1, 1]} : vector<512x16xf32> to vector<512x3xf32>
    %get3A_7 = arith.constant 0 : index
    %get3A_8 = arith.constant 0 : index
    %get3A_9 = vector.load %arg2[%get3A_7, %get3A_8] : memref<512x128xf32, #tpu.memory_space<vmem>>, vector<512x3xf32>
    %broadcast_in_dim3A = arith.constant 5.000000e+01 : f32
    %broadcast_in_dim3A_10 = vector.broadcast %broadcast_in_dim3A : f32 to vector<512x1xf32>
    %broadcast_in_dim3A_11 = arith.constant 5.000000e+01 : f32
    %broadcast_in_dim3A_12 = vector.broadcast %broadcast_in_dim3A_11 : f32 to vector<512x1xf32>
    %broadcast_in_dim3A_13 = arith.constant 4.000000e+00 : f32
    %broadcast_in_dim3A_14 = vector.broadcast %broadcast_in_dim3A_13 : f32 to vector<512x1xf32>
    %concatenate3A = tpu.concatenate %broadcast_in_dim3A_10, %broadcast_in_dim3A_12, %broadcast_in_dim3A_14 in 1 : vector<512x1xf32>, vector<512x1xf32>, vector<512x1xf32> -> vector<512x3xf32>
    %mul3A = arith.constant 1.000000e-01 : f32
    %mul3A_15 = vector.broadcast %mul3A : f32 to vector<512x3xf32>
    %mul3A_16 = arith.mulf %slice3A_6, %mul3A_15 : vector<512x3xf32>
    %sub3A = arith.subf %slice3A, %mul3A_16 : vector<512x3xf32>
    %iota3A = tpu.iota {dimensions = array<i32: 0>} : vector<512x1xi32>
    %mul3A_17 = arith.constant 512 : i32
    %mul3A_18 = arith.muli %arg0, %mul3A_17 : i32
    %add3A = vector.broadcast %mul3A_18 : i32 to vector<512x1xi32>
    %add3A_19 = arith.addi %iota3A, %add3A : vector<512x1xi32>
    %lt3A = arith.constant 400000 : i32
    %lt3A_20 = vector.broadcast %lt3A : i32 to vector<512x1xi32>
    %lt3A_21 = arith.cmpi slt, %add3A_19, %lt3A_20 : vector<512x1xi32>
    %sub3A_22 = arith.subf %slice3A, %get3A_9 : vector<512x3xf32>
    %broadcast_in_dim3A_23 = arith.constant 0.000000e+00 : f32
    %broadcast_in_dim3A_24 = vector.broadcast %broadcast_in_dim3A_23 : f32 to vector<512x3xf32>
    %concatenate3A_25 = tpu.concatenate %slice3A_4, %sub3A_22, %sub3A, %slice3A_5, %broadcast_in_dim3A_24 in 1 : vector<512x4xf32>, vector<512x3xf32>, vector<512x3xf32>, vector<512x3xf32>, vector<512x3xf32> -> vector<512x16xf32>
    %jit3A = arith.constant 0.000000e+00 : f32
    %broadcast_in_dim3A_26 = vector.shape_cast %lt3A_21 : vector<512x1xi1> to vector<512x1xi1>
    %broadcast_in_dim3A_27 = vector.broadcast %broadcast_in_dim3A_26 : vector<512x1xi1> to vector<512x16xi1>
    %broadcast_in_dim3A_28 = vector.broadcast %jit3A : f32 to vector<512x16xf32>
    %select_n3A = arith.select %broadcast_in_dim3A_27, %concatenate3A_25, %broadcast_in_dim3A_28 : vector<512x16xi1>, vector<512x16xf32>
    %broadcast_in_dim3A_29 = arith.constant 0.000000e+00 : f32
    %broadcast_in_dim3A_30 = vector.broadcast %broadcast_in_dim3A_29 : f32 to vector<512x7xf32>
    %broadcast_in_dim3A_31 = arith.constant 0.000000e+00 : f32
    %broadcast_in_dim3A_32 = vector.broadcast %broadcast_in_dim3A_31 : f32 to vector<512x6xf32>
    %concatenate3A_33 = tpu.concatenate %broadcast_in_dim3A_30, %concatenate3A, %broadcast_in_dim3A_32 in 1 : vector<512x7xf32>, vector<512x3xf32>, vector<512x6xf32> -> vector<512x16xf32>
    %add3A_34 = arith.addf %select_n3A, %concatenate3A_33 : vector<512x16xf32>
    %jit3A_35 = arith.constant 0.000000e+00 : f32
    %broadcast_in_dim3A_36 = vector.shape_cast %lt3A_21 : vector<512x1xi1> to vector<512x1xi1>
    %broadcast_in_dim3A_37 = vector.broadcast %broadcast_in_dim3A_36 : vector<512x1xi1> to vector<512x16xi1>
    %broadcast_in_dim3A_38 = vector.broadcast %jit3A_35 : f32 to vector<512x16xf32>
    %select_n3A_39 = arith.select %broadcast_in_dim3A_37, %add3A_34, %broadcast_in_dim3A_38 : vector<512x16xi1>, vector<512x16xf32>
    %swap3A = arith.constant 0 : index
    %swap3A_40 = arith.constant 0 : index
    %swap3A_41 = vector.load %arg3[%swap3A, %swap3A_40] : memref<512x16xf32, #tpu.memory_space<vmem>>, vector<512x16xf32>
    tpu.vector_store %arg3[%swap3A, %swap3A_40], %select_n3A_39 {strides = array<i32>} : memref<512x16xf32, #tpu.memory_space<vmem>>, vector<512x16xf32>,
    %dot_general3A = arith.constant dense<0.000000e+00> : vector<16x16xf32>
    %dot_general3A_42 = tpu.matmul %select_n3A, %select_n3A, %dot_general3A {dimension_numbers = #tpu.dot_dimension_numbers<[0], [0], [1], [1], [0, 1, 1, 1], [], []>, precision = #tpu.contract_precision<fp32>, transpose_lhs_hint = false} : vector<512x16xf32>, vector<512x16xf32>, vector<16x16xf32> -> vector<16x16xf32>
    %reduce_sum3A = arith.constant dense<0.000000e+00> : vector<16xf32>
    %reduce_sum3A_43 = vector.multi_reduction <add>, %select_n3A, %reduce_sum3A [0] : vector<512x16xf32> to vector<16xf32>
    %broadcast_in_dim3A_44 = vector.shape_cast %reduce_sum3A_43 : vector<16xf32> to vector<1x16xf32>
    %get3A_45 = arith.constant 0 : index
    %get3A_46 = arith.constant 0 : index
    %get3A_47 = vector.load %arg4[%get3A_45, %get3A_46] : memref<24x16xf32, #tpu.memory_space<vmem>>, vector<16x16xf32>
    %add3A_48 = arith.addf %get3A_47, %dot_general3A_42 : vector<16x16xf32>
    %swap3A_49 = arith.constant 0 : index
    %swap3A_50 = arith.constant 0 : index
    %swap3A_51 = vector.load %arg4[%swap3A_49, %swap3A_50] : memref<24x16xf32, #tpu.memory_space<vmem>>, vector<16x16xf32>
    tpu.vector_store %arg4[%swap3A_49, %swap3A_50], %add3A_48 {strides = array<i32>} : memref<24x16xf32, #tpu.memory_space<vmem>>, vector<16x16xf32>,
    %get3A_52 = arith.constant 16 : index
    %get3A_53 = arith.constant 0 : index
    %get3A_54 = vector.load %arg4[%get3A_52, %get3A_53] : memref<24x16xf32, #tpu.memory_space<vmem>>, vector<1x16xf32>
    %add3A_55 = arith.addf %get3A_54, %broadcast_in_dim3A_44 : vector<1x16xf32>
    %swap3A_56 = arith.constant 16 : index
    %swap3A_57 = arith.constant 0 : index
    %swap3A_58 = vector.load %arg4[%swap3A_56, %swap3A_57] : memref<24x16xf32, #tpu.memory_space<vmem>>, vector<1x16xf32>
    tpu.vector_store %arg4[%swap3A_56, %swap3A_57], %add3A_55 {strides = array<i32>} : memref<24x16xf32, #tpu.memory_space<vmem>>, vector<1x16xf32>,
    return
  }
  func.func @transform_0(%arg0: i32) -> (i32, i32) {
    %c0_i32 = arith.constant 0 : i32
    %c0_i32_0 = arith.constant 0 : i32
    return %arg0, %c0_i32 : i32, i32
  }
  func.func @transform_1(%arg0: i32) -> (i32, i32) {
    %c0_i32 = arith.constant 0 : i32
    %c0_i32_0 = arith.constant 0 : i32
    return %arg0, %c0_i32 : i32, i32
  }
  func.func @transform_2(%arg0: i32) -> (i32, i32) {
    %c0_i32 = arith.constant 0 : i32
    %c0_i32_0 = arith.constant 0 : i32
    return %arg0, %c0_i32 : i32, i32
  }
  func.func @transform_3(%arg0: i32) -> (i32, i32) {
    %c0_i32 = arith.constant 0 : i32
    %c0_i32_0 = arith.constant 0 : i32
    %c0_i32_1 = arith.constant 0 : i32
    return %c0_i32, %c0_i32_0 : i32, i32
  }
}

module attributes {stable_mosaic.version = 14 : i64} {
  func.func @_mlp12_body(%arg0: i32, %arg1: memref<512x16xf32, #tpu.memory_space<vmem>>, %arg2: memref<16x64xf32, #tpu.memory_space<vmem>>, %arg3: memref<1x64xf32, #tpu.memory_space<vmem>>, %arg4: memref<64x64xf32, #tpu.memory_space<vmem>>, %arg5: memref<1x64xf32, #tpu.memory_space<vmem>>, %arg6: memref<512x64xf32, #tpu.memory_space<vmem>>, %arg7: memref<8x64xf32, #tpu.memory_space<vmem>>) attributes {dimension_semantics = [#tpu.dimension_semantics<arbitrary>], iteration_bounds = array<i64: 800>, scalar_prefetch = 0 : i64, scratch_operands = 0 : i64, tpu.core_type = #tpu.core_type<tc>, window_params = [{transform_indices = @transform_0, window_bounds = array<i64: 512, 16>}, {pipeline_mode = #tpu.pipeline_mode<synchronous>, transform_indices = @transform_1, window_bounds = array<i64: 16, 64>}, {pipeline_mode = #tpu.pipeline_mode<synchronous>, transform_indices = @transform_2, window_bounds = array<i64: 1, 64>}, {pipeline_mode = #tpu.pipeline_mode<synchronous>, transform_indices = @transform_3, window_bounds = array<i64: 64, 64>}, {pipeline_mode = #tpu.pipeline_mode<synchronous>, transform_indices = @transform_4, window_bounds = array<i64: 1, 64>}, {transform_indices = @transform_5, window_bounds = array<i64: 512, 64>}, {pipeline_mode = #tpu.pipeline_mode<synchronous>, transform_indices = @transform_6, window_bounds = array<i64: 8, 64>}]} {
    %eq3A = arith.constant 0 : i32
    %eq3A_0 = arith.cmpi eq, %arg0, %eq3A : i32
    %convert_element_type3A = arith.extui %eq3A_0 : i1 to i32
    %cond3A = arith.constant 0 : i32
    %cond3A_1 = arith.cmpi ne, %convert_element_type3A, %cond3A : i32
    scf.if %cond3A_1 {
      %broadcast_in_dim3A_53 = arith.constant 0.000000e+00 : f32
      %broadcast_in_dim3A_54 = vector.broadcast %broadcast_in_dim3A_53 : f32 to vector<8x64xf32>
      %swap3A_55 = arith.constant 0 : index
      %swap3A_56 = arith.constant 0 : index
      %swap3A_57 = vector.load %arg7[%swap3A_55, %swap3A_56] : memref<8x64xf32, #tpu.memory_space<vmem>>, vector<8x64xf32>
      tpu.vector_store %arg7[%swap3A_55, %swap3A_56], %broadcast_in_dim3A_54 {strides = array<i32>} : memref<8x64xf32, #tpu.memory_space<vmem>>, vector<8x64xf32>,
    } else {
    }
    %get3A = arith.constant 0 : index
    %get3A_2 = arith.constant 0 : index
    %get3A_3 = vector.load %arg1[%get3A, %get3A_2] : memref<512x16xf32, #tpu.memory_space<vmem>>, vector<512x16xf32>
    %get3A_4 = arith.constant 0 : index
    %get3A_5 = arith.constant 0 : index
    %get3A_6 = vector.load %arg2[%get3A_4, %get3A_5] : memref<16x64xf32, #tpu.memory_space<vmem>>, vector<16x64xf32>
    %dot_general3A = arith.constant dense<0.000000e+00> : vector<512x64xf32>
    %dot_general3A_7 = tpu.matmul %get3A_3, %get3A_6, %dot_general3A {dimension_numbers = #tpu.dot_dimension_numbers<[1], [0], [0], [1], [0, 0, 1, 1], [], []>, precision = #tpu.contract_precision<fp32>, transpose_lhs_hint = false} : vector<512x16xf32>, vector<16x64xf32>, vector<512x64xf32> -> vector<512x64xf32>
    %get3A_8 = arith.constant 0 : index
    %get3A_9 = arith.constant 0 : index
    %get3A_10 = vector.load %arg3[%get3A_8, %get3A_9] : memref<1x64xf32, #tpu.memory_space<vmem>>, vector<1x64xf32>
    %add3A = vector.broadcast %get3A_10 : vector<1x64xf32> to vector<512x64xf32>
    %add3A_11 = arith.addf %dot_general3A_7, %add3A : vector<512x64xf32>
    %max3A = arith.constant 0.000000e+00 : f32
    %max3A_12 = vector.broadcast %max3A : f32 to vector<512x64xf32>
    %max3A_13 = arith.maximumf %add3A_11, %max3A_12 : vector<512x64xf32>
    %get3A_14 = arith.constant 0 : index
    %get3A_15 = arith.constant 0 : index
    %get3A_16 = vector.load %arg4[%get3A_14, %get3A_15] : memref<64x64xf32, #tpu.memory_space<vmem>>, vector<64x64xf32>
    %dot_general3A_17 = arith.constant dense<0.000000e+00> : vector<512x64xf32>
    %dot_general3A_18 = tpu.matmul %max3A_13, %get3A_16, %dot_general3A_17 {dimension_numbers = #tpu.dot_dimension_numbers<[1], [0], [0], [1], [0, 0, 1, 1], [], []>, precision = #tpu.contract_precision<fp32>, transpose_lhs_hint = false} : vector<512x64xf32>, vector<64x64xf32>, vector<512x64xf32> -> vector<512x64xf32>
    %get3A_19 = arith.constant 0 : index
    %get3A_20 = arith.constant 0 : index
    %get3A_21 = vector.load %arg5[%get3A_19, %get3A_20] : memref<1x64xf32, #tpu.memory_space<vmem>>, vector<1x64xf32>
    %add3A_22 = vector.broadcast %get3A_21 : vector<1x64xf32> to vector<512x64xf32>
    %add3A_23 = arith.addf %dot_general3A_18, %add3A_22 : vector<512x64xf32>
    %iota3A = tpu.iota {dimensions = array<i32: 0>} : vector<512x1xi32>
    %mul3A = arith.constant 512 : i32
    %mul3A_24 = arith.muli %arg0, %mul3A : i32
    %add3A_25 = vector.broadcast %mul3A_24 : i32 to vector<512x1xi32>
    %add3A_26 = arith.addi %iota3A, %add3A_25 : vector<512x1xi32>
    %lt3A = arith.constant 400000 : i32
    %lt3A_27 = vector.broadcast %lt3A : i32 to vector<512x1xi32>
    %lt3A_28 = arith.cmpi slt, %add3A_26, %lt3A_27 : vector<512x1xi32>
    %jit3A = arith.constant 0.000000e+00 : f32
    %broadcast_in_dim3A = vector.shape_cast %lt3A_28 : vector<512x1xi1> to vector<512x1xi1>
    %broadcast_in_dim3A_29 = vector.broadcast %broadcast_in_dim3A : vector<512x1xi1> to vector<512x64xi1>
    %broadcast_in_dim3A_30 = vector.broadcast %jit3A : f32 to vector<512x64xf32>
    %select_n3A = arith.select %broadcast_in_dim3A_29, %add3A_23, %broadcast_in_dim3A_30 : vector<512x64xi1>, vector<512x64xf32>
    %swap3A = arith.constant 0 : index
    %swap3A_31 = arith.constant 0 : index
    %swap3A_32 = vector.load %arg6[%swap3A, %swap3A_31] : memref<512x64xf32, #tpu.memory_space<vmem>>, vector<512x64xf32>
    tpu.vector_store %arg6[%swap3A, %swap3A_31], %select_n3A {strides = array<i32>} : memref<512x64xf32, #tpu.memory_space<vmem>>, vector<512x64xf32>,
    %get3A_33 = arith.constant 0 : index
    %get3A_34 = arith.constant 0 : index
    %get3A_35 = vector.load %arg7[%get3A_33, %get3A_34] : memref<8x64xf32, #tpu.memory_space<vmem>>, vector<1x64xf32>
    %reduce_sum3A = arith.constant dense<0.000000e+00> : vector<64xf32>
    %reduce_sum3A_36 = vector.multi_reduction <add>, %select_n3A, %reduce_sum3A [0] : vector<512x64xf32> to vector<64xf32>
    %broadcast_in_dim3A_37 = vector.shape_cast %reduce_sum3A_36 : vector<64xf32> to vector<1x64xf32>
    %add3A_38 = arith.addf %get3A_35, %broadcast_in_dim3A_37 : vector<1x64xf32>
    %swap3A_39 = arith.constant 0 : index
    %swap3A_40 = arith.constant 0 : index
    %swap3A_41 = vector.load %arg7[%swap3A_39, %swap3A_40] : memref<8x64xf32, #tpu.memory_space<vmem>>, vector<1x64xf32>
    tpu.vector_store %arg7[%swap3A_39, %swap3A_40], %add3A_38 {strides = array<i32>} : memref<8x64xf32, #tpu.memory_space<vmem>>, vector<1x64xf32>,
    %get3A_42 = arith.constant 1 : index
    %get3A_43 = arith.constant 0 : index
    %get3A_44 = vector.load %arg7[%get3A_42, %get3A_43] : memref<8x64xf32, #tpu.memory_space<vmem>>, vector<1x64xf32>
    %mul3A_45 = arith.mulf %select_n3A, %select_n3A : vector<512x64xf32>
    %reduce_sum3A_46 = arith.constant dense<0.000000e+00> : vector<64xf32>
    %reduce_sum3A_47 = vector.multi_reduction <add>, %mul3A_45, %reduce_sum3A_46 [0] : vector<512x64xf32> to vector<64xf32>
    %broadcast_in_dim3A_48 = vector.shape_cast %reduce_sum3A_47 : vector<64xf32> to vector<1x64xf32>
    %add3A_49 = arith.addf %get3A_44, %broadcast_in_dim3A_48 : vector<1x64xf32>
    %swap3A_50 = arith.constant 1 : index
    %swap3A_51 = arith.constant 0 : index
    %swap3A_52 = vector.load %arg7[%swap3A_50, %swap3A_51] : memref<8x64xf32, #tpu.memory_space<vmem>>, vector<1x64xf32>
    tpu.vector_store %arg7[%swap3A_50, %swap3A_51], %add3A_49 {strides = array<i32>} : memref<8x64xf32, #tpu.memory_space<vmem>>, vector<1x64xf32>,
    return
  }
  func.func @transform_0(%arg0: i32) -> (i32, i32) {
    %c0_i32 = arith.constant 0 : i32
    %c0_i32_0 = arith.constant 0 : i32
    return %arg0, %c0_i32 : i32, i32
  }
  func.func @transform_1(%arg0: i32) -> (i32, i32) {
    %c0_i32 = arith.constant 0 : i32
    %c0_i32_0 = arith.constant 0 : i32
    %c0_i32_1 = arith.constant 0 : i32
    return %c0_i32, %c0_i32_0 : i32, i32
  }
  func.func @transform_2(%arg0: i32) -> (i32, i32) {
    %c0_i32 = arith.constant 0 : i32
    %c0_i32_0 = arith.constant 0 : i32
    %c0_i32_1 = arith.constant 0 : i32
    return %c0_i32, %c0_i32_0 : i32, i32
  }
  func.func @transform_3(%arg0: i32) -> (i32, i32) {
    %c0_i32 = arith.constant 0 : i32
    %c0_i32_0 = arith.constant 0 : i32
    %c0_i32_1 = arith.constant 0 : i32
    return %c0_i32, %c0_i32_0 : i32, i32
  }
  func.func @transform_4(%arg0: i32) -> (i32, i32) {
    %c0_i32 = arith.constant 0 : i32
    %c0_i32_0 = arith.constant 0 : i32
    %c0_i32_1 = arith.constant 0 : i32
    return %c0_i32, %c0_i32_0 : i32, i32
  }
  func.func @transform_5(%arg0: i32) -> (i32, i32) {
    %c0_i32 = arith.constant 0 : i32
    %c0_i32_0 = arith.constant 0 : i32
    return %arg0, %c0_i32 : i32, i32
  }
  func.func @transform_6(%arg0: i32) -> (i32, i32) {
    %c0_i32 = arith.constant 0 : i32
    %c0_i32_0 = arith.constant 0 : i32
    %c0_i32_1 = arith.constant 0 : i32
    return %c0_i32, %c0_i32_0 : i32, i32
  }
}

module attributes {stable_mosaic.version = 14 : i64} {
  func.func @_h2sum_body(%arg0: i32, %arg1: memref<512x64xf32, #tpu.memory_space<vmem>>, %arg2: memref<1x64xf32, #tpu.memory_space<vmem>>, %arg3: memref<1x64xf32, #tpu.memory_space<vmem>>, %arg4: memref<8x64xf32, #tpu.memory_space<vmem>>) attributes {dimension_semantics = [#tpu.dimension_semantics<arbitrary>], iteration_bounds = array<i64: 800>, scalar_prefetch = 0 : i64, scratch_operands = 0 : i64, tpu.core_type = #tpu.core_type<tc>, window_params = [{transform_indices = @transform_0, window_bounds = array<i64: 512, 64>}, {pipeline_mode = #tpu.pipeline_mode<synchronous>, transform_indices = @transform_1, window_bounds = array<i64: 1, 64>}, {pipeline_mode = #tpu.pipeline_mode<synchronous>, transform_indices = @transform_2, window_bounds = array<i64: 1, 64>}, {pipeline_mode = #tpu.pipeline_mode<synchronous>, transform_indices = @transform_3, window_bounds = array<i64: 8, 64>}]} {
    %eq3A = arith.constant 0 : i32
    %eq3A_0 = arith.cmpi eq, %arg0, %eq3A : i32
    %convert_element_type3A = arith.extui %eq3A_0 : i1 to i32
    %cond3A = arith.constant 0 : i32
    %cond3A_1 = arith.cmpi ne, %convert_element_type3A, %cond3A : i32
    scf.if %cond3A_1 {
      %broadcast_in_dim3A_30 = arith.constant 0.000000e+00 : f32
      %broadcast_in_dim3A_31 = vector.broadcast %broadcast_in_dim3A_30 : f32 to vector<8x64xf32>
      %swap3A_32 = arith.constant 0 : index
      %swap3A_33 = arith.constant 0 : index
      %swap3A_34 = vector.load %arg4[%swap3A_32, %swap3A_33] : memref<8x64xf32, #tpu.memory_space<vmem>>, vector<8x64xf32>
      tpu.vector_store %arg4[%swap3A_32, %swap3A_33], %broadcast_in_dim3A_31 {strides = array<i32>} : memref<8x64xf32, #tpu.memory_space<vmem>>, vector<8x64xf32>,
    } else {
    }
    %get3A = arith.constant 0 : index
    %get3A_2 = arith.constant 0 : index
    %get3A_3 = vector.load %arg1[%get3A, %get3A_2] : memref<512x64xf32, #tpu.memory_space<vmem>>, vector<512x64xf32>
    %get3A_4 = arith.constant 0 : index
    %get3A_5 = arith.constant 0 : index
    %get3A_6 = vector.load %arg2[%get3A_4, %get3A_5] : memref<1x64xf32, #tpu.memory_space<vmem>>, vector<1x64xf32>
    %mul3A = vector.broadcast %get3A_6 : vector<1x64xf32> to vector<512x64xf32>
    %mul3A_7 = arith.mulf %get3A_3, %mul3A : vector<512x64xf32>
    %get3A_8 = arith.constant 0 : index
    %get3A_9 = arith.constant 0 : index
    %get3A_10 = vector.load %arg3[%get3A_8, %get3A_9] : memref<1x64xf32, #tpu.memory_space<vmem>>, vector<1x64xf32>
    %add3A = vector.broadcast %get3A_10 : vector<1x64xf32> to vector<512x64xf32>
    %add3A_11 = arith.addf %mul3A_7, %add3A : vector<512x64xf32>
    %max3A = arith.constant 0.000000e+00 : f32
    %max3A_12 = vector.broadcast %max3A : f32 to vector<512x64xf32>
    %max3A_13 = arith.maximumf %add3A_11, %max3A_12 : vector<512x64xf32>
    %iota3A = tpu.iota {dimensions = array<i32: 0>} : vector<512x1xi32>
    %mul3A_14 = arith.constant 512 : i32
    %mul3A_15 = arith.muli %arg0, %mul3A_14 : i32
    %add3A_16 = vector.broadcast %mul3A_15 : i32 to vector<512x1xi32>
    %add3A_17 = arith.addi %iota3A, %add3A_16 : vector<512x1xi32>
    %lt3A = arith.constant 400000 : i32
    %lt3A_18 = vector.broadcast %lt3A : i32 to vector<512x1xi32>
    %lt3A_19 = arith.cmpi slt, %add3A_17, %lt3A_18 : vector<512x1xi32>
    %jit3A = arith.constant 0.000000e+00 : f32
    %broadcast_in_dim3A = vector.shape_cast %lt3A_19 : vector<512x1xi1> to vector<512x1xi1>
    %broadcast_in_dim3A_20 = vector.broadcast %broadcast_in_dim3A : vector<512x1xi1> to vector<512x64xi1>
    %broadcast_in_dim3A_21 = vector.broadcast %jit3A : f32 to vector<512x64xf32>
    %select_n3A = arith.select %broadcast_in_dim3A_20, %max3A_13, %broadcast_in_dim3A_21 : vector<512x64xi1>, vector<512x64xf32>
    %get3A_22 = arith.constant 0 : index
    %get3A_23 = arith.constant 0 : index
    %get3A_24 = vector.load %arg4[%get3A_22, %get3A_23] : memref<8x64xf32, #tpu.memory_space<vmem>>, vector<1x64xf32>
    %reduce_sum3A = arith.constant dense<0.000000e+00> : vector<64xf32>
    %reduce_sum3A_25 = vector.multi_reduction <add>, %select_n3A, %reduce_sum3A [0] : vector<512x64xf32> to vector<64xf32>
    %broadcast_in_dim3A_26 = vector.shape_cast %reduce_sum3A_25 : vector<64xf32> to vector<1x64xf32>
    %add3A_27 = arith.addf %get3A_24, %broadcast_in_dim3A_26 : vector<1x64xf32>
    %swap3A = arith.constant 0 : index
    %swap3A_28 = arith.constant 0 : index
    %swap3A_29 = vector.load %arg4[%swap3A, %swap3A_28] : memref<8x64xf32, #tpu.memory_space<vmem>>, vector<1x64xf32>
    tpu.vector_store %arg4[%swap3A, %swap3A_28], %add3A_27 {strides = array<i32>} : memref<8x64xf32, #tpu.memory_space<vmem>>, vector<1x64xf32>,
    return
  }
  func.func @transform_0(%arg0: i32) -> (i32, i32) {
    %c0_i32 = arith.constant 0 : i32
    %c0_i32_0 = arith.constant 0 : i32
    return %arg0, %c0_i32 : i32, i32
  }
  func.func @transform_1(%arg0: i32) -> (i32, i32) {
    %c0_i32 = arith.constant 0 : i32
    %c0_i32_0 = arith.constant 0 : i32
    %c0_i32_1 = arith.constant 0 : i32
    return %c0_i32, %c0_i32_0 : i32, i32
  }
  func.func @transform_2(%arg0: i32) -> (i32, i32) {
    %c0_i32 = arith.constant 0 : i32
    %c0_i32_0 = arith.constant 0 : i32
    %c0_i32_1 = arith.constant 0 : i32
    return %c0_i32, %c0_i32_0 : i32, i32
  }
  func.func @transform_3(%arg0: i32) -> (i32, i32) {
    %c0_i32 = arith.constant 0 : i32
    %c0_i32_0 = arith.constant 0 : i32
    %c0_i32_1 = arith.constant 0 : i32
    return %c0_i32, %c0_i32_0 : i32, i32
  }
}

module attributes {stable_mosaic.version = 14 : i64} {
  func.func @_mlp3cs_body(%arg0: i32, %arg1: memref<512x64xf32, #tpu.memory_space<vmem>>, %arg2: memref<1x64xf32, #tpu.memory_space<vmem>>, %arg3: memref<1x64xf32, #tpu.memory_space<vmem>>, %arg4: memref<64x128xf32, #tpu.memory_space<vmem>>, %arg5: memref<1x128xf32, #tpu.memory_space<vmem>>, %arg6: memref<1x128xf32, #tpu.memory_space<vmem>>, %arg7: memref<512x128xf32, #tpu.memory_space<vmem>>, %arg8: memref<8x128xf32, #tpu.memory_space<vmem>>) attributes {dimension_semantics = [#tpu.dimension_semantics<arbitrary>], iteration_bounds = array<i64: 800>, scalar_prefetch = 0 : i64, scratch_operands = 1 : i64, tpu.core_type = #tpu.core_type<tc>, window_params = [{transform_indices = @transform_0, window_bounds = array<i64: 512, 64>}, {pipeline_mode = #tpu.pipeline_mode<synchronous>, transform_indices = @transform_1, window_bounds = array<i64: 1, 64>}, {pipeline_mode = #tpu.pipeline_mode<synchronous>, transform_indices = @transform_2, window_bounds = array<i64: 1, 64>}, {pipeline_mode = #tpu.pipeline_mode<synchronous>, transform_indices = @transform_3, window_bounds = array<i64: 64, 128>}, {pipeline_mode = #tpu.pipeline_mode<synchronous>, transform_indices = @transform_4, window_bounds = array<i64: 1, 128>}, {pipeline_mode = #tpu.pipeline_mode<synchronous>, transform_indices = @transform_5, window_bounds = array<i64: 1, 128>}, {transform_indices = @transform_6, window_bounds = array<i64: 512, 128>}]} {
    %eq3A = arith.constant 0 : i32
    %eq3A_0 = arith.cmpi eq, %arg0, %eq3A : i32
    %convert_element_type3A = arith.extui %eq3A_0 : i1 to i32
    %cond3A = arith.constant 0 : i32
    %cond3A_1 = arith.cmpi ne, %convert_element_type3A, %cond3A : i32
    scf.if %cond3A_1 {
      %broadcast_in_dim3A_54 = arith.constant 0.000000e+00 : f32
      %broadcast_in_dim3A_55 = vector.broadcast %broadcast_in_dim3A_54 : f32 to vector<8x128xf32>
      %swap3A_56 = arith.constant 0 : index
      %swap3A_57 = arith.constant 0 : index
      %swap3A_58 = vector.load %arg8[%swap3A_56, %swap3A_57] : memref<8x128xf32, #tpu.memory_space<vmem>>, vector<8x128xf32>
      tpu.vector_store %arg8[%swap3A_56, %swap3A_57], %broadcast_in_dim3A_55 {strides = array<i32>} : memref<8x128xf32, #tpu.memory_space<vmem>>, vector<8x128xf32>,
    } else {
    }
    %get3A = arith.constant 0 : index
    %get3A_2 = arith.constant 0 : index
    %get3A_3 = vector.load %arg1[%get3A, %get3A_2] : memref<512x64xf32, #tpu.memory_space<vmem>>, vector<512x64xf32>
    %get3A_4 = arith.constant 0 : index
    %get3A_5 = arith.constant 0 : index
    %get3A_6 = vector.load %arg2[%get3A_4, %get3A_5] : memref<1x64xf32, #tpu.memory_space<vmem>>, vector<1x64xf32>
    %mul3A = vector.broadcast %get3A_6 : vector<1x64xf32> to vector<512x64xf32>
    %mul3A_7 = arith.mulf %get3A_3, %mul3A : vector<512x64xf32>
    %get3A_8 = arith.constant 0 : index
    %get3A_9 = arith.constant 0 : index
    %get3A_10 = vector.load %arg3[%get3A_8, %get3A_9] : memref<1x64xf32, #tpu.memory_space<vmem>>, vector<1x64xf32>
    %add3A = vector.broadcast %get3A_10 : vector<1x64xf32> to vector<512x64xf32>
    %add3A_11 = arith.addf %mul3A_7, %add3A : vector<512x64xf32>
    %max3A = arith.constant 0.000000e+00 : f32
    %max3A_12 = vector.broadcast %max3A : f32 to vector<512x64xf32>
    %max3A_13 = arith.maximumf %add3A_11, %max3A_12 : vector<512x64xf32>
    %get3A_14 = arith.constant 0 : index
    %get3A_15 = arith.constant 0 : index
    %get3A_16 = vector.load %arg4[%get3A_14, %get3A_15] : memref<64x128xf32, #tpu.memory_space<vmem>>, vector<64x128xf32>
    %dot_general3A = arith.constant dense<0.000000e+00> : vector<512x128xf32>
    %dot_general3A_17 = tpu.matmul %max3A_13, %get3A_16, %dot_general3A {dimension_numbers = #tpu.dot_dimension_numbers<[1], [0], [0], [1], [0, 0, 1, 1], [], []>, precision = #tpu.contract_precision<fp32>, transpose_lhs_hint = false} : vector<512x64xf32>, vector<64x128xf32>, vector<512x128xf32> -> vector<512x128xf32>
    %get3A_18 = arith.constant 0 : index
    %get3A_19 = arith.constant 0 : index
    %get3A_20 = vector.load %arg5[%get3A_18, %get3A_19] : memref<1x128xf32, #tpu.memory_space<vmem>>, vector<1x128xf32>
    %add3A_21 = vector.broadcast %get3A_20 : vector<1x128xf32> to vector<512x128xf32>
    %add3A_22 = arith.addf %dot_general3A_17, %add3A_21 : vector<512x128xf32>
    %get3A_23 = arith.constant 0 : index
    %get3A_24 = arith.constant 0 : index
    %get3A_25 = vector.load %arg6[%get3A_23, %get3A_24] : memref<1x128xf32, #tpu.memory_space<vmem>>, vector<1x128xf32>
    %sub3A = vector.broadcast %get3A_25 : vector<1x128xf32> to vector<512x128xf32>
    %sub3A_26 = arith.subf %add3A_22, %sub3A : vector<512x128xf32>
    %iota3A = tpu.iota {dimensions = array<i32: 0>} : vector<512x1xi32>
    %mul3A_27 = arith.constant 512 : i32
    %mul3A_28 = arith.muli %arg0, %mul3A_27 : i32
    %add3A_29 = vector.broadcast %mul3A_28 : i32 to vector<512x1xi32>
    %add3A_30 = arith.addi %iota3A, %add3A_29 : vector<512x1xi32>
    %lt3A = arith.constant 400000 : i32
    %lt3A_31 = vector.broadcast %lt3A : i32 to vector<512x1xi32>
    %lt3A_32 = arith.cmpi slt, %add3A_30, %lt3A_31 : vector<512x1xi32>
    %jit3A = arith.constant 0.000000e+00 : f32
    %broadcast_in_dim3A = vector.shape_cast %lt3A_32 : vector<512x1xi1> to vector<512x1xi1>
    %broadcast_in_dim3A_33 = vector.broadcast %broadcast_in_dim3A : vector<512x1xi1> to vector<512x128xi1>
    %broadcast_in_dim3A_34 = vector.broadcast %jit3A : f32 to vector<512x128xf32>
    %select_n3A = arith.select %broadcast_in_dim3A_33, %sub3A_26, %broadcast_in_dim3A_34 : vector<512x128xi1>, vector<512x128xf32>
    %iota3A_35 = tpu.iota {dimensions = array<i32: 0>} : vector<512x512xi32>
    %iota3A_36 = tpu.iota {dimensions = array<i32: 1>} : vector<512x512xi32>
    %ge3A = arith.cmpi sge, %iota3A_35, %iota3A_36 : vector<512x512xi32>
    %jit3A_37 = arith.constant 1.000000e+00 : f32
    %jit3A_38 = arith.constant 0.000000e+00 : f32
    %broadcast_in_dim3A_39 = vector.broadcast %jit3A_37 : f32 to vector<512x512xf32>
    %broadcast_in_dim3A_40 = vector.broadcast %jit3A_38 : f32 to vector<512x512xf32>
    %select_n3A_41 = arith.select %ge3A, %broadcast_in_dim3A_39, %broadcast_in_dim3A_40 : vector<512x512xi1>, vector<512x512xf32>
    %dot_general3A_42 = arith.constant dense<0.000000e+00> : vector<512x128xf32>
    %dot_general3A_43 = tpu.matmul %select_n3A_41, %select_n3A, %dot_general3A_42 {dimension_numbers = #tpu.dot_dimension_numbers<[1], [0], [0], [1], [0, 0, 1, 1], [], []>, precision = #tpu.contract_precision<fp32>, transpose_lhs_hint = false} : vector<512x512xf32>, vector<512x128xf32>, vector<512x128xf32> -> vector<512x128xf32>
    %get3A_44 = arith.constant 0 : index
    %get3A_45 = arith.constant 0 : index
    %get3A_46 = vector.load %arg8[%get3A_44, %get3A_45] : memref<8x128xf32, #tpu.memory_space<vmem>>, vector<1x128xf32>
    %add3A_47 = vector.broadcast %get3A_46 : vector<1x128xf32> to vector<512x128xf32>
    %add3A_48 = arith.addf %dot_general3A_43, %add3A_47 : vector<512x128xf32>
    %swap3A = arith.constant 0 : index
    %swap3A_49 = arith.constant 0 : index
    %swap3A_50 = vector.load %arg7[%swap3A, %swap3A_49] : memref<512x128xf32, #tpu.memory_space<vmem>>, vector<512x128xf32>
    tpu.vector_store %arg7[%swap3A, %swap3A_49], %add3A_48 {strides = array<i32>} : memref<512x128xf32, #tpu.memory_space<vmem>>, vector<512x128xf32>,
    %slice3A = vector.extract_strided_slice %add3A_48 {offsets = [511, 0], sizes = [1, 128], strides = [1, 1]} : vector<512x128xf32> to vector<1x128xf32>
    %swap3A_51 = arith.constant 0 : index
    %swap3A_52 = arith.constant 0 : index
    %swap3A_53 = vector.load %arg8[%swap3A_51, %swap3A_52] : memref<8x128xf32, #tpu.memory_space<vmem>>, vector<1x128xf32>
    tpu.vector_store %arg8[%swap3A_51, %swap3A_52], %slice3A {strides = array<i32>} : memref<8x128xf32, #tpu.memory_space<vmem>>, vector<1x128xf32>,
    return
  }
  func.func @transform_0(%arg0: i32) -> (i32, i32) {
    %c0_i32 = arith.constant 0 : i32
    %c0_i32_0 = arith.constant 0 : i32
    return %arg0, %c0_i32 : i32, i32
  }
  func.func @transform_1(%arg0: i32) -> (i32, i32) {
    %c0_i32 = arith.constant 0 : i32
    %c0_i32_0 = arith.constant 0 : i32
    %c0_i32_1 = arith.constant 0 : i32
    return %c0_i32, %c0_i32_0 : i32, i32
  }
  func.func @transform_2(%arg0: i32) -> (i32, i32) {
    %c0_i32 = arith.constant 0 : i32
    %c0_i32_0 = arith.constant 0 : i32
    %c0_i32_1 = arith.constant 0 : i32
    return %c0_i32, %c0_i32_0 : i32, i32
  }
  func.func @transform_3(%arg0: i32) -> (i32, i32) {
    %c0_i32 = arith.constant 0 : i32
    %c0_i32_0 = arith.constant 0 : i32
    %c0_i32_1 = arith.constant 0 : i32
    return %c0_i32, %c0_i32_0 : i32, i32
  }
  func.func @transform_4(%arg0: i32) -> (i32, i32) {
    %c0_i32 = arith.constant 0 : i32
    %c0_i32_0 = arith.constant 0 : i32
    %c0_i32_1 = arith.constant 0 : i32
    return %c0_i32, %c0_i32_0 : i32, i32
  }
  func.func @transform_5(%arg0: i32) -> (i32, i32) {
    %c0_i32 = arith.constant 0 : i32
    %c0_i32_0 = arith.constant 0 : i32
    %c0_i32_1 = arith.constant 0 : i32
    return %c0_i32, %c0_i32_0 : i32, i32
  }
  func.func @transform_6(%arg0: i32) -> (i32, i32) {
    %c0_i32 = arith.constant 0 : i32
    %c0_i32_0 = arith.constant 0 : i32
    return %arg0, %c0_i32 : i32, i32
  }
}

module attributes {stable_mosaic.version = 14 : i64} {
  func.func @_vox_feat_body(%arg0: i32, %arg1: memref<512x128xf32, #tpu.memory_space<vmem>>, %arg2: memref<512x128xf32, #tpu.memory_space<vmem>>, %arg3: memref<512x128xf32, #tpu.memory_space<vmem>>, %arg4: memref<1x64xf32, #tpu.memory_space<vmem>>, %arg5: memref<512x64xf32, #tpu.memory_space<vmem>>) attributes {dimension_semantics = [#tpu.dimension_semantics<arbitrary>], iteration_bounds = array<i64: 128>, scalar_prefetch = 0 : i64, scratch_operands = 0 : i64, tpu.core_type = #tpu.core_type<tc>, window_params = [{transform_indices = @transform_0, window_bounds = array<i64: 512, 128>}, {transform_indices = @transform_1, window_bounds = array<i64: 512, 128>}, {transform_indices = @transform_2, window_bounds = array<i64: 512, 128>}, {pipeline_mode = #tpu.pipeline_mode<synchronous>, transform_indices = @transform_3, window_bounds = array<i64: 1, 64>}, {transform_indices = @transform_4, window_bounds = array<i64: 512, 64>}]} {
    %get3A = arith.constant 0 : index
    %get3A_0 = arith.constant 0 : index
    %get3A_1 = vector.load %arg2[%get3A, %get3A_0] : memref<512x128xf32, #tpu.memory_space<vmem>>, vector<512x64xf32>
    %get3A_2 = arith.constant 0 : index
    %get3A_3 = arith.constant 0 : index
    %get3A_4 = vector.load %arg1[%get3A_2, %get3A_3] : memref<512x128xf32, #tpu.memory_space<vmem>>, vector<512x64xf32>
    %sub3A = arith.subf %get3A_1, %get3A_4 : vector<512x64xf32>
    %get3A_5 = arith.constant 0 : index
    %get3A_6 = arith.constant 3 : index
    %get3A_7 = vector.load %arg3[%get3A_5, %get3A_6] : memref<512x128xf32, #tpu.memory_space<vmem>>, vector<512x1xf32>
    %gt3A = arith.constant 0.000000e+00 : f32
    %gt3A_8 = vector.broadcast %gt3A : f32 to vector<512x1xf32>
    %gt3A_9 = arith.cmpf ogt, %get3A_7, %gt3A_8 : vector<512x1xf32>
    %jit3A = arith.constant 1.000000e+00 : f32
    %jit3A_10 = arith.constant 0.000000e+00 : f32
    %broadcast_in_dim3A = vector.broadcast %jit3A : f32 to vector<512x1xf32>
    %broadcast_in_dim3A_11 = vector.broadcast %jit3A_10 : f32 to vector<512x1xf32>
    %select_n3A = arith.select %gt3A_9, %broadcast_in_dim3A, %broadcast_in_dim3A_11 : vector<512x1xi1>, vector<512x1xf32>
    %max3A = arith.constant 1.000000e+00 : f32
    %max3A_12 = vector.broadcast %max3A : f32 to vector<512x1xf32>
    %max3A_13 = arith.maximumf %get3A_7, %max3A_12 : vector<512x1xf32>
    %div3A = vector.broadcast %max3A_13 : vector<512x1xf32> to vector<512x64xf32>
    %div3A_14 = arith.divf %sub3A, %div3A : vector<512x64xf32>
    %get3A_15 = arith.constant 0 : index
    %get3A_16 = arith.constant 0 : index
    %get3A_17 = vector.load %arg4[%get3A_15, %get3A_16] : memref<1x64xf32, #tpu.memory_space<vmem>>, vector<1x64xf32>
    %add3A = vector.broadcast %get3A_17 : vector<1x64xf32> to vector<512x64xf32>
    %add3A_18 = arith.addf %div3A_14, %add3A : vector<512x64xf32>
    %mul3A = vector.broadcast %select_n3A : vector<512x1xf32> to vector<512x64xf32>
    %mul3A_19 = arith.mulf %add3A_18, %mul3A : vector<512x64xf32>
    %swap3A = arith.constant 0 : index
    %swap3A_20 = arith.constant 0 : index
    %swap3A_21 = vector.load %arg5[%swap3A, %swap3A_20] : memref<512x64xf32, #tpu.memory_space<vmem>>, vector<512x64xf32>
    tpu.vector_store %arg5[%swap3A, %swap3A_20], %mul3A_19 {strides = array<i32>} : memref<512x64xf32, #tpu.memory_space<vmem>>, vector<512x64xf32>,
    return
  }
  func.func @transform_0(%arg0: i32) -> (i32, i32) {
    %c0_i32 = arith.constant 0 : i32
    %c0_i32_0 = arith.constant 0 : i32
    return %arg0, %c0_i32 : i32, i32
  }
  func.func @transform_1(%arg0: i32) -> (i32, i32) {
    %c0_i32 = arith.constant 0 : i32
    %c0_i32_0 = arith.constant 0 : i32
    return %arg0, %c0_i32 : i32, i32
  }
  func.func @transform_2(%arg0: i32) -> (i32, i32) {
    %c0_i32 = arith.constant 0 : i32
    %c0_i32_0 = arith.constant 0 : i32
    return %arg0, %c0_i32 : i32, i32
  }
  func.func @transform_3(%arg0: i32) -> (i32, i32) {
    %c0_i32 = arith.constant 0 : i32
    %c0_i32_0 = arith.constant 0 : i32
    %c0_i32_1 = arith.constant 0 : i32
    return %c0_i32, %c0_i32_0 : i32, i32
  }
  func.func @transform_4(%arg0: i32) -> (i32, i32) {
    %c0_i32 = arith.constant 0 : i32
    %c0_i32_0 = arith.constant 0 : i32
    return %arg0, %c0_i32 : i32, i32
  }
}

</mosaic_0001>

<sc_bundles>
// kernel: gather_offload_async_start.1
scs
__scs_entry_jumppad:
0x0: {  	(pc) =	sbr.rel $0x88, $3  }
0x1: {  	(tag) =	ssettag $0x0;
	lr =	simm.s32 $0x1  }
0x2: {  	[smem:$0x3F91] =	sst lr;
	_ =	strace $0xD0000000  }
0x3: {  	_ = 	snop  }
0x4: {  	_ = 	snop  }
0x5: {  	_ = 	snop  }
0x6: {  	_ = 	snop  }
0x7: {  	_ = 	snop  }
__scs_overlays_trampoline_lowered:
0x8: {  	[smem:$0x3FA0] =	sst s0  }
0x9: {  	[smem:$0x3FA1] =	sst s1  }
0xa: {  	[smem:$0x3FA2] =	sst s2  }
0xb: {  	[smem:$0x3FA3] =	sst s3  }
0xc: {  	[smem:$0x3FA4] =	sst s4  }
0xd: {  	[smem:$0x3FA5] =	sst s5  }
0xe: {  	[smem:$0x3FA6] =	sst s6  }
0xf: {  	[smem:$0x3FA7] =	sst s7  }
0x10: {  	[smem:$0x3FA8] =	sst s8  }
0x11: {  	[smem:$0x3FA9] =	sst s9;
	s0 =	simm.s32 @!p0 $0x0  }
0x12: {  	s1 =	sld [smem:$0x3F8F];
	s0 =	simm.s32 @p0 $0x1  }
0x13: {  	[smem:$0x3FAA] =	sst s0;
	s0 =	simm.s32 @!p1 $0x0  }
0x14: {  	s2 =	sld [smem:$0x3F8E];
	s0 =	simm.s32 @p1 $0x1  }
0x15: {  	[smem:$0x3FAB] =	sst s0;
	s0 =	simm.s32 @!p2 $0x0  }
0x16: {  	s3 =	sld [smem:$0x3FDB];
	s0 =	simm.s32 @p2 $0x1  }
0x17: {  	s4 =	simm.s32 $0x1BF5;
	[smem:$0x3FAD] =	sst s0  }
0x18: {  	s0 =	sld [smem:$0x3F90];
	_ =	swait.ge [sflag:s4], $0x0  }
0x19: {  	s7 =	sld [smem:$0x3F91]  }
0x1a: {  	s8 =	sadd.s32 $0xFFFFE003, lr  }
0x1b: {  	s9 =	sadd.s32 $0xFFFFFEF7, lr;
	s5 =	simm.s32 $0xFFFFFFFF;
	p2 =	slt.u32 s8, $0xFFFFF086  }
0x1c: {  	p1 =	slt.u32 s9, $0xF7A;
	s5 =	simm.s32 @!p2 $0x0  }
0x1d: {  	s5 =	simm.s32 @p1 $0x1;
	p0 =	seq.s32 s7, s2  }
0x1e: {  	s7 =	smul.u32 @!p0 $0xF7A, s2;
	p2 =	seq.s32 @!p0 s5, $0x0  }
0x1f: {  	s9 =	smul.u32 $0xF7A, s1;
	s8 =	simm.s32 @!p0 $0x1BF5;
	p2 =	por !p2, p0  }
0x20: {  	[sflag:s8] =	ssyncset.s32 @!p0 $0xFFFFF086;
	s6 =	sadd.s32 @!p0 s3, s7;
	s7 =	simm.s32 @!p0 $0x108  }
0x21: {  	s3 =	sadd.s32 s3, s9;
	s6 =	sadd.s32 @!p0 $0x88, s6;
	s7 =	simm.s32 @p2 $0x1082  }
0x22: {  	[simem:s7], [sflag:s8] =	dma.local @!p0 [hbm:s6], $0xF7A  }
0x23: {  	s9 =	sor.u32 $0xD0000000, s2;
	s6 =	simm.s32 $0x108;
	_ =	swait.ge @!p0 [sflag:s8], $0x0  }
0x24: {  	s3 =	sadd.s32 $0x88, s3;
	s6 =	simm.s32 @!p1 $0x1082;
	[sflag:s4] =	ssyncset.s32 $0xFFFFF086  }
0x25: {  	[simem:s6], [sflag:s4] =	dma.local [hbm:s3], $0xF7A  }
0x26: {  	[smem:$0x3F91] =	sst s1;
	(tag) =	ssettag s2;
	_ =	strace s9  }
0x27: {  	s1 =	sld [smem:$0x3FA1]  }
0x28: {  	s2 =	sld [smem:$0x3FA2]  }
0x29: {  	s4 =	sld [smem:$0x3FA4]  }
0x2a: {  	p0 =	seq.s32 s5, $0x0;
	s5 =	sld [smem:$0x3FA5]  }
0x2b: {  	s6 =	sld [smem:$0x3FA6]  }
0x2c: {  	s7 =	sld [smem:$0x3FA7]  }
0x2d: {  	s3 =	simm.s32 $0x108;
	s8 =	sld [smem:$0x3FA8]  }
0x2e: {  	s3 =	simm.s32 @!p0 $0x1082;
	s9 =	sld [smem:$0x3FA9]  }
0x2f: {  	lr =	sadd.s32 s0, s3;
	s0 =	sld [smem:$0x3FA0]  }
0x30: {  	s3 =	sld [smem:$0x3FA3]  }
0x31: {  	[smem:$0x3FAC] =	sst s10  }
0x32: {  	s10 =	sld [smem:$0x3FAA];
	_ =	sdelay $0x3  }
0x33: {  	p0 =	seq.s32 s10, $0x1;
	s10 =	sld [smem:$0x3FAC];
	_ =	sdelay $0x3  }
0x34: {  	[smem:$0x3FAC] =	sst s10  }
0x35: {  	s10 =	sld [smem:$0x3FAB];
	_ =	sdelay $0x3  }
0x36: {  	p1 =	seq.s32 s10, $0x1;
	s10 =	sld [smem:$0x3FAC];
	_ =	sdelay $0x3  }
0x37: {  	[smem:$0x3FAC] =	sst s10  }
0x38: {  	s10 =	sld [smem:$0x3FAD]  }
0x39: {  	_ = 	snop;
	(pc) =	sbr.ind lr, $3  }
0x3a: {  	_ = 	snop  }
0x3b: {  	_ = 	snop  }
0x3c: {  	p2 =	seq.s32 s10, $0x1;
	s10 =	sld [smem:$0x3FAC]  }
0x3d: {  	_ =	shalt  }
0x3e: {  	_ =	shalt  }
0x3f: {  	_ =	shalt  }
0x40: {  	_ =	shalt  }
0x41: {  	_ =	shalt  }
0x42: {  	_ =	shalt  }
0x43: {  	_ =	shalt  }
0x44: {  	_ =	shalt  }
0x45: {  	_ =	shalt  }
0x46: {  	_ =	shalt  }
0x47: {  	_ =	shalt  }
0x48: {  	_ =	shalt  }
0x49: {  	_ =	shalt  }
0x4a: {  	_ =	shalt  }
0x4b: {  	_ =	shalt  }
0x4c: {  	_ =	shalt  }
0x4d: {  	_ =	shalt  }
0x4e: {  	_ =	shalt  }
0x4f: {  	_ =	shalt  }
0x50: {  	_ =	shalt  }
0x51: {  	_ =	shalt  }
0x52: {  	_ =	shalt  }
0x53: {  	_ =	shalt  }
0x54: {  	_ =	shalt  }
0x55: {  	_ =	shalt  }
0x56: {  	_ =	shalt  }
0x57: {  	_ =	shalt  }
0x58: {  	_ =	shalt  }
0x59: {  	_ =	shalt  }
0x5a: {  	_ =	shalt  }
0x5b: {  	_ =	shalt  }
0x5c: {  	_ =	shalt  }
0x5d: {  	_ =	shalt  }
0x5e: {  	_ =	shalt  }
0x5f: {  	_ =	shalt  }
0x60: {  	_ =	shalt  }
0x61: {  	_ =	shalt  }
0x62: {  	_ =	shalt  }
0x63: {  	_ =	shalt  }
0x64: {  	_ =	shalt  }
0x65: {  	_ =	shalt  }
0x66: {  	_ =	shalt  }
0x67: {  	_ =	shalt  }
0x68: {  	_ =	shalt  }
0x69: {  	_ =	shalt  }
0x6a: {  	_ =	shalt  }
0x6b: {  	_ =	shalt  }
0x6c: {  	_ =	shalt  }
0x6d: {  	_ =	shalt  }
0x6e: {  	_ =	shalt  }
0x6f: {  	_ =	shalt  }
0x70: {  	_ =	shalt  }
0x71: {  	_ =	shalt  }
0x72: {  	_ =	shalt  }
0x73: {  	_ =	shalt  }
0x74: {  	_ =	shalt  }
0x75: {  	_ =	shalt  }
0x76: {  	_ =	shalt  }
0x77: {  	_ =	shalt  }
0x78: {  	_ =	shalt  }
0x79: {  	_ =	shalt  }
0x7a: {  	_ =	shalt  }
0x7b: {  	_ =	shalt  }
0x7c: {  	_ =	shalt  }
0x7d: {  	_ =	shalt  }
0x7e: {  	_ =	shalt  }
0x7f: {  	_ =	shalt  }
0x80: {  	_ =	shalt  }
0x81: {  	_ =	shalt  }
0x82: {  	_ =	shalt  }
0x83: {  	_ =	shalt  }
0x84: {  	_ =	shalt  }
0x85: {  	_ =	shalt  }
0x86: {  	_ =	shalt  }
0x87: {  	_ =	shalt  }
.Lfunc_end0:
.L_simem_size_0:
called_computation.1_lowered:
.L_overlay_start_0:
0x88: {  	s2 =	sld [smem:$0x3FD9]  }
0x89: {  	s3 =	sld [smem:$0x3FFE];
	_ =	sdelay $0x1  }
0x8a: {  	s1 =	srdreg.scid  }
0x8b: {  	s0 =	sand.u32 $0x1, s1  }
0x8c: {  	s17 =	sshll.u32 s0, $0xA;
	s2 =	sadd.s32 s3, s2  }
0x8d: {  	s2 =	sadd.s32 s2, s17  }
0x8e: {  	[smem:$0x3FB8] =	sst s2  }
0x8f: {  	_ = 	snop  }
0x90: {  	s2 =	sld [smem:$0x3FC6];
	(tm) =	ssettm $0x1  }
0x91: {  	s18 =	sld [smem:$0x3FFB];
	_ =	sdelay $0x3  }
0x92: {  	_ =	strace s18  }
0x93: {  	s3 =	sld [smem:$0x3FFC];
	_ =	sdelay $0x3  }
0x94: {  	_ =	strace s3  }
0x95: {  	s3 =	sld [smem:$0x3FFD];
	_ =	sdelay $0x3  }
0x96: {  	_ =	strace s3  }
0x97: {  	_ =	strace $0x8FFFFFFF  }
0x98: {  	s19 =	sld [smem:$0x3FDB];
	_ =	sdelay $0x1  }
0x99: {  	s4 =	simm.s32 $_scs_section_size  }
0x9a: {  	s5 =	simm.s32 $_size__tile_overlayer_lowered;
	s6 =	simm.s32 $_tile_overlayer_lowered  }
0x9b: {  	s22 =	simm.s32 $0x1BFF;
	s21 =	sshll.u32 s6, $0x1;
	s3 =	sadd.s32 s4, s19  }
0x9c: {  	s7 =	simm.s32 $0x0;
	s20 =	sshll.u32 s5, $0x1;
	s5 =	sadd.s32 s21, s3  }
0x9d: {  	[timem:s7], [sflag:s22] =	dma.local [hbm:s5], s20  }
0x9e: {  	_ =	swait.ge [sflag:s22], s20  }
0x9f: {  	s4 =	ssub.s32 $0x0, s20;
	[sflag:s22] =	ssyncset.done $0x0  }
0xa0: {  	[sflag:s22] =	ssyncadd.s32 s4;
	_ =	sdelay $0x1  }
0xa1: {  	s23 =	simm.s32 $0x1B8B  }
0xa2: {  	_ =	swait.ge [sflag:s23], $0x1  }
0xa3: {  	[sflag:s23] =	ssyncset.done $0x0  }
0xa4: {  	s25 =	simm.s32 $0x1B8E;
	s24 =	sld [smem:$0x3FFE];
	[sflag:s23] =	ssyncadd.s32 $0xFFFFFFFF  }
0xa5: {  	s26 =	simm.s32 $execute0_lowered;
	[smem:$0x3FD2] =	sst s25  }
0xa6: {  	s5 =	sshll.u32 s26, $0x1;
	_ =	strace $0x80000058;
	[dreg:$0x1] =	wrdreg $0xFFFFFFFF  }
0xa7: {  	s28 =	simm.s32 $_size_execute0_lowered;
	s3 =	sadd.s32 s3, s5;
	[dreg:$0x0] =	wrdreg $0x0  }
0xa8: {  	s5 =	sshll.u32 s28, $0x1;
	[dreg:$0x2] =	wrdreg s3  }
0xa9: {  	[dreg:$0x3] =	wrdreg s5  }
0xaa: {  	[dreg:$0x4] =	wrdreg $0xC0  }
0xab: {  	_ =	task [dreg:s7], $0x5FFFF  }
0xac: {  	[dreg:$0x1] =	wrdreg $0xFFFFFFFF  }
0xad: {  	[dreg:$0x0] =	wrdreg $0x60  }
0xae: {  	[dreg:$0x2] =	wrdreg s2  }
0xaf: {  	[dreg:$0x3] =	wrdreg s24  }
0xb0: {  	[dreg:$0x4] =	wrdreg $0x9  }
0xb1: {  	_ =	task.clear_ibuf [dreg:s7], $0x5FFFF;
	_ =	strace $0x90000058  }
0xb2: {  	s29 =	simm.s32 $0x9;
	_ =	strace $0x8000005A  }
0xb3: {  	_ =	swait.ge [sflag:s29], $0x1  }
0xb4: {  	[sflag:s29] =	ssyncadd.s32 $0xFFFFFFFF  }
0xb5: {  	_ =	strace $0x9000005A  }
0xb6: {  	_ =	sfence  }
0xb7: {  	s30 =	sld [smem:$0x0];
	_ =	sdelay $0x2  }
0xb8: {  	s31 =	sshll.u32 s1, $0xD;
	s1 =	sshrl.u32 s1, $0x2  }
0xb9: {  	s3 =	sand.u32 $0x4000, s31;
	s1 =	sadd.s32 s1, s30  }
0xba: {  	s0 =	sor.u32 s3, s0;
	s1 =	sshll.u32 s1, $0x11  }
0xbb: {  	s0 =	sor.u32 s1, s0  }
0xbc: {  	s0 =	sadd.s32 $0x8F2B, s0  }
0xbd: {  	[sflag:s0] =	ssyncadd.remote.s32 $0x1  }
0xbe: {  	_ =	sfence.sel $0xFFFF  }
0xbf: {  	[dreg:$0x0] =	wrdreg $0xFFFFFFFF;
	(pc) =	sbr.abs _section_cstart, $3  }
0xc0: {  	[dreg:$0x1] =	wrdreg $0xFFFFFFFF  }
0xc1: {  	_ =	task.clear_ibuf [dreg:s7], $0x2FFFF;
	_ =	strace $0x9FFFFFFF  }
0xc2: {  	(tm) =	ssettm $0x7FFFFFFF  }
0xc3: {  	_ =	shalt  }
tec
execute0_lowered:
.L_overlay_start_1:
0x0: {  	(tag) =	ssettag $0x1  }
0x1: {  	s2 =	rddreg [dreg:$0x0]  }
0x2: {  	s8 =	rddreg [dreg:$0x1]  }
0x3: {  	s1 =	stileid.u32;
	s3 =	srdreg.scid  }
0x4: {  	s0 =	rddreg [dreg:$0x2];
	_ =	strace $0x80000059;
	s5 =	simm.s32 $0x1  }
0x5: {  	s9 =	simm.s32 $0x1;
	s3 =	sand.u32 $0x1, s3;
	s4 =	sshll.u32 s1, $0x1  }
0x6: {  	s10 =	simm.s32 $0x3;
	s13 =	simm.s32 $0x0;
	s6 =	sor.u32 s4, s3  }
0x7: {  	s12 =	simm.s32 $0x0;
	[sflag:s5] =	ssyncpa.u1 $0x0;
	s4 =	smul.u32 $0x4B0, s6  }
0x8: {  	s3 =	sadd.s32 $0x109800, s8;
	p0 =	slt.u32 s6, $0x13;
	s6 =	simm.s32 $0x9600  }
.Ltmp0:
0x9: {  	s6 =	simm.s32 @!p0 $0x0;
	s7 =	ssub.s32 $0xEA60, s4;
	(pc) =	sbr.rel .LBB2_1-.Ltmp0, $4  }
0xa: {  	s9 =	simm.s32 @!p0 $0x0;
	p0 =	sne.s32 s7, s6;
	s7 =	simm.s32 $0x1  }
0xb: {  	s8 =	sadd.s32 $0x10B600, s8;
	s6 =	simm.s32 $0x2;
	s7 =	simm.s32 @!p0 $0x0  }
0xc: {  	s11 =	smov.u32 s4;
	[sflag:s6] =	ssyncpa.u1 $0x0;
	s7 =	sadd.s32 s9, s7  }
0xd: {  	vm0 =	vmmov $0xffff;
	[sflag:s10] =	ssyncpa.u1 $0x0;
	s10 =	simm.s32 $0x0;
	s9 =	sadd.s32 $0x1, s7  }
.LBB2_4:
0xe: {  	v2 =	vnsel vm1, $0x0, v2  }
0xf: {  	vm1 =	vgt.s32 v0, $0x0;
	v2 =	vmin.u32 v2, $0x61A7F  }
0x10: {  	v0 =	vnsel vm1, $0x0, v0  }
0x11: {  	v0 =	vmin.u32 v0, $0x61A7F  }
0x12: {  	[tilespmem:s18], [sflag:$0x1] =	stream.indirect_vreg.gather [hbm4b:s2+s10], $0x1, v1, vm0, $0x4038;
	[tilespmem:$0x12C0] =	vst v63  }
0x13: {  	(ifvalue) =	ssetifvalue $0x7FFFFFFF  }
0x14: {  	[tilespmem:s15], [sflag:$0x1] =	stream.indirect_vreg.gather [hbm4b:s2+s10], $0x1, v2, vm0, $0x4038;
	[tilespmem:$0x12C0] =	vst v63  }
0x15: {  	s29 =	sadd.s32 $0x10, s15;
	(ifvalue) =	ssetifvalue $0x7FFFFFFF  }
0x16: {  	[tilespmem:s29], [sflag:$0x1] =	stream.indirect_vreg.gather [hbm4b:s2+s10], $0x1, v0, vm0, $0x4038;
	[tilespmem:$0x12C0] =	vst v63  }
0x17: {  	_ =	swait.ge [sflag:s5], $0x4B0  }
0x18: {  	s30 =	sshrl.u32 s13, $0x3;
	[sflag:s5] =	ssyncset.done $0x0  }
0x19: {  	s31 =	sand.u32 $0x7, s13;
	s15 =	sadd.s32 s8, s30;
	[sflag:s5] =	ssyncadd.s32 $0xFFFFFB50  }
0x1a: {  	[hbm4b:s15+s31] =	stream.linear.scatter [tilespmem:s14], [sflag:$0x3], $0x4B0, $0x38;
	[tilespmem:$0x12C0] =	vst v63  }
.LBB2_5:
0x1b: {  	s15 =	sadd.s32 $0x9600, s11  }
0x1c: {  	p1 =	sgt.s32 s15, $0xEA5F  }
0x1d: {  	s15 =	smov.u32 @p1 s4;
	p1 =	sne.s32 s12, s9  }
.Ltmp1:
0x1e: {  	p0 =	slt.u32 s12, $0x2;
	(pc) =	sbr.rel @!p1 .LBB2_6-.Ltmp1, $4  }
0x1f: {  	s14 =	simm.s32 @!p0 $0x3  }
0x20: {  	_ =	swait.ge @!p0 [sflag:s14], $0x4B0  }
0x21: {  	s16 =	sadd.s32 $0x1, s12;
	s13 =	smov.u32 s11;
	[sflag:s14] =	ssyncset.done @!p0 $0x0  }
0x22: {  	s12 =	smov.u32 s16;
	s11 =	smov.u32 s15;
	[sflag:s14] =	ssyncadd.s32 @!p0 $0xFFFFFB50  }
.LBB2_1:
0x23: {  	p0 =	sge.u32 s12, s7  }
0x24: {  	s14 =	sxor.u32 @!p0 $0x1, s12  }
0x25: {  	s14 =	smul.u32 @!p0 $0x12C0, s14  }
0x26: {  	s31 =	sadd.s32 $0xFFFFFFFF, s12;
	s15 =	sshrl.u32 @!p0 s11, $0x3  }
0x27: {  	s16 =	sand.u32 @!p0 $0x7, s11;
	s15 =	sadd.s32 @!p0 s3, s15;
	s14 =	sshra.s32 @!p0 s14, $0x2  }
0x28: {  	[tilespmem:s14], [sflag:$0x2] =	stream.linear.gather @!p0 [hbm4b:s15+s16], $0x4B0, $0x38;
	[tilespmem:$0x12C0] =	vst v63  }
0x29: {  	p0 =	sge.u32 s31, s7  }
.Ltmp2:
0x2a: {  	_ = 	snop;
	(pc) =	sbr.rel @p0 .LBB2_5-.Ltmp2, $1  }
0x2b: {  	_ =	sdelay $0x3  }
0x2c: {  	s14 =	sand.u32 $0x1, s12  }
0x2d: {  	_ =	swait.ge [sflag:s6], $0x4B0;
	p0 =	seq.s32 s14, $0x1;
	s14 =	simm.s32 $0x4B0  }
0x2e: {  	[sflag:s6] =	ssyncset.done $0x0;
	s14 =	simm.s32 @!p0 $0x0  }
0x2f: {  	[sflag:s6] =	ssyncadd.s32 $0xFFFFFB50;
	(ifvalue) =	ssetifvalue $0x7FFFFFFF;
	v0 =	vld.msk [tilespmem:s14+$0x0 ss:$0x1], $0xffff;
	_ =	sdelay $0x4  }
0x30: {  	s15 =	sadd.s32 $0x10, s14;
	vm1 =	vgt.s32 v0, $0x0  }
0x31: {  	v2 =	vld.msk [tilespmem:s15+$0x0 ss:$0x1], $0xffff;
	v1 =	vnsel vm1, $0x0, v0  }
0x32: {  	v1 =	vmin.u32 v1, $0x61A7F;
	_ =	sdelay $0x2  }
0x33: {  	s17 =	simm.s32 $0x20;
	s14 =	sadd.s32 $0x960, s14;
	s16 =	sadd.s32 $0x10, s15  }
0x34: {  	s15 =	sadd.s32 $0x10, s14;
	s18 =	smov.u32 s14;
	v0 =	vld.msk [tilespmem:s16+$0x0 ss:$0x1], $0xffff;
	vm1 =	vgt.s32 v2, $0x0;
	(ifvalue) =	ssetifvalue $0x7FFFFFFF  }
.LBB2_3:
0x35: {  	[tilespmem:s18], [sflag:$0x1] =	stream.indirect_vreg.gather [hbm4b:s2+s10], $0x1, v1, vm0, $0x4038;
	[tilespmem:$0x12C0] =	vst v63  }
0x36: {  	s17 =	sadd.s32 $0x10, s17  }
0x37: {  	v2 =	vnsel vm1, $0x0, v2;
	p0 =	slt.u32 s17, $0x4A0  }
.Ltmp3:
0x38: {  	s18 =	smov.u32 s15;
	v1 =	vmin.u32 v2, $0x61A7F;
	(pc) =	sbr.rel @p0 .LBB2_3-.Ltmp3, $3  }
0x39: {  	_ =	sdelay $0x1  }
0x3a: {  	s16 =	sadd.s32 $0x10, s16  }
0x3b: {  	vm1 =	vgt.s32 v0, $0x0;
	s15 =	sadd.s32 $0x10, s15;
	v2 =	vmov v0;
	(ifvalue) =	ssetifvalue $0x7FFFFFFF;
	v0 =	vld.msk [tilespmem:s16+$0x0 ss:$0x1], $0xffff  }
.Ltmp4:
0x3c: {  	_ = 	snop;
	(pc) =	sbr.rel .LBB2_4-.Ltmp4, $1  }
0x3d: {  	_ =	sdelay $0x3  }
.LBB2_6:
0x3e: {  	_ =	sfence.sel $0x180000  }
0x3f: {  	s2 =	simm.s32 $0x2;
	[bflag:$0x0] =	sbarrier.arrive $0xFFFF  }
0x40: {  	s30 =	simm.s32 $0x3;
	[sflag:s2] =	ssyncpa.u1 $0x1  }
0x41: {  	s31 =	simm.s32 $0x1;
	[sflag:s30] =	ssyncpa.u1 $0x1  }
0x42: {  	[sflag:s31] =	ssyncpa.u1 $0x1  }
0x43: {  	p0 =	sne.s32 s1, $0x0;
	_ =	strace $0x90000059  }
0x44: {  	s0 =	sadd.s32 @!p0 $0x100000, s0;
	[bflag:$0x2] =	sbarrier.arrive $0xFFFF  }
0x45: {  	[sflag:s0] =	ssyncadd.tile.s32 @!p0 $0x1;
	_ =	shalt  }
.Lfunc_end2:
_tile_overlayer_lowered:
.L_overlay_start_2:
0x46: {  	(tag) =	ssettag $0x2  }
0x47: {  	s0 =	rddreg [dreg:$0x0];
	s2 =	stileid.u32  }
0x48: {  	s1 =	rddreg [dreg:$0x1];
	p0 =	sne.s32 s2, $0x0  }
0x49: {  	s3 =	rddreg [dreg:$0x2];
	[bflag:$0x3] =	sbarrier.arrive $0xFFFF;
	s2 =	simm.s32 @!p0 $0x1C01  }
0x4a: {  	[timem:s3], [sflag:s2] =	dma.local @!p0 [hbm:s0], s1  }
0x4b: {  	s0 =	simm.s32 @!p0 $0x1  }
0x4c: {  	_ =	swait.ge @!p0 [sflag:s0], s1  }
0x4d: {  	s1 =	ssub.s32 @!p0 $0x0, s1;
	[sflag:s0] =	ssyncset.done @!p0 $0x0  }
0x4e: {  	[sflag:s0] =	ssyncadd.s32 @!p0 s1  }
0x4f: {  	[bflag:$0x3] =	sbarrier.arrive $0xFFFF  }
0x50: {  	_ =	shalt  }

// kernel: gather_offload_async_start
scs
__scs_entry_jumppad:
0x0: {  	(pc) =	sbr.rel $0x88, $3  }
0x1: {  	(tag) =	ssettag $0x0;
	lr =	simm.s32 $0x1  }
0x2: {  	[smem:$0x3F91] =	sst lr;
	_ =	strace $0xD0000000  }
0x3: {  	_ = 	snop  }
0x4: {  	_ = 	snop  }
0x5: {  	_ = 	snop  }
0x6: {  	_ = 	snop  }
0x7: {  	_ = 	snop  }
__scs_overlays_trampoline_lowered:
0x8: {  	[smem:$0x3FA0] =	sst s0  }
0x9: {  	[smem:$0x3FA1] =	sst s1  }
0xa: {  	[smem:$0x3FA2] =	sst s2  }
0xb: {  	[smem:$0x3FA3] =	sst s3  }
0xc: {  	[smem:$0x3FA4] =	sst s4  }
0xd: {  	[smem:$0x3FA5] =	sst s5  }
0xe: {  	[smem:$0x3FA6] =	sst s6  }
0xf: {  	[smem:$0x3FA7] =	sst s7  }
0x10: {  	[smem:$0x3FA8] =	sst s8  }
0x11: {  	[smem:$0x3FA9] =	sst s9;
	s0 =	simm.s32 @!p0 $0x0  }
0x12: {  	s1 =	sld [smem:$0x3F8F];
	s0 =	simm.s32 @p0 $0x1  }
0x13: {  	[smem:$0x3FAA] =	sst s0;
	s0 =	simm.s32 @!p1 $0x0  }
0x14: {  	s2 =	sld [smem:$0x3F8E];
	s0 =	simm.s32 @p1 $0x1  }
0x15: {  	[smem:$0x3FAB] =	sst s0;
	s0 =	simm.s32 @!p2 $0x0  }
0x16: {  	s3 =	sld [smem:$0x3FDB];
	s0 =	simm.s32 @p2 $0x1  }
0x17: {  	s4 =	simm.s32 $0x1BF5;
	[smem:$0x3FAD] =	sst s0  }
0x18: {  	s0 =	sld [smem:$0x3F90];
	_ =	swait.ge [sflag:s4], $0x0  }
0x19: {  	s7 =	sld [smem:$0x3F91]  }
0x1a: {  	s8 =	sadd.s32 $0xFFFFE003, lr  }
0x1b: {  	s9 =	sadd.s32 $0xFFFFFEF7, lr;
	s5 =	simm.s32 $0xFFFFFFFF;
	p2 =	slt.u32 s8, $0xFFFFF086  }
0x1c: {  	p1 =	slt.u32 s9, $0xF7A;
	s5 =	simm.s32 @!p2 $0x0  }
0x1d: {  	s5 =	simm.s32 @p1 $0x1;
	p0 =	seq.s32 s7, s2  }
0x1e: {  	s7 =	smul.u32 @!p0 $0xF7A, s2;
	p2 =	seq.s32 @!p0 s5, $0x0  }
0x1f: {  	s9 =	smul.u32 $0xF7A, s1;
	s8 =	simm.s32 @!p0 $0x1BF5;
	p2 =	por !p2, p0  }
0x20: {  	[sflag:s8] =	ssyncset.s32 @!p0 $0xFFFFF086;
	s6 =	sadd.s32 @!p0 s3, s7;
	s7 =	simm.s32 @!p0 $0x108  }
0x21: {  	s3 =	sadd.s32 s3, s9;
	s6 =	sadd.s32 @!p0 $0x88, s6;
	s7 =	simm.s32 @p2 $0x1082  }
0x22: {  	[simem:s7], [sflag:s8] =	dma.local @!p0 [hbm:s6], $0xF7A  }
0x23: {  	s9 =	sor.u32 $0xD0000000, s2;
	s6 =	simm.s32 $0x108;
	_ =	swait.ge @!p0 [sflag:s8], $0x0  }
0x24: {  	s3 =	sadd.s32 $0x88, s3;
	s6 =	simm.s32 @!p1 $0x1082;
	[sflag:s4] =	ssyncset.s32 $0xFFFFF086  }
0x25: {  	[simem:s6], [sflag:s4] =	dma.local [hbm:s3], $0xF7A  }
0x26: {  	[smem:$0x3F91] =	sst s1;
	(tag) =	ssettag s2;
	_ =	strace s9  }
0x27: {  	s1 =	sld [smem:$0x3FA1]  }
0x28: {  	s2 =	sld [smem:$0x3FA2]  }
0x29: {  	s4 =	sld [smem:$0x3FA4]  }
0x2a: {  	p0 =	seq.s32 s5, $0x0;
	s5 =	sld [smem:$0x3FA5]  }
0x2b: {  	s6 =	sld [smem:$0x3FA6]  }
0x2c: {  	s7 =	sld [smem:$0x3FA7]  }
0x2d: {  	s3 =	simm.s32 $0x108;
	s8 =	sld [smem:$0x3FA8]  }
0x2e: {  	s3 =	simm.s32 @!p0 $0x1082;
	s9 =	sld [smem:$0x3FA9]  }
0x2f: {  	lr =	sadd.s32 s0, s3;
	s0 =	sld [smem:$0x3FA0]  }
0x30: {  	s3 =	sld [smem:$0x3FA3]  }
0x31: {  	[smem:$0x3FAC] =	sst s10  }
0x32: {  	s10 =	sld [smem:$0x3FAA];
	_ =	sdelay $0x3  }
0x33: {  	p0 =	seq.s32 s10, $0x1;
	s10 =	sld [smem:$0x3FAC];
	_ =	sdelay $0x3  }
0x34: {  	[smem:$0x3FAC] =	sst s10  }
0x35: {  	s10 =	sld [smem:$0x3FAB];
	_ =	sdelay $0x3  }
0x36: {  	p1 =	seq.s32 s10, $0x1;
	s10 =	sld [smem:$0x3FAC];
	_ =	sdelay $0x3  }
0x37: {  	[smem:$0x3FAC] =	sst s10  }
0x38: {  	s10 =	sld [smem:$0x3FAD]  }
0x39: {  	_ = 	snop;
	(pc) =	sbr.ind lr, $3  }
0x3a: {  	_ = 	snop  }
0x3b: {  	_ = 	snop  }
0x3c: {  	p2 =	seq.s32 s10, $0x1;
	s10 =	sld [smem:$0x3FAC]  }
0x3d: {  	_ =	shalt  }
0x3e: {  	_ =	shalt  }
0x3f: {  	_ =	shalt  }
0x40: {  	_ =	shalt  }
0x41: {  	_ =	shalt  }
0x42: {  	_ =	shalt  }
0x43: {  	_ =	shalt  }
0x44: {  	_ =	shalt  }
0x45: {  	_ =	shalt  }
0x46: {  	_ =	shalt  }
0x47: {  	_ =	shalt  }
0x48: {  	_ =	shalt  }
0x49: {  	_ =	shalt  }
0x4a: {  	_ =	shalt  }
0x4b: {  	_ =	shalt  }
0x4c: {  	_ =	shalt  }
0x4d: {  	_ =	shalt  }
0x4e: {  	_ =	shalt  }
0x4f: {  	_ =	shalt  }
0x50: {  	_ =	shalt  }
0x51: {  	_ =	shalt  }
0x52: {  	_ =	shalt  }
0x53: {  	_ =	shalt  }
0x54: {  	_ =	shalt  }
0x55: {  	_ =	shalt  }
0x56: {  	_ =	shalt  }
0x57: {  	_ =	shalt  }
0x58: {  	_ =	shalt  }
0x59: {  	_ =	shalt  }
0x5a: {  	_ =	shalt  }
0x5b: {  	_ =	shalt  }
0x5c: {  	_ =	shalt  }
0x5d: {  	_ =	shalt  }
0x5e: {  	_ =	shalt  }
0x5f: {  	_ =	shalt  }
0x60: {  	_ =	shalt  }
0x61: {  	_ =	shalt  }
0x62: {  	_ =	shalt  }
0x63: {  	_ =	shalt  }
0x64: {  	_ =	shalt  }
0x65: {  	_ =	shalt  }
0x66: {  	_ =	shalt  }
0x67: {  	_ =	shalt  }
0x68: {  	_ =	shalt  }
0x69: {  	_ =	shalt  }
0x6a: {  	_ =	shalt  }
0x6b: {  	_ =	shalt  }
0x6c: {  	_ =	shalt  }
0x6d: {  	_ =	shalt  }
0x6e: {  	_ =	shalt  }
0x6f: {  	_ =	shalt  }
0x70: {  	_ =	shalt  }
0x71: {  	_ =	shalt  }
0x72: {  	_ =	shalt  }
0x73: {  	_ =	shalt  }
0x74: {  	_ =	shalt  }
0x75: {  	_ =	shalt  }
0x76: {  	_ =	shalt  }
0x77: {  	_ =	shalt  }
0x78: {  	_ =	shalt  }
0x79: {  	_ =	shalt  }
0x7a: {  	_ =	shalt  }
0x7b: {  	_ =	shalt  }
0x7c: {  	_ =	shalt  }
0x7d: {  	_ =	shalt  }
0x7e: {  	_ =	shalt  }
0x7f: {  	_ =	shalt  }
0x80: {  	_ =	shalt  }
0x81: {  	_ =	shalt  }
0x82: {  	_ =	shalt  }
0x83: {  	_ =	shalt  }
0x84: {  	_ =	shalt  }
0x85: {  	_ =	shalt  }
0x86: {  	_ =	shalt  }
0x87: {  	_ =	shalt  }
.Lfunc_end0:
.L_simem_size_0:
called_computation_lowered:
.L_overlay_start_0:
0x88: {  	s2 =	sld [smem:$0x3FD9]  }
0x89: {  	s3 =	sld [smem:$0x3FFE];
	_ =	sdelay $0x1  }
0x8a: {  	s1 =	srdreg.scid  }
0x8b: {  	s0 =	sand.u32 $0x1, s1  }
0x8c: {  	s17 =	sshll.u32 s0, $0xA;
	s2 =	sadd.s32 s3, s2  }
0x8d: {  	s2 =	sadd.s32 s2, s17  }
0x8e: {  	[smem:$0x3FB8] =	sst s2  }
0x8f: {  	_ = 	snop  }
0x90: {  	s2 =	sld [smem:$0x3FC6];
	(tm) =	ssettm $0x1  }
0x91: {  	s18 =	sld [smem:$0x3FFB];
	_ =	sdelay $0x3  }
0x92: {  	_ =	strace s18  }
0x93: {  	s3 =	sld [smem:$0x3FFC];
	_ =	sdelay $0x3  }
0x94: {  	_ =	strace s3  }
0x95: {  	s3 =	sld [smem:$0x3FFD];
	_ =	sdelay $0x3  }
0x96: {  	_ =	strace s3  }
0x97: {  	_ =	strace $0x8FFFFFFF  }
0x98: {  	s19 =	sld [smem:$0x3FDB];
	_ =	sdelay $0x1  }
0x99: {  	s4 =	simm.s32 $_scs_section_size  }
0x9a: {  	s5 =	simm.s32 $_size__tile_overlayer_lowered;
	s6 =	simm.s32 $_tile_overlayer_lowered  }
0x9b: {  	s22 =	simm.s32 $0x1BFF;
	s21 =	sshll.u32 s6, $0x1;
	s3 =	sadd.s32 s4, s19  }
0x9c: {  	s7 =	simm.s32 $0x0;
	s20 =	sshll.u32 s5, $0x1;
	s5 =	sadd.s32 s21, s3  }
0x9d: {  	[timem:s7], [sflag:s22] =	dma.local [hbm:s5], s20  }
0x9e: {  	_ =	swait.ge [sflag:s22], s20  }
0x9f: {  	s4 =	ssub.s32 $0x0, s20;
	[sflag:s22] =	ssyncset.done $0x0  }
0xa0: {  	[sflag:s22] =	ssyncadd.s32 s4;
	_ =	sdelay $0x1  }
0xa1: {  	s23 =	simm.s32 $0x1B8B  }
0xa2: {  	_ =	swait.ge [sflag:s23], $0x1  }
0xa3: {  	[sflag:s23] =	ssyncset.done $0x0  }
0xa4: {  	s25 =	simm.s32 $0x1B8E;
	s24 =	sld [smem:$0x3FFE];
	[sflag:s23] =	ssyncadd.s32 $0xFFFFFFFF  }
0xa5: {  	s26 =	simm.s32 $execute0_lowered;
	[smem:$0x3FD2] =	sst s25  }
0xa6: {  	s5 =	sshll.u32 s26, $0x1;
	_ =	strace $0x80000055;
	[dreg:$0x1] =	wrdreg $0xFFFFFFFF  }
0xa7: {  	s28 =	simm.s32 $_size_execute0_lowered;
	s3 =	sadd.s32 s3, s5;
	[dreg:$0x0] =	wrdreg $0x0  }
0xa8: {  	s5 =	sshll.u32 s28, $0x1;
	[dreg:$0x2] =	wrdreg s3  }
0xa9: {  	[dreg:$0x3] =	wrdreg s5  }
0xaa: {  	[dreg:$0x4] =	wrdreg $0xC0  }
0xab: {  	_ =	task [dreg:s7], $0x5FFFF  }
0xac: {  	[dreg:$0x1] =	wrdreg $0xFFFFFFFF  }
0xad: {  	[dreg:$0x0] =	wrdreg $0x60  }
0xae: {  	[dreg:$0x2] =	wrdreg s2  }
0xaf: {  	[dreg:$0x3] =	wrdreg s24  }
0xb0: {  	[dreg:$0x4] =	wrdreg $0x9  }
0xb1: {  	_ =	task.clear_ibuf [dreg:s7], $0x5FFFF;
	_ =	strace $0x90000055  }
0xb2: {  	s29 =	simm.s32 $0x9;
	_ =	strace $0x80000057  }
0xb3: {  	_ =	swait.ge [sflag:s29], $0x1  }
0xb4: {  	[sflag:s29] =	ssyncadd.s32 $0xFFFFFFFF  }
0xb5: {  	_ =	strace $0x90000057  }
0xb6: {  	_ =	sfence  }
0xb7: {  	s30 =	sld [smem:$0x0];
	_ =	sdelay $0x2  }
0xb8: {  	s31 =	sshll.u32 s1, $0xD;
	s1 =	sshrl.u32 s1, $0x2  }
0xb9: {  	s3 =	sand.u32 $0x4000, s31;
	s1 =	sadd.s32 s1, s30  }
0xba: {  	s0 =	sor.u32 s3, s0;
	s1 =	sshll.u32 s1, $0x11  }
0xbb: {  	s0 =	sor.u32 s1, s0  }
0xbc: {  	s0 =	sadd.s32 $0x8F2B, s0  }
0xbd: {  	[sflag:s0] =	ssyncadd.remote.s32 $0x1  }
0xbe: {  	_ =	sfence.sel $0xFFFF  }
0xbf: {  	[dreg:$0x0] =	wrdreg $0xFFFFFFFF;
	(pc) =	sbr.abs _section_cstart, $3  }
0xc0: {  	[dreg:$0x1] =	wrdreg $0xFFFFFFFF  }
0xc1: {  	_ =	task.clear_ibuf [dreg:s7], $0x2FFFF;
	_ =	strace $0x9FFFFFFF  }
0xc2: {  	(tm) =	ssettm $0x7FFFFFFF  }
0xc3: {  	_ =	shalt  }
tec
execute0_lowered:
.L_overlay_start_1:
0x0: {  	(tag) =	ssettag $0x1  }
0x1: {  	s2 =	rddreg [dreg:$0x0];
	s0 =	stileid.u32  }
0x2: {  	s1 =	srdreg.scid;
	s8 =	rddreg [dreg:$0x1]  }
0x3: {  	s5 =	simm.s32 $0x1;
	s9 =	simm.s32 $0x1;
	s10 =	simm.s32 $0x3  }
0x4: {  	s13 =	simm.s32 $0x0;
	s3 =	sand.u32 $0x1, s1;
	s4 =	sshll.u32 s0, $0x1  }
0x5: {  	s12 =	simm.s32 $0x0;
	s1 =	rddreg [dreg:$0x2];
	s6 =	sor.u32 s4, s3  }
0x6: {  	_ =	strace $0x80000056;
	s3 =	sadd.s32 $0x7800, s8;
	s4 =	smul.u32 $0x4B0, s6  }
0x7: {  	[sflag:s5] =	ssyncpa.u1 $0x0;
	p0 =	slt.u32 s6, $0x13;
	s6 =	simm.s32 $0x9600  }
.Ltmp0:
0x8: {  	s6 =	simm.s32 @!p0 $0x0;
	s7 =	ssub.s32 $0xEA60, s4;
	(pc) =	sbr.rel .LBB2_1-.Ltmp0, $4  }
0x9: {  	s9 =	simm.s32 @!p0 $0x0;
	p0 =	sne.s32 s7, s6;
	s7 =	simm.s32 $0x1  }
0xa: {  	s8 =	sadd.s32 $0x9600, s8;
	s6 =	simm.s32 $0x2;
	s7 =	simm.s32 @!p0 $0x0  }
0xb: {  	s11 =	smov.u32 s4;
	[sflag:s6] =	ssyncpa.u1 $0x0;
	s7 =	sadd.s32 s9, s7  }
0xc: {  	vm0 =	vmmov $0xffff;
	[sflag:s10] =	ssyncpa.u1 $0x0;
	s10 =	simm.s32 $0x0;
	s9 =	sadd.s32 $0x1, s7  }
.LBB2_4:
0xd: {  	v2 =	vnsel vm1, $0x0, v2  }
0xe: {  	vm1 =	vgt.s32 v0, $0x0;
	v2 =	vmin.u32 v2, $0x61A7F  }
0xf: {  	v0 =	vnsel vm1, $0x0, v0  }
0x10: {  	v0 =	vmin.u32 v0, $0x61A7F  }
0x11: {  	[tilespmem:s18], [sflag:$0x1] =	stream.indirect_vreg.gather [hbm4b:s2+s10], $0x1, v1, vm0, $0x4038;
	[tilespmem:$0x12C0] =	vst v63  }
0x12: {  	(ifvalue) =	ssetifvalue $0x7FFFFFFF  }
0x13: {  	[tilespmem:s15], [sflag:$0x1] =	stream.indirect_vreg.gather [hbm4b:s2+s10], $0x1, v2, vm0, $0x4038;
	[tilespmem:$0x12C0] =	vst v63  }
0x14: {  	s29 =	sadd.s32 $0x10, s15;
	(ifvalue) =	ssetifvalue $0x7FFFFFFF  }
0x15: {  	[tilespmem:s29], [sflag:$0x1] =	stream.indirect_vreg.gather [hbm4b:s2+s10], $0x1, v0, vm0, $0x4038;
	[tilespmem:$0x12C0] =	vst v63  }
0x16: {  	_ =	swait.ge [sflag:s5], $0x4B0  }
0x17: {  	s30 =	sshrl.u32 s13, $0x3;
	[sflag:s5] =	ssyncset.done $0x0  }
0x18: {  	s31 =	sand.u32 $0x7, s13;
	s15 =	sadd.s32 s8, s30;
	[sflag:s5] =	ssyncadd.s32 $0xFFFFFB50  }
0x19: {  	[hbm4b:s15+s31] =	stream.linear.scatter [tilespmem:s14], [sflag:$0x3], $0x4B0, $0x38;
	[tilespmem:$0x12C0] =	vst v63  }
.LBB2_5:
0x1a: {  	s15 =	sadd.s32 $0x9600, s11  }
0x1b: {  	p1 =	sgt.s32 s15, $0xEA5F  }
0x1c: {  	s15 =	smov.u32 @p1 s4;
	p1 =	sne.s32 s12, s9  }
.Ltmp1:
0x1d: {  	p0 =	slt.u32 s12, $0x2;
	(pc) =	sbr.rel @!p1 .LBB2_6-.Ltmp1, $4  }
0x1e: {  	s14 =	simm.s32 @!p0 $0x3  }
0x1f: {  	_ =	swait.ge @!p0 [sflag:s14], $0x4B0  }
0x20: {  	s16 =	sadd.s32 $0x1, s12;
	s13 =	smov.u32 s11;
	[sflag:s14] =	ssyncset.done @!p0 $0x0  }
0x21: {  	s12 =	smov.u32 s16;
	s11 =	smov.u32 s15;
	[sflag:s14] =	ssyncadd.s32 @!p0 $0xFFFFFB50  }
.LBB2_1:
0x22: {  	p0 =	sge.u32 s12, s7  }
0x23: {  	s14 =	sxor.u32 @!p0 $0x1, s12  }
0x24: {  	s14 =	smul.u32 @!p0 $0x12C0, s14  }
0x25: {  	s31 =	sadd.s32 $0xFFFFFFFF, s12;
	s15 =	sshrl.u32 @!p0 s11, $0x3  }
0x26: {  	s16 =	sand.u32 @!p0 $0x7, s11;
	s15 =	sadd.s32 @!p0 s3, s15;
	s14 =	sshra.s32 @!p0 s14, $0x2  }
0x27: {  	[tilespmem:s14], [sflag:$0x2] =	stream.linear.gather @!p0 [hbm4b:s15+s16], $0x4B0, $0x38;
	[tilespmem:$0x12C0] =	vst v63  }
0x28: {  	p0 =	sge.u32 s31, s7  }
.Ltmp2:
0x29: {  	_ = 	snop;
	(pc) =	sbr.rel @p0 .LBB2_5-.Ltmp2, $1  }
0x2a: {  	_ =	sdelay $0x3  }
0x2b: {  	s14 =	sand.u32 $0x1, s12  }
0x2c: {  	_ =	swait.ge [sflag:s6], $0x4B0;
	p0 =	seq.s32 s14, $0x1;
	s14 =	simm.s32 $0x4B0  }
0x2d: {  	[sflag:s6] =	ssyncset.done $0x0;
	s14 =	simm.s32 @!p0 $0x0  }
0x2e: {  	[sflag:s6] =	ssyncadd.s32 $0xFFFFFB50;
	(ifvalue) =	ssetifvalue $0x7FFFFFFF;
	v0 =	vld.msk [tilespmem:s14+$0x0 ss:$0x1], $0xffff;
	_ =	sdelay $0x4  }
0x2f: {  	s15 =	sadd.s32 $0x10, s14;
	vm1 =	vgt.s32 v0, $0x0  }
0x30: {  	v2 =	vld.msk [tilespmem:s15+$0x0 ss:$0x1], $0xffff;
	v1 =	vnsel vm1, $0x0, v0  }
0x31: {  	v1 =	vmin.u32 v1, $0x61A7F;
	_ =	sdelay $0x2  }
0x32: {  	s17 =	simm.s32 $0x20;
	s14 =	sadd.s32 $0x960, s14;
	s16 =	sadd.s32 $0x10, s15  }
0x33: {  	s15 =	sadd.s32 $0x10, s14;
	s18 =	smov.u32 s14;
	v0 =	vld.msk [tilespmem:s16+$0x0 ss:$0x1], $0xffff;
	vm1 =	vgt.s32 v2, $0x0;
	(ifvalue) =	ssetifvalue $0x7FFFFFFF  }
.LBB2_3:
0x34: {  	[tilespmem:s18], [sflag:$0x1] =	stream.indirect_vreg.gather [hbm4b:s2+s10], $0x1, v1, vm0, $0x4038;
	[tilespmem:$0x12C0] =	vst v63  }
0x35: {  	s17 =	sadd.s32 $0x10, s17  }
0x36: {  	v2 =	vnsel vm1, $0x0, v2;
	p0 =	slt.u32 s17, $0x4A0  }
.Ltmp3:
0x37: {  	s18 =	smov.u32 s15;
	v1 =	vmin.u32 v2, $0x61A7F;
	(pc) =	sbr.rel @p0 .LBB2_3-.Ltmp3, $3  }
0x38: {  	_ =	sdelay $0x1  }
0x39: {  	s16 =	sadd.s32 $0x10, s16  }
0x3a: {  	vm1 =	vgt.s32 v0, $0x0;
	s15 =	sadd.s32 $0x10, s15;
	v2 =	vmov v0;
	(ifvalue) =	ssetifvalue $0x7FFFFFFF;
	v0 =	vld.msk [tilespmem:s16+$0x0 ss:$0x1], $0xffff  }
.Ltmp4:
0x3b: {  	_ = 	snop;
	(pc) =	sbr.rel .LBB2_4-.Ltmp4, $1  }
0x3c: {  	_ =	sdelay $0x3  }
.LBB2_6:
0x3d: {  	_ =	sfence.sel $0x180000  }
0x3e: {  	s2 =	simm.s32 $0x2;
	[bflag:$0x0] =	sbarrier.arrive $0xFFFF  }
0x3f: {  	s30 =	simm.s32 $0x3;
	[sflag:s2] =	ssyncpa.u1 $0x1  }
0x40: {  	s31 =	simm.s32 $0x1;
	[sflag:s30] =	ssyncpa.u1 $0x1  }
0x41: {  	[sflag:s31] =	ssyncpa.u1 $0x1  }
0x42: {  	p0 =	sne.s32 s0, $0x0;
	_ =	strace $0x90000056  }
0x43: {  	s0 =	sadd.s32 @!p0 $0x100000, s1;
	[bflag:$0x2] =	sbarrier.arrive $0xFFFF  }
0x44: {  	[sflag:s0] =	ssyncadd.tile.s32 @!p0 $0x1;
	_ =	shalt  }
.Lfunc_end2:
_tile_overlayer_lowered:
.L_overlay_start_2:
0x45: {  	(tag) =	ssettag $0x2  }
0x46: {  	s0 =	rddreg [dreg:$0x0];
	s2 =	stileid.u32  }
0x47: {  	s1 =	rddreg [dreg:$0x1];
	p0 =	sne.s32 s2, $0x0  }
0x48: {  	s3 =	rddreg [dreg:$0x2];
	[bflag:$0x3] =	sbarrier.arrive $0xFFFF;
	s2 =	simm.s32 @!p0 $0x1C01  }
0x49: {  	[timem:s3], [sflag:s2] =	dma.local @!p0 [hbm:s0], s1  }
0x4a: {  	s0 =	simm.s32 @!p0 $0x1  }
0x4b: {  	_ =	swait.ge @!p0 [sflag:s0], s1  }
0x4c: {  	s1 =	ssub.s32 @!p0 $0x0, s1;
	[sflag:s0] =	ssyncset.done @!p0 $0x0  }
0x4d: {  	[sflag:s0] =	ssyncadd.s32 @!p0 s1  }
0x4e: {  	[bflag:$0x3] =	sbarrier.arrive $0xFFFF  }
0x4f: {  	_ =	shalt  }

// kernel: kernel.14.cloned.1.call-start
scs
__scs_entry_jumppad:
0x0: {  	(pc) =	sbr.rel $0x88, $3  }
0x1: {  	(tag) =	ssettag $0x0;
	lr =	simm.s32 $0x1  }
0x2: {  	[smem:$0x3F91] =	sst lr;
	_ =	strace $0xD0000000  }
0x3: {  	_ = 	snop  }
0x4: {  	_ = 	snop  }
0x5: {  	_ = 	snop  }
0x6: {  	_ = 	snop  }
0x7: {  	_ = 	snop  }
__scs_overlays_trampoline_lowered:
0x8: {  	[smem:$0x3FA0] =	sst s0  }
0x9: {  	[smem:$0x3FA1] =	sst s1  }
0xa: {  	[smem:$0x3FA2] =	sst s2  }
0xb: {  	[smem:$0x3FA3] =	sst s3  }
0xc: {  	[smem:$0x3FA4] =	sst s4  }
0xd: {  	[smem:$0x3FA5] =	sst s5  }
0xe: {  	[smem:$0x3FA6] =	sst s6  }
0xf: {  	[smem:$0x3FA7] =	sst s7  }
0x10: {  	[smem:$0x3FA8] =	sst s8  }
0x11: {  	[smem:$0x3FA9] =	sst s9;
	s0 =	simm.s32 @!p0 $0x0  }
0x12: {  	s1 =	sld [smem:$0x3F8F];
	s0 =	simm.s32 @p0 $0x1  }
0x13: {  	[smem:$0x3FAA] =	sst s0;
	s0 =	simm.s32 @!p1 $0x0  }
0x14: {  	s2 =	sld [smem:$0x3F8E];
	s0 =	simm.s32 @p1 $0x1  }
0x15: {  	[smem:$0x3FAB] =	sst s0;
	s0 =	simm.s32 @!p2 $0x0  }
0x16: {  	s3 =	sld [smem:$0x3FDB];
	s0 =	simm.s32 @p2 $0x1  }
0x17: {  	s4 =	simm.s32 $0x1BF5;
	[smem:$0x3FAD] =	sst s0  }
0x18: {  	s0 =	sld [smem:$0x3F90];
	_ =	swait.ge [sflag:s4], $0x0  }
0x19: {  	s7 =	sld [smem:$0x3F91]  }
0x1a: {  	s8 =	sadd.s32 $0xFFFFE003, lr  }
0x1b: {  	s9 =	sadd.s32 $0xFFFFFEF7, lr;
	s5 =	simm.s32 $0xFFFFFFFF;
	p2 =	slt.u32 s8, $0xFFFFF086  }
0x1c: {  	p1 =	slt.u32 s9, $0xF7A;
	s5 =	simm.s32 @!p2 $0x0  }
0x1d: {  	s5 =	simm.s32 @p1 $0x1;
	p0 =	seq.s32 s7, s2  }
0x1e: {  	s7 =	smul.u32 @!p0 $0xF7A, s2;
	p2 =	seq.s32 @!p0 s5, $0x0  }
0x1f: {  	s9 =	smul.u32 $0xF7A, s1;
	s8 =	simm.s32 @!p0 $0x1BF5;
	p2 =	por !p2, p0  }
0x20: {  	[sflag:s8] =	ssyncset.s32 @!p0 $0xFFFFF086;
	s6 =	sadd.s32 @!p0 s3, s7;
	s7 =	simm.s32 @!p0 $0x108  }
0x21: {  	s3 =	sadd.s32 s3, s9;
	s6 =	sadd.s32 @!p0 $0x88, s6;
	s7 =	simm.s32 @p2 $0x1082  }
0x22: {  	[simem:s7], [sflag:s8] =	dma.local @!p0 [hbm:s6], $0xF7A  }
0x23: {  	s9 =	sor.u32 $0xD0000000, s2;
	s6 =	simm.s32 $0x108;
	_ =	swait.ge @!p0 [sflag:s8], $0x0  }
0x24: {  	s3 =	sadd.s32 $0x88, s3;
	s6 =	simm.s32 @!p1 $0x1082;
	[sflag:s4] =	ssyncset.s32 $0xFFFFF086  }
0x25: {  	[simem:s6], [sflag:s4] =	dma.local [hbm:s3], $0xF7A  }
0x26: {  	[smem:$0x3F91] =	sst s1;
	(tag) =	ssettag s2;
	_ =	strace s9  }
0x27: {  	s1 =	sld [smem:$0x3FA1]  }
0x28: {  	s2 =	sld [smem:$0x3FA2]  }
0x29: {  	s4 =	sld [smem:$0x3FA4]  }
0x2a: {  	p0 =	seq.s32 s5, $0x0;
	s5 =	sld [smem:$0x3FA5]  }
0x2b: {  	s6 =	sld [smem:$0x3FA6]  }
0x2c: {  	s7 =	sld [smem:$0x3FA7]  }
0x2d: {  	s3 =	simm.s32 $0x108;
	s8 =	sld [smem:$0x3FA8]  }
0x2e: {  	s3 =	simm.s32 @!p0 $0x1082;
	s9 =	sld [smem:$0x3FA9]  }
0x2f: {  	lr =	sadd.s32 s0, s3;
	s0 =	sld [smem:$0x3FA0]  }
0x30: {  	s3 =	sld [smem:$0x3FA3]  }
0x31: {  	[smem:$0x3FAC] =	sst s10  }
0x32: {  	s10 =	sld [smem:$0x3FAA];
	_ =	sdelay $0x3  }
0x33: {  	p0 =	seq.s32 s10, $0x1;
	s10 =	sld [smem:$0x3FAC];
	_ =	sdelay $0x3  }
0x34: {  	[smem:$0x3FAC] =	sst s10  }
0x35: {  	s10 =	sld [smem:$0x3FAB];
	_ =	sdelay $0x3  }
0x36: {  	p1 =	seq.s32 s10, $0x1;
	s10 =	sld [smem:$0x3FAC];
	_ =	sdelay $0x3  }
0x37: {  	[smem:$0x3FAC] =	sst s10  }
0x38: {  	s10 =	sld [smem:$0x3FAD]  }
0x39: {  	_ = 	snop;
	(pc) =	sbr.ind lr, $3  }
0x3a: {  	_ = 	snop  }
0x3b: {  	_ = 	snop  }
0x3c: {  	p2 =	seq.s32 s10, $0x1;
	s10 =	sld [smem:$0x3FAC]  }
0x3d: {  	_ =	shalt  }
0x3e: {  	_ =	shalt  }
0x3f: {  	_ =	shalt  }
0x40: {  	_ =	shalt  }
0x41: {  	_ =	shalt  }
0x42: {  	_ =	shalt  }
0x43: {  	_ =	shalt  }
0x44: {  	_ =	shalt  }
0x45: {  	_ =	shalt  }
0x46: {  	_ =	shalt  }
0x47: {  	_ =	shalt  }
0x48: {  	_ =	shalt  }
0x49: {  	_ =	shalt  }
0x4a: {  	_ =	shalt  }
0x4b: {  	_ =	shalt  }
0x4c: {  	_ =	shalt  }
0x4d: {  	_ =	shalt  }
0x4e: {  	_ =	shalt  }
0x4f: {  	_ =	shalt  }
0x50: {  	_ =	shalt  }
0x51: {  	_ =	shalt  }
0x52: {  	_ =	shalt  }
0x53: {  	_ =	shalt  }
0x54: {  	_ =	shalt  }
0x55: {  	_ =	shalt  }
0x56: {  	_ =	shalt  }
0x57: {  	_ =	shalt  }
0x58: {  	_ =	shalt  }
0x59: {  	_ =	shalt  }
0x5a: {  	_ =	shalt  }
0x5b: {  	_ =	shalt  }
0x5c: {  	_ =	shalt  }
0x5d: {  	_ =	shalt  }
0x5e: {  	_ =	shalt  }
0x5f: {  	_ =	shalt  }
0x60: {  	_ =	shalt  }
0x61: {  	_ =	shalt  }
0x62: {  	_ =	shalt  }
0x63: {  	_ =	shalt  }
0x64: {  	_ =	shalt  }
0x65: {  	_ =	shalt  }
0x66: {  	_ =	shalt  }
0x67: {  	_ =	shalt  }
0x68: {  	_ =	shalt  }
0x69: {  	_ =	shalt  }
0x6a: {  	_ =	shalt  }
0x6b: {  	_ =	shalt  }
0x6c: {  	_ =	shalt  }
0x6d: {  	_ =	shalt  }
0x6e: {  	_ =	shalt  }
0x6f: {  	_ =	shalt  }
0x70: {  	_ =	shalt  }
0x71: {  	_ =	shalt  }
0x72: {  	_ =	shalt  }
0x73: {  	_ =	shalt  }
0x74: {  	_ =	shalt  }
0x75: {  	_ =	shalt  }
0x76: {  	_ =	shalt  }
0x77: {  	_ =	shalt  }
0x78: {  	_ =	shalt  }
0x79: {  	_ =	shalt  }
0x7a: {  	_ =	shalt  }
0x7b: {  	_ =	shalt  }
0x7c: {  	_ =	shalt  }
0x7d: {  	_ =	shalt  }
0x7e: {  	_ =	shalt  }
0x7f: {  	_ =	shalt  }
0x80: {  	_ =	shalt  }
0x81: {  	_ =	shalt  }
0x82: {  	_ =	shalt  }
0x83: {  	_ =	shalt  }
0x84: {  	_ =	shalt  }
0x85: {  	_ =	shalt  }
0x86: {  	_ =	shalt  }
0x87: {  	_ =	shalt  }
.Lfunc_end0:
.L_simem_size_0:
called_computation.2_lowered:
.L_overlay_start_0:
0x88: {  	s2 =	sld [smem:$0x3FD9]  }
0x89: {  	s3 =	sld [smem:$0x3FFE];
	_ =	sdelay $0x1  }
0x8a: {  	s1 =	srdreg.scid  }
0x8b: {  	s0 =	sand.u32 $0x1, s1  }
0x8c: {  	s16 =	sshll.u32 s0, $0xA;
	s2 =	sadd.s32 s3, s2  }
0x8d: {  	s2 =	sadd.s32 s2, s16  }
0x8e: {  	[smem:$0x3FB8] =	sst s2  }
0x8f: {  	_ = 	snop  }
0x90: {  	(tm) =	ssettm $0x1  }
0x91: {  	s17 =	sld [smem:$0x3FFB];
	_ =	sdelay $0x3  }
0x92: {  	_ =	strace s17  }
0x93: {  	s2 =	sld [smem:$0x3FFC];
	_ =	sdelay $0x3  }
0x94: {  	_ =	strace s2  }
0x95: {  	s2 =	sld [smem:$0x3FFD];
	_ =	sdelay $0x3  }
0x96: {  	_ =	strace s2  }
0x97: {  	_ =	strace $0x8FFFFFFF  }
0x98: {  	s18 =	sld [smem:$0x3FDB];
	_ =	sdelay $0x1  }
0x99: {  	s19 =	simm.s32 $_scs_section_size  }
0x9a: {  	s4 =	simm.s32 $_size__tile_overlayer_lowered;
	s5 =	simm.s32 $_tile_overlayer_lowered  }
0x9b: {  	s22 =	simm.s32 $0x1BFF;
	s21 =	sshll.u32 s5, $0x1;
	s2 =	sadd.s32 s19, s18  }
0x9c: {  	s6 =	simm.s32 $0x0;
	s20 =	sshll.u32 s4, $0x1;
	s4 =	sadd.s32 s21, s2  }
0x9d: {  	[timem:s6], [sflag:s22] =	dma.local [hbm:s4], s20  }
0x9e: {  	_ =	swait.ge [sflag:s22], s20  }
0x9f: {  	s3 =	ssub.s32 $0x0, s20;
	[sflag:s22] =	ssyncset.done $0x0  }
0xa0: {  	[sflag:s22] =	ssyncadd.s32 s3;
	_ =	sdelay $0x1  }
0xa1: {  	s23 =	simm.s32 $0x1B8B  }
0xa2: {  	_ =	swait.ge [sflag:s23], $0x1  }
0xa3: {  	[sflag:s23] =	ssyncset.done $0x0  }
0xa4: {  	s25 =	simm.s32 $0x1B8E;
	s24 =	sld [smem:$0x3FFE];
	[sflag:s23] =	ssyncadd.s32 $0xFFFFFFFF  }
0xa5: {  	s26 =	simm.s32 $execute0_lowered;
	[smem:$0x3FD2] =	sst s25  }
0xa6: {  	s4 =	sshll.u32 s26, $0x1;
	_ =	strace $0x80000046;
	[dreg:$0x1] =	wrdreg $0xFFFFFFFF  }
0xa7: {  	s28 =	simm.s32 $_size_execute0_lowered;
	s2 =	sadd.s32 s2, s4;
	[dreg:$0x0] =	wrdreg $0x0  }
0xa8: {  	s4 =	sshll.u32 s28, $0x1;
	[dreg:$0x2] =	wrdreg s2  }
0xa9: {  	[dreg:$0x3] =	wrdreg s4  }
0xaa: {  	[dreg:$0x4] =	wrdreg $0xC0  }
0xab: {  	_ =	task [dreg:s6], $0x5FFFF  }
0xac: {  	[dreg:$0x1] =	wrdreg $0xFFFFFFFF  }
0xad: {  	[dreg:$0x0] =	wrdreg $0x60  }
0xae: {  	[dreg:$0x2] =	wrdreg s24  }
0xaf: {  	[dreg:$0x3] =	wrdreg $0x9  }
0xb0: {  	_ =	task.clear_ibuf [dreg:s6], $0x4FFFF;
	_ =	strace $0x90000046  }
0xb1: {  	s29 =	simm.s32 $0x9;
	_ =	strace $0x80000048  }
0xb2: {  	_ =	swait.ge [sflag:s29], $0x1  }
0xb3: {  	[sflag:s29] =	ssyncadd.s32 $0xFFFFFFFF  }
0xb4: {  	_ =	strace $0x90000048  }
0xb5: {  	_ =	sfence  }
0xb6: {  	s30 =	sld [smem:$0x0];
	_ =	sdelay $0x2  }
0xb7: {  	s31 =	sshll.u32 s1, $0xD;
	s1 =	sshrl.u32 s1, $0x2  }
0xb8: {  	s3 =	sand.u32 $0x4000, s31;
	s1 =	sadd.s32 s1, s30  }
0xb9: {  	s0 =	sor.u32 s3, s0;
	s1 =	sshll.u32 s1, $0x11  }
0xba: {  	s0 =	sor.u32 s1, s0  }
0xbb: {  	s0 =	sadd.s32 $0x8F2B, s0  }
0xbc: {  	[sflag:s0] =	ssyncadd.remote.s32 $0x1  }
0xbd: {  	_ =	sfence.sel $0xFFFF  }
0xbe: {  	[dreg:$0x0] =	wrdreg $0xFFFFFFFF;
	(pc) =	sbr.abs _section_cstart, $3  }
0xbf: {  	[dreg:$0x1] =	wrdreg $0xFFFFFFFF  }
0xc0: {  	_ =	task.clear_ibuf [dreg:s6], $0x2FFFF;
	_ =	strace $0x9FFFFFFF  }
0xc1: {  	(tm) =	ssettm $0x7FFFFFFF  }
tec
execute0_lowered:
.L_overlay_start_1:
0x0: {  	(tag) =	ssettag $0x1  }
0x1: {  	s1 =	srdreg.scid  }
0x2: {  	s0 =	stileid.u32;
	s14 =	sand.u32 $0x1, s1  }
0x3: {  	s8 =	rddreg [dreg:$0x0];
	s3 =	sshll.u32 s0, $0xC;
	s4 =	sshll.u32 s14, $0xB  }
0x4: {  	s2 =	simm.s32 $0x0;
	s1 =	rddreg [dreg:$0x1];
	s13 =	sor.u32 s4, s3  }
0x5: {  	[smem:$0x7FF] =	sst s2;
	s15 =	sadd.s32 $0x5800, s8;
	s3 =	sshrl.u32 s13, $0x3  }
0x6: {  	_ =	strace $0x80000047;
	s4 =	sadd.s32 s15, s3;
	s3 =	simm.s32 $0x2  }
0x7: {  	[tilespmem:s2], [sflag:$0x2] =	stream.linear.gather [hbm4b:s4+s2], $0x200, $0x38;
	[tilespmem:$0x10200] =	vst v63  }
0x8: {  	_ =	swait.ge [sflag:s3], $0x200  }
0x9: {  	s6 =	simm.s32 $0x200;
	[sflag:s3] =	ssyncset.done $0x0  }
0xa: {  	s7 =	simm.s32 $0x1;
	s5 =	sadd.s32 $0x647600, s8;
	[sflag:s3] =	ssyncadd.s32 $0xFFFFFE00  }
0xb: {  	[tilespmem:s6], [sflag:$0x1] =	stream.indirect.gather [hbm4b:s5+s6], $0x80, s2, s6, $0xb8;
	[tilespmem:$0x10200] =	vst v63  }
0xc: {  	_ =	swait.ge [sflag:s7], $0x10000  }
0xd: {  	s16 =	sadd.s32 $0x7800, s8;
	s29 =	sshll.u32 s13, $0x4;
	[sflag:s7] =	ssyncset.done $0x0  }
0xe: {  	s8 =	sadd.s32 s16, s29;
	[sflag:s7] =	ssyncadd.s32 $0xFFFF0000  }
0xf: {  	[hbm4b:s8+s2] =	stream.linear.scatter [tilespmem:s6], [sflag:$0x2], $0x10000, $0x38;
	[tilespmem:$0x10200] =	vst v63  }
0x10: {  	s10 =	sor.u32 $0x200, s13;
	_ =	swait.ge [sflag:s3], $0x10000  }
0x11: {  	s9 =	sshrl.u32 s10, $0x3;
	[sflag:s3] =	ssyncset.done $0x0  }
0x12: {  	s9 =	sadd.s32 s15, s9;
	[sflag:s3] =	ssyncadd.s32 $0xFFFF0000  }
0x13: {  	[tilespmem:s2], [sflag:$0x2] =	stream.linear.gather [hbm4b:s9+s2], $0x200, $0x38;
	[tilespmem:$0x10200] =	vst v63  }
0x14: {  	_ =	swait.ge [sflag:s3], $0x200  }
0x15: {  	[sflag:s3] =	ssyncset.done $0x0  }
0x16: {  	[sflag:s3] =	ssyncadd.s32 $0xFFFFFE00  }
0x17: {  	[tilespmem:s6], [sflag:$0x1] =	stream.indirect.gather [hbm4b:s5+s6], $0x80, s2, s6, $0xb8;
	[tilespmem:$0x10200] =	vst v63  }
0x18: {  	_ =	swait.ge [sflag:s7], $0x10000  }
0x19: {  	s10 =	sshll.u32 s10, $0x4;
	[sflag:s7] =	ssyncset.done $0x0  }
0x1a: {  	s10 =	sadd.s32 s16, s10;
	[sflag:s7] =	ssyncadd.s32 $0xFFFF0000  }
0x1b: {  	[hbm4b:s10+s2] =	stream.linear.scatter [tilespmem:s6], [sflag:$0x2], $0x10000, $0x38;
	[tilespmem:$0x10200] =	vst v63  }
0x1c: {  	s12 =	sor.u32 $0x400, s13;
	_ =	swait.ge [sflag:s3], $0x10000  }
0x1d: {  	s11 =	sshrl.u32 s12, $0x3;
	[sflag:s3] =	ssyncset.done $0x0  }
0x1e: {  	s11 =	sadd.s32 s15, s11;
	[sflag:s3] =	ssyncadd.s32 $0xFFFF0000  }
0x1f: {  	[tilespmem:s2], [sflag:$0x2] =	stream.linear.gather [hbm4b:s11+s2], $0x200, $0x38;
	[tilespmem:$0x10200] =	vst v63  }
0x20: {  	_ =	swait.ge [sflag:s3], $0x200  }
0x21: {  	[sflag:s3] =	ssyncset.done $0x0  }
0x22: {  	[sflag:s3] =	ssyncadd.s32 $0xFFFFFE00  }
0x23: {  	[tilespmem:s6], [sflag:$0x1] =	stream.indirect.gather [hbm4b:s5+s6], $0x80, s2, s6, $0xb8;
	[tilespmem:$0x10200] =	vst v63  }
0x24: {  	_ =	swait.ge [sflag:s7], $0x10000  }
0x25: {  	s12 =	sshll.u32 s12, $0x4;
	[sflag:s7] =	ssyncset.done $0x0  }
0x26: {  	s12 =	sadd.s32 s16, s12;
	[sflag:s7] =	ssyncadd.s32 $0xFFFF0000  }
0x27: {  	[hbm4b:s12+s2] =	stream.linear.scatter [tilespmem:s6], [sflag:$0x2], $0x10000, $0x38;
	[tilespmem:$0x10200] =	vst v63  }
0x28: {  	s17 =	sor.u32 $0x600, s13;
	_ =	swait.ge [sflag:s3], $0x10000  }
0x29: {  	s13 =	sshrl.u32 s17, $0x3;
	[sflag:s3] =	ssyncset.done $0x0  }
0x2a: {  	s14 =	ssub.s32 $0x2, s14;
	s13 =	sadd.s32 s15, s13;
	[sflag:s3] =	ssyncadd.s32 $0xFFFF0000  }
0x2b: {  	[tilespmem:s2], [sflag:$0x2] =	stream.linear.gather [hbm4b:s13+s2], $0x200, $0x38;
	[tilespmem:$0x10200] =	vst v63  }
0x2c: {  	s30 =	sshrl.u32 s14, $0x1;
	_ =	swait.ge [sflag:s3], $0x200  }
0x2d: {  	s15 =	ssub.s32 s14, s30;
	[sflag:s3] =	ssyncset.done $0x0  }
0x2e: {  	s15 =	smax.u32 s15, $0x1;
	[sflag:s3] =	ssyncadd.s32 $0xFFFFFE00  }
0x2f: {  	[tilespmem:s6], [sflag:$0x1] =	stream.indirect.gather [hbm4b:s5+s6], $0x80, s2, s6, $0xb8;
	[tilespmem:$0x10200] =	vst v63  }
0x30: {  	p0 =	sne.s32 s15, $0x1;
	_ =	swait.ge [sflag:s7], $0x10000  }
.Ltmp0:
0x31: {  	s31 =	sshll.u32 s17, $0x4;
	[sflag:s7] =	ssyncset.done $0x0;
	(pc) =	sbr.rel @!p0 .LBB2_2-.Ltmp0, $4  }
0x32: {  	s14 =	sadd.s32 s16, s31;
	[sflag:s7] =	ssyncadd.s32 $0xFFFF0000  }
0x33: {  	[hbm4b:s14+s2] =	stream.linear.scatter [tilespmem:s6], [sflag:$0x2], $0x10000, $0x38;
	[tilespmem:$0x10200] =	vst v63  }
0x34: {  	_ =	swait.ge [sflag:s3], $0x10000  }
0x35: {  	s15 =	sadd.s32 $0xFFFFFFFF, s15;
	[sflag:s3] =	ssyncset.done $0x0  }
.LBB2_1:
0x36: {  	p0 =	sne.s32 s15, $0x1;
	s15 =	sadd.s32 $0xFFFFFFFF, s15;
	[sflag:s3] =	ssyncadd.s32 $0xFFFF0000  }
0x37: {  	[tilespmem:s2], [sflag:$0x2] =	stream.linear.gather [hbm4b:s4+s2], $0x200, $0x38;
	[tilespmem:$0x10200] =	vst v63  }
0x38: {  	_ =	swait.ge [sflag:s3], $0x200  }
0x39: {  	[sflag:s3] =	ssyncset.done $0x0  }
0x3a: {  	[sflag:s3] =	ssyncadd.s32 $0xFFFFFE00  }
0x3b: {  	[tilespmem:s6], [sflag:$0x1] =	stream.indirect.gather [hbm4b:s5+s6], $0x80, s2, s6, $0xb8;
	[tilespmem:$0x10200] =	vst v63  }
0x3c: {  	_ =	swait.ge [sflag:s7], $0x10000  }
0x3d: {  	[sflag:s7] =	ssyncset.done $0x0  }
0x3e: {  	[sflag:s7] =	ssyncadd.s32 $0xFFFF0000  }
0x3f: {  	[hbm4b:s8+s2] =	stream.linear.scatter [tilespmem:s6], [sflag:$0x2], $0x10000, $0x38;
	[tilespmem:$0x10200] =	vst v63  }
0x40: {  	_ =	swait.ge [sflag:s3], $0x10000  }
0x41: {  	[sflag:s3] =	ssyncset.done $0x0  }
0x42: {  	[sflag:s3] =	ssyncadd.s32 $0xFFFF0000  }
0x43: {  	[tilespmem:s2], [sflag:$0x2] =	stream.linear.gather [hbm4b:s9+s2], $0x200, $0x38;
	[tilespmem:$0x10200] =	vst v63  }
0x44: {  	_ =	swait.ge [sflag:s3], $0x200  }
0x45: {  	[sflag:s3] =	ssyncset.done $0x0  }
0x46: {  	[sflag:s3] =	ssyncadd.s32 $0xFFFFFE00  }
0x47: {  	[tilespmem:s6], [sflag:$0x1] =	stream.indirect.gather [hbm4b:s5+s6], $0x80, s2, s6, $0xb8;
	[tilespmem:$0x10200] =	vst v63  }
0x48: {  	_ =	swait.ge [sflag:s7], $0x10000  }
0x49: {  	[sflag:s7] =	ssyncset.done $0x0  }
0x4a: {  	[sflag:s7] =	ssyncadd.s32 $0xFFFF0000  }
0x4b: {  	[hbm4b:s10+s2] =	stream.linear.scatter [tilespmem:s6], [sflag:$0x2], $0x10000, $0x38;
	[tilespmem:$0x10200] =	vst v63  }
0x4c: {  	_ =	swait.ge [sflag:s3], $0x10000  }
0x4d: {  	[sflag:s3] =	ssyncset.done $0x0  }
0x4e: {  	[sflag:s3] =	ssyncadd.s32 $0xFFFF0000  }
0x4f: {  	[tilespmem:s2], [sflag:$0x2] =	stream.linear.gather [hbm4b:s11+s2], $0x200, $0x38;
	[tilespmem:$0x10200] =	vst v63  }
0x50: {  	_ =	swait.ge [sflag:s3], $0x200  }
0x51: {  	[sflag:s3] =	ssyncset.done $0x0  }
0x52: {  	[sflag:s3] =	ssyncadd.s32 $0xFFFFFE00  }
0x53: {  	[tilespmem:s6], [sflag:$0x1] =	stream.indirect.gather [hbm4b:s5+s6], $0x80, s2, s6, $0xb8;
	[tilespmem:$0x10200] =	vst v63  }
0x54: {  	_ =	swait.ge [sflag:s7], $0x10000  }
0x55: {  	[sflag:s7] =	ssyncset.done $0x0  }
0x56: {  	[sflag:s7] =	ssyncadd.s32 $0xFFFF0000  }
0x57: {  	[hbm4b:s12+s2] =	stream.linear.scatter [tilespmem:s6], [sflag:$0x2], $0x10000, $0x38;
	[tilespmem:$0x10200] =	vst v63  }
0x58: {  	_ =	swait.ge [sflag:s3], $0x10000  }
0x59: {  	[sflag:s3] =	ssyncset.done $0x0  }
0x5a: {  	[sflag:s3] =	ssyncadd.s32 $0xFFFF0000  }
0x5b: {  	[tilespmem:s2], [sflag:$0x2] =	stream.linear.gather [hbm4b:s13+s2], $0x200, $0x38;
	[tilespmem:$0x10200] =	vst v63  }
0x5c: {  	_ =	swait.ge [sflag:s3], $0x200  }
0x5d: {  	[sflag:s3] =	ssyncset.done $0x0  }
0x5e: {  	[sflag:s3] =	ssyncadd.s32 $0xFFFFFE00  }
0x5f: {  	[tilespmem:s6], [sflag:$0x1] =	stream.indirect.gather [hbm4b:s5+s6], $0x80, s2, s6, $0xb8;
	[tilespmem:$0x10200] =	vst v63  }
0x60: {  	_ =	swait.ge [sflag:s7], $0x10000  }
.Ltmp1:
0x61: {  	[sflag:s7] =	ssyncset.done $0x0;
	(pc) =	sbr.rel @p0 .LBB2_1-.Ltmp1, $4  }
0x62: {  	[sflag:s7] =	ssyncadd.s32 $0xFFFF0000  }
0x63: {  	[hbm4b:s14+s2] =	stream.linear.scatter [tilespmem:s6], [sflag:$0x2], $0x10000, $0x38;
	[tilespmem:$0x10200] =	vst v63  }
0x64: {  	_ =	swait.ge [sflag:s3], $0x10000  }
0x65: {  	[sflag:s3] =	ssyncset.done $0x0  }
.LBB2_2:
0x66: {  	[sflag:s3] =	ssyncadd.s32 $0xFFFF0000  }
0x67: {  	_ =	sfence.sel $0x180000  }
0x68: {  	[bflag:$0x0] =	sbarrier.arrive $0xFFFF  }
0x69: {  	p0 =	sne.s32 s0, $0x0;
	_ =	strace $0x90000047  }
0x6a: {  	s0 =	sadd.s32 @!p0 $0x100000, s1;
	[bflag:$0x2] =	sbarrier.arrive $0xFFFF  }
0x6b: {  	[sflag:s0] =	ssyncadd.tile.s32 @!p0 $0x1;
	_ =	shalt  }
.Lfunc_end2:
_tile_overlayer_lowered:
.L_overlay_start_2:
0x6c: {  	(tag) =	ssettag $0x2  }
0x6d: {  	s0 =	rddreg [dreg:$0x0];
	s2 =	stileid.u32  }
0x6e: {  	s1 =	rddreg [dreg:$0x1];
	p0 =	sne.s32 s2, $0x0  }
0x6f: {  	s3 =	rddreg [dreg:$0x2];
	[bflag:$0x3] =	sbarrier.arrive $0xFFFF;
	s2 =	simm.s32 @!p0 $0x1C02  }
0x70: {  	[timem:s3], [sflag:s2] =	dma.local @!p0 [hbm:s0], s1  }
0x71: {  	s0 =	simm.s32 @!p0 $0x2  }
0x72: {  	_ =	swait.ge @!p0 [sflag:s0], s1  }
0x73: {  	s1 =	ssub.s32 @!p0 $0x0, s1;
	[sflag:s0] =	ssyncset.done @!p0 $0x0  }
0x74: {  	[sflag:s0] =	ssyncadd.s32 @!p0 s1  }
0x75: {  	[bflag:$0x3] =	sbarrier.arrive $0xFFFF  }
0x76: {  	_ =	shalt  }

// kernel: kernel.17.cloned.1.call-start
scs
__scs_entry_jumppad:
0x0: {  	(pc) =	sbr.rel $0x88, $3  }
0x1: {  	(tag) =	ssettag $0x0;
	lr =	simm.s32 $0x1  }
0x2: {  	[smem:$0x3F91] =	sst lr;
	_ =	strace $0xD0000000  }
0x3: {  	_ = 	snop  }
0x4: {  	_ = 	snop  }
0x5: {  	_ = 	snop  }
0x6: {  	_ = 	snop  }
0x7: {  	_ = 	snop  }
__scs_overlays_trampoline_lowered:
0x8: {  	[smem:$0x3FA0] =	sst s0  }
0x9: {  	[smem:$0x3FA1] =	sst s1  }
0xa: {  	[smem:$0x3FA2] =	sst s2  }
0xb: {  	[smem:$0x3FA3] =	sst s3  }
0xc: {  	[smem:$0x3FA4] =	sst s4  }
0xd: {  	[smem:$0x3FA5] =	sst s5  }
0xe: {  	[smem:$0x3FA6] =	sst s6  }
0xf: {  	[smem:$0x3FA7] =	sst s7  }
0x10: {  	[smem:$0x3FA8] =	sst s8  }
0x11: {  	[smem:$0x3FA9] =	sst s9;
	s0 =	simm.s32 @!p0 $0x0  }
0x12: {  	s1 =	sld [smem:$0x3F8F];
	s0 =	simm.s32 @p0 $0x1  }
0x13: {  	[smem:$0x3FAA] =	sst s0;
	s0 =	simm.s32 @!p1 $0x0  }
0x14: {  	s2 =	sld [smem:$0x3F8E];
	s0 =	simm.s32 @p1 $0x1  }
0x15: {  	[smem:$0x3FAB] =	sst s0;
	s0 =	simm.s32 @!p2 $0x0  }
0x16: {  	s3 =	sld [smem:$0x3FDB];
	s0 =	simm.s32 @p2 $0x1  }
0x17: {  	s4 =	simm.s32 $0x1BF5;
	[smem:$0x3FAD] =	sst s0  }
0x18: {  	s0 =	sld [smem:$0x3F90];
	_ =	swait.ge [sflag:s4], $0x0  }
0x19: {  	s7 =	sld [smem:$0x3F91]  }
0x1a: {  	s8 =	sadd.s32 $0xFFFFE003, lr  }
0x1b: {  	s9 =	sadd.s32 $0xFFFFFEF7, lr;
	s5 =	simm.s32 $0xFFFFFFFF;
	p2 =	slt.u32 s8, $0xFFFFF086  }
0x1c: {  	p1 =	slt.u32 s9, $0xF7A;
	s5 =	simm.s32 @!p2 $0x0  }
0x1d: {  	s5 =	simm.s32 @p1 $0x1;
	p0 =	seq.s32 s7, s2  }
0x1e: {  	s7 =	smul.u32 @!p0 $0xF7A, s2;
	p2 =	seq.s32 @!p0 s5, $0x0  }
0x1f: {  	s9 =	smul.u32 $0xF7A, s1;
	s8 =	simm.s32 @!p0 $0x1BF5;
	p2 =	por !p2, p0  }
0x20: {  	[sflag:s8] =	ssyncset.s32 @!p0 $0xFFFFF086;
	s6 =	sadd.s32 @!p0 s3, s7;
	s7 =	simm.s32 @!p0 $0x108  }
0x21: {  	s3 =	sadd.s32 s3, s9;
	s6 =	sadd.s32 @!p0 $0x88, s6;
	s7 =	simm.s32 @p2 $0x1082  }
0x22: {  	[simem:s7], [sflag:s8] =	dma.local @!p0 [hbm:s6], $0xF7A  }
0x23: {  	s9 =	sor.u32 $0xD0000000, s2;
	s6 =	simm.s32 $0x108;
	_ =	swait.ge @!p0 [sflag:s8], $0x0  }
0x24: {  	s3 =	sadd.s32 $0x88, s3;
	s6 =	simm.s32 @!p1 $0x1082;
	[sflag:s4] =	ssyncset.s32 $0xFFFFF086  }
0x25: {  	[simem:s6], [sflag:s4] =	dma.local [hbm:s3], $0xF7A  }
0x26: {  	[smem:$0x3F91] =	sst s1;
	(tag) =	ssettag s2;
	_ =	strace s9  }
0x27: {  	s1 =	sld [smem:$0x3FA1]  }
0x28: {  	s2 =	sld [smem:$0x3FA2]  }
0x29: {  	s4 =	sld [smem:$0x3FA4]  }
0x2a: {  	p0 =	seq.s32 s5, $0x0;
	s5 =	sld [smem:$0x3FA5]  }
0x2b: {  	s6 =	sld [smem:$0x3FA6]  }
0x2c: {  	s7 =	sld [smem:$0x3FA7]  }
0x2d: {  	s3 =	simm.s32 $0x108;
	s8 =	sld [smem:$0x3FA8]  }
0x2e: {  	s3 =	simm.s32 @!p0 $0x1082;
	s9 =	sld [smem:$0x3FA9]  }
0x2f: {  	lr =	sadd.s32 s0, s3;
	s0 =	sld [smem:$0x3FA0]  }
0x30: {  	s3 =	sld [smem:$0x3FA3]  }
0x31: {  	[smem:$0x3FAC] =	sst s10  }
0x32: {  	s10 =	sld [smem:$0x3FAA];
	_ =	sdelay $0x3  }
0x33: {  	p0 =	seq.s32 s10, $0x1;
	s10 =	sld [smem:$0x3FAC];
	_ =	sdelay $0x3  }
0x34: {  	[smem:$0x3FAC] =	sst s10  }
0x35: {  	s10 =	sld [smem:$0x3FAB];
	_ =	sdelay $0x3  }
0x36: {  	p1 =	seq.s32 s10, $0x1;
	s10 =	sld [smem:$0x3FAC];
	_ =	sdelay $0x3  }
0x37: {  	[smem:$0x3FAC] =	sst s10  }
0x38: {  	s10 =	sld [smem:$0x3FAD]  }
0x39: {  	_ = 	snop;
	(pc) =	sbr.ind lr, $3  }
0x3a: {  	_ = 	snop  }
0x3b: {  	_ = 	snop  }
0x3c: {  	p2 =	seq.s32 s10, $0x1;
	s10 =	sld [smem:$0x3FAC]  }
0x3d: {  	_ =	shalt  }
0x3e: {  	_ =	shalt  }
0x3f: {  	_ =	shalt  }
0x40: {  	_ =	shalt  }
0x41: {  	_ =	shalt  }
0x42: {  	_ =	shalt  }
0x43: {  	_ =	shalt  }
0x44: {  	_ =	shalt  }
0x45: {  	_ =	shalt  }
0x46: {  	_ =	shalt  }
0x47: {  	_ =	shalt  }
0x48: {  	_ =	shalt  }
0x49: {  	_ =	shalt  }
0x4a: {  	_ =	shalt  }
0x4b: {  	_ =	shalt  }
0x4c: {  	_ =	shalt  }
0x4d: {  	_ =	shalt  }
0x4e: {  	_ =	shalt  }
0x4f: {  	_ =	shalt  }
0x50: {  	_ =	shalt  }
0x51: {  	_ =	shalt  }
0x52: {  	_ =	shalt  }
0x53: {  	_ =	shalt  }
0x54: {  	_ =	shalt  }
0x55: {  	_ =	shalt  }
0x56: {  	_ =	shalt  }
0x57: {  	_ =	shalt  }
0x58: {  	_ =	shalt  }
0x59: {  	_ =	shalt  }
0x5a: {  	_ =	shalt  }
0x5b: {  	_ =	shalt  }
0x5c: {  	_ =	shalt  }
0x5d: {  	_ =	shalt  }
0x5e: {  	_ =	shalt  }
0x5f: {  	_ =	shalt  }
0x60: {  	_ =	shalt  }
0x61: {  	_ =	shalt  }
0x62: {  	_ =	shalt  }
0x63: {  	_ =	shalt  }
0x64: {  	_ =	shalt  }
0x65: {  	_ =	shalt  }
0x66: {  	_ =	shalt  }
0x67: {  	_ =	shalt  }
0x68: {  	_ =	shalt  }
0x69: {  	_ =	shalt  }
0x6a: {  	_ =	shalt  }
0x6b: {  	_ =	shalt  }
0x6c: {  	_ =	shalt  }
0x6d: {  	_ =	shalt  }
0x6e: {  	_ =	shalt  }
0x6f: {  	_ =	shalt  }
0x70: {  	_ =	shalt  }
0x71: {  	_ =	shalt  }
0x72: {  	_ =	shalt  }
0x73: {  	_ =	shalt  }
0x74: {  	_ =	shalt  }
0x75: {  	_ =	shalt  }
0x76: {  	_ =	shalt  }
0x77: {  	_ =	shalt  }
0x78: {  	_ =	shalt  }
0x79: {  	_ =	shalt  }
0x7a: {  	_ =	shalt  }
0x7b: {  	_ =	shalt  }
0x7c: {  	_ =	shalt  }
0x7d: {  	_ =	shalt  }
0x7e: {  	_ =	shalt  }
0x7f: {  	_ =	shalt  }
0x80: {  	_ =	shalt  }
0x81: {  	_ =	shalt  }
0x82: {  	_ =	shalt  }
0x83: {  	_ =	shalt  }
0x84: {  	_ =	shalt  }
0x85: {  	_ =	shalt  }
0x86: {  	_ =	shalt  }
0x87: {  	_ =	shalt  }
.Lfunc_end0:
.L_simem_size_0:
called_computation.3_lowered:
.L_overlay_start_0:
0x88: {  	s2 =	sld [smem:$0x3FD9]  }
0x89: {  	s3 =	sld [smem:$0x3FFE];
	_ =	sdelay $0x1  }
0x8a: {  	s1 =	srdreg.scid  }
0x8b: {  	s0 =	sand.u32 $0x1, s1  }
0x8c: {  	s16 =	sshll.u32 s0, $0xA;
	s2 =	sadd.s32 s3, s2  }
0x8d: {  	s2 =	sadd.s32 s2, s16  }
0x8e: {  	[smem:$0x3FB8] =	sst s2  }
0x8f: {  	_ = 	snop  }
0x90: {  	(tm) =	ssettm $0x1  }
0x91: {  	s17 =	sld [smem:$0x3FFB];
	_ =	sdelay $0x3  }
0x92: {  	_ =	strace s17  }
0x93: {  	s2 =	sld [smem:$0x3FFC];
	_ =	sdelay $0x3  }
0x94: {  	_ =	strace s2  }
0x95: {  	s2 =	sld [smem:$0x3FFD];
	_ =	sdelay $0x3  }
0x96: {  	_ =	strace s2  }
0x97: {  	_ =	strace $0x8FFFFFFF  }
0x98: {  	s18 =	sld [smem:$0x3FDB];
	_ =	sdelay $0x1  }
0x99: {  	s19 =	simm.s32 $_scs_section_size  }
0x9a: {  	s4 =	simm.s32 $_size__tile_overlayer_lowered;
	s5 =	simm.s32 $_tile_overlayer_lowered  }
0x9b: {  	s22 =	simm.s32 $0x1BFF;
	s21 =	sshll.u32 s5, $0x1;
	s2 =	sadd.s32 s19, s18  }
0x9c: {  	s6 =	simm.s32 $0x0;
	s20 =	sshll.u32 s4, $0x1;
	s4 =	sadd.s32 s21, s2  }
0x9d: {  	[timem:s6], [sflag:s22] =	dma.local [hbm:s4], s20  }
0x9e: {  	_ =	swait.ge [sflag:s22], s20  }
0x9f: {  	s3 =	ssub.s32 $0x0, s20;
	[sflag:s22] =	ssyncset.done $0x0  }
0xa0: {  	[sflag:s22] =	ssyncadd.s32 s3;
	_ =	sdelay $0x1  }
0xa1: {  	s23 =	simm.s32 $0x1B8B  }
0xa2: {  	_ =	swait.ge [sflag:s23], $0x1  }
0xa3: {  	[sflag:s23] =	ssyncset.done $0x0  }
0xa4: {  	s25 =	simm.s32 $0x1B8E;
	s24 =	sld [smem:$0x3FFE];
	[sflag:s23] =	ssyncadd.s32 $0xFFFFFFFF  }
0xa5: {  	s26 =	simm.s32 $execute0_lowered;
	[smem:$0x3FD2] =	sst s25  }
0xa6: {  	s4 =	sshll.u32 s26, $0x1;
	_ =	strace $0x80000049;
	[dreg:$0x1] =	wrdreg $0xFFFFFFFF  }
0xa7: {  	s28 =	simm.s32 $_size_execute0_lowered;
	s2 =	sadd.s32 s2, s4;
	[dreg:$0x0] =	wrdreg $0x0  }
0xa8: {  	s4 =	sshll.u32 s28, $0x1;
	[dreg:$0x2] =	wrdreg s2  }
0xa9: {  	[dreg:$0x3] =	wrdreg s4  }
0xaa: {  	[dreg:$0x4] =	wrdreg $0xC0  }
0xab: {  	_ =	task [dreg:s6], $0x5FFFF  }
0xac: {  	[dreg:$0x1] =	wrdreg $0xFFFFFFFF  }
0xad: {  	[dreg:$0x0] =	wrdreg $0x60  }
0xae: {  	[dreg:$0x2] =	wrdreg s24  }
0xaf: {  	[dreg:$0x3] =	wrdreg $0x9  }
0xb0: {  	_ =	task.clear_ibuf [dreg:s6], $0x4FFFF;
	_ =	strace $0x90000049  }
0xb1: {  	s29 =	simm.s32 $0x9;
	_ =	strace $0x8000004B  }
0xb2: {  	_ =	swait.ge [sflag:s29], $0x1  }
0xb3: {  	[sflag:s29] =	ssyncadd.s32 $0xFFFFFFFF  }
0xb4: {  	_ =	strace $0x9000004B  }
0xb5: {  	_ =	sfence  }
0xb6: {  	s30 =	sld [smem:$0x0];
	_ =	sdelay $0x2  }
0xb7: {  	s31 =	sshll.u32 s1, $0xD;
	s1 =	sshrl.u32 s1, $0x2  }
0xb8: {  	s3 =	sand.u32 $0x4000, s31;
	s1 =	sadd.s32 s1, s30  }
0xb9: {  	s0 =	sor.u32 s3, s0;
	s1 =	sshll.u32 s1, $0x11  }
0xba: {  	s0 =	sor.u32 s1, s0  }
0xbb: {  	s0 =	sadd.s32 $0x8F2B, s0  }
0xbc: {  	[sflag:s0] =	ssyncadd.remote.s32 $0x1  }
0xbd: {  	_ =	sfence.sel $0xFFFF  }
0xbe: {  	[dreg:$0x0] =	wrdreg $0xFFFFFFFF;
	(pc) =	sbr.abs _section_cstart, $3  }
0xbf: {  	[dreg:$0x1] =	wrdreg $0xFFFFFFFF  }
0xc0: {  	_ =	task.clear_ibuf [dreg:s6], $0x2FFFF;
	_ =	strace $0x9FFFFFFF  }
0xc1: {  	(tm) =	ssettm $0x7FFFFFFF  }
tec
execute0_lowered:
.L_overlay_start_1:
0x0: {  	(tag) =	ssettag $0x1  }
0x1: {  	s1 =	srdreg.scid  }
0x2: {  	s0 =	stileid.u32;
	s14 =	sand.u32 $0x1, s1  }
0x3: {  	s8 =	rddreg [dreg:$0x0];
	s3 =	sshll.u32 s0, $0xC;
	s4 =	sshll.u32 s14, $0xB  }
0x4: {  	s2 =	simm.s32 $0x0;
	s1 =	rddreg [dreg:$0x1];
	s13 =	sor.u32 s4, s3  }
0x5: {  	[smem:$0x7FF] =	sst s2;
	s15 =	sadd.s32 $0x107800, s8;
	s3 =	sshrl.u32 s13, $0x3  }
0x6: {  	_ =	strace $0x8000004A;
	s4 =	sadd.s32 s15, s3;
	s3 =	simm.s32 $0x2  }
0x7: {  	[tilespmem:s2], [sflag:$0x2] =	stream.linear.gather [hbm4b:s4+s2], $0x200, $0x38;
	[tilespmem:$0x10200] =	vst v63  }
0x8: {  	_ =	swait.ge [sflag:s3], $0x200  }
0x9: {  	s6 =	simm.s32 $0x200;
	[sflag:s3] =	ssyncset.done $0x0  }
0xa: {  	s7 =	simm.s32 $0x1;
	s5 =	sadd.s32 $0x647600, s8;
	[sflag:s3] =	ssyncadd.s32 $0xFFFFFE00  }
0xb: {  	[tilespmem:s6], [sflag:$0x1] =	stream.indirect.gather [hbm4b:s5+s6], $0x80, s2, s6, $0xb8;
	[tilespmem:$0x10200] =	vst v63  }
0xc: {  	_ =	swait.ge [sflag:s7], $0x10000  }
0xd: {  	s16 =	sadd.s32 $0x109800, s8;
	s29 =	sshll.u32 s13, $0x4;
	[sflag:s7] =	ssyncset.done $0x0  }
0xe: {  	s8 =	sadd.s32 s16, s29;
	[sflag:s7] =	ssyncadd.s32 $0xFFFF0000  }
0xf: {  	[hbm4b:s8+s2] =	stream.linear.scatter [tilespmem:s6], [sflag:$0x2], $0x10000, $0x38;
	[tilespmem:$0x10200] =	vst v63  }
0x10: {  	s10 =	sor.u32 $0x200, s13;
	_ =	swait.ge [sflag:s3], $0x10000  }
0x11: {  	s9 =	sshrl.u32 s10, $0x3;
	[sflag:s3] =	ssyncset.done $0x0  }
0x12: {  	s9 =	sadd.s32 s15, s9;
	[sflag:s3] =	ssyncadd.s32 $0xFFFF0000  }
0x13: {  	[tilespmem:s2], [sflag:$0x2] =	stream.linear.gather [hbm4b:s9+s2], $0x200, $0x38;
	[tilespmem:$0x10200] =	vst v63  }
0x14: {  	_ =	swait.ge [sflag:s3], $0x200  }
0x15: {  	[sflag:s3] =	ssyncset.done $0x0  }
0x16: {  	[sflag:s3] =	ssyncadd.s32 $0xFFFFFE00  }
0x17: {  	[tilespmem:s6], [sflag:$0x1] =	stream.indirect.gather [hbm4b:s5+s6], $0x80, s2, s6, $0xb8;
	[tilespmem:$0x10200] =	vst v63  }
0x18: {  	_ =	swait.ge [sflag:s7], $0x10000  }
0x19: {  	s10 =	sshll.u32 s10, $0x4;
	[sflag:s7] =	ssyncset.done $0x0  }
0x1a: {  	s10 =	sadd.s32 s16, s10;
	[sflag:s7] =	ssyncadd.s32 $0xFFFF0000  }
0x1b: {  	[hbm4b:s10+s2] =	stream.linear.scatter [tilespmem:s6], [sflag:$0x2], $0x10000, $0x38;
	[tilespmem:$0x10200] =	vst v63  }
0x1c: {  	s12 =	sor.u32 $0x400, s13;
	_ =	swait.ge [sflag:s3], $0x10000  }
0x1d: {  	s11 =	sshrl.u32 s12, $0x3;
	[sflag:s3] =	ssyncset.done $0x0  }
0x1e: {  	s11 =	sadd.s32 s15, s11;
	[sflag:s3] =	ssyncadd.s32 $0xFFFF0000  }
0x1f: {  	[tilespmem:s2], [sflag:$0x2] =	stream.linear.gather [hbm4b:s11+s2], $0x200, $0x38;
	[tilespmem:$0x10200] =	vst v63  }
0x20: {  	_ =	swait.ge [sflag:s3], $0x200  }
0x21: {  	[sflag:s3] =	ssyncset.done $0x0  }
0x22: {  	[sflag:s3] =	ssyncadd.s32 $0xFFFFFE00  }
0x23: {  	[tilespmem:s6], [sflag:$0x1] =	stream.indirect.gather [hbm4b:s5+s6], $0x80, s2, s6, $0xb8;
	[tilespmem:$0x10200] =	vst v63  }
0x24: {  	_ =	swait.ge [sflag:s7], $0x10000  }
0x25: {  	s12 =	sshll.u32 s12, $0x4;
	[sflag:s7] =	ssyncset.done $0x0  }
0x26: {  	s12 =	sadd.s32 s16, s12;
	[sflag:s7] =	ssyncadd.s32 $0xFFFF0000  }
0x27: {  	[hbm4b:s12+s2] =	stream.linear.scatter [tilespmem:s6], [sflag:$0x2], $0x10000, $0x38;
	[tilespmem:$0x10200] =	vst v63  }
0x28: {  	s17 =	sor.u32 $0x600, s13;
	_ =	swait.ge [sflag:s3], $0x10000  }
0x29: {  	s13 =	sshrl.u32 s17, $0x3;
	[sflag:s3] =	ssyncset.done $0x0  }
0x2a: {  	s14 =	ssub.s32 $0x2, s14;
	s13 =	sadd.s32 s15, s13;
	[sflag:s3] =	ssyncadd.s32 $0xFFFF0000  }
0x2b: {  	[tilespmem:s2], [sflag:$0x2] =	stream.linear.gather [hbm4b:s13+s2], $0x200, $0x38;
	[tilespmem:$0x10200] =	vst v63  }
0x2c: {  	s30 =	sshrl.u32 s14, $0x1;
	_ =	swait.ge [sflag:s3], $0x200  }
0x2d: {  	s15 =	ssub.s32 s14, s30;
	[sflag:s3] =	ssyncset.done $0x0  }
0x2e: {  	s15 =	smax.u32 s15, $0x1;
	[sflag:s3] =	ssyncadd.s32 $0xFFFFFE00  }
0x2f: {  	[tilespmem:s6], [sflag:$0x1] =	stream.indirect.gather [hbm4b:s5+s6], $0x80, s2, s6, $0xb8;
	[tilespmem:$0x10200] =	vst v63  }
0x30: {  	p0 =	sne.s32 s15, $0x1;
	_ =	swait.ge [sflag:s7], $0x10000  }
.Ltmp0:
0x31: {  	s31 =	sshll.u32 s17, $0x4;
	[sflag:s7] =	ssyncset.done $0x0;
	(pc) =	sbr.rel @!p0 .LBB2_2-.Ltmp0, $4  }
0x32: {  	s14 =	sadd.s32 s16, s31;
	[sflag:s7] =	ssyncadd.s32 $0xFFFF0000  }
0x33: {  	[hbm4b:s14+s2] =	stream.linear.scatter [tilespmem:s6], [sflag:$0x2], $0x10000, $0x38;
	[tilespmem:$0x10200] =	vst v63  }
0x34: {  	_ =	swait.ge [sflag:s3], $0x10000  }
0x35: {  	s15 =	sadd.s32 $0xFFFFFFFF, s15;
	[sflag:s3] =	ssyncset.done $0x0  }
.LBB2_1:
0x36: {  	p0 =	sne.s32 s15, $0x1;
	s15 =	sadd.s32 $0xFFFFFFFF, s15;
	[sflag:s3] =	ssyncadd.s32 $0xFFFF0000  }
0x37: {  	[tilespmem:s2], [sflag:$0x2] =	stream.linear.gather [hbm4b:s4+s2], $0x200, $0x38;
	[tilespmem:$0x10200] =	vst v63  }
0x38: {  	_ =	swait.ge [sflag:s3], $0x200  }
0x39: {  	[sflag:s3] =	ssyncset.done $0x0  }
0x3a: {  	[sflag:s3] =	ssyncadd.s32 $0xFFFFFE00  }
0x3b: {  	[tilespmem:s6], [sflag:$0x1] =	stream.indirect.gather [hbm4b:s5+s6], $0x80, s2, s6, $0xb8;
	[tilespmem:$0x10200] =	vst v63  }
0x3c: {  	_ =	swait.ge [sflag:s7], $0x10000  }
0x3d: {  	[sflag:s7] =	ssyncset.done $0x0  }
0x3e: {  	[sflag:s7] =	ssyncadd.s32 $0xFFFF0000  }
0x3f: {  	[hbm4b:s8+s2] =	stream.linear.scatter [tilespmem:s6], [sflag:$0x2], $0x10000, $0x38;
	[tilespmem:$0x10200] =	vst v63  }
0x40: {  	_ =	swait.ge [sflag:s3], $0x10000  }
0x41: {  	[sflag:s3] =	ssyncset.done $0x0  }
0x42: {  	[sflag:s3] =	ssyncadd.s32 $0xFFFF0000  }
0x43: {  	[tilespmem:s2], [sflag:$0x2] =	stream.linear.gather [hbm4b:s9+s2], $0x200, $0x38;
	[tilespmem:$0x10200] =	vst v63  }
0x44: {  	_ =	swait.ge [sflag:s3], $0x200  }
0x45: {  	[sflag:s3] =	ssyncset.done $0x0  }
0x46: {  	[sflag:s3] =	ssyncadd.s32 $0xFFFFFE00  }
0x47: {  	[tilespmem:s6], [sflag:$0x1] =	stream.indirect.gather [hbm4b:s5+s6], $0x80, s2, s6, $0xb8;
	[tilespmem:$0x10200] =	vst v63  }
0x48: {  	_ =	swait.ge [sflag:s7], $0x10000  }
0x49: {  	[sflag:s7] =	ssyncset.done $0x0  }
0x4a: {  	[sflag:s7] =	ssyncadd.s32 $0xFFFF0000  }
0x4b: {  	[hbm4b:s10+s2] =	stream.linear.scatter [tilespmem:s6], [sflag:$0x2], $0x10000, $0x38;
	[tilespmem:$0x10200] =	vst v63  }
0x4c: {  	_ =	swait.ge [sflag:s3], $0x10000  }
0x4d: {  	[sflag:s3] =	ssyncset.done $0x0  }
0x4e: {  	[sflag:s3] =	ssyncadd.s32 $0xFFFF0000  }
0x4f: {  	[tilespmem:s2], [sflag:$0x2] =	stream.linear.gather [hbm4b:s11+s2], $0x200, $0x38;
	[tilespmem:$0x10200] =	vst v63  }
0x50: {  	_ =	swait.ge [sflag:s3], $0x200  }
0x51: {  	[sflag:s3] =	ssyncset.done $0x0  }
0x52: {  	[sflag:s3] =	ssyncadd.s32 $0xFFFFFE00  }
0x53: {  	[tilespmem:s6], [sflag:$0x1] =	stream.indirect.gather [hbm4b:s5+s6], $0x80, s2, s6, $0xb8;
	[tilespmem:$0x10200] =	vst v63  }
0x54: {  	_ =	swait.ge [sflag:s7], $0x10000  }
0x55: {  	[sflag:s7] =	ssyncset.done $0x0  }
0x56: {  	[sflag:s7] =	ssyncadd.s32 $0xFFFF0000  }
0x57: {  	[hbm4b:s12+s2] =	stream.linear.scatter [tilespmem:s6], [sflag:$0x2], $0x10000, $0x38;
	[tilespmem:$0x10200] =	vst v63  }
0x58: {  	_ =	swait.ge [sflag:s3], $0x10000  }
0x59: {  	[sflag:s3] =	ssyncset.done $0x0  }
0x5a: {  	[sflag:s3] =	ssyncadd.s32 $0xFFFF0000  }
0x5b: {  	[tilespmem:s2], [sflag:$0x2] =	stream.linear.gather [hbm4b:s13+s2], $0x200, $0x38;
	[tilespmem:$0x10200] =	vst v63  }
0x5c: {  	_ =	swait.ge [sflag:s3], $0x200  }
0x5d: {  	[sflag:s3] =	ssyncset.done $0x0  }
0x5e: {  	[sflag:s3] =	ssyncadd.s32 $0xFFFFFE00  }
0x5f: {  	[tilespmem:s6], [sflag:$0x1] =	stream.indirect.gather [hbm4b:s5+s6], $0x80, s2, s6, $0xb8;
	[tilespmem:$0x10200] =	vst v63  }
0x60: {  	_ =	swait.ge [sflag:s7], $0x10000  }
.Ltmp1:
0x61: {  	[sflag:s7] =	ssyncset.done $0x0;
	(pc) =	sbr.rel @p0 .LBB2_1-.Ltmp1, $4  }
0x62: {  	[sflag:s7] =	ssyncadd.s32 $0xFFFF0000  }
0x63: {  	[hbm4b:s14+s2] =	stream.linear.scatter [tilespmem:s6], [sflag:$0x2], $0x10000, $0x38;
	[tilespmem:$0x10200] =	vst v63  }
0x64: {  	_ =	swait.ge [sflag:s3], $0x10000  }
0x65: {  	[sflag:s3] =	ssyncset.done $0x0  }
.LBB2_2:
0x66: {  	[sflag:s3] =	ssyncadd.s32 $0xFFFF0000  }
0x67: {  	_ =	sfence.sel $0x180000  }
0x68: {  	[bflag:$0x0] =	sbarrier.arrive $0xFFFF  }
0x69: {  	p0 =	sne.s32 s0, $0x0;
	_ =	strace $0x9000004A  }
0x6a: {  	s0 =	sadd.s32 @!p0 $0x100000, s1;
	[bflag:$0x2] =	sbarrier.arrive $0xFFFF  }
0x6b: {  	[sflag:s0] =	ssyncadd.tile.s32 @!p0 $0x1;
	_ =	shalt  }
.Lfunc_end2:
_tile_overlayer_lowered:
.L_overlay_start_2:
0x6c: {  	(tag) =	ssettag $0x2  }
0x6d: {  	s0 =	rddreg [dreg:$0x0];
	s2 =	stileid.u32  }
0x6e: {  	s1 =	rddreg [dreg:$0x1];
	p0 =	sne.s32 s2, $0x0  }
0x6f: {  	s3 =	rddreg [dreg:$0x2];
	[bflag:$0x3] =	sbarrier.arrive $0xFFFF;
	s2 =	simm.s32 @!p0 $0x1C02  }
0x70: {  	[timem:s3], [sflag:s2] =	dma.local @!p0 [hbm:s0], s1  }
0x71: {  	s0 =	simm.s32 @!p0 $0x2  }
0x72: {  	_ =	swait.ge @!p0 [sflag:s0], s1  }
0x73: {  	s1 =	ssub.s32 @!p0 $0x0, s1;
	[sflag:s0] =	ssyncset.done @!p0 $0x0  }
0x74: {  	[sflag:s0] =	ssyncadd.s32 @!p0 s1  }
0x75: {  	[bflag:$0x3] =	sbarrier.arrive $0xFFFF  }
0x76: {  	_ =	shalt  }

// kernel: kernel.20.cloned.1.call-start
scs
__scs_entry_jumppad:
0x0: {  	(pc) =	sbr.rel $0x88, $3  }
0x1: {  	(tag) =	ssettag $0x0;
	lr =	simm.s32 $0x1  }
0x2: {  	[smem:$0x3F91] =	sst lr;
	_ =	strace $0xD0000000  }
0x3: {  	_ = 	snop  }
0x4: {  	_ = 	snop  }
0x5: {  	_ = 	snop  }
0x6: {  	_ = 	snop  }
0x7: {  	_ = 	snop  }
__scs_overlays_trampoline_lowered:
0x8: {  	[smem:$0x3FA0] =	sst s0  }
0x9: {  	[smem:$0x3FA1] =	sst s1  }
0xa: {  	[smem:$0x3FA2] =	sst s2  }
0xb: {  	[smem:$0x3FA3] =	sst s3  }
0xc: {  	[smem:$0x3FA4] =	sst s4  }
0xd: {  	[smem:$0x3FA5] =	sst s5  }
0xe: {  	[smem:$0x3FA6] =	sst s6  }
0xf: {  	[smem:$0x3FA7] =	sst s7  }
0x10: {  	[smem:$0x3FA8] =	sst s8  }
0x11: {  	[smem:$0x3FA9] =	sst s9;
	s0 =	simm.s32 @!p0 $0x0  }
0x12: {  	s1 =	sld [smem:$0x3F8F];
	s0 =	simm.s32 @p0 $0x1  }
0x13: {  	[smem:$0x3FAA] =	sst s0;
	s0 =	simm.s32 @!p1 $0x0  }
0x14: {  	s2 =	sld [smem:$0x3F8E];
	s0 =	simm.s32 @p1 $0x1  }
0x15: {  	[smem:$0x3FAB] =	sst s0;
	s0 =	simm.s32 @!p2 $0x0  }
0x16: {  	s3 =	sld [smem:$0x3FDB];
	s0 =	simm.s32 @p2 $0x1  }
0x17: {  	s4 =	simm.s32 $0x1BF5;
	[smem:$0x3FAD] =	sst s0  }
0x18: {  	s0 =	sld [smem:$0x3F90];
	_ =	swait.ge [sflag:s4], $0x0  }
0x19: {  	s7 =	sld [smem:$0x3F91]  }
0x1a: {  	s8 =	sadd.s32 $0xFFFFE003, lr  }
0x1b: {  	s9 =	sadd.s32 $0xFFFFFEF7, lr;
	s5 =	simm.s32 $0xFFFFFFFF;
	p2 =	slt.u32 s8, $0xFFFFF086  }
0x1c: {  	p1 =	slt.u32 s9, $0xF7A;
	s5 =	simm.s32 @!p2 $0x0  }
0x1d: {  	s5 =	simm.s32 @p1 $0x1;
	p0 =	seq.s32 s7, s2  }
0x1e: {  	s7 =	smul.u32 @!p0 $0xF7A, s2;
	p2 =	seq.s32 @!p0 s5, $0x0  }
0x1f: {  	s9 =	smul.u32 $0xF7A, s1;
	s8 =	simm.s32 @!p0 $0x1BF5;
	p2 =	por !p2, p0  }
0x20: {  	[sflag:s8] =	ssyncset.s32 @!p0 $0xFFFFF086;
	s6 =	sadd.s32 @!p0 s3, s7;
	s7 =	simm.s32 @!p0 $0x108  }
0x21: {  	s3 =	sadd.s32 s3, s9;
	s6 =	sadd.s32 @!p0 $0x88, s6;
	s7 =	simm.s32 @p2 $0x1082  }
0x22: {  	[simem:s7], [sflag:s8] =	dma.local @!p0 [hbm:s6], $0xF7A  }
0x23: {  	s9 =	sor.u32 $0xD0000000, s2;
	s6 =	simm.s32 $0x108;
	_ =	swait.ge @!p0 [sflag:s8], $0x0  }
0x24: {  	s3 =	sadd.s32 $0x88, s3;
	s6 =	simm.s32 @!p1 $0x1082;
	[sflag:s4] =	ssyncset.s32 $0xFFFFF086  }
0x25: {  	[simem:s6], [sflag:s4] =	dma.local [hbm:s3], $0xF7A  }
0x26: {  	[smem:$0x3F91] =	sst s1;
	(tag) =	ssettag s2;
	_ =	strace s9  }
0x27: {  	s1 =	sld [smem:$0x3FA1]  }
0x28: {  	s2 =	sld [smem:$0x3FA2]  }
0x29: {  	s4 =	sld [smem:$0x3FA4]  }
0x2a: {  	p0 =	seq.s32 s5, $0x0;
	s5 =	sld [smem:$0x3FA5]  }
0x2b: {  	s6 =	sld [smem:$0x3FA6]  }
0x2c: {  	s7 =	sld [smem:$0x3FA7]  }
0x2d: {  	s3 =	simm.s32 $0x108;
	s8 =	sld [smem:$0x3FA8]  }
0x2e: {  	s3 =	simm.s32 @!p0 $0x1082;
	s9 =	sld [smem:$0x3FA9]  }
0x2f: {  	lr =	sadd.s32 s0, s3;
	s0 =	sld [smem:$0x3FA0]  }
0x30: {  	s3 =	sld [smem:$0x3FA3]  }
0x31: {  	[smem:$0x3FAC] =	sst s10  }
0x32: {  	s10 =	sld [smem:$0x3FAA];
	_ =	sdelay $0x3  }
0x33: {  	p0 =	seq.s32 s10, $0x1;
	s10 =	sld [smem:$0x3FAC];
	_ =	sdelay $0x3  }
0x34: {  	[smem:$0x3FAC] =	sst s10  }
0x35: {  	s10 =	sld [smem:$0x3FAB];
	_ =	sdelay $0x3  }
0x36: {  	p1 =	seq.s32 s10, $0x1;
	s10 =	sld [smem:$0x3FAC];
	_ =	sdelay $0x3  }
0x37: {  	[smem:$0x3FAC] =	sst s10  }
0x38: {  	s10 =	sld [smem:$0x3FAD]  }
0x39: {  	_ = 	snop;
	(pc) =	sbr.ind lr, $3  }
0x3a: {  	_ = 	snop  }
0x3b: {  	_ = 	snop  }
0x3c: {  	p2 =	seq.s32 s10, $0x1;
	s10 =	sld [smem:$0x3FAC]  }
0x3d: {  	_ =	shalt  }
0x3e: {  	_ =	shalt  }
0x3f: {  	_ =	shalt  }
0x40: {  	_ =	shalt  }
0x41: {  	_ =	shalt  }
0x42: {  	_ =	shalt  }
0x43: {  	_ =	shalt  }
0x44: {  	_ =	shalt  }
0x45: {  	_ =	shalt  }
0x46: {  	_ =	shalt  }
0x47: {  	_ =	shalt  }
0x48: {  	_ =	shalt  }
0x49: {  	_ =	shalt  }
0x4a: {  	_ =	shalt  }
0x4b: {  	_ =	shalt  }
0x4c: {  	_ =	shalt  }
0x4d: {  	_ =	shalt  }
0x4e: {  	_ =	shalt  }
0x4f: {  	_ =	shalt  }
0x50: {  	_ =	shalt  }
0x51: {  	_ =	shalt  }
0x52: {  	_ =	shalt  }
0x53: {  	_ =	shalt  }
0x54: {  	_ =	shalt  }
0x55: {  	_ =	shalt  }
0x56: {  	_ =	shalt  }
0x57: {  	_ =	shalt  }
0x58: {  	_ =	shalt  }
0x59: {  	_ =	shalt  }
0x5a: {  	_ =	shalt  }
0x5b: {  	_ =	shalt  }
0x5c: {  	_ =	shalt  }
0x5d: {  	_ =	shalt  }
0x5e: {  	_ =	shalt  }
0x5f: {  	_ =	shalt  }
0x60: {  	_ =	shalt  }
0x61: {  	_ =	shalt  }
0x62: {  	_ =	shalt  }
0x63: {  	_ =	shalt  }
0x64: {  	_ =	shalt  }
0x65: {  	_ =	shalt  }
0x66: {  	_ =	shalt  }
0x67: {  	_ =	shalt  }
0x68: {  	_ =	shalt  }
0x69: {  	_ =	shalt  }
0x6a: {  	_ =	shalt  }
0x6b: {  	_ =	shalt  }
0x6c: {  	_ =	shalt  }
0x6d: {  	_ =	shalt  }
0x6e: {  	_ =	shalt  }
0x6f: {  	_ =	shalt  }
0x70: {  	_ =	shalt  }
0x71: {  	_ =	shalt  }
0x72: {  	_ =	shalt  }
0x73: {  	_ =	shalt  }
0x74: {  	_ =	shalt  }
0x75: {  	_ =	shalt  }
0x76: {  	_ =	shalt  }
0x77: {  	_ =	shalt  }
0x78: {  	_ =	shalt  }
0x79: {  	_ =	shalt  }
0x7a: {  	_ =	shalt  }
0x7b: {  	_ =	shalt  }
0x7c: {  	_ =	shalt  }
0x7d: {  	_ =	shalt  }
0x7e: {  	_ =	shalt  }
0x7f: {  	_ =	shalt  }
0x80: {  	_ =	shalt  }
0x81: {  	_ =	shalt  }
0x82: {  	_ =	shalt  }
0x83: {  	_ =	shalt  }
0x84: {  	_ =	shalt  }
0x85: {  	_ =	shalt  }
0x86: {  	_ =	shalt  }
0x87: {  	_ =	shalt  }
.Lfunc_end0:
.L_simem_size_0:
called_computation.4_lowered:
.L_overlay_start_0:
0x88: {  	s2 =	sld [smem:$0x3FD9]  }
0x89: {  	s3 =	sld [smem:$0x3FFE];
	_ =	sdelay $0x1  }
0x8a: {  	s1 =	srdreg.scid  }
0x8b: {  	s0 =	sand.u32 $0x1, s1  }
0x8c: {  	s16 =	sshll.u32 s0, $0xA;
	s2 =	sadd.s32 s3, s2  }
0x8d: {  	s2 =	sadd.s32 s2, s16  }
0x8e: {  	[smem:$0x3FB8] =	sst s2  }
0x8f: {  	_ = 	snop  }
0x90: {  	(tm) =	ssettm $0x1  }
0x91: {  	s17 =	sld [smem:$0x3FFB];
	_ =	sdelay $0x3  }
0x92: {  	_ =	strace s17  }
0x93: {  	s2 =	sld [smem:$0x3FFC];
	_ =	sdelay $0x3  }
0x94: {  	_ =	strace s2  }
0x95: {  	s2 =	sld [smem:$0x3FFD];
	_ =	sdelay $0x3  }
0x96: {  	_ =	strace s2  }
0x97: {  	_ =	strace $0x8FFFFFFF  }
0x98: {  	s18 =	sld [smem:$0x3FDB];
	_ =	sdelay $0x1  }
0x99: {  	s19 =	simm.s32 $_scs_section_size  }
0x9a: {  	s4 =	simm.s32 $_size__tile_overlayer_lowered;
	s5 =	simm.s32 $_tile_overlayer_lowered  }
0x9b: {  	s22 =	simm.s32 $0x1BFF;
	s21 =	sshll.u32 s5, $0x1;
	s2 =	sadd.s32 s19, s18  }
0x9c: {  	s6 =	simm.s32 $0x0;
	s20 =	sshll.u32 s4, $0x1;
	s4 =	sadd.s32 s21, s2  }
0x9d: {  	[timem:s6], [sflag:s22] =	dma.local [hbm:s4], s20  }
0x9e: {  	_ =	swait.ge [sflag:s22], s20  }
0x9f: {  	s3 =	ssub.s32 $0x0, s20;
	[sflag:s22] =	ssyncset.done $0x0  }
0xa0: {  	[sflag:s22] =	ssyncadd.s32 s3;
	_ =	sdelay $0x1  }
0xa1: {  	s23 =	simm.s32 $0x1B8B  }
0xa2: {  	_ =	swait.ge [sflag:s23], $0x1  }
0xa3: {  	[sflag:s23] =	ssyncset.done $0x0  }
0xa4: {  	s25 =	simm.s32 $0x1B8E;
	s24 =	sld [smem:$0x3FFE];
	[sflag:s23] =	ssyncadd.s32 $0xFFFFFFFF  }
0xa5: {  	s26 =	simm.s32 $execute0_lowered;
	[smem:$0x3FD2] =	sst s25  }
0xa6: {  	s4 =	sshll.u32 s26, $0x1;
	_ =	strace $0x8000004C;
	[dreg:$0x1] =	wrdreg $0xFFFFFFFF  }
0xa7: {  	s28 =	simm.s32 $_size_execute0_lowered;
	s2 =	sadd.s32 s2, s4;
	[dreg:$0x0] =	wrdreg $0x0  }
0xa8: {  	s4 =	sshll.u32 s28, $0x1;
	[dreg:$0x2] =	wrdreg s2  }
0xa9: {  	[dreg:$0x3] =	wrdreg s4  }
0xaa: {  	[dreg:$0x4] =	wrdreg $0xC0  }
0xab: {  	_ =	task [dreg:s6], $0x5FFFF  }
0xac: {  	[dreg:$0x1] =	wrdreg $0xFFFFFFFF  }
0xad: {  	[dreg:$0x0] =	wrdreg $0x60  }
0xae: {  	[dreg:$0x2] =	wrdreg s24  }
0xaf: {  	[dreg:$0x3] =	wrdreg $0x9  }
0xb0: {  	_ =	task.clear_ibuf [dreg:s6], $0x4FFFF;
	_ =	strace $0x9000004C  }
0xb1: {  	s29 =	simm.s32 $0x9;
	_ =	strace $0x8000004E  }
0xb2: {  	_ =	swait.ge [sflag:s29], $0x1  }
0xb3: {  	[sflag:s29] =	ssyncadd.s32 $0xFFFFFFFF  }
0xb4: {  	_ =	strace $0x9000004E  }
0xb5: {  	_ =	sfence  }
0xb6: {  	s30 =	sld [smem:$0x0];
	_ =	sdelay $0x2  }
0xb7: {  	s31 =	sshll.u32 s1, $0xD;
	s1 =	sshrl.u32 s1, $0x2  }
0xb8: {  	s3 =	sand.u32 $0x4000, s31;
	s1 =	sadd.s32 s1, s30  }
0xb9: {  	s0 =	sor.u32 s3, s0;
	s1 =	sshll.u32 s1, $0x11  }
0xba: {  	s0 =	sor.u32 s1, s0  }
0xbb: {  	s0 =	sadd.s32 $0x8F2B, s0  }
0xbc: {  	[sflag:s0] =	ssyncadd.remote.s32 $0x1  }
0xbd: {  	_ =	sfence.sel $0xFFFF  }
0xbe: {  	[dreg:$0x0] =	wrdreg $0xFFFFFFFF;
	(pc) =	sbr.abs _section_cstart, $3  }
0xbf: {  	[dreg:$0x1] =	wrdreg $0xFFFFFFFF  }
0xc0: {  	_ =	task.clear_ibuf [dreg:s6], $0x2FFFF;
	_ =	strace $0x9FFFFFFF  }
0xc1: {  	(tm) =	ssettm $0x7FFFFFFF  }
tec
execute0_lowered:
.L_overlay_start_1:
0x0: {  	(tag) =	ssettag $0x1  }
0x1: {  	s0 =	srdreg.scid;
	s1 =	stileid.u32  }
0x2: {  	s31 =	sand.u32 $0x1, s0;
	s15 =	sshll.u32 s1, $0x1  }
0x3: {  	s3 =	sor.u32 s31, s15  }
0x4: {  	s4 =	rddreg [dreg:$0x0];
	s2 =	simm.s32 $0x0;
	s0 =	smul.u32 $0x3200, s3  }
0x5: {  	[smem:$0x7FF] =	sst s2;
	s30 =	sadd.s32 $0x209800, s4;
	s3 =	smul.u32 $0x32000, s3  }
0x6: {  	s1 =	sadd.s32 $0x316000, s4;
	_ =	strace $0x8000004D  }
0x7: {  	s5 =	sshrl.u32 s0, $0x3;
	s6 =	sadd.s32 $0x200, s0;
	s3 =	sadd.s32 s1, s3  }
0x8: {  	s20 =	sadd.s32 $0x400, s0;
	s22 =	sadd.s32 $0x600, s0;
	s8 =	sadd.s32 $0xA00, s0  }
0x9: {  	s14 =	sadd.s32 $0xC00, s0;
	s5 =	sadd.s32 s30, s5;
	s16 =	sshrl.u32 s6, $0x3  }
0xa: {  	[dreg:$0x3] =	wrdreg s3;
	s18 =	sshll.u32 s6, $0x4;
	s21 =	sshrl.u32 s20, $0x3  }
0xb: {  	s24 =	sshrl.u32 s22, $0x3;
	s26 =	sshll.u32 s22, $0x4;
	s6 =	sadd.s32 $0x800, s0  }
0xc: {  	s10 =	sshrl.u32 s8, $0x3;
	[dreg:$0x2] =	wrdreg s5;
	s17 =	sadd.s32 s30, s16  }
0xd: {  	s12 =	sshll.u32 s8, $0x4;
	s19 =	sadd.s32 s1, s18;
	[dreg:$0x4] =	wrdreg s17  }
0xe: {  	s15 =	sshrl.u32 s14, $0x3;
	s3 =	sadd.s32 s30, s21;
	[dreg:$0x5] =	wrdreg s19  }
0xf: {  	s22 =	sadd.s32 $0x1000, s0;
	s25 =	sadd.s32 s30, s24;
	[dreg:$0x6] =	wrdreg s3  }
0x10: {  	s5 =	sshll.u32 s20, $0x4;
	s11 =	sadd.s32 s30, s10;
	[dreg:$0x8] =	wrdreg s25  }
0x11: {  	s7 =	sshrl.u32 s6, $0x3;
	s13 =	sadd.s32 s1, s12;
	[dreg:$0xc] =	wrdreg s11  }
0x12: {  	s16 =	sadd.s32 $0xE00, s0;
	s23 =	sadd.s32 s1, s5;
	[dreg:$0xd] =	wrdreg s13  }
0x13: {  	s24 =	sadd.s32 $0x1200, s0;
	s5 =	sadd.s32 s1, s26;
	[dreg:$0x7] =	wrdreg s23  }
0x14: {  	s3 =	sadd.s32 s30, s7;
	s18 =	sshrl.u32 s16, $0x3;
	[dreg:$0x9] =	wrdreg s5  }
0x15: {  	s20 =	sshll.u32 s16, $0x4;
	[dreg:$0xa] =	wrdreg s3;
	s3 =	sadd.s32 s30, s15  }
0x16: {  	s26 =	sshrl.u32 s24, $0x3;
	s19 =	sadd.s32 s30, s18;
	[dreg:$0xe] =	wrdreg s3  }
0x17: {  	s7 =	sshll.u32 s24, $0x4;
	s21 =	sadd.s32 s1, s20;
	[dreg:$0x10] =	wrdreg s19  }
0x18: {  	s11 =	sadd.s32 $0x1600, s0;
	s8 =	sadd.s32 s1, s7;
	[dreg:$0x11] =	wrdreg s21  }
0x19: {  	s5 =	sshll.u32 s6, $0x4;
	s23 =	sshrl.u32 s22, $0x3;
	[dreg:$0x15] =	wrdreg s8  }
0x1a: {  	s13 =	sshrl.u32 s11, $0x3;
	s9 =	sadd.s32 s1, s5;
	s19 =	rddreg [dreg:$0x2]  }
0x1b: {  	s15 =	sshll.u32 s11, $0x4;
	s3 =	sadd.s32 s30, s23;
	[dreg:$0xb] =	wrdreg s9  }
0x1c: {  	s5 =	sshll.u32 s14, $0x4;
	s14 =	sadd.s32 s30, s13;
	[dreg:$0x12] =	wrdreg s3  }
0x1d: {  	s16 =	sadd.s32 s1, s15;
	s17 =	sadd.s32 s1, s5;
	[dreg:$0x18] =	wrdreg s14  }
0x1e: {  	s5 =	sshll.u32 s22, $0x4;
	s9 =	sadd.s32 $0x1400, s0;
	[dreg:$0x19] =	wrdreg s16  }
0x1f: {  	[tilespmem:s2], [sflag:$0x2] =	stream.linear.gather [hbm4b:s19+s2], $0x200, $0x38;
	[tilespmem:$0x10200] =	vst v63  }
0x20: {  	[dreg:$0xf] =	wrdreg s17;
	s25 =	sadd.s32 s1, s5;
	s5 =	sadd.s32 s30, s26  }
0x21: {  	s10 =	sshrl.u32 s9, $0x3;
	s17 =	sadd.s32 $0x1800, s0;
	[dreg:$0x13] =	wrdreg s25  }
0x22: {  	[dreg:$0x14] =	wrdreg s5;
	s3 =	sadd.s32 s30, s10;
	s5 =	sshll.u32 s9, $0x4  }
0x23: {  	s18 =	sshrl.u32 s17, $0x3;
	[dreg:$0x16] =	wrdreg s3;
	s12 =	sadd.s32 s1, s5  }
0x24: {  	s3 =	sadd.s32 s30, s18;
	s5 =	sshll.u32 s17, $0x4;
	[dreg:$0x17] =	wrdreg s12  }
0x25: {  	[dreg:$0x1a] =	wrdreg s3;
	s20 =	sadd.s32 s1, s5  }
0x26: {  	s3 =	simm.s32 $0x2;
	[dreg:$0x1b] =	wrdreg s20  }
0x27: {  	_ =	swait.ge [sflag:s3], $0x200  }
0x28: {  	s4 =	sadd.s32 $0x216000, s4;
	[sflag:s3] =	ssyncset.done $0x0  }
0x29: {  	s6 =	simm.s32 $0x1;
	s5 =	simm.s32 $0x200;
	[sflag:s3] =	ssyncadd.s32 $0xFFFFFE00  }
0x2a: {  	[tilespmem:s5], [sflag:$0x1] =	stream.indirect.gather [hbm4b:s4+s5], $0x80, s2, s5, $0xb8;
	[tilespmem:$0x10200] =	vst v63  }
0x2b: {  	_ =	swait.ge [sflag:s6], $0x10000  }
0x2c: {  	[sflag:s6] =	ssyncset.done $0x0  }
0x2d: {  	s7 =	rddreg [dreg:$0x3];
	[sflag:s6] =	ssyncadd.s32 $0xFFFF0000  }
0x2e: {  	[hbm4b:s7+s2] =	stream.linear.scatter [tilespmem:s5], [sflag:$0x2], $0x10000, $0x38;
	[tilespmem:$0x10200] =	vst v63  }
0x2f: {  	_ =	swait.ge [sflag:s3], $0x10000  }
0x30: {  	[sflag:s3] =	ssyncset.done $0x0  }
0x31: {  	s21 =	rddreg [dreg:$0x4];
	[sflag:s3] =	ssyncadd.s32 $0xFFFF0000  }
0x32: {  	[tilespmem:s2], [sflag:$0x2] =	stream.linear.gather [hbm4b:s21+s2], $0x200, $0x38;
	[tilespmem:$0x10200] =	vst v63  }
0x33: {  	_ =	swait.ge [sflag:s3], $0x200  }
0x34: {  	[sflag:s3] =	ssyncset.done $0x0  }
0x35: {  	[sflag:s3] =	ssyncadd.s32 $0xFFFFFE00  }
0x36: {  	[tilespmem:s5], [sflag:$0x1] =	stream.indirect.gather [hbm4b:s4+s5], $0x80, s2, s5, $0xb8;
	[tilespmem:$0x10200] =	vst v63  }
0x37: {  	_ =	swait.ge [sflag:s6], $0x10000  }
0x38: {  	[sflag:s6] =	ssyncset.done $0x0  }
0x39: {  	s22 =	rddreg [dreg:$0x5];
	[sflag:s6] =	ssyncadd.s32 $0xFFFF0000  }
0x3a: {  	[hbm4b:s22+s2] =	stream.linear.scatter [tilespmem:s5], [sflag:$0x2], $0x10000, $0x38;
	[tilespmem:$0x10200] =	vst v63  }
0x3b: {  	_ =	swait.ge [sflag:s3], $0x10000  }
0x3c: {  	[sflag:s3] =	ssyncset.done $0x0  }
0x3d: {  	s23 =	rddreg [dreg:$0x6];
	[sflag:s3] =	ssyncadd.s32 $0xFFFF0000  }
0x3e: {  	[tilespmem:s2], [sflag:$0x2] =	stream.linear.gather [hbm4b:s23+s2], $0x200, $0x38;
	[tilespmem:$0x10200] =	vst v63  }
0x3f: {  	_ =	swait.ge [sflag:s3], $0x200  }
0x40: {  	[sflag:s3] =	ssyncset.done $0x0  }
0x41: {  	[sflag:s3] =	ssyncadd.s32 $0xFFFFFE00  }
0x42: {  	[tilespmem:s5], [sflag:$0x1] =	stream.indirect.gather [hbm4b:s4+s5], $0x80, s2, s5, $0xb8;
	[tilespmem:$0x10200] =	vst v63  }
0x43: {  	_ =	swait.ge [sflag:s6], $0x10000  }
0x44: {  	[sflag:s6] =	ssyncset.done $0x0  }
0x45: {  	s24 =	rddreg [dreg:$0x7];
	[sflag:s6] =	ssyncadd.s32 $0xFFFF0000  }
0x46: {  	[hbm4b:s24+s2] =	stream.linear.scatter [tilespmem:s5], [sflag:$0x2], $0x10000, $0x38;
	[tilespmem:$0x10200] =	vst v63  }
0x47: {  	_ =	swait.ge [sflag:s3], $0x10000  }
0x48: {  	[sflag:s3] =	ssyncset.done $0x0  }
0x49: {  	s25 =	rddreg [dreg:$0x8];
	[sflag:s3] =	ssyncadd.s32 $0xFFFF0000  }
0x4a: {  	[tilespmem:s2], [sflag:$0x2] =	stream.linear.gather [hbm4b:s25+s2], $0x200, $0x38;
	[tilespmem:$0x10200] =	vst v63  }
0x4b: {  	_ =	swait.ge [sflag:s3], $0x200  }
0x4c: {  	[sflag:s3] =	ssyncset.done $0x0  }
0x4d: {  	[sflag:s3] =	ssyncadd.s32 $0xFFFFFE00  }
0x4e: {  	[tilespmem:s5], [sflag:$0x1] =	stream.indirect.gather [hbm4b:s4+s5], $0x80, s2, s5, $0xb8;
	[tilespmem:$0x10200] =	vst v63  }
0x4f: {  	_ =	swait.ge [sflag:s6], $0x10000  }
0x50: {  	[sflag:s6] =	ssyncset.done $0x0  }
0x51: {  	s26 =	rddreg [dreg:$0x9];
	[sflag:s6] =	ssyncadd.s32 $0xFFFF0000  }
0x52: {  	[hbm4b:s26+s2] =	stream.linear.scatter [tilespmem:s5], [sflag:$0x2], $0x10000, $0x38;
	[tilespmem:$0x10200] =	vst v63  }
0x53: {  	_ =	swait.ge [sflag:s3], $0x10000  }
0x54: {  	[sflag:s3] =	ssyncset.done $0x0  }
0x55: {  	s8 =	rddreg [dreg:$0xa];
	[sflag:s3] =	ssyncadd.s32 $0xFFFF0000  }
0x56: {  	[tilespmem:s2], [sflag:$0x2] =	stream.linear.gather [hbm4b:s8+s2], $0x200, $0x38;
	[tilespmem:$0x10200] =	vst v63  }
0x57: {  	_ =	swait.ge [sflag:s3], $0x200  }
0x58: {  	[sflag:s3] =	ssyncset.done $0x0  }
0x59: {  	[sflag:s3] =	ssyncadd.s32 $0xFFFFFE00  }
0x5a: {  	[tilespmem:s5], [sflag:$0x1] =	stream.indirect.gather [hbm4b:s4+s5], $0x80, s2, s5, $0xb8;
	[tilespmem:$0x10200] =	vst v63  }
0x5b: {  	_ =	swait.ge [sflag:s6], $0x10000  }
0x5c: {  	[sflag:s6] =	ssyncset.done $0x0  }
0x5d: {  	s9 =	rddreg [dreg:$0xb];
	[sflag:s6] =	ssyncadd.s32 $0xFFFF0000  }
0x5e: {  	[hbm4b:s9+s2] =	stream.linear.scatter [tilespmem:s5], [sflag:$0x2], $0x10000, $0x38;
	[tilespmem:$0x10200] =	vst v63  }
0x5f: {  	_ =	swait.ge [sflag:s3], $0x10000  }
0x60: {  	[sflag:s3] =	ssyncset.done $0x0  }
0x61: {  	s10 =	rddreg [dreg:$0xc];
	[sflag:s3] =	ssyncadd.s32 $0xFFFF0000  }
0x62: {  	[tilespmem:s2], [sflag:$0x2] =	stream.linear.gather [hbm4b:s10+s2], $0x200, $0x38;
	[tilespmem:$0x10200] =	vst v63  }
0x63: {  	_ =	swait.ge [sflag:s3], $0x200  }
0x64: {  	[sflag:s3] =	ssyncset.done $0x0  }
0x65: {  	[sflag:s3] =	ssyncadd.s32 $0xFFFFFE00  }
0x66: {  	[tilespmem:s5], [sflag:$0x1] =	stream.indirect.gather [hbm4b:s4+s5], $0x80, s2, s5, $0xb8;
	[tilespmem:$0x10200] =	vst v63  }
0x67: {  	_ =	swait.ge [sflag:s6], $0x10000  }
0x68: {  	[sflag:s6] =	ssyncset.done $0x0  }
0x69: {  	s11 =	rddreg [dreg:$0xd];
	[sflag:s6] =	ssyncadd.s32 $0xFFFF0000  }
0x6a: {  	[hbm4b:s11+s2] =	stream.linear.scatter [tilespmem:s5], [sflag:$0x2], $0x10000, $0x38;
	[tilespmem:$0x10200] =	vst v63  }
0x6b: {  	_ =	swait.ge [sflag:s3], $0x10000  }
0x6c: {  	[sflag:s3] =	ssyncset.done $0x0  }
0x6d: {  	s12 =	rddreg [dreg:$0xe];
	[sflag:s3] =	ssyncadd.s32 $0xFFFF0000  }
0x6e: {  	[tilespmem:s2], [sflag:$0x2] =	stream.linear.gather [hbm4b:s12+s2], $0x200, $0x38;
	[tilespmem:$0x10200] =	vst v63  }
0x6f: {  	_ =	swait.ge [sflag:s3], $0x200  }
0x70: {  	[sflag:s3] =	ssyncset.done $0x0  }
0x71: {  	[sflag:s3] =	ssyncadd.s32 $0xFFFFFE00  }
0x72: {  	[tilespmem:s5], [sflag:$0x1] =	stream.indirect.gather [hbm4b:s4+s5], $0x80, s2, s5, $0xb8;
	[tilespmem:$0x10200] =	vst v63  }
0x73: {  	_ =	swait.ge [sflag:s6], $0x10000  }
0x74: {  	[sflag:s6] =	ssyncset.done $0x0  }
0x75: {  	s13 =	rddreg [dreg:$0xf];
	[sflag:s6] =	ssyncadd.s32 $0xFFFF0000  }
0x76: {  	[hbm4b:s13+s2] =	stream.linear.scatter [tilespmem:s5], [sflag:$0x2], $0x10000, $0x38;
	[tilespmem:$0x10200] =	vst v63  }
0x77: {  	_ =	swait.ge [sflag:s3], $0x10000  }
0x78: {  	[sflag:s3] =	ssyncset.done $0x0  }
0x79: {  	s14 =	rddreg [dreg:$0x10];
	[sflag:s3] =	ssyncadd.s32 $0xFFFF0000  }
0x7a: {  	[tilespmem:s2], [sflag:$0x2] =	stream.linear.gather [hbm4b:s14+s2], $0x200, $0x38;
	[tilespmem:$0x10200] =	vst v63  }
0x7b: {  	_ =	swait.ge [sflag:s3], $0x200  }
0x7c: {  	[sflag:s3] =	ssyncset.done $0x0  }
0x7d: {  	[sflag:s3] =	ssyncadd.s32 $0xFFFFFE00  }
0x7e: {  	[tilespmem:s5], [sflag:$0x1] =	stream.indirect.gather [hbm4b:s4+s5], $0x80, s2, s5, $0xb8;
	[tilespmem:$0x10200] =	vst v63  }
0x7f: {  	_ =	swait.ge [sflag:s6], $0x10000  }
0x80: {  	[sflag:s6] =	ssyncset.done $0x0  }
0x81: {  	s15 =	rddreg [dreg:$0x11];
	[sflag:s6] =	ssyncadd.s32 $0xFFFF0000  }
0x82: {  	[hbm4b:s15+s2] =	stream.linear.scatter [tilespmem:s5], [sflag:$0x2], $0x10000, $0x38;
	[tilespmem:$0x10200] =	vst v63  }
0x83: {  	_ =	swait.ge [sflag:s3], $0x10000  }
0x84: {  	[sflag:s3] =	ssyncset.done $0x0  }
0x85: {  	s16 =	rddreg [dreg:$0x12];
	[sflag:s3] =	ssyncadd.s32 $0xFFFF0000  }
0x86: {  	[tilespmem:s2], [sflag:$0x2] =	stream.linear.gather [hbm4b:s16+s2], $0x200, $0x38;
	[tilespmem:$0x10200] =	vst v63  }
0x87: {  	_ =	swait.ge [sflag:s3], $0x200  }
0x88: {  	[sflag:s3] =	ssyncset.done $0x0  }
0x89: {  	[sflag:s3] =	ssyncadd.s32 $0xFFFFFE00  }
0x8a: {  	[tilespmem:s5], [sflag:$0x1] =	stream.indirect.gather [hbm4b:s4+s5], $0x80, s2, s5, $0xb8;
	[tilespmem:$0x10200] =	vst v63  }
0x8b: {  	_ =	swait.ge [sflag:s6], $0x10000  }
0x8c: {  	[sflag:s6] =	ssyncset.done $0x0  }
0x8d: {  	s17 =	rddreg [dreg:$0x13];
	[sflag:s6] =	ssyncadd.s32 $0xFFFF0000  }
0x8e: {  	[hbm4b:s17+s2] =	stream.linear.scatter [tilespmem:s5], [sflag:$0x2], $0x10000, $0x38;
	[tilespmem:$0x10200] =	vst v63  }
0x8f: {  	_ =	swait.ge [sflag:s3], $0x10000  }
0x90: {  	[sflag:s3] =	ssyncset.done $0x0  }
0x91: {  	s18 =	rddreg [dreg:$0x14];
	[sflag:s3] =	ssyncadd.s32 $0xFFFF0000  }
0x92: {  	[tilespmem:s2], [sflag:$0x2] =	stream.linear.gather [hbm4b:s18+s2], $0x200, $0x38;
	[tilespmem:$0x10200] =	vst v63  }
0x93: {  	_ =	swait.ge [sflag:s3], $0x200  }
0x94: {  	[sflag:s3] =	ssyncset.done $0x0  }
0x95: {  	[sflag:s3] =	ssyncadd.s32 $0xFFFFFE00  }
0x96: {  	[tilespmem:s5], [sflag:$0x1] =	stream.indirect.gather [hbm4b:s4+s5], $0x80, s2, s5, $0xb8;
	[tilespmem:$0x10200] =	vst v63  }
0x97: {  	_ =	swait.ge [sflag:s6], $0x10000  }
0x98: {  	[sflag:s6] =	ssyncset.done $0x0  }
0x99: {  	s19 =	rddreg [dreg:$0x15];
	[sflag:s6] =	ssyncadd.s32 $0xFFFF0000  }
0x9a: {  	[hbm4b:s19+s2] =	stream.linear.scatter [tilespmem:s5], [sflag:$0x2], $0x10000, $0x38;
	[tilespmem:$0x10200] =	vst v63  }
0x9b: {  	_ =	swait.ge [sflag:s3], $0x10000  }
0x9c: {  	[sflag:s3] =	ssyncset.done $0x0  }
0x9d: {  	s20 =	rddreg [dreg:$0x16];
	[sflag:s3] =	ssyncadd.s32 $0xFFFF0000  }
0x9e: {  	[tilespmem:s2], [sflag:$0x2] =	stream.linear.gather [hbm4b:s20+s2], $0x200, $0x38;
	[tilespmem:$0x10200] =	vst v63  }
0x9f: {  	_ =	swait.ge [sflag:s3], $0x200  }
0xa0: {  	[sflag:s3] =	ssyncset.done $0x0  }
0xa1: {  	[sflag:s3] =	ssyncadd.s32 $0xFFFFFE00  }
0xa2: {  	[tilespmem:s5], [sflag:$0x1] =	stream.indirect.gather [hbm4b:s4+s5], $0x80, s2, s5, $0xb8;
	[tilespmem:$0x10200] =	vst v63  }
0xa3: {  	_ =	swait.ge [sflag:s6], $0x10000  }
0xa4: {  	[sflag:s6] =	ssyncset.done $0x0  }
0xa5: {  	s21 =	rddreg [dreg:$0x17];
	[sflag:s6] =	ssyncadd.s32 $0xFFFF0000  }
0xa6: {  	[hbm4b:s21+s2] =	stream.linear.scatter [tilespmem:s5], [sflag:$0x2], $0x10000, $0x38;
	[tilespmem:$0x10200] =	vst v63  }
0xa7: {  	_ =	swait.ge [sflag:s3], $0x10000  }
0xa8: {  	[sflag:s3] =	ssyncset.done $0x0  }
0xa9: {  	s22 =	rddreg [dreg:$0x18];
	[sflag:s3] =	ssyncadd.s32 $0xFFFF0000  }
0xaa: {  	[tilespmem:s2], [sflag:$0x2] =	stream.linear.gather [hbm4b:s22+s2], $0x200, $0x38;
	[tilespmem:$0x10200] =	vst v63  }
0xab: {  	_ =	swait.ge [sflag:s3], $0x200  }
0xac: {  	[sflag:s3] =	ssyncset.done $0x0  }
0xad: {  	[sflag:s3] =	ssyncadd.s32 $0xFFFFFE00  }
0xae: {  	[tilespmem:s5], [sflag:$0x1] =	stream.indirect.gather [hbm4b:s4+s5], $0x80, s2, s5, $0xb8;
	[tilespmem:$0x10200] =	vst v63  }
0xaf: {  	_ =	swait.ge [sflag:s6], $0x10000  }
0xb0: {  	[sflag:s6] =	ssyncset.done $0x0  }
0xb1: {  	s23 =	rddreg [dreg:$0x19];
	[sflag:s6] =	ssyncadd.s32 $0xFFFF0000  }
0xb2: {  	[hbm4b:s23+s2] =	stream.linear.scatter [tilespmem:s5], [sflag:$0x2], $0x10000, $0x38;
	[tilespmem:$0x10200] =	vst v63  }
0xb3: {  	_ =	swait.ge [sflag:s3], $0x10000  }
0xb4: {  	[sflag:s3] =	ssyncset.done $0x0  }
0xb5: {  	s24 =	rddreg [dreg:$0x1a];
	[sflag:s3] =	ssyncadd.s32 $0xFFFF0000  }
0xb6: {  	[tilespmem:s2], [sflag:$0x2] =	stream.linear.gather [hbm4b:s24+s2], $0x200, $0x38;
	[tilespmem:$0x10200] =	vst v63  }
0xb7: {  	_ =	swait.ge [sflag:s3], $0x200  }
0xb8: {  	[sflag:s3] =	ssyncset.done $0x0  }
0xb9: {  	[sflag:s3] =	ssyncadd.s32 $0xFFFFFE00  }
0xba: {  	[tilespmem:s5], [sflag:$0x1] =	stream.indirect.gather [hbm4b:s4+s5], $0x80, s2, s5, $0xb8;
	[tilespmem:$0x10200] =	vst v63  }
0xbb: {  	_ =	swait.ge [sflag:s6], $0x10000  }
0xbc: {  	[sflag:s6] =	ssyncset.done $0x0  }
0xbd: {  	s25 =	rddreg [dreg:$0x1b];
	[sflag:s6] =	ssyncadd.s32 $0xFFFF0000  }
0xbe: {  	[hbm4b:s25+s2] =	stream.linear.scatter [tilespmem:s5], [sflag:$0x2], $0x10000, $0x38;
	[tilespmem:$0x10200] =	vst v63  }
0xbf: {  	s8 =	sadd.s32 $0x1A00, s0;
	_ =	swait.ge [sflag:s3], $0x10000  }
0xc0: {  	s26 =	sshrl.u32 s8, $0x3;
	[sflag:s3] =	ssyncset.done $0x0  }
0xc1: {  	s7 =	sadd.s32 s30, s26;
	[sflag:s3] =	ssyncadd.s32 $0xFFFF0000  }
0xc2: {  	[tilespmem:s2], [sflag:$0x2] =	stream.linear.gather [hbm4b:s7+s2], $0x200, $0x38;
	[tilespmem:$0x10200] =	vst v63  }
0xc3: {  	_ =	swait.ge [sflag:s3], $0x200  }
0xc4: {  	[sflag:s3] =	ssyncset.done $0x0  }
0xc5: {  	[sflag:s3] =	ssyncadd.s32 $0xFFFFFE00  }
0xc6: {  	[tilespmem:s5], [sflag:$0x1] =	stream.indirect.gather [hbm4b:s4+s5], $0x80, s2, s5, $0xb8;
	[tilespmem:$0x10200] =	vst v63  }
0xc7: {  	_ =	swait.ge [sflag:s6], $0x10000  }
0xc8: {  	s8 =	sshll.u32 s8, $0x4;
	[sflag:s6] =	ssyncset.done $0x0  }
0xc9: {  	s8 =	sadd.s32 s1, s8;
	[sflag:s6] =	ssyncadd.s32 $0xFFFF0000  }
0xca: {  	[hbm4b:s8+s2] =	stream.linear.scatter [tilespmem:s5], [sflag:$0x2], $0x10000, $0x38;
	[tilespmem:$0x10200] =	vst v63  }
0xcb: {  	s10 =	sadd.s32 $0x1C00, s0;
	_ =	swait.ge [sflag:s3], $0x10000  }
0xcc: {  	s9 =	sshrl.u32 s10, $0x3;
	[sflag:s3] =	ssyncset.done $0x0  }
0xcd: {  	s9 =	sadd.s32 s30, s9;
	[sflag:s3] =	ssyncadd.s32 $0xFFFF0000  }
0xce: {  	[tilespmem:s2], [sflag:$0x2] =	stream.linear.gather [hbm4b:s9+s2], $0x200, $0x38;
	[tilespmem:$0x10200] =	vst v63  }
0xcf: {  	_ =	swait.ge [sflag:s3], $0x200  }
0xd0: {  	[sflag:s3] =	ssyncset.done $0x0  }
0xd1: {  	[sflag:s3] =	ssyncadd.s32 $0xFFFFFE00  }
0xd2: {  	[tilespmem:s5], [sflag:$0x1] =	stream.indirect.gather [hbm4b:s4+s5], $0x80, s2, s5, $0xb8;
	[tilespmem:$0x10200] =	vst v63  }
0xd3: {  	_ =	swait.ge [sflag:s6], $0x10000  }
0xd4: {  	s10 =	sshll.u32 s10, $0x4;
	[sflag:s6] =	ssyncset.done $0x0  }
0xd5: {  	s10 =	sadd.s32 s1, s10;
	[sflag:s6] =	ssyncadd.s32 $0xFFFF0000  }
0xd6: {  	[hbm4b:s10+s2] =	stream.linear.scatter [tilespmem:s5], [sflag:$0x2], $0x10000, $0x38;
	[tilespmem:$0x10200] =	vst v63  }
0xd7: {  	s12 =	sadd.s32 $0x1E00, s0;
	_ =	swait.ge [sflag:s3], $0x10000  }
0xd8: {  	s11 =	sshrl.u32 s12, $0x3;
	[sflag:s3] =	ssyncset.done $0x0  }
0xd9: {  	s11 =	sadd.s32 s30, s11;
	[sflag:s3] =	ssyncadd.s32 $0xFFFF0000  }
0xda: {  	[tilespmem:s2], [sflag:$0x2] =	stream.linear.gather [hbm4b:s11+s2], $0x200, $0x38;
	[tilespmem:$0x10200] =	vst v63  }
0xdb: {  	_ =	swait.ge [sflag:s3], $0x200  }
0xdc: {  	[sflag:s3] =	ssyncset.done $0x0  }
0xdd: {  	[sflag:s3] =	ssyncadd.s32 $0xFFFFFE00  }
0xde: {  	[tilespmem:s5], [sflag:$0x1] =	stream.indirect.gather [hbm4b:s4+s5], $0x80, s2, s5, $0xb8;
	[tilespmem:$0x10200] =	vst v63  }
0xdf: {  	_ =	swait.ge [sflag:s6], $0x10000  }
0xe0: {  	s12 =	sshll.u32 s12, $0x4;
	[sflag:s6] =	ssyncset.done $0x0  }
0xe1: {  	s12 =	sadd.s32 s1, s12;
	[sflag:s6] =	ssyncadd.s32 $0xFFFF0000  }
0xe2: {  	[hbm4b:s12+s2] =	stream.linear.scatter [tilespmem:s5], [sflag:$0x2], $0x10000, $0x38;
	[tilespmem:$0x10200] =	vst v63  }
0xe3: {  	s14 =	sadd.s32 $0x2000, s0;
	_ =	swait.ge [sflag:s3], $0x10000  }
0xe4: {  	s13 =	sshrl.u32 s14, $0x3;
	[sflag:s3] =	ssyncset.done $0x0  }
0xe5: {  	s13 =	sadd.s32 s30, s13;
	[sflag:s3] =	ssyncadd.s32 $0xFFFF0000  }
0xe6: {  	[tilespmem:s2], [sflag:$0x2] =	stream.linear.gather [hbm4b:s13+s2], $0x200, $0x38;
	[tilespmem:$0x10200] =	vst v63  }
0xe7: {  	_ =	swait.ge [sflag:s3], $0x200  }
0xe8: {  	[sflag:s3] =	ssyncset.done $0x0  }
0xe9: {  	[sflag:s3] =	ssyncadd.s32 $0xFFFFFE00  }
0xea: {  	[tilespmem:s5], [sflag:$0x1] =	stream.indirect.gather [hbm4b:s4+s5], $0x80, s2, s5, $0xb8;
	[tilespmem:$0x10200] =	vst v63  }
0xeb: {  	_ =	swait.ge [sflag:s6], $0x10000  }
0xec: {  	s14 =	sshll.u32 s14, $0x4;
	[sflag:s6] =	ssyncset.done $0x0  }
0xed: {  	s14 =	sadd.s32 s1, s14;
	[sflag:s6] =	ssyncadd.s32 $0xFFFF0000  }
0xee: {  	[hbm4b:s14+s2] =	stream.linear.scatter [tilespmem:s5], [sflag:$0x2], $0x10000, $0x38;
	[tilespmem:$0x10200] =	vst v63  }
0xef: {  	s16 =	sadd.s32 $0x2200, s0;
	_ =	swait.ge [sflag:s3], $0x10000  }
0xf0: {  	s15 =	sshrl.u32 s16, $0x3;
	[sflag:s3] =	ssyncset.done $0x0  }
0xf1: {  	s15 =	sadd.s32 s30, s15;
	[sflag:s3] =	ssyncadd.s32 $0xFFFF0000  }
0xf2: {  	[tilespmem:s2], [sflag:$0x2] =	stream.linear.gather [hbm4b:s15+s2], $0x200, $0x38;
	[tilespmem:$0x10200] =	vst v63  }
0xf3: {  	_ =	swait.ge [sflag:s3], $0x200  }
0xf4: {  	[sflag:s3] =	ssyncset.done $0x0  }
0xf5: {  	[sflag:s3] =	ssyncadd.s32 $0xFFFFFE00  }
0xf6: {  	[tilespmem:s5], [sflag:$0x1] =	stream.indirect.gather [hbm4b:s4+s5], $0x80, s2, s5, $0xb8;
	[tilespmem:$0x10200] =	vst v63  }
0xf7: {  	_ =	swait.ge [sflag:s6], $0x10000  }
0xf8: {  	s16 =	sshll.u32 s16, $0x4;
	[sflag:s6] =	ssyncset.done $0x0  }
0xf9: {  	s16 =	sadd.s32 s1, s16;
	[sflag:s6] =	ssyncadd.s32 $0xFFFF0000  }
0xfa: {  	[hbm4b:s16+s2] =	stream.linear.scatter [tilespmem:s5], [sflag:$0x2], $0x10000, $0x38;
	[tilespmem:$0x10200] =	vst v63  }
0xfb: {  	s18 =	sadd.s32 $0x2400, s0;
	_ =	swait.ge [sflag:s3], $0x10000  }
0xfc: {  	s17 =	sshrl.u32 s18, $0x3;
	[sflag:s3] =	ssyncset.done $0x0  }
0xfd: {  	s17 =	sadd.s32 s30, s17;
	[sflag:s3] =	ssyncadd.s32 $0xFFFF0000  }
0xfe: {  	[tilespmem:s2], [sflag:$0x2] =	stream.linear.gather [hbm4b:s17+s2], $0x200, $0x38;
	[tilespmem:$0x10200] =	vst v63  }
0xff: {  	_ =	swait.ge [sflag:s3], $0x200  }
0x100: {  	[sflag:s3] =	ssyncset.done $0x0  }
0x101: {  	[sflag:s3] =	ssyncadd.s32 $0xFFFFFE00  }
0x102: {  	[tilespmem:s5], [sflag:$0x1] =	stream.indirect.gather [hbm4b:s4+s5], $0x80, s2, s5, $0xb8;
	[tilespmem:$0x10200] =	vst v63  }
0x103: {  	_ =	swait.ge [sflag:s6], $0x10000  }
0x104: {  	s18 =	sshll.u32 s18, $0x4;
	[sflag:s6] =	ssyncset.done $0x0  }
0x105: {  	s18 =	sadd.s32 s1, s18;
	[sflag:s6] =	ssyncadd.s32 $0xFFFF0000  }
0x106: {  	[hbm4b:s18+s2] =	stream.linear.scatter [tilespmem:s5], [sflag:$0x2], $0x10000, $0x38;
	[tilespmem:$0x10200] =	vst v63  }
0x107: {  	s20 =	sadd.s32 $0x2600, s0;
	_ =	swait.ge [sflag:s3], $0x10000  }
0x108: {  	s19 =	sshrl.u32 s20, $0x3;
	[sflag:s3] =	ssyncset.done $0x0  }
0x109: {  	s19 =	sadd.s32 s30, s19;
	[sflag:s3] =	ssyncadd.s32 $0xFFFF0000  }
0x10a: {  	[tilespmem:s2], [sflag:$0x2] =	stream.linear.gather [hbm4b:s19+s2], $0x200, $0x38;
	[tilespmem:$0x10200] =	vst v63  }
0x10b: {  	_ =	swait.ge [sflag:s3], $0x200  }
0x10c: {  	[sflag:s3] =	ssyncset.done $0x0  }
0x10d: {  	[sflag:s3] =	ssyncadd.s32 $0xFFFFFE00  }
0x10e: {  	[tilespmem:s5], [sflag:$0x1] =	stream.indirect.gather [hbm4b:s4+s5], $0x80, s2, s5, $0xb8;
	[tilespmem:$0x10200] =	vst v63  }
0x10f: {  	_ =	swait.ge [sflag:s6], $0x10000  }
0x110: {  	s20 =	sshll.u32 s20, $0x4;
	[sflag:s6] =	ssyncset.done $0x0  }
0x111: {  	s20 =	sadd.s32 s1, s20;
	[sflag:s6] =	ssyncadd.s32 $0xFFFF0000  }
0x112: {  	[hbm4b:s20+s2] =	stream.linear.scatter [tilespmem:s5], [sflag:$0x2], $0x10000, $0x38;
	[tilespmem:$0x10200] =	vst v63  }
0x113: {  	s22 =	sadd.s32 $0x2800, s0;
	_ =	swait.ge [sflag:s3], $0x10000  }
0x114: {  	s21 =	sshrl.u32 s22, $0x3;
	[sflag:s3] =	ssyncset.done $0x0  }
0x115: {  	s21 =	sadd.s32 s30, s21;
	[sflag:s3] =	ssyncadd.s32 $0xFFFF0000  }
0x116: {  	[tilespmem:s2], [sflag:$0x2] =	stream.linear.gather [hbm4b:s21+s2], $0x200, $0x38;
	[tilespmem:$0x10200] =	vst v63  }
0x117: {  	_ =	swait.ge [sflag:s3], $0x200  }
0x118: {  	[sflag:s3] =	ssyncset.done $0x0  }
0x119: {  	[sflag:s3] =	ssyncadd.s32 $0xFFFFFE00  }
0x11a: {  	[tilespmem:s5], [sflag:$0x1] =	stream.indirect.gather [hbm4b:s4+s5], $0x80, s2, s5, $0xb8;
	[tilespmem:$0x10200] =	vst v63  }
0x11b: {  	_ =	swait.ge [sflag:s6], $0x10000  }
0x11c: {  	s22 =	sshll.u32 s22, $0x4;
	[sflag:s6] =	ssyncset.done $0x0  }
0x11d: {  	s22 =	sadd.s32 s1, s22;
	[sflag:s6] =	ssyncadd.s32 $0xFFFF0000  }
0x11e: {  	[hbm4b:s22+s2] =	stream.linear.scatter [tilespmem:s5], [sflag:$0x2], $0x10000, $0x38;
	[tilespmem:$0x10200] =	vst v63  }
0x11f: {  	s24 =	sadd.s32 $0x2A00, s0;
	_ =	swait.ge [sflag:s3], $0x10000  }
0x120: {  	s23 =	sshrl.u32 s24, $0x3;
	[sflag:s3] =	ssyncset.done $0x0  }
0x121: {  	s23 =	sadd.s32 s30, s23;
	[sflag:s3] =	ssyncadd.s32 $0xFFFF0000  }
0x122: {  	[tilespmem:s2], [sflag:$0x2] =	stream.linear.gather [hbm4b:s23+s2], $0x200, $0x38;
	[tilespmem:$0x10200] =	vst v63  }
0x123: {  	_ =	swait.ge [sflag:s3], $0x200  }
0x124: {  	[sflag:s3] =	ssyncset.done $0x0  }
0x125: {  	[sflag:s3] =	ssyncadd.s32 $0xFFFFFE00  }
0x126: {  	[tilespmem:s5], [sflag:$0x1] =	stream.indirect.gather [hbm4b:s4+s5], $0x80, s2, s5, $0xb8;
	[tilespmem:$0x10200] =	vst v63  }
0x127: {  	_ =	swait.ge [sflag:s6], $0x10000  }
0x128: {  	s24 =	sshll.u32 s24, $0x4;
	[sflag:s6] =	ssyncset.done $0x0  }
0x129: {  	s24 =	sadd.s32 s1, s24;
	[sflag:s6] =	ssyncadd.s32 $0xFFFF0000  }
0x12a: {  	[hbm4b:s24+s2] =	stream.linear.scatter [tilespmem:s5], [sflag:$0x2], $0x10000, $0x38;
	[tilespmem:$0x10200] =	vst v63  }
0x12b: {  	s26 =	sadd.s32 $0x2C00, s0;
	_ =	swait.ge [sflag:s3], $0x10000  }
0x12c: {  	s25 =	sshrl.u32 s26, $0x3;
	[sflag:s3] =	ssyncset.done $0x0  }
0x12d: {  	s25 =	sadd.s32 s30, s25;
	[sflag:s3] =	ssyncadd.s32 $0xFFFF0000  }
0x12e: {  	[tilespmem:s2], [sflag:$0x2] =	stream.linear.gather [hbm4b:s25+s2], $0x200, $0x38;
	[tilespmem:$0x10200] =	vst v63  }
0x12f: {  	_ =	swait.ge [sflag:s3], $0x200  }
0x130: {  	[sflag:s3] =	ssyncset.done $0x0  }
0x131: {  	[sflag:s3] =	ssyncadd.s32 $0xFFFFFE00  }
0x132: {  	[tilespmem:s5], [sflag:$0x1] =	stream.indirect.gather [hbm4b:s4+s5], $0x80, s2, s5, $0xb8;
	[tilespmem:$0x10200] =	vst v63  }
0x133: {  	_ =	swait.ge [sflag:s6], $0x10000  }
0x134: {  	s26 =	sshll.u32 s26, $0x4;
	[sflag:s6] =	ssyncset.done $0x0  }
0x135: {  	s26 =	sadd.s32 s1, s26;
	[dreg:$0x1c] =	wrdreg s1;
	[sflag:s6] =	ssyncadd.s32 $0xFFFF0000  }
0x136: {  	[hbm4b:s26+s2] =	stream.linear.scatter [tilespmem:s5], [sflag:$0x2], $0x10000, $0x38;
	[tilespmem:$0x10200] =	vst v63  }
0x137: {  	s29 =	sadd.s32 $0x2E00, s0;
	_ =	swait.ge [sflag:s3], $0x10000  }
0x138: {  	s28 =	sshrl.u32 s29, $0x3;
	[sflag:s3] =	ssyncset.done $0x0  }
0x139: {  	s28 =	sadd.s32 s30, s28;
	[sflag:s3] =	ssyncadd.s32 $0xFFFF0000  }
0x13a: {  	[tilespmem:s2], [sflag:$0x2] =	stream.linear.gather [hbm4b:s28+s2], $0x200, $0x38;
	[tilespmem:$0x10200] =	vst v63  }
0x13b: {  	_ =	swait.ge [sflag:s3], $0x200  }
0x13c: {  	[sflag:s3] =	ssyncset.done $0x0  }
0x13d: {  	[sflag:s3] =	ssyncadd.s32 $0xFFFFFE00  }
0x13e: {  	[tilespmem:s5], [sflag:$0x1] =	stream.indirect.gather [hbm4b:s4+s5], $0x80, s2, s5, $0xb8;
	[tilespmem:$0x10200] =	vst v63  }
0x13f: {  	_ =	swait.ge [sflag:s6], $0x10000  }
0x140: {  	s29 =	sshll.u32 s29, $0x4;
	[sflag:s6] =	ssyncset.done $0x0  }
0x141: {  	s29 =	sadd.s32 s1, s29;
	s0 =	sadd.s32 $0x3000, s0;
	[sflag:s6] =	ssyncadd.s32 $0xFFFF0000  }
0x142: {  	[hbm4b:s29+s2] =	stream.linear.scatter [tilespmem:s5], [sflag:$0x2], $0x10000, $0x38;
	[tilespmem:$0x10200] =	vst v63  }
0x143: {  	s1 =	sshrl.u32 s0, $0x3;
	_ =	swait.ge [sflag:s3], $0x10000  }
0x144: {  	s30 =	sadd.s32 s30, s1;
	s1 =	ssub.s32 $0x2, s31;
	[sflag:s3] =	ssyncset.done $0x0  }
0x145: {  	s31 =	sshrl.u32 s1, $0x1;
	[sflag:s3] =	ssyncadd.s32 $0xFFFF0000  }
0x146: {  	[tilespmem:s2], [sflag:$0x2] =	stream.linear.gather [hbm4b:s30+s2], $0x200, $0x38;
	[tilespmem:$0x10200] =	vst v63  }
0x147: {  	s1 =	ssub.s32 s1, s31;
	_ =	swait.ge [sflag:s3], $0x200  }
0x148: {  	s1 =	smax.u32 s1, $0x1;
	[sflag:s3] =	ssyncset.done $0x0  }
0x149: {  	p0 =	sne.s32 s1, $0x1;
	[sflag:s3] =	ssyncadd.s32 $0xFFFFFE00  }
0x14a: {  	[tilespmem:s5], [sflag:$0x1] =	stream.indirect.gather [hbm4b:s4+s5], $0x80, s2, s5, $0xb8;
	[tilespmem:$0x10200] =	vst v63  }
.Ltmp0:
0x14b: {  	_ =	swait.ge [sflag:s6], $0x10000;
	(pc) =	sbr.rel @!p0 .LBB2_2-.Ltmp0, $4  }
0x14c: {  	s0 =	sshll.u32 s0, $0x4;
	[sflag:s6] =	ssyncset.done $0x0;
	s31 =	rddreg [dreg:$0x1c]  }
0x14d: {  	s31 =	sadd.s32 s31, s0;
	[sflag:s6] =	ssyncadd.s32 $0xFFFF0000  }
0x14e: {  	[hbm4b:s31+s2] =	stream.linear.scatter [tilespmem:s5], [sflag:$0x2], $0x10000, $0x38;
	[tilespmem:$0x10200] =	vst v63  }
0x14f: {  	s1 =	sadd.s32 $0xFFFFFFFF, s1;
	_ =	swait.ge [sflag:s3], $0x10000  }
.LBB2_1:
0x150: {  	[sflag:s3] =	ssyncset.done $0x0  }
0x151: {  	s0 =	rddreg [dreg:$0x2];
	[sflag:s3] =	ssyncadd.s32 $0xFFFF0000  }
0x152: {  	[tilespmem:s2], [sflag:$0x2] =	stream.linear.gather [hbm4b:s0+s2], $0x200, $0x38;
	[tilespmem:$0x10200] =	vst v63  }
0x153: {  	_ =	swait.ge [sflag:s3], $0x200  }
0x154: {  	[sflag:s3] =	ssyncset.done $0x0  }
0x155: {  	[sflag:s3] =	ssyncadd.s32 $0xFFFFFE00  }
0x156: {  	[tilespmem:s5], [sflag:$0x1] =	stream.indirect.gather [hbm4b:s4+s5], $0x80, s2, s5, $0xb8;
	[tilespmem:$0x10200] =	vst v63  }
0x157: {  	_ =	swait.ge [sflag:s6], $0x10000  }
0x158: {  	[sflag:s6] =	ssyncset.done $0x0  }
0x159: {  	s0 =	rddreg [dreg:$0x3];
	[sflag:s6] =	ssyncadd.s32 $0xFFFF0000  }
0x15a: {  	[hbm4b:s0+s2] =	stream.linear.scatter [tilespmem:s5], [sflag:$0x2], $0x10000, $0x38;
	[tilespmem:$0x10200] =	vst v63  }
0x15b: {  	_ =	swait.ge [sflag:s3], $0x10000  }
0x15c: {  	[sflag:s3] =	ssyncset.done $0x0  }
0x15d: {  	s0 =	rddreg [dreg:$0x4];
	[sflag:s3] =	ssyncadd.s32 $0xFFFF0000  }
0x15e: {  	[tilespmem:s2], [sflag:$0x2] =	stream.linear.gather [hbm4b:s0+s2], $0x200, $0x38;
	[tilespmem:$0x10200] =	vst v63  }
0x15f: {  	_ =	swait.ge [sflag:s3], $0x200  }
0x160: {  	[sflag:s3] =	ssyncset.done $0x0  }
0x161: {  	[sflag:s3] =	ssyncadd.s32 $0xFFFFFE00  }
0x162: {  	[tilespmem:s5], [sflag:$0x1] =	stream.indirect.gather [hbm4b:s4+s5], $0x80, s2, s5, $0xb8;
	[tilespmem:$0x10200] =	vst v63  }
0x163: {  	_ =	swait.ge [sflag:s6], $0x10000  }
0x164: {  	[sflag:s6] =	ssyncset.done $0x0  }
0x165: {  	s0 =	rddreg [dreg:$0x5];
	[sflag:s6] =	ssyncadd.s32 $0xFFFF0000  }
0x166: {  	[hbm4b:s0+s2] =	stream.linear.scatter [tilespmem:s5], [sflag:$0x2], $0x10000, $0x38;
	[tilespmem:$0x10200] =	vst v63  }
0x167: {  	_ =	swait.ge [sflag:s3], $0x10000  }
0x168: {  	[sflag:s3] =	ssyncset.done $0x0  }
0x169: {  	s0 =	rddreg [dreg:$0x6];
	[sflag:s3] =	ssyncadd.s32 $0xFFFF0000  }
0x16a: {  	[tilespmem:s2], [sflag:$0x2] =	stream.linear.gather [hbm4b:s0+s2], $0x200, $0x38;
	[tilespmem:$0x10200] =	vst v63  }
0x16b: {  	_ =	swait.ge [sflag:s3], $0x200  }
0x16c: {  	[sflag:s3] =	ssyncset.done $0x0  }
0x16d: {  	[sflag:s3] =	ssyncadd.s32 $0xFFFFFE00  }
0x16e: {  	[tilespmem:s5], [sflag:$0x1] =	stream.indirect.gather [hbm4b:s4+s5], $0x80, s2, s5, $0xb8;
	[tilespmem:$0x10200] =	vst v63  }
0x16f: {  	_ =	swait.ge [sflag:s6], $0x10000  }
0x170: {  	[sflag:s6] =	ssyncset.done $0x0  }
0x171: {  	s0 =	rddreg [dreg:$0x7];
	[sflag:s6] =	ssyncadd.s32 $0xFFFF0000  }
0x172: {  	[hbm4b:s0+s2] =	stream.linear.scatter [tilespmem:s5], [sflag:$0x2], $0x10000, $0x38;
	[tilespmem:$0x10200] =	vst v63  }
0x173: {  	_ =	swait.ge [sflag:s3], $0x10000  }
0x174: {  	[sflag:s3] =	ssyncset.done $0x0  }
0x175: {  	s0 =	rddreg [dreg:$0x8];
	[sflag:s3] =	ssyncadd.s32 $0xFFFF0000  }
0x176: {  	[tilespmem:s2], [sflag:$0x2] =	stream.linear.gather [hbm4b:s0+s2], $0x200, $0x38;
	[tilespmem:$0x10200] =	vst v63  }
0x177: {  	_ =	swait.ge [sflag:s3], $0x200  }
0x178: {  	[sflag:s3] =	ssyncset.done $0x0  }
0x179: {  	[sflag:s3] =	ssyncadd.s32 $0xFFFFFE00  }
0x17a: {  	[tilespmem:s5], [sflag:$0x1] =	stream.indirect.gather [hbm4b:s4+s5], $0x80, s2, s5, $0xb8;
	[tilespmem:$0x10200] =	vst v63  }
0x17b: {  	_ =	swait.ge [sflag:s6], $0x10000  }
0x17c: {  	[sflag:s6] =	ssyncset.done $0x0  }
0x17d: {  	s0 =	rddreg [dreg:$0x9];
	[sflag:s6] =	ssyncadd.s32 $0xFFFF0000  }
0x17e: {  	[hbm4b:s0+s2] =	stream.linear.scatter [tilespmem:s5], [sflag:$0x2], $0x10000, $0x38;
	[tilespmem:$0x10200] =	vst v63  }
0x17f: {  	_ =	swait.ge [sflag:s3], $0x10000  }
0x180: {  	[sflag:s3] =	ssyncset.done $0x0  }
0x181: {  	s0 =	rddreg [dreg:$0xa];
	[sflag:s3] =	ssyncadd.s32 $0xFFFF0000  }
0x182: {  	[tilespmem:s2], [sflag:$0x2] =	stream.linear.gather [hbm4b:s0+s2], $0x200, $0x38;
	[tilespmem:$0x10200] =	vst v63  }
0x183: {  	_ =	swait.ge [sflag:s3], $0x200  }
0x184: {  	[sflag:s3] =	ssyncset.done $0x0  }
0x185: {  	[sflag:s3] =	ssyncadd.s32 $0xFFFFFE00  }
0x186: {  	[tilespmem:s5], [sflag:$0x1] =	stream.indirect.gather [hbm4b:s4+s5], $0x80, s2, s5, $0xb8;
	[tilespmem:$0x10200] =	vst v63  }
0x187: {  	_ =	swait.ge [sflag:s6], $0x10000  }
0x188: {  	[sflag:s6] =	ssyncset.done $0x0  }
0x189: {  	s0 =	rddreg [dreg:$0xb];
	[sflag:s6] =	ssyncadd.s32 $0xFFFF0000  }
0x18a: {  	[hbm4b:s0+s2] =	stream.linear.scatter [tilespmem:s5], [sflag:$0x2], $0x10000, $0x38;
	[tilespmem:$0x10200] =	vst v63  }
0x18b: {  	_ =	swait.ge [sflag:s3], $0x10000  }
0x18c: {  	[sflag:s3] =	ssyncset.done $0x0  }
0x18d: {  	s0 =	rddreg [dreg:$0xc];
	[sflag:s3] =	ssyncadd.s32 $0xFFFF0000  }
0x18e: {  	[tilespmem:s2], [sflag:$0x2] =	stream.linear.gather [hbm4b:s0+s2], $0x200, $0x38;
	[tilespmem:$0x10200] =	vst v63  }
0x18f: {  	_ =	swait.ge [sflag:s3], $0x200  }
0x190: {  	[sflag:s3] =	ssyncset.done $0x0  }
0x191: {  	[sflag:s3] =	ssyncadd.s32 $0xFFFFFE00  }
0x192: {  	[tilespmem:s5], [sflag:$0x1] =	stream.indirect.gather [hbm4b:s4+s5], $0x80, s2, s5, $0xb8;
	[tilespmem:$0x10200] =	vst v63  }
0x193: {  	_ =	swait.ge [sflag:s6], $0x10000  }
0x194: {  	[sflag:s6] =	ssyncset.done $0x0  }
0x195: {  	s0 =	rddreg [dreg:$0xd];
	[sflag:s6] =	ssyncadd.s32 $0xFFFF0000  }
0x196: {  	[hbm4b:s0+s2] =	stream.linear.scatter [tilespmem:s5], [sflag:$0x2], $0x10000, $0x38;
	[tilespmem:$0x10200] =	vst v63  }
0x197: {  	_ =	swait.ge [sflag:s3], $0x10000  }
0x198: {  	[sflag:s3] =	ssyncset.done $0x0  }
0x199: {  	s0 =	rddreg [dreg:$0xe];
	[sflag:s3] =	ssyncadd.s32 $0xFFFF0000  }
0x19a: {  	[tilespmem:s2], [sflag:$0x2] =	stream.linear.gather [hbm4b:s0+s2], $0x200, $0x38;
	[tilespmem:$0x10200] =	vst v63  }
0x19b: {  	_ =	swait.ge [sflag:s3], $0x200  }
0x19c: {  	[sflag:s3] =	ssyncset.done $0x0  }
0x19d: {  	[sflag:s3] =	ssyncadd.s32 $0xFFFFFE00  }
0x19e: {  	[tilespmem:s5], [sflag:$0x1] =	stream.indirect.gather [hbm4b:s4+s5], $0x80, s2, s5, $0xb8;
	[tilespmem:$0x10200] =	vst v63  }
0x19f: {  	_ =	swait.ge [sflag:s6], $0x10000  }
0x1a0: {  	[sflag:s6] =	ssyncset.done $0x0  }
0x1a1: {  	s0 =	rddreg [dreg:$0xf];
	[sflag:s6] =	ssyncadd.s32 $0xFFFF0000  }
0x1a2: {  	[hbm4b:s0+s2] =	stream.linear.scatter [tilespmem:s5], [sflag:$0x2], $0x10000, $0x38;
	[tilespmem:$0x10200] =	vst v63  }
0x1a3: {  	_ =	swait.ge [sflag:s3], $0x10000  }
0x1a4: {  	[sflag:s3] =	ssyncset.done $0x0  }
0x1a5: {  	s0 =	rddreg [dreg:$0x10];
	[sflag:s3] =	ssyncadd.s32 $0xFFFF0000  }
0x1a6: {  	[tilespmem:s2], [sflag:$0x2] =	stream.linear.gather [hbm4b:s0+s2], $0x200, $0x38;
	[tilespmem:$0x10200] =	vst v63  }
0x1a7: {  	_ =	swait.ge [sflag:s3], $0x200  }
0x1a8: {  	[sflag:s3] =	ssyncset.done $0x0  }
0x1a9: {  	[sflag:s3] =	ssyncadd.s32 $0xFFFFFE00  }
0x1aa: {  	[tilespmem:s5], [sflag:$0x1] =	stream.indirect.gather [hbm4b:s4+s5], $0x80, s2, s5, $0xb8;
	[tilespmem:$0x10200] =	vst v63  }
0x1ab: {  	_ =	swait.ge [sflag:s6], $0x10000  }
0x1ac: {  	[sflag:s6] =	ssyncset.done $0x0  }
0x1ad: {  	s0 =	rddreg [dreg:$0x11];
	[sflag:s6] =	ssyncadd.s32 $0xFFFF0000  }
0x1ae: {  	[hbm4b:s0+s2] =	stream.linear.scatter [tilespmem:s5], [sflag:$0x2], $0x10000, $0x38;
	[tilespmem:$0x10200] =	vst v63  }
0x1af: {  	_ =	swait.ge [sflag:s3], $0x10000  }
0x1b0: {  	[sflag:s3] =	ssyncset.done $0x0  }
0x1b1: {  	s0 =	rddreg [dreg:$0x12];
	[sflag:s3] =	ssyncadd.s32 $0xFFFF0000  }
0x1b2: {  	[tilespmem:s2], [sflag:$0x2] =	stream.linear.gather [hbm4b:s0+s2], $0x200, $0x38;
	[tilespmem:$0x10200] =	vst v63  }
0x1b3: {  	_ =	swait.ge [sflag:s3], $0x200  }
0x1b4: {  	[sflag:s3] =	ssyncset.done $0x0  }
0x1b5: {  	[sflag:s3] =	ssyncadd.s32 $0xFFFFFE00  }
0x1b6: {  	[tilespmem:s5], [sflag:$0x1] =	stream.indirect.gather [hbm4b:s4+s5], $0x80, s2, s5, $0xb8;
	[tilespmem:$0x10200] =	vst v63  }
0x1b7: {  	_ =	swait.ge [sflag:s6], $0x10000  }
0x1b8: {  	[sflag:s6] =	ssyncset.done $0x0  }
0x1b9: {  	s0 =	rddreg [dreg:$0x13];
	[sflag:s6] =	ssyncadd.s32 $0xFFFF0000  }
0x1ba: {  	[hbm4b:s0+s2] =	stream.linear.scatter [tilespmem:s5], [sflag:$0x2], $0x10000, $0x38;
	[tilespmem:$0x10200] =	vst v63  }
0x1bb: {  	_ =	swait.ge [sflag:s3], $0x10000  }
0x1bc: {  	[sflag:s3] =	ssyncset.done $0x0  }
0x1bd: {  	s0 =	rddreg [dreg:$0x14];
	[sflag:s3] =	ssyncadd.s32 $0xFFFF0000  }
0x1be: {  	[tilespmem:s2], [sflag:$0x2] =	stream.linear.gather [hbm4b:s0+s2], $0x200, $0x38;
	[tilespmem:$0x10200] =	vst v63  }
0x1bf: {  	_ =	swait.ge [sflag:s3], $0x200  }
0x1c0: {  	[sflag:s3] =	ssyncset.done $0x0  }
0x1c1: {  	[sflag:s3] =	ssyncadd.s32 $0xFFFFFE00  }
0x1c2: {  	[tilespmem:s5], [sflag:$0x1] =	stream.indirect.gather [hbm4b:s4+s5], $0x80, s2, s5, $0xb8;
	[tilespmem:$0x10200] =	vst v63  }
0x1c3: {  	_ =	swait.ge [sflag:s6], $0x10000  }
0x1c4: {  	[sflag:s6] =	ssyncset.done $0x0  }
0x1c5: {  	s0 =	rddreg [dreg:$0x15];
	[sflag:s6] =	ssyncadd.s32 $0xFFFF0000  }
0x1c6: {  	[hbm4b:s0+s2] =	stream.linear.scatter [tilespmem:s5], [sflag:$0x2], $0x10000, $0x38;
	[tilespmem:$0x10200] =	vst v63  }
0x1c7: {  	_ =	swait.ge [sflag:s3], $0x10000  }
0x1c8: {  	[sflag:s3] =	ssyncset.done $0x0  }
0x1c9: {  	s0 =	rddreg [dreg:$0x16];
	[sflag:s3] =	ssyncadd.s32 $0xFFFF0000  }
0x1ca: {  	[tilespmem:s2], [sflag:$0x2] =	stream.linear.gather [hbm4b:s0+s2], $0x200, $0x38;
	[tilespmem:$0x10200] =	vst v63  }
0x1cb: {  	_ =	swait.ge [sflag:s3], $0x200  }
0x1cc: {  	[sflag:s3] =	ssyncset.done $0x0  }
0x1cd: {  	[sflag:s3] =	ssyncadd.s32 $0xFFFFFE00  }
0x1ce: {  	[tilespmem:s5], [sflag:$0x1] =	stream.indirect.gather [hbm4b:s4+s5], $0x80, s2, s5, $0xb8;
	[tilespmem:$0x10200] =	vst v63  }
0x1cf: {  	_ =	swait.ge [sflag:s6], $0x10000  }
0x1d0: {  	[sflag:s6] =	ssyncset.done $0x0  }
0x1d1: {  	s0 =	rddreg [dreg:$0x17];
	[sflag:s6] =	ssyncadd.s32 $0xFFFF0000  }
0x1d2: {  	[hbm4b:s0+s2] =	stream.linear.scatter [tilespmem:s5], [sflag:$0x2], $0x10000, $0x38;
	[tilespmem:$0x10200] =	vst v63  }
0x1d3: {  	_ =	swait.ge [sflag:s3], $0x10000  }
0x1d4: {  	[sflag:s3] =	ssyncset.done $0x0  }
0x1d5: {  	s0 =	rddreg [dreg:$0x18];
	[sflag:s3] =	ssyncadd.s32 $0xFFFF0000  }
0x1d6: {  	[tilespmem:s2], [sflag:$0x2] =	stream.linear.gather [hbm4b:s0+s2], $0x200, $0x38;
	[tilespmem:$0x10200] =	vst v63  }
0x1d7: {  	_ =	swait.ge [sflag:s3], $0x200  }
0x1d8: {  	[sflag:s3] =	ssyncset.done $0x0  }
0x1d9: {  	[sflag:s3] =	ssyncadd.s32 $0xFFFFFE00  }
0x1da: {  	[tilespmem:s5], [sflag:$0x1] =	stream.indirect.gather [hbm4b:s4+s5], $0x80, s2, s5, $0xb8;
	[tilespmem:$0x10200] =	vst v63  }
0x1db: {  	_ =	swait.ge [sflag:s6], $0x10000  }
0x1dc: {  	[sflag:s6] =	ssyncset.done $0x0  }
0x1dd: {  	s0 =	rddreg [dreg:$0x19];
	[sflag:s6] =	ssyncadd.s32 $0xFFFF0000  }
0x1de: {  	[hbm4b:s0+s2] =	stream.linear.scatter [tilespmem:s5], [sflag:$0x2], $0x10000, $0x38;
	[tilespmem:$0x10200] =	vst v63  }
0x1df: {  	_ =	swait.ge [sflag:s3], $0x10000  }
0x1e0: {  	[sflag:s3] =	ssyncset.done $0x0  }
0x1e1: {  	s0 =	rddreg [dreg:$0x1a];
	[sflag:s3] =	ssyncadd.s32 $0xFFFF0000  }
0x1e2: {  	[tilespmem:s2], [sflag:$0x2] =	stream.linear.gather [hbm4b:s0+s2], $0x200, $0x38;
	[tilespmem:$0x10200] =	vst v63  }
0x1e3: {  	_ =	swait.ge [sflag:s3], $0x200  }
0x1e4: {  	[sflag:s3] =	ssyncset.done $0x0  }
0x1e5: {  	[sflag:s3] =	ssyncadd.s32 $0xFFFFFE00  }
0x1e6: {  	[tilespmem:s5], [sflag:$0x1] =	stream.indirect.gather [hbm4b:s4+s5], $0x80, s2, s5, $0xb8;
	[tilespmem:$0x10200] =	vst v63  }
0x1e7: {  	_ =	swait.ge [sflag:s6], $0x10000  }
0x1e8: {  	[sflag:s6] =	ssyncset.done $0x0  }
0x1e9: {  	s0 =	rddreg [dreg:$0x1b];
	[sflag:s6] =	ssyncadd.s32 $0xFFFF0000  }
0x1ea: {  	[hbm4b:s0+s2] =	stream.linear.scatter [tilespmem:s5], [sflag:$0x2], $0x10000, $0x38;
	[tilespmem:$0x10200] =	vst v63  }
0x1eb: {  	_ =	swait.ge [sflag:s3], $0x10000  }
0x1ec: {  	[sflag:s3] =	ssyncset.done $0x0  }
0x1ed: {  	[sflag:s3] =	ssyncadd.s32 $0xFFFF0000  }
0x1ee: {  	[tilespmem:s2], [sflag:$0x2] =	stream.linear.gather [hbm4b:s7+s2], $0x200, $0x38;
	[tilespmem:$0x10200] =	vst v63  }
0x1ef: {  	_ =	swait.ge [sflag:s3], $0x200  }
0x1f0: {  	[sflag:s3] =	ssyncset.done $0x0  }
0x1f1: {  	[sflag:s3] =	ssyncadd.s32 $0xFFFFFE00  }
0x1f2: {  	[tilespmem:s5], [sflag:$0x1] =	stream.indirect.gather [hbm4b:s4+s5], $0x80, s2, s5, $0xb8;
	[tilespmem:$0x10200] =	vst v63  }
0x1f3: {  	_ =	swait.ge [sflag:s6], $0x10000  }
0x1f4: {  	[sflag:s6] =	ssyncset.done $0x0  }
0x1f5: {  	[sflag:s6] =	ssyncadd.s32 $0xFFFF0000  }
0x1f6: {  	[hbm4b:s8+s2] =	stream.linear.scatter [tilespmem:s5], [sflag:$0x2], $0x10000, $0x38;
	[tilespmem:$0x10200] =	vst v63  }
0x1f7: {  	_ =	swait.ge [sflag:s3], $0x10000  }
0x1f8: {  	[sflag:s3] =	ssyncset.done $0x0  }
0x1f9: {  	[sflag:s3] =	ssyncadd.s32 $0xFFFF0000  }
0x1fa: {  	[tilespmem:s2], [sflag:$0x2] =	stream.linear.gather [hbm4b:s9+s2], $0x200, $0x38;
	[tilespmem:$0x10200] =	vst v63  }
0x1fb: {  	_ =	swait.ge [sflag:s3], $0x200  }
0x1fc: {  	[sflag:s3] =	ssyncset.done $0x0  }
0x1fd: {  	[sflag:s3] =	ssyncadd.s32 $0xFFFFFE00  }
0x1fe: {  	[tilespmem:s5], [sflag:$0x1] =	stream.indirect.gather [hbm4b:s4+s5], $0x80, s2, s5, $0xb8;
	[tilespmem:$0x10200] =	vst v63  }
0x1ff: {  	_ =	swait.ge [sflag:s6], $0x10000  }
0x200: {  	[sflag:s6] =	ssyncset.done $0x0  }
0x201: {  	[sflag:s6] =	ssyncadd.s32 $0xFFFF0000  }
0x202: {  	[hbm4b:s10+s2] =	stream.linear.scatter [tilespmem:s5], [sflag:$0x2], $0x10000, $0x38;
	[tilespmem:$0x10200] =	vst v63  }
0x203: {  	_ =	swait.ge [sflag:s3], $0x10000  }
0x204: {  	[sflag:s3] =	ssyncset.done $0x0  }
0x205: {  	[sflag:s3] =	ssyncadd.s32 $0xFFFF0000  }
0x206: {  	[tilespmem:s2], [sflag:$0x2] =	stream.linear.gather [hbm4b:s11+s2], $0x200, $0x38;
	[tilespmem:$0x10200] =	vst v63  }
0x207: {  	_ =	swait.ge [sflag:s3], $0x200  }
0x208: {  	[sflag:s3] =	ssyncset.done $0x0  }
0x209: {  	[sflag:s3] =	ssyncadd.s32 $0xFFFFFE00  }
0x20a: {  	[tilespmem:s5], [sflag:$0x1] =	stream.indirect.gather [hbm4b:s4+s5], $0x80, s2, s5, $0xb8;
	[tilespmem:$0x10200] =	vst v63  }
0x20b: {  	_ =	swait.ge [sflag:s6], $0x10000  }
0x20c: {  	[sflag:s6] =	ssyncset.done $0x0  }
0x20d: {  	[sflag:s6] =	ssyncadd.s32 $0xFFFF0000  }
0x20e: {  	[hbm4b:s12+s2] =	stream.linear.scatter [tilespmem:s5], [sflag:$0x2], $0x10000, $0x38;
	[tilespmem:$0x10200] =	vst v63  }
0x20f: {  	_ =	swait.ge [sflag:s3], $0x10000  }
0x210: {  	[sflag:s3] =	ssyncset.done $0x0  }
0x211: {  	[sflag:s3] =	ssyncadd.s32 $0xFFFF0000  }
0x212: {  	[tilespmem:s2], [sflag:$0x2] =	stream.linear.gather [hbm4b:s13+s2], $0x200, $0x38;
	[tilespmem:$0x10200] =	vst v63  }
0x213: {  	_ =	swait.ge [sflag:s3], $0x200  }
0x214: {  	[sflag:s3] =	ssyncset.done $0x0  }
0x215: {  	[sflag:s3] =	ssyncadd.s32 $0xFFFFFE00  }
0x216: {  	[tilespmem:s5], [sflag:$0x1] =	stream.indirect.gather [hbm4b:s4+s5], $0x80, s2, s5, $0xb8;
	[tilespmem:$0x10200] =	vst v63  }
0x217: {  	_ =	swait.ge [sflag:s6], $0x10000  }
0x218: {  	[sflag:s6] =	ssyncset.done $0x0  }
0x219: {  	[sflag:s6] =	ssyncadd.s32 $0xFFFF0000  }
0x21a: {  	[hbm4b:s14+s2] =	stream.linear.scatter [tilespmem:s5], [sflag:$0x2], $0x10000, $0x38;
	[tilespmem:$0x10200] =	vst v63  }
0x21b: {  	_ =	swait.ge [sflag:s3], $0x10000  }
0x21c: {  	[sflag:s3] =	ssyncset.done $0x0  }
0x21d: {  	[sflag:s3] =	ssyncadd.s32 $0xFFFF0000  }
0x21e: {  	[tilespmem:s2], [sflag:$0x2] =	stream.linear.gather [hbm4b:s15+s2], $0x200, $0x38;
	[tilespmem:$0x10200] =	vst v63  }
0x21f: {  	_ =	swait.ge [sflag:s3], $0x200  }
0x220: {  	[sflag:s3] =	ssyncset.done $0x0  }
0x221: {  	[sflag:s3] =	ssyncadd.s32 $0xFFFFFE00  }
0x222: {  	[tilespmem:s5], [sflag:$0x1] =	stream.indirect.gather [hbm4b:s4+s5], $0x80, s2, s5, $0xb8;
	[tilespmem:$0x10200] =	vst v63  }
0x223: {  	_ =	swait.ge [sflag:s6], $0x10000  }
0x224: {  	[sflag:s6] =	ssyncset.done $0x0  }
0x225: {  	[sflag:s6] =	ssyncadd.s32 $0xFFFF0000  }
0x226: {  	[hbm4b:s16+s2] =	stream.linear.scatter [tilespmem:s5], [sflag:$0x2], $0x10000, $0x38;
	[tilespmem:$0x10200] =	vst v63  }
0x227: {  	_ =	swait.ge [sflag:s3], $0x10000  }
0x228: {  	[sflag:s3] =	ssyncset.done $0x0  }
0x229: {  	[sflag:s3] =	ssyncadd.s32 $0xFFFF0000  }
0x22a: {  	[tilespmem:s2], [sflag:$0x2] =	stream.linear.gather [hbm4b:s17+s2], $0x200, $0x38;
	[tilespmem:$0x10200] =	vst v63  }
0x22b: {  	_ =	swait.ge [sflag:s3], $0x200  }
0x22c: {  	[sflag:s3] =	ssyncset.done $0x0  }
0x22d: {  	[sflag:s3] =	ssyncadd.s32 $0xFFFFFE00  }
0x22e: {  	[tilespmem:s5], [sflag:$0x1] =	stream.indirect.gather [hbm4b:s4+s5], $0x80, s2, s5, $0xb8;
	[tilespmem:$0x10200] =	vst v63  }
0x22f: {  	_ =	swait.ge [sflag:s6], $0x10000  }
0x230: {  	[sflag:s6] =	ssyncset.done $0x0  }
0x231: {  	[sflag:s6] =	ssyncadd.s32 $0xFFFF0000  }
0x232: {  	[hbm4b:s18+s2] =	stream.linear.scatter [tilespmem:s5], [sflag:$0x2], $0x10000, $0x38;
	[tilespmem:$0x10200] =	vst v63  }
0x233: {  	_ =	swait.ge [sflag:s3], $0x10000  }
0x234: {  	[sflag:s3] =	ssyncset.done $0x0  }
0x235: {  	[sflag:s3] =	ssyncadd.s32 $0xFFFF0000  }
0x236: {  	[tilespmem:s2], [sflag:$0x2] =	stream.linear.gather [hbm4b:s19+s2], $0x200, $0x38;
	[tilespmem:$0x10200] =	vst v63  }
0x237: {  	_ =	swait.ge [sflag:s3], $0x200  }
0x238: {  	[sflag:s3] =	ssyncset.done $0x0  }
0x239: {  	[sflag:s3] =	ssyncadd.s32 $0xFFFFFE00  }
0x23a: {  	[tilespmem:s5], [sflag:$0x1] =	stream.indirect.gather [hbm4b:s4+s5], $0x80, s2, s5, $0xb8;
	[tilespmem:$0x10200] =	vst v63  }
0x23b: {  	_ =	swait.ge [sflag:s6], $0x10000  }
0x23c: {  	[sflag:s6] =	ssyncset.done $0x0  }
0x23d: {  	[sflag:s6] =	ssyncadd.s32 $0xFFFF0000  }
0x23e: {  	[hbm4b:s20+s2] =	stream.linear.scatter [tilespmem:s5], [sflag:$0x2], $0x10000, $0x38;
	[tilespmem:$0x10200] =	vst v63  }
0x23f: {  	_ =	swait.ge [sflag:s3], $0x10000  }
0x240: {  	[sflag:s3] =	ssyncset.done $0x0  }
0x241: {  	[sflag:s3] =	ssyncadd.s32 $0xFFFF0000  }
0x242: {  	[tilespmem:s2], [sflag:$0x2] =	stream.linear.gather [hbm4b:s21+s2], $0x200, $0x38;
	[tilespmem:$0x10200] =	vst v63  }
0x243: {  	_ =	swait.ge [sflag:s3], $0x200  }
0x244: {  	[sflag:s3] =	ssyncset.done $0x0  }
0x245: {  	[sflag:s3] =	ssyncadd.s32 $0xFFFFFE00  }
0x246: {  	[tilespmem:s5], [sflag:$0x1] =	stream.indirect.gather [hbm4b:s4+s5], $0x80, s2, s5, $0xb8;
	[tilespmem:$0x10200] =	vst v63  }
0x247: {  	_ =	swait.ge [sflag:s6], $0x10000  }
0x248: {  	[sflag:s6] =	ssyncset.done $0x0  }
0x249: {  	[sflag:s6] =	ssyncadd.s32 $0xFFFF0000  }
0x24a: {  	[hbm4b:s22+s2] =	stream.linear.scatter [tilespmem:s5], [sflag:$0x2], $0x10000, $0x38;
	[tilespmem:$0x10200] =	vst v63  }
0x24b: {  	_ =	swait.ge [sflag:s3], $0x10000  }
0x24c: {  	[sflag:s3] =	ssyncset.done $0x0  }
0x24d: {  	[sflag:s3] =	ssyncadd.s32 $0xFFFF0000  }
0x24e: {  	[tilespmem:s2], [sflag:$0x2] =	stream.linear.gather [hbm4b:s23+s2], $0x200, $0x38;
	[tilespmem:$0x10200] =	vst v63  }
0x24f: {  	_ =	swait.ge [sflag:s3], $0x200  }
0x250: {  	[sflag:s3] =	ssyncset.done $0x0  }
0x251: {  	[sflag:s3] =	ssyncadd.s32 $0xFFFFFE00  }
0x252: {  	[tilespmem:s5], [sflag:$0x1] =	stream.indirect.gather [hbm4b:s4+s5], $0x80, s2, s5, $0xb8;
	[tilespmem:$0x10200] =	vst v63  }
0x253: {  	_ =	swait.ge [sflag:s6], $0x10000  }
0x254: {  	[sflag:s6] =	ssyncset.done $0x0  }
0x255: {  	[sflag:s6] =	ssyncadd.s32 $0xFFFF0000  }
0x256: {  	[hbm4b:s24+s2] =	stream.linear.scatter [tilespmem:s5], [sflag:$0x2], $0x10000, $0x38;
	[tilespmem:$0x10200] =	vst v63  }
0x257: {  	_ =	swait.ge [sflag:s3], $0x10000  }
0x258: {  	[sflag:s3] =	ssyncset.done $0x0  }
0x259: {  	[sflag:s3] =	ssyncadd.s32 $0xFFFF0000  }
0x25a: {  	[tilespmem:s2], [sflag:$0x2] =	stream.linear.gather [hbm4b:s25+s2], $0x200, $0x38;
	[tilespmem:$0x10200] =	vst v63  }
0x25b: {  	_ =	swait.ge [sflag:s3], $0x200  }
0x25c: {  	[sflag:s3] =	ssyncset.done $0x0  }
0x25d: {  	[sflag:s3] =	ssyncadd.s32 $0xFFFFFE00  }
0x25e: {  	[tilespmem:s5], [sflag:$0x1] =	stream.indirect.gather [hbm4b:s4+s5], $0x80, s2, s5, $0xb8;
	[tilespmem:$0x10200] =	vst v63  }
0x25f: {  	_ =	swait.ge [sflag:s6], $0x10000  }
0x260: {  	[sflag:s6] =	ssyncset.done $0x0  }
0x261: {  	[sflag:s6] =	ssyncadd.s32 $0xFFFF0000  }
0x262: {  	[hbm4b:s26+s2] =	stream.linear.scatter [tilespmem:s5], [sflag:$0x2], $0x10000, $0x38;
	[tilespmem:$0x10200] =	vst v63  }
0x263: {  	_ =	swait.ge [sflag:s3], $0x10000  }
0x264: {  	[sflag:s3] =	ssyncset.done $0x0  }
0x265: {  	[sflag:s3] =	ssyncadd.s32 $0xFFFF0000  }
0x266: {  	[tilespmem:s2], [sflag:$0x2] =	stream.linear.gather [hbm4b:s28+s2], $0x200, $0x38;
	[tilespmem:$0x10200] =	vst v63  }
0x267: {  	_ =	swait.ge [sflag:s3], $0x200  }
0x268: {  	[sflag:s3] =	ssyncset.done $0x0  }
0x269: {  	[sflag:s3] =	ssyncadd.s32 $0xFFFFFE00  }
0x26a: {  	[tilespmem:s5], [sflag:$0x1] =	stream.indirect.gather [hbm4b:s4+s5], $0x80, s2, s5, $0xb8;
	[tilespmem:$0x10200] =	vst v63  }
0x26b: {  	_ =	swait.ge [sflag:s6], $0x10000  }
0x26c: {  	[sflag:s6] =	ssyncset.done $0x0  }
0x26d: {  	[sflag:s6] =	ssyncadd.s32 $0xFFFF0000  }
0x26e: {  	[hbm4b:s29+s2] =	stream.linear.scatter [tilespmem:s5], [sflag:$0x2], $0x10000, $0x38;
	[tilespmem:$0x10200] =	vst v63  }
0x26f: {  	_ =	swait.ge [sflag:s3], $0x10000  }
0x270: {  	[sflag:s3] =	ssyncset.done $0x0  }
0x271: {  	[sflag:s3] =	ssyncadd.s32 $0xFFFF0000  }
0x272: {  	[tilespmem:s2], [sflag:$0x2] =	stream.linear.gather [hbm4b:s30+s2], $0x200, $0x38;
	[tilespmem:$0x10200] =	vst v63  }
0x273: {  	_ =	swait.ge [sflag:s3], $0x200  }
0x274: {  	[sflag:s3] =	ssyncset.done $0x0  }
0x275: {  	p0 =	sne.s32 s1, $0x1;
	[sflag:s3] =	ssyncadd.s32 $0xFFFFFE00  }
0x276: {  	[tilespmem:s5], [sflag:$0x1] =	stream.indirect.gather [hbm4b:s4+s5], $0x80, s2, s5, $0xb8;
	[tilespmem:$0x10200] =	vst v63  }
.Ltmp1:
0x277: {  	_ =	swait.ge [sflag:s6], $0x10000;
	(pc) =	sbr.rel @p0 .LBB2_1-.Ltmp1, $4  }
0x278: {  	[sflag:s6] =	ssyncset.done $0x0  }
0x279: {  	[sflag:s6] =	ssyncadd.s32 $0xFFFF0000  }
0x27a: {  	[hbm4b:s31+s2] =	stream.linear.scatter [tilespmem:s5], [sflag:$0x2], $0x10000, $0x38;
	[tilespmem:$0x10200] =	vst v63  }
0x27b: {  	s1 =	sadd.s32 $0xFFFFFFFF, s1;
	_ =	swait.ge [sflag:s3], $0x10000  }
.LBB2_2:
0x27c: {  	[sflag:s3] =	ssyncset.done $0x0  }
0x27d: {  	[sflag:s3] =	ssyncadd.s32 $0xFFFF0000  }
0x27e: {  	_ =	sfence.sel $0x180000  }
0x27f: {  	[bflag:$0x0] =	sbarrier.arrive $0xFFFF  }
0x280: {  	_ =	strace $0x9000004D  }
0x281: {  	s0 =	stileid.u32;
	[bflag:$0x2] =	sbarrier.arrive $0xFFFF  }
0x282: {  	p0 =	sne.s32 s0, $0x0;
	s0 =	rddreg [dreg:$0x1]  }
0x283: {  	s0 =	sadd.s32 @!p0 $0x100000, s0  }
0x284: {  	[sflag:s0] =	ssyncadd.tile.s32 @!p0 $0x1;
	_ =	shalt  }
.Lfunc_end2:
_tile_overlayer_lowered:
.L_overlay_start_2:
0x285: {  	(tag) =	ssettag $0x2  }
0x286: {  	s0 =	rddreg [dreg:$0x0];
	s2 =	stileid.u32  }
0x287: {  	s1 =	rddreg [dreg:$0x1];
	p0 =	sne.s32 s2, $0x0  }
0x288: {  	s3 =	rddreg [dreg:$0x2];
	[bflag:$0x3] =	sbarrier.arrive $0xFFFF;
	s2 =	simm.s32 @!p0 $0x1C02  }
0x289: {  	[timem:s3], [sflag:s2] =	dma.local @!p0 [hbm:s0], s1  }
0x28a: {  	s0 =	simm.s32 @!p0 $0x2  }
0x28b: {  	_ =	swait.ge @!p0 [sflag:s0], s1  }
0x28c: {  	s1 =	ssub.s32 @!p0 $0x0, s1;
	[sflag:s0] =	ssyncset.done @!p0 $0x0  }
0x28d: {  	[sflag:s0] =	ssyncadd.s32 @!p0 s1  }
0x28e: {  	[bflag:$0x3] =	sbarrier.arrive $0xFFFF  }
0x28f: {  	_ =	shalt  }

// kernel: kernel.23.cloned.1.call-start
scs
__scs_entry_jumppad:
0x0: {  	(pc) =	sbr.rel $0x88, $3  }
0x1: {  	(tag) =	ssettag $0x0;
	lr =	simm.s32 $0x1  }
0x2: {  	[smem:$0x3F91] =	sst lr;
	_ =	strace $0xD0000000  }
0x3: {  	_ = 	snop  }
0x4: {  	_ = 	snop  }
0x5: {  	_ = 	snop  }
0x6: {  	_ = 	snop  }
0x7: {  	_ = 	snop  }
__scs_overlays_trampoline_lowered:
0x8: {  	[smem:$0x3FA0] =	sst s0  }
0x9: {  	[smem:$0x3FA1] =	sst s1  }
0xa: {  	[smem:$0x3FA2] =	sst s2  }
0xb: {  	[smem:$0x3FA3] =	sst s3  }
0xc: {  	[smem:$0x3FA4] =	sst s4  }
0xd: {  	[smem:$0x3FA5] =	sst s5  }
0xe: {  	[smem:$0x3FA6] =	sst s6  }
0xf: {  	[smem:$0x3FA7] =	sst s7  }
0x10: {  	[smem:$0x3FA8] =	sst s8  }
0x11: {  	[smem:$0x3FA9] =	sst s9;
	s0 =	simm.s32 @!p0 $0x0  }
0x12: {  	s1 =	sld [smem:$0x3F8F];
	s0 =	simm.s32 @p0 $0x1  }
0x13: {  	[smem:$0x3FAA] =	sst s0;
	s0 =	simm.s32 @!p1 $0x0  }
0x14: {  	s2 =	sld [smem:$0x3F8E];
	s0 =	simm.s32 @p1 $0x1  }
0x15: {  	[smem:$0x3FAB] =	sst s0;
	s0 =	simm.s32 @!p2 $0x0  }
0x16: {  	s3 =	sld [smem:$0x3FDB];
	s0 =	simm.s32 @p2 $0x1  }
0x17: {  	s4 =	simm.s32 $0x1BF5;
	[smem:$0x3FAD] =	sst s0  }
0x18: {  	s0 =	sld [smem:$0x3F90];
	_ =	swait.ge [sflag:s4], $0x0  }
0x19: {  	s7 =	sld [smem:$0x3F91]  }
0x1a: {  	s8 =	sadd.s32 $0xFFFFE003, lr  }
0x1b: {  	s9 =	sadd.s32 $0xFFFFFEF7, lr;
	s5 =	simm.s32 $0xFFFFFFFF;
	p2 =	slt.u32 s8, $0xFFFFF086  }
0x1c: {  	p1 =	slt.u32 s9, $0xF7A;
	s5 =	simm.s32 @!p2 $0x0  }
0x1d: {  	s5 =	simm.s32 @p1 $0x1;
	p0 =	seq.s32 s7, s2  }
0x1e: {  	s7 =	smul.u32 @!p0 $0xF7A, s2;
	p2 =	seq.s32 @!p0 s5, $0x0  }
0x1f: {  	s9 =	smul.u32 $0xF7A, s1;
	s8 =	simm.s32 @!p0 $0x1BF5;
	p2 =	por !p2, p0  }
0x20: {  	[sflag:s8] =	ssyncset.s32 @!p0 $0xFFFFF086;
	s6 =	sadd.s32 @!p0 s3, s7;
	s7 =	simm.s32 @!p0 $0x108  }
0x21: {  	s3 =	sadd.s32 s3, s9;
	s6 =	sadd.s32 @!p0 $0x88, s6;
	s7 =	simm.s32 @p2 $0x1082  }
0x22: {  	[simem:s7], [sflag:s8] =	dma.local @!p0 [hbm:s6], $0xF7A  }
0x23: {  	s9 =	sor.u32 $0xD0000000, s2;
	s6 =	simm.s32 $0x108;
	_ =	swait.ge @!p0 [sflag:s8], $0x0  }
0x24: {  	s3 =	sadd.s32 $0x88, s3;
	s6 =	simm.s32 @!p1 $0x1082;
	[sflag:s4] =	ssyncset.s32 $0xFFFFF086  }
0x25: {  	[simem:s6], [sflag:s4] =	dma.local [hbm:s3], $0xF7A  }
0x26: {  	[smem:$0x3F91] =	sst s1;
	(tag) =	ssettag s2;
	_ =	strace s9  }
0x27: {  	s1 =	sld [smem:$0x3FA1]  }
0x28: {  	s2 =	sld [smem:$0x3FA2]  }
0x29: {  	s4 =	sld [smem:$0x3FA4]  }
0x2a: {  	p0 =	seq.s32 s5, $0x0;
	s5 =	sld [smem:$0x3FA5]  }
0x2b: {  	s6 =	sld [smem:$0x3FA6]  }
0x2c: {  	s7 =	sld [smem:$0x3FA7]  }
0x2d: {  	s3 =	simm.s32 $0x108;
	s8 =	sld [smem:$0x3FA8]  }
0x2e: {  	s3 =	simm.s32 @!p0 $0x1082;
	s9 =	sld [smem:$0x3FA9]  }
0x2f: {  	lr =	sadd.s32 s0, s3;
	s0 =	sld [smem:$0x3FA0]  }
0x30: {  	s3 =	sld [smem:$0x3FA3]  }
0x31: {  	[smem:$0x3FAC] =	sst s10  }
0x32: {  	s10 =	sld [smem:$0x3FAA];
	_ =	sdelay $0x3  }
0x33: {  	p0 =	seq.s32 s10, $0x1;
	s10 =	sld [smem:$0x3FAC];
	_ =	sdelay $0x3  }
0x34: {  	[smem:$0x3FAC] =	sst s10  }
0x35: {  	s10 =	sld [smem:$0x3FAB];
	_ =	sdelay $0x3  }
0x36: {  	p1 =	seq.s32 s10, $0x1;
	s10 =	sld [smem:$0x3FAC];
	_ =	sdelay $0x3  }
0x37: {  	[smem:$0x3FAC] =	sst s10  }
0x38: {  	s10 =	sld [smem:$0x3FAD]  }
0x39: {  	_ = 	snop;
	(pc) =	sbr.ind lr, $3  }
0x3a: {  	_ = 	snop  }
0x3b: {  	_ = 	snop  }
0x3c: {  	p2 =	seq.s32 s10, $0x1;
	s10 =	sld [smem:$0x3FAC]  }
0x3d: {  	_ =	shalt  }
0x3e: {  	_ =	shalt  }
0x3f: {  	_ =	shalt  }
0x40: {  	_ =	shalt  }
0x41: {  	_ =	shalt  }
0x42: {  	_ =	shalt  }
0x43: {  	_ =	shalt  }
0x44: {  	_ =	shalt  }
0x45: {  	_ =	shalt  }
0x46: {  	_ =	shalt  }
0x47: {  	_ =	shalt  }
0x48: {  	_ =	shalt  }
0x49: {  	_ =	shalt  }
0x4a: {  	_ =	shalt  }
0x4b: {  	_ =	shalt  }
0x4c: {  	_ =	shalt  }
0x4d: {  	_ =	shalt  }
0x4e: {  	_ =	shalt  }
0x4f: {  	_ =	shalt  }
0x50: {  	_ =	shalt  }
0x51: {  	_ =	shalt  }
0x52: {  	_ =	shalt  }
0x53: {  	_ =	shalt  }
0x54: {  	_ =	shalt  }
0x55: {  	_ =	shalt  }
0x56: {  	_ =	shalt  }
0x57: {  	_ =	shalt  }
0x58: {  	_ =	shalt  }
0x59: {  	_ =	shalt  }
0x5a: {  	_ =	shalt  }
0x5b: {  	_ =	shalt  }
0x5c: {  	_ =	shalt  }
0x5d: {  	_ =	shalt  }
0x5e: {  	_ =	shalt  }
0x5f: {  	_ =	shalt  }
0x60: {  	_ =	shalt  }
0x61: {  	_ =	shalt  }
0x62: {  	_ =	shalt  }
0x63: {  	_ =	shalt  }
0x64: {  	_ =	shalt  }
0x65: {  	_ =	shalt  }
0x66: {  	_ =	shalt  }
0x67: {  	_ =	shalt  }
0x68: {  	_ =	shalt  }
0x69: {  	_ =	shalt  }
0x6a: {  	_ =	shalt  }
0x6b: {  	_ =	shalt  }
0x6c: {  	_ =	shalt  }
0x6d: {  	_ =	shalt  }
0x6e: {  	_ =	shalt  }
0x6f: {  	_ =	shalt  }
0x70: {  	_ =	shalt  }
0x71: {  	_ =	shalt  }
0x72: {  	_ =	shalt  }
0x73: {  	_ =	shalt  }
0x74: {  	_ =	shalt  }
0x75: {  	_ =	shalt  }
0x76: {  	_ =	shalt  }
0x77: {  	_ =	shalt  }
0x78: {  	_ =	shalt  }
0x79: {  	_ =	shalt  }
0x7a: {  	_ =	shalt  }
0x7b: {  	_ =	shalt  }
0x7c: {  	_ =	shalt  }
0x7d: {  	_ =	shalt  }
0x7e: {  	_ =	shalt  }
0x7f: {  	_ =	shalt  }
0x80: {  	_ =	shalt  }
0x81: {  	_ =	shalt  }
0x82: {  	_ =	shalt  }
0x83: {  	_ =	shalt  }
0x84: {  	_ =	shalt  }
0x85: {  	_ =	shalt  }
0x86: {  	_ =	shalt  }
0x87: {  	_ =	shalt  }
.Lfunc_end0:
.L_simem_size_0:
called_computation.5_lowered:
.L_overlay_start_0:
0x88: {  	s2 =	sld [smem:$0x3FD9]  }
0x89: {  	s3 =	sld [smem:$0x3FFE];
	_ =	sdelay $0x1  }
0x8a: {  	s1 =	srdreg.scid  }
0x8b: {  	s0 =	sand.u32 $0x1, s1  }
0x8c: {  	s17 =	sshll.u32 s0, $0xA;
	s2 =	sadd.s32 s3, s2  }
0x8d: {  	s2 =	sadd.s32 s2, s17  }
0x8e: {  	[smem:$0x3FB8] =	sst s2  }
0x8f: {  	_ = 	snop  }
0x90: {  	(tm) =	ssettm $0x1  }
0x91: {  	s18 =	sld [smem:$0x3FFB];
	_ =	sdelay $0x3  }
0x92: {  	_ =	strace s18  }
0x93: {  	s2 =	sld [smem:$0x3FFC];
	_ =	sdelay $0x3  }
0x94: {  	_ =	strace s2  }
0x95: {  	s2 =	sld [smem:$0x3FFD];
	_ =	sdelay $0x3  }
0x96: {  	_ =	strace s2  }
0x97: {  	_ =	strace $0x8FFFFFFF  }
0x98: {  	s19 =	sld [smem:$0x3FDB];
	_ =	sdelay $0x1  }
0x99: {  	s20 =	simm.s32 $_scs_section_size  }
0x9a: {  	s4 =	simm.s32 $_size__tile_overlayer_lowered;
	s5 =	simm.s32 $_tile_overlayer_lowered  }
0x9b: {  	s6 =	simm.s32 $0x1BFF;
	s21 =	sshll.u32 s5, $0x1;
	s3 =	sadd.s32 s20, s19  }
0x9c: {  	s22 =	simm.s32 $0x0;
	s4 =	sshll.u32 s4, $0x1;
	s5 =	sadd.s32 s21, s3  }
0x9d: {  	[timem:s22], [sflag:s6] =	dma.local [hbm:s5], s4  }
0x9e: {  	_ =	swait.ge [sflag:s6], s4  }
0x9f: {  	s4 =	ssub.s32 $0x0, s4;
	[sflag:s6] =	ssyncset.done $0x0  }
0xa0: {  	[sflag:s6] =	ssyncadd.s32 s4;
	_ =	sdelay $0x1  }
0xa1: {  	s23 =	simm.s32 $0x1B8B  }
0xa2: {  	_ =	swait.ge [sflag:s23], $0x1  }
0xa3: {  	[sflag:s23] =	ssyncset.done $0x0  }
0xa4: {  	[sflag:s23] =	ssyncadd.s32 $0xFFFFFFFF  }
0xa5: {  	s4 =	sld [smem:$0x0]  }
0xa6: {  	s5 =	sand.u32 $0xFFFFFFFE, s1  }
0xa7: {  	p0 =	sne.s32 s1, s5  }
0xa8: {  	s5 =	sshll.u32 @p0 s5, $0xE  }
0xa9: {  	s5 =	sadd.s32 @p0 $0x11B8D, s5;
	s6 =	sshll.u32 @p0 s4, $0x11  }
0xaa: {  	s5 =	sor.u32 @p0 s6, s5  }
0xab: {  	[sflag:s5] =	ssyncadd.remote.s32 @p0 $0x1;
	_ =	sdelay $0x1  }
0xac: {  	s5 =	simm.s32 @p0 $0x1B8D  }
0xad: {  	_ =	swait.eq @p0 [sflag:s5], $0x1  }
0xae: {  	[sflag:s5] =	ssyncadd.s32 @p0 $0xFFFFFFFF  }
0xaf: {  	s6 =	sshll.u32 @!p0 s1, $0xE  }
0xb0: {  	s6 =	sor.u32 @!p0 $0x4000, s6;
	s5 =	simm.s32 @!p0 $0x1B8D  }
0xb1: {  	s4 =	sshll.u32 @!p0 s4, $0x11;
	s6 =	sadd.s32 @!p0 $0x11B8D, s6;
	_ =	swait.eq @!p0 [sflag:s5], $0x1  }
0xb2: {  	s4 =	sor.u32 @!p0 s4, s6;
	[sflag:s5] =	ssyncadd.s32 @!p0 $0xFFFFFFFF  }
0xb3: {  	s25 =	simm.s32 $0x1B8E;
	s24 =	sld [smem:$0x3FFE];
	[sflag:s4] =	ssyncadd.remote.s32 @!p0 $0x1  }
0xb4: {  	s26 =	simm.s32 $execute0_lowered;
	[smem:$0x3FD2] =	sst s25  }
0xb5: {  	s5 =	sshll.u32 s26, $0x1;
	_ =	strace $0x80000052;
	[dreg:$0x1] =	wrdreg $0xFFFFFFFF  }
0xb6: {  	s28 =	simm.s32 $_size_execute0_lowered;
	s3 =	sadd.s32 s3, s5;
	[dreg:$0x0] =	wrdreg $0x0  }
0xb7: {  	s5 =	sshll.u32 s28, $0x1;
	[dreg:$0x2] =	wrdreg s3  }
0xb8: {  	[dreg:$0x3] =	wrdreg s5  }
0xb9: {  	[dreg:$0x4] =	wrdreg $0xC0  }
0xba: {  	_ =	task [dreg:s22], $0x5FFFF  }
0xbb: {  	[dreg:$0x1] =	wrdreg $0xFFFFFFFF  }
0xbc: {  	[dreg:$0x0] =	wrdreg $0x60  }
0xbd: {  	[dreg:$0x2] =	wrdreg s24  }
0xbe: {  	[dreg:$0x3] =	wrdreg $0x9  }
0xbf: {  	_ =	task.clear_ibuf [dreg:s22], $0x4FFFF;
	_ =	strace $0x90000052  }
0xc0: {  	s29 =	simm.s32 $0x9;
	_ =	strace $0x80000054  }
0xc1: {  	_ =	swait.ge [sflag:s29], $0x1  }
0xc2: {  	[sflag:s29] =	ssyncadd.s32 $0xFFFFFFFF  }
0xc3: {  	_ =	strace $0x90000054  }
0xc4: {  	_ =	sfence  }
0xc5: {  	s30 =	sld [smem:$0x0];
	_ =	sdelay $0x2  }
0xc6: {  	s31 =	sshll.u32 s1, $0xD;
	s1 =	sshrl.u32 s1, $0x2  }
0xc7: {  	s4 =	sand.u32 $0x4000, s31;
	s1 =	sadd.s32 s1, s30  }
0xc8: {  	s0 =	sor.u32 s4, s0;
	s1 =	sshll.u32 s1, $0x11  }
0xc9: {  	s0 =	sor.u32 s1, s0  }
0xca: {  	s0 =	sadd.s32 $0x8F2B, s0  }
0xcb: {  	[sflag:s0] =	ssyncadd.remote.s32 $0x1  }
0xcc: {  	_ =	sfence.sel $0xFFFF  }
0xcd: {  	[dreg:$0x0] =	wrdreg $0xFFFFFFFF;
	(pc) =	sbr.abs _section_cstart, $3  }
0xce: {  	[dreg:$0x1] =	wrdreg $0xFFFFFFFF  }
0xcf: {  	_ =	task.clear_ibuf [dreg:s22], $0x2FFFF;
	_ =	strace $0x9FFFFFFF  }
0xd0: {  	(tm) =	ssettm $0x7FFFFFFF  }
0xd1: {  	_ =	shalt  }
tec
execute0_lowered:
.L_overlay_start_1:
0x0: {  	(tag) =	ssettag $0x1  }
0x1: {  	s1 =	srdreg.scid  }
0x2: {  	s0 =	stileid.u32;
	s14 =	sand.u32 $0x1, s1  }
0x3: {  	s8 =	rddreg [dreg:$0x0];
	s3 =	sshll.u32 s0, $0xC;
	s4 =	sshll.u32 s14, $0xB  }
0x4: {  	s2 =	simm.s32 $0x0;
	s1 =	rddreg [dreg:$0x1];
	s13 =	sor.u32 s4, s3  }
0x5: {  	[smem:$0x7FF] =	sst s2;
	s15 =	sadd.s32 $0x5800, s8;
	s3 =	sshrl.u32 s13, $0x3  }
0x6: {  	_ =	strace $0x80000053;
	s4 =	sadd.s32 s15, s3;
	s3 =	simm.s32 $0x2  }
0x7: {  	[tilespmem:s2], [sflag:$0x2] =	stream.linear.gather [hbm4b:s4+s2], $0x200, $0x38;
	[tilespmem:$0x10200] =	vst v63  }
0x8: {  	_ =	swait.ge [sflag:s3], $0x200  }
0x9: {  	s6 =	simm.s32 $0x200;
	[sflag:s3] =	ssyncset.done $0x0  }
0xa: {  	s7 =	simm.s32 $0x1;
	s5 =	sadd.s32 $0xF96000, s8;
	[sflag:s3] =	ssyncadd.s32 $0xFFFFFE00  }
0xb: {  	[tilespmem:s6], [sflag:$0x1] =	stream.indirect.gather [hbm4b:s5+s6], $0x80, s2, s6, $0xb8;
	[tilespmem:$0x10200] =	vst v63  }
0xc: {  	_ =	swait.ge [sflag:s7], $0x10000  }
0xd: {  	s16 =	sadd.s32 $0x316000, s8;
	s29 =	sshll.u32 s13, $0x4;
	[sflag:s7] =	ssyncset.done $0x0  }
0xe: {  	s8 =	sadd.s32 s16, s29;
	[sflag:s7] =	ssyncadd.s32 $0xFFFF0000  }
0xf: {  	[hbm4b:s8+s2] =	stream.linear.scatter [tilespmem:s6], [sflag:$0x2], $0x10000, $0x38;
	[tilespmem:$0x10200] =	vst v63  }
0x10: {  	s10 =	sor.u32 $0x200, s13;
	_ =	swait.ge [sflag:s3], $0x10000  }
0x11: {  	s9 =	sshrl.u32 s10, $0x3;
	[sflag:s3] =	ssyncset.done $0x0  }
0x12: {  	s9 =	sadd.s32 s15, s9;
	[sflag:s3] =	ssyncadd.s32 $0xFFFF0000  }
0x13: {  	[tilespmem:s2], [sflag:$0x2] =	stream.linear.gather [hbm4b:s9+s2], $0x200, $0x38;
	[tilespmem:$0x10200] =	vst v63  }
0x14: {  	_ =	swait.ge [sflag:s3], $0x200  }
0x15: {  	[sflag:s3] =	ssyncset.done $0x0  }
0x16: {  	[sflag:s3] =	ssyncadd.s32 $0xFFFFFE00  }
0x17: {  	[tilespmem:s6], [sflag:$0x1] =	stream.indirect.gather [hbm4b:s5+s6], $0x80, s2, s6, $0xb8;
	[tilespmem:$0x10200] =	vst v63  }
0x18: {  	_ =	swait.ge [sflag:s7], $0x10000  }
0x19: {  	s10 =	sshll.u32 s10, $0x4;
	[sflag:s7] =	ssyncset.done $0x0  }
0x1a: {  	s10 =	sadd.s32 s16, s10;
	[sflag:s7] =	ssyncadd.s32 $0xFFFF0000  }
0x1b: {  	[hbm4b:s10+s2] =	stream.linear.scatter [tilespmem:s6], [sflag:$0x2], $0x10000, $0x38;
	[tilespmem:$0x10200] =	vst v63  }
0x1c: {  	s12 =	sor.u32 $0x400, s13;
	_ =	swait.ge [sflag:s3], $0x10000  }
0x1d: {  	s11 =	sshrl.u32 s12, $0x3;
	[sflag:s3] =	ssyncset.done $0x0  }
0x1e: {  	s11 =	sadd.s32 s15, s11;
	[sflag:s3] =	ssyncadd.s32 $0xFFFF0000  }
0x1f: {  	[tilespmem:s2], [sflag:$0x2] =	stream.linear.gather [hbm4b:s11+s2], $0x200, $0x38;
	[tilespmem:$0x10200] =	vst v63  }
0x20: {  	_ =	swait.ge [sflag:s3], $0x200  }
0x21: {  	[sflag:s3] =	ssyncset.done $0x0  }
0x22: {  	[sflag:s3] =	ssyncadd.s32 $0xFFFFFE00  }
0x23: {  	[tilespmem:s6], [sflag:$0x1] =	stream.indirect.gather [hbm4b:s5+s6], $0x80, s2, s6, $0xb8;
	[tilespmem:$0x10200] =	vst v63  }
0x24: {  	_ =	swait.ge [sflag:s7], $0x10000  }
0x25: {  	s12 =	sshll.u32 s12, $0x4;
	[sflag:s7] =	ssyncset.done $0x0  }
0x26: {  	s12 =	sadd.s32 s16, s12;
	[sflag:s7] =	ssyncadd.s32 $0xFFFF0000  }
0x27: {  	[hbm4b:s12+s2] =	stream.linear.scatter [tilespmem:s6], [sflag:$0x2], $0x10000, $0x38;
	[tilespmem:$0x10200] =	vst v63  }
0x28: {  	s17 =	sor.u32 $0x600, s13;
	_ =	swait.ge [sflag:s3], $0x10000  }
0x29: {  	s13 =	sshrl.u32 s17, $0x3;
	[sflag:s3] =	ssyncset.done $0x0  }
0x2a: {  	s14 =	ssub.s32 $0x2, s14;
	s13 =	sadd.s32 s15, s13;
	[sflag:s3] =	ssyncadd.s32 $0xFFFF0000  }
0x2b: {  	[tilespmem:s2], [sflag:$0x2] =	stream.linear.gather [hbm4b:s13+s2], $0x200, $0x38;
	[tilespmem:$0x10200] =	vst v63  }
0x2c: {  	s30 =	sshrl.u32 s14, $0x1;
	_ =	swait.ge [sflag:s3], $0x200  }
0x2d: {  	s15 =	ssub.s32 s14, s30;
	[sflag:s3] =	ssyncset.done $0x0  }
0x2e: {  	s15 =	smax.u32 s15, $0x1;
	[sflag:s3] =	ssyncadd.s32 $0xFFFFFE00  }
0x2f: {  	[tilespmem:s6], [sflag:$0x1] =	stream.indirect.gather [hbm4b:s5+s6], $0x80, s2, s6, $0xb8;
	[tilespmem:$0x10200] =	vst v63  }
0x30: {  	p0 =	sne.s32 s15, $0x1;
	_ =	swait.ge [sflag:s7], $0x10000  }
.Ltmp0:
0x31: {  	s31 =	sshll.u32 s17, $0x4;
	[sflag:s7] =	ssyncset.done $0x0;
	(pc) =	sbr.rel @!p0 .LBB2_2-.Ltmp0, $4  }
0x32: {  	s14 =	sadd.s32 s16, s31;
	[sflag:s7] =	ssyncadd.s32 $0xFFFF0000  }
0x33: {  	[hbm4b:s14+s2] =	stream.linear.scatter [tilespmem:s6], [sflag:$0x2], $0x10000, $0x38;
	[tilespmem:$0x10200] =	vst v63  }
0x34: {  	_ =	swait.ge [sflag:s3], $0x10000  }
0x35: {  	s15 =	sadd.s32 $0xFFFFFFFF, s15;
	[sflag:s3] =	ssyncset.done $0x0  }
.LBB2_1:
0x36: {  	p0 =	sne.s32 s15, $0x1;
	s15 =	sadd.s32 $0xFFFFFFFF, s15;
	[sflag:s3] =	ssyncadd.s32 $0xFFFF0000  }
0x37: {  	[tilespmem:s2], [sflag:$0x2] =	stream.linear.gather [hbm4b:s4+s2], $0x200, $0x38;
	[tilespmem:$0x10200] =	vst v63  }
0x38: {  	_ =	swait.ge [sflag:s3], $0x200  }
0x39: {  	[sflag:s3] =	ssyncset.done $0x0  }
0x3a: {  	[sflag:s3] =	ssyncadd.s32 $0xFFFFFE00  }
0x3b: {  	[tilespmem:s6], [sflag:$0x1] =	stream.indirect.gather [hbm4b:s5+s6], $0x80, s2, s6, $0xb8;
	[tilespmem:$0x10200] =	vst v63  }
0x3c: {  	_ =	swait.ge [sflag:s7], $0x10000  }
0x3d: {  	[sflag:s7] =	ssyncset.done $0x0  }
0x3e: {  	[sflag:s7] =	ssyncadd.s32 $0xFFFF0000  }
0x3f: {  	[hbm4b:s8+s2] =	stream.linear.scatter [tilespmem:s6], [sflag:$0x2], $0x10000, $0x38;
	[tilespmem:$0x10200] =	vst v63  }
0x40: {  	_ =	swait.ge [sflag:s3], $0x10000  }
0x41: {  	[sflag:s3] =	ssyncset.done $0x0  }
0x42: {  	[sflag:s3] =	ssyncadd.s32 $0xFFFF0000  }
0x43: {  	[tilespmem:s2], [sflag:$0x2] =	stream.linear.gather [hbm4b:s9+s2], $0x200, $0x38;
	[tilespmem:$0x10200] =	vst v63  }
0x44: {  	_ =	swait.ge [sflag:s3], $0x200  }
0x45: {  	[sflag:s3] =	ssyncset.done $0x0  }
0x46: {  	[sflag:s3] =	ssyncadd.s32 $0xFFFFFE00  }
0x47: {  	[tilespmem:s6], [sflag:$0x1] =	stream.indirect.gather [hbm4b:s5+s6], $0x80, s2, s6, $0xb8;
	[tilespmem:$0x10200] =	vst v63  }
0x48: {  	_ =	swait.ge [sflag:s7], $0x10000  }
0x49: {  	[sflag:s7] =	ssyncset.done $0x0  }
0x4a: {  	[sflag:s7] =	ssyncadd.s32 $0xFFFF0000  }
0x4b: {  	[hbm4b:s10+s2] =	stream.linear.scatter [tilespmem:s6], [sflag:$0x2], $0x10000, $0x38;
	[tilespmem:$0x10200] =	vst v63  }
0x4c: {  	_ =	swait.ge [sflag:s3], $0x10000  }
0x4d: {  	[sflag:s3] =	ssyncset.done $0x0  }
0x4e: {  	[sflag:s3] =	ssyncadd.s32 $0xFFFF0000  }
0x4f: {  	[tilespmem:s2], [sflag:$0x2] =	stream.linear.gather [hbm4b:s11+s2], $0x200, $0x38;
	[tilespmem:$0x10200] =	vst v63  }
0x50: {  	_ =	swait.ge [sflag:s3], $0x200  }
0x51: {  	[sflag:s3] =	ssyncset.done $0x0  }
0x52: {  	[sflag:s3] =	ssyncadd.s32 $0xFFFFFE00  }
0x53: {  	[tilespmem:s6], [sflag:$0x1] =	stream.indirect.gather [hbm4b:s5+s6], $0x80, s2, s6, $0xb8;
	[tilespmem:$0x10200] =	vst v63  }
0x54: {  	_ =	swait.ge [sflag:s7], $0x10000  }
0x55: {  	[sflag:s7] =	ssyncset.done $0x0  }
0x56: {  	[sflag:s7] =	ssyncadd.s32 $0xFFFF0000  }
0x57: {  	[hbm4b:s12+s2] =	stream.linear.scatter [tilespmem:s6], [sflag:$0x2], $0x10000, $0x38;
	[tilespmem:$0x10200] =	vst v63  }
0x58: {  	_ =	swait.ge [sflag:s3], $0x10000  }
0x59: {  	[sflag:s3] =	ssyncset.done $0x0  }
0x5a: {  	[sflag:s3] =	ssyncadd.s32 $0xFFFF0000  }
0x5b: {  	[tilespmem:s2], [sflag:$0x2] =	stream.linear.gather [hbm4b:s13+s2], $0x200, $0x38;
	[tilespmem:$0x10200] =	vst v63  }
0x5c: {  	_ =	swait.ge [sflag:s3], $0x200  }
0x5d: {  	[sflag:s3] =	ssyncset.done $0x0  }
0x5e: {  	[sflag:s3] =	ssyncadd.s32 $0xFFFFFE00  }
0x5f: {  	[tilespmem:s6], [sflag:$0x1] =	stream.indirect.gather [hbm4b:s5+s6], $0x80, s2, s6, $0xb8;
	[tilespmem:$0x10200] =	vst v63  }
0x60: {  	_ =	swait.ge [sflag:s7], $0x10000  }
.Ltmp1:
0x61: {  	[sflag:s7] =	ssyncset.done $0x0;
	(pc) =	sbr.rel @p0 .LBB2_1-.Ltmp1, $4  }
0x62: {  	[sflag:s7] =	ssyncadd.s32 $0xFFFF0000  }
0x63: {  	[hbm4b:s14+s2] =	stream.linear.scatter [tilespmem:s6], [sflag:$0x2], $0x10000, $0x38;
	[tilespmem:$0x10200] =	vst v63  }
0x64: {  	_ =	swait.ge [sflag:s3], $0x10000  }
0x65: {  	[sflag:s3] =	ssyncset.done $0x0  }
.LBB2_2:
0x66: {  	[sflag:s3] =	ssyncadd.s32 $0xFFFF0000  }
0x67: {  	_ =	sfence.sel $0x180000  }
0x68: {  	[bflag:$0x0] =	sbarrier.arrive $0xFFFF  }
0x69: {  	p0 =	sne.s32 s0, $0x0;
	_ =	strace $0x90000053  }
0x6a: {  	s0 =	sadd.s32 @!p0 $0x100000, s1;
	[bflag:$0x2] =	sbarrier.arrive $0xFFFF  }
0x6b: {  	[sflag:s0] =	ssyncadd.tile.s32 @!p0 $0x1;
	_ =	shalt  }
.Lfunc_end2:
_tile_overlayer_lowered:
.L_overlay_start_2:
0x6c: {  	(tag) =	ssettag $0x2  }
0x6d: {  	s0 =	rddreg [dreg:$0x0];
	s2 =	stileid.u32  }
0x6e: {  	s1 =	rddreg [dreg:$0x1];
	p0 =	sne.s32 s2, $0x0  }
0x6f: {  	s3 =	rddreg [dreg:$0x2];
	[bflag:$0x3] =	sbarrier.arrive $0xFFFF;
	s2 =	simm.s32 @!p0 $0x1C02  }
0x70: {  	[timem:s3], [sflag:s2] =	dma.local @!p0 [hbm:s0], s1  }
0x71: {  	s0 =	simm.s32 @!p0 $0x2  }
0x72: {  	_ =	swait.ge @!p0 [sflag:s0], s1  }
0x73: {  	s1 =	ssub.s32 @!p0 $0x0, s1;
	[sflag:s0] =	ssyncset.done @!p0 $0x0  }
0x74: {  	[sflag:s0] =	ssyncadd.s32 @!p0 s1  }
0x75: {  	[bflag:$0x3] =	sbarrier.arrive $0xFFFF  }
0x76: {  	_ =	shalt  }

// kernel: kernel.26.cloned.1.call-start
scs
__scs_entry_jumppad:
0x0: {  	(pc) =	sbr.rel $0x88, $3  }
0x1: {  	(tag) =	ssettag $0x0;
	lr =	simm.s32 $0x1  }
0x2: {  	[smem:$0x3F91] =	sst lr;
	_ =	strace $0xD0000000  }
0x3: {  	_ = 	snop  }
0x4: {  	_ = 	snop  }
0x5: {  	_ = 	snop  }
0x6: {  	_ = 	snop  }
0x7: {  	_ = 	snop  }
__scs_overlays_trampoline_lowered:
0x8: {  	[smem:$0x3FA0] =	sst s0  }
0x9: {  	[smem:$0x3FA1] =	sst s1  }
0xa: {  	[smem:$0x3FA2] =	sst s2  }
0xb: {  	[smem:$0x3FA3] =	sst s3  }
0xc: {  	[smem:$0x3FA4] =	sst s4  }
0xd: {  	[smem:$0x3FA5] =	sst s5  }
0xe: {  	[smem:$0x3FA6] =	sst s6  }
0xf: {  	[smem:$0x3FA7] =	sst s7  }
0x10: {  	[smem:$0x3FA8] =	sst s8  }
0x11: {  	[smem:$0x3FA9] =	sst s9;
	s0 =	simm.s32 @!p0 $0x0  }
0x12: {  	s1 =	sld [smem:$0x3F8F];
	s0 =	simm.s32 @p0 $0x1  }
0x13: {  	[smem:$0x3FAA] =	sst s0;
	s0 =	simm.s32 @!p1 $0x0  }
0x14: {  	s2 =	sld [smem:$0x3F8E];
	s0 =	simm.s32 @p1 $0x1  }
0x15: {  	[smem:$0x3FAB] =	sst s0;
	s0 =	simm.s32 @!p2 $0x0  }
0x16: {  	s3 =	sld [smem:$0x3FDB];
	s0 =	simm.s32 @p2 $0x1  }
0x17: {  	s4 =	simm.s32 $0x1BF5;
	[smem:$0x3FAD] =	sst s0  }
0x18: {  	s0 =	sld [smem:$0x3F90];
	_ =	swait.ge [sflag:s4], $0x0  }
0x19: {  	s7 =	sld [smem:$0x3F91]  }
0x1a: {  	s8 =	sadd.s32 $0xFFFFE003, lr  }
0x1b: {  	s9 =	sadd.s32 $0xFFFFFEF7, lr;
	s5 =	simm.s32 $0xFFFFFFFF;
	p2 =	slt.u32 s8, $0xFFFFF086  }
0x1c: {  	p1 =	slt.u32 s9, $0xF7A;
	s5 =	simm.s32 @!p2 $0x0  }
0x1d: {  	s5 =	simm.s32 @p1 $0x1;
	p0 =	seq.s32 s7, s2  }
0x1e: {  	s7 =	smul.u32 @!p0 $0xF7A, s2;
	p2 =	seq.s32 @!p0 s5, $0x0  }
0x1f: {  	s9 =	smul.u32 $0xF7A, s1;
	s8 =	simm.s32 @!p0 $0x1BF5;
	p2 =	por !p2, p0  }
0x20: {  	[sflag:s8] =	ssyncset.s32 @!p0 $0xFFFFF086;
	s6 =	sadd.s32 @!p0 s3, s7;
	s7 =	simm.s32 @!p0 $0x108  }
0x21: {  	s3 =	sadd.s32 s3, s9;
	s6 =	sadd.s32 @!p0 $0x88, s6;
	s7 =	simm.s32 @p2 $0x1082  }
0x22: {  	[simem:s7], [sflag:s8] =	dma.local @!p0 [hbm:s6], $0xF7A  }
0x23: {  	s9 =	sor.u32 $0xD0000000, s2;
	s6 =	simm.s32 $0x108;
	_ =	swait.ge @!p0 [sflag:s8], $0x0  }
0x24: {  	s3 =	sadd.s32 $0x88, s3;
	s6 =	simm.s32 @!p1 $0x1082;
	[sflag:s4] =	ssyncset.s32 $0xFFFFF086  }
0x25: {  	[simem:s6], [sflag:s4] =	dma.local [hbm:s3], $0xF7A  }
0x26: {  	[smem:$0x3F91] =	sst s1;
	(tag) =	ssettag s2;
	_ =	strace s9  }
0x27: {  	s1 =	sld [smem:$0x3FA1]  }
0x28: {  	s2 =	sld [smem:$0x3FA2]  }
0x29: {  	s4 =	sld [smem:$0x3FA4]  }
0x2a: {  	p0 =	seq.s32 s5, $0x0;
	s5 =	sld [smem:$0x3FA5]  }
0x2b: {  	s6 =	sld [smem:$0x3FA6]  }
0x2c: {  	s7 =	sld [smem:$0x3FA7]  }
0x2d: {  	s3 =	simm.s32 $0x108;
	s8 =	sld [smem:$0x3FA8]  }
0x2e: {  	s3 =	simm.s32 @!p0 $0x1082;
	s9 =	sld [smem:$0x3FA9]  }
0x2f: {  	lr =	sadd.s32 s0, s3;
	s0 =	sld [smem:$0x3FA0]  }
0x30: {  	s3 =	sld [smem:$0x3FA3]  }
0x31: {  	[smem:$0x3FAC] =	sst s10  }
0x32: {  	s10 =	sld [smem:$0x3FAA];
	_ =	sdelay $0x3  }
0x33: {  	p0 =	seq.s32 s10, $0x1;
	s10 =	sld [smem:$0x3FAC];
	_ =	sdelay $0x3  }
0x34: {  	[smem:$0x3FAC] =	sst s10  }
0x35: {  	s10 =	sld [smem:$0x3FAB];
	_ =	sdelay $0x3  }
0x36: {  	p1 =	seq.s32 s10, $0x1;
	s10 =	sld [smem:$0x3FAC];
	_ =	sdelay $0x3  }
0x37: {  	[smem:$0x3FAC] =	sst s10  }
0x38: {  	s10 =	sld [smem:$0x3FAD]  }
0x39: {  	_ = 	snop;
	(pc) =	sbr.ind lr, $3  }
0x3a: {  	_ = 	snop  }
0x3b: {  	_ = 	snop  }
0x3c: {  	p2 =	seq.s32 s10, $0x1;
	s10 =	sld [smem:$0x3FAC]  }
0x3d: {  	_ =	shalt  }
0x3e: {  	_ =	shalt  }
0x3f: {  	_ =	shalt  }
0x40: {  	_ =	shalt  }
0x41: {  	_ =	shalt  }
0x42: {  	_ =	shalt  }
0x43: {  	_ =	shalt  }
0x44: {  	_ =	shalt  }
0x45: {  	_ =	shalt  }
0x46: {  	_ =	shalt  }
0x47: {  	_ =	shalt  }
0x48: {  	_ =	shalt  }
0x49: {  	_ =	shalt  }
0x4a: {  	_ =	shalt  }
0x4b: {  	_ =	shalt  }
0x4c: {  	_ =	shalt  }
0x4d: {  	_ =	shalt  }
0x4e: {  	_ =	shalt  }
0x4f: {  	_ =	shalt  }
0x50: {  	_ =	shalt  }
0x51: {  	_ =	shalt  }
0x52: {  	_ =	shalt  }
0x53: {  	_ =	shalt  }
0x54: {  	_ =	shalt  }
0x55: {  	_ =	shalt  }
0x56: {  	_ =	shalt  }
0x57: {  	_ =	shalt  }
0x58: {  	_ =	shalt  }
0x59: {  	_ =	shalt  }
0x5a: {  	_ =	shalt  }
0x5b: {  	_ =	shalt  }
0x5c: {  	_ =	shalt  }
0x5d: {  	_ =	shalt  }
0x5e: {  	_ =	shalt  }
0x5f: {  	_ =	shalt  }
0x60: {  	_ =	shalt  }
0x61: {  	_ =	shalt  }
0x62: {  	_ =	shalt  }
0x63: {  	_ =	shalt  }
0x64: {  	_ =	shalt  }
0x65: {  	_ =	shalt  }
0x66: {  	_ =	shalt  }
0x67: {  	_ =	shalt  }
0x68: {  	_ =	shalt  }
0x69: {  	_ =	shalt  }
0x6a: {  	_ =	shalt  }
0x6b: {  	_ =	shalt  }
0x6c: {  	_ =	shalt  }
0x6d: {  	_ =	shalt  }
0x6e: {  	_ =	shalt  }
0x6f: {  	_ =	shalt  }
0x70: {  	_ =	shalt  }
0x71: {  	_ =	shalt  }
0x72: {  	_ =	shalt  }
0x73: {  	_ =	shalt  }
0x74: {  	_ =	shalt  }
0x75: {  	_ =	shalt  }
0x76: {  	_ =	shalt  }
0x77: {  	_ =	shalt  }
0x78: {  	_ =	shalt  }
0x79: {  	_ =	shalt  }
0x7a: {  	_ =	shalt  }
0x7b: {  	_ =	shalt  }
0x7c: {  	_ =	shalt  }
0x7d: {  	_ =	shalt  }
0x7e: {  	_ =	shalt  }
0x7f: {  	_ =	shalt  }
0x80: {  	_ =	shalt  }
0x81: {  	_ =	shalt  }
0x82: {  	_ =	shalt  }
0x83: {  	_ =	shalt  }
0x84: {  	_ =	shalt  }
0x85: {  	_ =	shalt  }
0x86: {  	_ =	shalt  }
0x87: {  	_ =	shalt  }
.Lfunc_end0:
.L_simem_size_0:
called_computation.6_lowered:
.L_overlay_start_0:
0x88: {  	s2 =	sld [smem:$0x3FD9]  }
0x89: {  	s3 =	sld [smem:$0x3FFE];
	_ =	sdelay $0x1  }
0x8a: {  	s1 =	srdreg.scid  }
0x8b: {  	s0 =	sand.u32 $0x1, s1  }
0x8c: {  	s16 =	sshll.u32 s0, $0xA;
	s2 =	sadd.s32 s3, s2  }
0x8d: {  	s2 =	sadd.s32 s2, s16  }
0x8e: {  	[smem:$0x3FB8] =	sst s2  }
0x8f: {  	_ = 	snop  }
0x90: {  	(tm) =	ssettm $0x1  }
0x91: {  	s17 =	sld [smem:$0x3FFB];
	_ =	sdelay $0x3  }
0x92: {  	_ =	strace s17  }
0x93: {  	s2 =	sld [smem:$0x3FFC];
	_ =	sdelay $0x3  }
0x94: {  	_ =	strace s2  }
0x95: {  	s2 =	sld [smem:$0x3FFD];
	_ =	sdelay $0x3  }
0x96: {  	_ =	strace s2  }
0x97: {  	_ =	strace $0x8FFFFFFF  }
0x98: {  	s18 =	sld [smem:$0x3FDB];
	_ =	sdelay $0x1  }
0x99: {  	s19 =	simm.s32 $_scs_section_size  }
0x9a: {  	s4 =	simm.s32 $_size__tile_overlayer_lowered;
	s5 =	simm.s32 $_tile_overlayer_lowered  }
0x9b: {  	s22 =	simm.s32 $0x1BFF;
	s21 =	sshll.u32 s5, $0x1;
	s2 =	sadd.s32 s19, s18  }
0x9c: {  	s6 =	simm.s32 $0x0;
	s20 =	sshll.u32 s4, $0x1;
	s4 =	sadd.s32 s21, s2  }
0x9d: {  	[timem:s6], [sflag:s22] =	dma.local [hbm:s4], s20  }
0x9e: {  	_ =	swait.ge [sflag:s22], s20  }
0x9f: {  	s3 =	ssub.s32 $0x0, s20;
	[sflag:s22] =	ssyncset.done $0x0  }
0xa0: {  	[sflag:s22] =	ssyncadd.s32 s3;
	_ =	sdelay $0x1  }
0xa1: {  	s23 =	simm.s32 $0x1B8B  }
0xa2: {  	_ =	swait.ge [sflag:s23], $0x1  }
0xa3: {  	[sflag:s23] =	ssyncset.done $0x0  }
0xa4: {  	s25 =	simm.s32 $0x1B8E;
	s24 =	sld [smem:$0x3FFE];
	[sflag:s23] =	ssyncadd.s32 $0xFFFFFFFF  }
0xa5: {  	s26 =	simm.s32 $execute0_lowered;
	[smem:$0x3FD2] =	sst s25  }
0xa6: {  	s4 =	sshll.u32 s26, $0x1;
	_ =	strace $0x8000004F;
	[dreg:$0x1] =	wrdreg $0xFFFFFFFF  }
0xa7: {  	s28 =	simm.s32 $_size_execute0_lowered;
	s2 =	sadd.s32 s2, s4;
	[dreg:$0x0] =	wrdreg $0x0  }
0xa8: {  	s4 =	sshll.u32 s28, $0x1;
	[dreg:$0x2] =	wrdreg s2  }
0xa9: {  	[dreg:$0x3] =	wrdreg s4  }
0xaa: {  	[dreg:$0x4] =	wrdreg $0xC0  }
0xab: {  	_ =	task [dreg:s6], $0x5FFFF  }
0xac: {  	[dreg:$0x1] =	wrdreg $0xFFFFFFFF  }
0xad: {  	[dreg:$0x0] =	wrdreg $0x60  }
0xae: {  	[dreg:$0x2] =	wrdreg s24  }
0xaf: {  	[dreg:$0x3] =	wrdreg $0xA  }
0xb0: {  	_ =	task.clear_ibuf [dreg:s6], $0x4FFFF;
	_ =	strace $0x9000004F  }
0xb1: {  	s29 =	simm.s32 $0xA;
	_ =	strace $0x80000051  }
0xb2: {  	_ =	swait.ge [sflag:s29], $0x1  }
0xb3: {  	[sflag:s29] =	ssyncadd.s32 $0xFFFFFFFF  }
0xb4: {  	_ =	strace $0x90000051  }
0xb5: {  	_ =	sfence  }
0xb6: {  	s30 =	sld [smem:$0x0];
	_ =	sdelay $0x2  }
0xb7: {  	s31 =	sshll.u32 s1, $0xD;
	s1 =	sshrl.u32 s1, $0x2  }
0xb8: {  	s3 =	sand.u32 $0x4000, s31;
	s1 =	sadd.s32 s1, s30  }
0xb9: {  	s0 =	sor.u32 s3, s0;
	s1 =	sshll.u32 s1, $0x11  }
0xba: {  	s0 =	sor.u32 s1, s0  }
0xbb: {  	s0 =	sadd.s32 $0x8F2B, s0  }
0xbc: {  	[sflag:s0] =	ssyncadd.remote.s32 $0x1  }
0xbd: {  	_ =	sfence.sel $0xFFFF  }
0xbe: {  	[dreg:$0x0] =	wrdreg $0xFFFFFFFF;
	(pc) =	sbr.abs _section_cstart, $3  }
0xbf: {  	[dreg:$0x1] =	wrdreg $0xFFFFFFFF  }
0xc0: {  	_ =	task.clear_ibuf [dreg:s6], $0x2FFFF;
	_ =	strace $0x9FFFFFFF  }
0xc1: {  	(tm) =	ssettm $0x7FFFFFFF  }
tec
execute0_lowered:
.L_overlay_start_1:
0x0: {  	(tag) =	ssettag $0x1  }
0x1: {  	s1 =	srdreg.scid  }
0x2: {  	s0 =	stileid.u32;
	s14 =	sand.u32 $0x1, s1  }
0x3: {  	s8 =	rddreg [dreg:$0x0];
	s3 =	sshll.u32 s0, $0xC;
	s4 =	sshll.u32 s14, $0xB  }
0x4: {  	s2 =	simm.s32 $0x0;
	s1 =	rddreg [dreg:$0x1];
	s13 =	sor.u32 s4, s3  }
0x5: {  	[smem:$0x7FF] =	sst s2;
	s15 =	sadd.s32 $0x107800, s8;
	s3 =	sshrl.u32 s13, $0x3  }
0x6: {  	_ =	strace $0x80000050;
	s4 =	sadd.s32 s15, s3;
	s3 =	simm.s32 $0x2  }
0x7: {  	[tilespmem:s2], [sflag:$0x2] =	stream.linear.gather [hbm4b:s4+s2], $0x200, $0x38;
	[tilespmem:$0x10200] =	vst v63  }
0x8: {  	_ =	swait.ge [sflag:s3], $0x200  }
0x9: {  	s6 =	simm.s32 $0x200;
	[sflag:s3] =	ssyncset.done $0x0  }
0xa: {  	s7 =	simm.s32 $0x1;
	s5 =	sadd.s32 $0xF96000, s8;
	[sflag:s3] =	ssyncadd.s32 $0xFFFFFE00  }
0xb: {  	[tilespmem:s6], [sflag:$0x1] =	stream.indirect.gather [hbm4b:s5+s6], $0x80, s2, s6, $0xb8;
	[tilespmem:$0x10200] =	vst v63  }
0xc: {  	_ =	swait.ge [sflag:s7], $0x10000  }
0xd: {  	s16 =	sadd.s32 $0x109800, s8;
	s29 =	sshll.u32 s13, $0x4;
	[sflag:s7] =	ssyncset.done $0x0  }
0xe: {  	s8 =	sadd.s32 s16, s29;
	[sflag:s7] =	ssyncadd.s32 $0xFFFF0000  }
0xf: {  	[hbm4b:s8+s2] =	stream.linear.scatter [tilespmem:s6], [sflag:$0x2], $0x10000, $0x38;
	[tilespmem:$0x10200] =	vst v63  }
0x10: {  	s10 =	sor.u32 $0x200, s13;
	_ =	swait.ge [sflag:s3], $0x10000  }
0x11: {  	s9 =	sshrl.u32 s10, $0x3;
	[sflag:s3] =	ssyncset.done $0x0  }
0x12: {  	s9 =	sadd.s32 s15, s9;
	[sflag:s3] =	ssyncadd.s32 $0xFFFF0000  }
0x13: {  	[tilespmem:s2], [sflag:$0x2] =	stream.linear.gather [hbm4b:s9+s2], $0x200, $0x38;
	[tilespmem:$0x10200] =	vst v63  }
0x14: {  	_ =	swait.ge [sflag:s3], $0x200  }
0x15: {  	[sflag:s3] =	ssyncset.done $0x0  }
0x16: {  	[sflag:s3] =	ssyncadd.s32 $0xFFFFFE00  }
0x17: {  	[tilespmem:s6], [sflag:$0x1] =	stream.indirect.gather [hbm4b:s5+s6], $0x80, s2, s6, $0xb8;
	[tilespmem:$0x10200] =	vst v63  }
0x18: {  	_ =	swait.ge [sflag:s7], $0x10000  }
0x19: {  	s10 =	sshll.u32 s10, $0x4;
	[sflag:s7] =	ssyncset.done $0x0  }
0x1a: {  	s10 =	sadd.s32 s16, s10;
	[sflag:s7] =	ssyncadd.s32 $0xFFFF0000  }
0x1b: {  	[hbm4b:s10+s2] =	stream.linear.scatter [tilespmem:s6], [sflag:$0x2], $0x10000, $0x38;
	[tilespmem:$0x10200] =	vst v63  }
0x1c: {  	s12 =	sor.u32 $0x400, s13;
	_ =	swait.ge [sflag:s3], $0x10000  }
0x1d: {  	s11 =	sshrl.u32 s12, $0x3;
	[sflag:s3] =	ssyncset.done $0x0  }
0x1e: {  	s11 =	sadd.s32 s15, s11;
	[sflag:s3] =	ssyncadd.s32 $0xFFFF0000  }
0x1f: {  	[tilespmem:s2], [sflag:$0x2] =	stream.linear.gather [hbm4b:s11+s2], $0x200, $0x38;
	[tilespmem:$0x10200] =	vst v63  }
0x20: {  	_ =	swait.ge [sflag:s3], $0x200  }
0x21: {  	[sflag:s3] =	ssyncset.done $0x0  }
0x22: {  	[sflag:s3] =	ssyncadd.s32 $0xFFFFFE00  }
0x23: {  	[tilespmem:s6], [sflag:$0x1] =	stream.indirect.gather [hbm4b:s5+s6], $0x80, s2, s6, $0xb8;
	[tilespmem:$0x10200] =	vst v63  }
0x24: {  	_ =	swait.ge [sflag:s7], $0x10000  }
0x25: {  	s12 =	sshll.u32 s12, $0x4;
	[sflag:s7] =	ssyncset.done $0x0  }
0x26: {  	s12 =	sadd.s32 s16, s12;
	[sflag:s7] =	ssyncadd.s32 $0xFFFF0000  }
0x27: {  	[hbm4b:s12+s2] =	stream.linear.scatter [tilespmem:s6], [sflag:$0x2], $0x10000, $0x38;
	[tilespmem:$0x10200] =	vst v63  }
0x28: {  	s17 =	sor.u32 $0x600, s13;
	_ =	swait.ge [sflag:s3], $0x10000  }
0x29: {  	s13 =	sshrl.u32 s17, $0x3;
	[sflag:s3] =	ssyncset.done $0x0  }
0x2a: {  	s14 =	ssub.s32 $0x2, s14;
	s13 =	sadd.s32 s15, s13;
	[sflag:s3] =	ssyncadd.s32 $0xFFFF0000  }
0x2b: {  	[tilespmem:s2], [sflag:$0x2] =	stream.linear.gather [hbm4b:s13+s2], $0x200, $0x38;
	[tilespmem:$0x10200] =	vst v63  }
0x2c: {  	s30 =	sshrl.u32 s14, $0x1;
	_ =	swait.ge [sflag:s3], $0x200  }
0x2d: {  	s15 =	ssub.s32 s14, s30;
	[sflag:s3] =	ssyncset.done $0x0  }
0x2e: {  	s15 =	smax.u32 s15, $0x1;
	[sflag:s3] =	ssyncadd.s32 $0xFFFFFE00  }
0x2f: {  	[tilespmem:s6], [sflag:$0x1] =	stream.indirect.gather [hbm4b:s5+s6], $0x80, s2, s6, $0xb8;
	[tilespmem:$0x10200] =	vst v63  }
0x30: {  	p0 =	sne.s32 s15, $0x1;
	_ =	swait.ge [sflag:s7], $0x10000  }
.Ltmp0:
0x31: {  	s31 =	sshll.u32 s17, $0x4;
	[sflag:s7] =	ssyncset.done $0x0;
	(pc) =	sbr.rel @!p0 .LBB2_2-.Ltmp0, $4  }
0x32: {  	s14 =	sadd.s32 s16, s31;
	[sflag:s7] =	ssyncadd.s32 $0xFFFF0000  }
0x33: {  	[hbm4b:s14+s2] =	stream.linear.scatter [tilespmem:s6], [sflag:$0x2], $0x10000, $0x38;
	[tilespmem:$0x10200] =	vst v63  }
0x34: {  	_ =	swait.ge [sflag:s3], $0x10000  }
0x35: {  	s15 =	sadd.s32 $0xFFFFFFFF, s15;
	[sflag:s3] =	ssyncset.done $0x0  }
.LBB2_1:
0x36: {  	p0 =	sne.s32 s15, $0x1;
	s15 =	sadd.s32 $0xFFFFFFFF, s15;
	[sflag:s3] =	ssyncadd.s32 $0xFFFF0000  }
0x37: {  	[tilespmem:s2], [sflag:$0x2] =	stream.linear.gather [hbm4b:s4+s2], $0x200, $0x38;
	[tilespmem:$0x10200] =	vst v63  }
0x38: {  	_ =	swait.ge [sflag:s3], $0x200  }
0x39: {  	[sflag:s3] =	ssyncset.done $0x0  }
0x3a: {  	[sflag:s3] =	ssyncadd.s32 $0xFFFFFE00  }
0x3b: {  	[tilespmem:s6], [sflag:$0x1] =	stream.indirect.gather [hbm4b:s5+s6], $0x80, s2, s6, $0xb8;
	[tilespmem:$0x10200] =	vst v63  }
0x3c: {  	_ =	swait.ge [sflag:s7], $0x10000  }
0x3d: {  	[sflag:s7] =	ssyncset.done $0x0  }
0x3e: {  	[sflag:s7] =	ssyncadd.s32 $0xFFFF0000  }
0x3f: {  	[hbm4b:s8+s2] =	stream.linear.scatter [tilespmem:s6], [sflag:$0x2], $0x10000, $0x38;
	[tilespmem:$0x10200] =	vst v63  }
0x40: {  	_ =	swait.ge [sflag:s3], $0x10000  }
0x41: {  	[sflag:s3] =	ssyncset.done $0x0  }
0x42: {  	[sflag:s3] =	ssyncadd.s32 $0xFFFF0000  }
0x43: {  	[tilespmem:s2], [sflag:$0x2] =	stream.linear.gather [hbm4b:s9+s2], $0x200, $0x38;
	[tilespmem:$0x10200] =	vst v63  }
0x44: {  	_ =	swait.ge [sflag:s3], $0x200  }
0x45: {  	[sflag:s3] =	ssyncset.done $0x0  }
0x46: {  	[sflag:s3] =	ssyncadd.s32 $0xFFFFFE00  }
0x47: {  	[tilespmem:s6], [sflag:$0x1] =	stream.indirect.gather [hbm4b:s5+s6], $0x80, s2, s6, $0xb8;
	[tilespmem:$0x10200] =	vst v63  }
0x48: {  	_ =	swait.ge [sflag:s7], $0x10000  }
0x49: {  	[sflag:s7] =	ssyncset.done $0x0  }
0x4a: {  	[sflag:s7] =	ssyncadd.s32 $0xFFFF0000  }
0x4b: {  	[hbm4b:s10+s2] =	stream.linear.scatter [tilespmem:s6], [sflag:$0x2], $0x10000, $0x38;
	[tilespmem:$0x10200] =	vst v63  }
0x4c: {  	_ =	swait.ge [sflag:s3], $0x10000  }
0x4d: {  	[sflag:s3] =	ssyncset.done $0x0  }
0x4e: {  	[sflag:s3] =	ssyncadd.s32 $0xFFFF0000  }
0x4f: {  	[tilespmem:s2], [sflag:$0x2] =	stream.linear.gather [hbm4b:s11+s2], $0x200, $0x38;
	[tilespmem:$0x10200] =	vst v63  }
0x50: {  	_ =	swait.ge [sflag:s3], $0x200  }
0x51: {  	[sflag:s3] =	ssyncset.done $0x0  }
0x52: {  	[sflag:s3] =	ssyncadd.s32 $0xFFFFFE00  }
0x53: {  	[tilespmem:s6], [sflag:$0x1] =	stream.indirect.gather [hbm4b:s5+s6], $0x80, s2, s6, $0xb8;
	[tilespmem:$0x10200] =	vst v63  }
0x54: {  	_ =	swait.ge [sflag:s7], $0x10000  }
0x55: {  	[sflag:s7] =	ssyncset.done $0x0  }
0x56: {  	[sflag:s7] =	ssyncadd.s32 $0xFFFF0000  }
0x57: {  	[hbm4b:s12+s2] =	stream.linear.scatter [tilespmem:s6], [sflag:$0x2], $0x10000, $0x38;
	[tilespmem:$0x10200] =	vst v63  }
0x58: {  	_ =	swait.ge [sflag:s3], $0x10000  }
0x59: {  	[sflag:s3] =	ssyncset.done $0x0  }
0x5a: {  	[sflag:s3] =	ssyncadd.s32 $0xFFFF0000  }
0x5b: {  	[tilespmem:s2], [sflag:$0x2] =	stream.linear.gather [hbm4b:s13+s2], $0x200, $0x38;
	[tilespmem:$0x10200] =	vst v63  }
0x5c: {  	_ =	swait.ge [sflag:s3], $0x200  }
0x5d: {  	[sflag:s3] =	ssyncset.done $0x0  }
0x5e: {  	[sflag:s3] =	ssyncadd.s32 $0xFFFFFE00  }
0x5f: {  	[tilespmem:s6], [sflag:$0x1] =	stream.indirect.gather [hbm4b:s5+s6], $0x80, s2, s6, $0xb8;
	[tilespmem:$0x10200] =	vst v63  }
0x60: {  	_ =	swait.ge [sflag:s7], $0x10000  }
.Ltmp1:
0x61: {  	[sflag:s7] =	ssyncset.done $0x0;
	(pc) =	sbr.rel @p0 .LBB2_1-.Ltmp1, $4  }
0x62: {  	[sflag:s7] =	ssyncadd.s32 $0xFFFF0000  }
0x63: {  	[hbm4b:s14+s2] =	stream.linear.scatter [tilespmem:s6], [sflag:$0x2], $0x10000, $0x38;
	[tilespmem:$0x10200] =	vst v63  }
0x64: {  	_ =	swait.ge [sflag:s3], $0x10000  }
0x65: {  	[sflag:s3] =	ssyncset.done $0x0  }
.LBB2_2:
0x66: {  	[sflag:s3] =	ssyncadd.s32 $0xFFFF0000  }
0x67: {  	_ =	sfence.sel $0x180000  }
0x68: {  	[bflag:$0x0] =	sbarrier.arrive $0xFFFF  }
0x69: {  	p0 =	sne.s32 s0, $0x0;
	_ =	strace $0x90000050  }
0x6a: {  	s0 =	sadd.s32 @!p0 $0x100000, s1;
	[bflag:$0x2] =	sbarrier.arrive $0xFFFF  }
0x6b: {  	[sflag:s0] =	ssyncadd.tile.s32 @!p0 $0x1;
	_ =	shalt  }
.Lfunc_end2:
_tile_overlayer_lowered:
.L_overlay_start_2:
0x6c: {  	(tag) =	ssettag $0x2  }
0x6d: {  	s0 =	rddreg [dreg:$0x0];
	s2 =	stileid.u32  }
0x6e: {  	s1 =	rddreg [dreg:$0x1];
	p0 =	sne.s32 s2, $0x0  }
0x6f: {  	s3 =	rddreg [dreg:$0x2];
	[bflag:$0x3] =	sbarrier.arrive $0xFFFF;
	s2 =	simm.s32 @!p0 $0x1C02  }
0x70: {  	[timem:s3], [sflag:s2] =	dma.local @!p0 [hbm:s0], s1  }
0x71: {  	s0 =	simm.s32 @!p0 $0x2  }
0x72: {  	_ =	swait.ge @!p0 [sflag:s0], s1  }
0x73: {  	s1 =	ssub.s32 @!p0 $0x0, s1;
	[sflag:s0] =	ssyncset.done @!p0 $0x0  }
0x74: {  	[sflag:s0] =	ssyncadd.s32 @!p0 s1  }
0x75: {  	[bflag:$0x3] =	sbarrier.arrive $0xFFFF  }
0x76: {  	_ =	shalt  }

</sc_bundles>
